<compile_context>
chip_gen: v7x
topology: tpu7x:2x2x1
jax: 0.10.2.dev20260603
libtpu: 0.0.44.dev20260713+nightly
codegen_flags: <defaults>
</compile_context>

<pallas_src>
import jax
import jax.numpy as jnp
from jax import lax
from jax.experimental import pallas as pl
from jax.experimental.pallas import tpu as pltpu, tpu_sc as plsc

_B = 4
_S = 8192
_D = 1024
_NC = 2
_NS = 16
_NW = _NC * _NS
_SPW = _S // _NW
_C = 4
_CHUNKS = _SPW // _C
_NVEC = _D // 16
_UNROLL = 4
_NSLOT = 3


def _sc_posembed_body(in_hbm, w_hbm, out_hbm, *scratch):
    slots = tuple(scratch[3 * j : 3 * j + 3] for j in range(_NSLOT))
    lsem = scratch[3 * _NSLOT : 4 * _NSLOT]
    ssem = scratch[4 * _NSLOT : 5 * _NSLOT]

    wid = lax.axis_index("s") * _NC + lax.axis_index("c")
    s0 = wid * _SPW

    def issue_loads(j, k):
        row0 = s0 + k * _C
        pltpu.async_copy(w_hbm.at[pl.ds(row0, _C)], slots[j][0], lsem[j])
        pltpu.async_copy(in_hbm.at[:, pl.ds(row0, _C)], slots[j][1], lsem[j])

    def wait_loads(j, k):
        row0 = s0 + k * _C
        pltpu.make_async_copy(
            w_hbm.at[pl.ds(row0, _C)], slots[j][0], lsem[j]
        ).wait()
        pltpu.make_async_copy(
            in_hbm.at[:, pl.ds(row0, _C)], slots[j][1], lsem[j]
        ).wait()

    def issue_stores(j, k):
        row0 = s0 + k * _C
        pltpu.async_copy(slots[j][2], out_hbm.at[:, pl.ds(row0, _C)], ssem[j])

    def wait_stores(j, k):
        row0 = s0 + k * _C
        pltpu.make_async_copy(
            slots[j][2], out_hbm.at[:, pl.ds(row0, _C)], ssem[j]
        ).wait()

    def compute(j):
        wbuf, ibuf, obuf = slots[j]
        for r in range(_C):
            @plsc.parallel_loop(0, _NVEC, step=1, unroll=_UNROLL)
            def _vadd(i):
                col = i * 16
                wv = wbuf[r, pl.ds(col, 16)]
                for b in range(_B):
                    obuf[b, r, pl.ds(col, 16)] = (
                        ibuf[b, r, pl.ds(col, 16)] + wv
                    )

    def step(j, k):
        wait_loads(j, k)

        @pl.when(k >= _NSLOT)
        def _():
            wait_stores(j, k - _NSLOT)

        compute(j)
        issue_stores(j, k)

        @pl.when(k + _NSLOT < _CHUNKS)
        def _():
            issue_loads(j, k + _NSLOT)

    for j in range(_NSLOT):
        issue_loads(j, j)

    _FULL = _CHUNKS // _NSLOT

    def ring_body(i, _):
        for j in range(_NSLOT):
            step(j, _NSLOT * i + j)
        return 0

    lax.fori_loop(0, _FULL, ring_body, 0)

    step(0, _CHUNKS - 1)
    wait_stores(1, _CHUNKS - 3)
    wait_stores(2, _CHUNKS - 2)
    wait_stores(0, _CHUNKS - 1)


def _sc_posembed(inputs, embedding_weight):
    mesh = plsc.VectorSubcoreMesh(core_axis_name="c", subcore_axis_name="s")
    run = pl.kernel(
        _sc_posembed_body,
        out_type=jax.ShapeDtypeStruct((_B, _S, _D), jnp.float32),
        mesh=mesh,
        scratch_types=(
            [
                pltpu.VMEM((_C, _D), jnp.float32),
                pltpu.VMEM((_B, _C, _D), jnp.float32),
                pltpu.VMEM((_B, _C, _D), jnp.float32),
            ]
            * _NSLOT
            + [pltpu.SemaphoreType.DMA] * (2 * _NSLOT)
        ),
    )
    return run(inputs, embedding_weight)


def kernel(inputs, embedding_weight):
    return _sc_posembed(inputs, embedding_weight)

# --- scband reference (transcript-rebuilt; emitter-appended) ---
"""Pipeline reference for scband-positional-embedding-12352325943444 (READ-ONLY COPY).

The authoritative reference and input builder live on the scoring server;
editing this copy changes nothing except your own understanding.
"""

import jax, jax.numpy as jnp
import numpy as np

MAX_SEQ_LEN = 8192
MODEL_DIM = 1024


def setup_inputs(seed: int = 0) -> dict:
    key = jax.random.key(seed)
    k1, k2 = jax.random.split(key)
    inputs = jax.random.normal(k1, (4, 8192, 1024), dtype=jnp.float32)
    # nn.Embedding weight: normal(0, 1) init
    embedding_weight = jax.random.normal(k2, (MAX_SEQ_LEN, MODEL_DIM), dtype=jnp.float32)
    return {"inputs": inputs, "embedding_weight": embedding_weight}


def reference(inputs, embedding_weight):
    batch_size, seq_len, model_dim = inputs.shape
    positions = jnp.arange(seq_len)[None, :]  # [1, S]
    positions = jnp.broadcast_to(positions, (batch_size, seq_len))  # [B, S]
    position_embed = jnp.take(embedding_weight, positions, axis=0)  # [B, S, D]
    return inputs + position_embed

if __name__ == "__main__":
    import jax
    _d = setup_inputs()
    print(jax.jit(kernel)(*tuple(_d.values())))

</pallas_src>

<mosaic_0001>
#map = affine_map<(d0, d1) -> (0, 0, 0)>
#map1 = affine_map<(d0, d1) -> (0, 0)>
module attributes {stable_mosaic.version = 14 : i64} {
  func.func @_sc_posembed_body(%arg0: i32, %arg1: i32, %arg2: memref<4x8192x1024xf32, #tpu.memory_space<hbm>>, %arg3: memref<8192x1024xf32, #tpu.memory_space<hbm>>, %arg4: memref<4x8192x1024xf32, #tpu.memory_space<hbm>>, %arg5: memref<4x1024xf32, #tpu.memory_space<vmem>>, %arg6: memref<4x4x1024xf32, #tpu.memory_space<vmem>>, %arg7: memref<4x4x1024xf32, #tpu.memory_space<vmem>>, %arg8: memref<4x1024xf32, #tpu.memory_space<vmem>>, %arg9: memref<4x4x1024xf32, #tpu.memory_space<vmem>>, %arg10: memref<4x4x1024xf32, #tpu.memory_space<vmem>>, %arg11: memref<4x1024xf32, #tpu.memory_space<vmem>>, %arg12: memref<4x4x1024xf32, #tpu.memory_space<vmem>>, %arg13: memref<4x4x1024xf32, #tpu.memory_space<vmem>>, %arg14: memref<!tpu.dma_semaphore, #tpu.memory_space<semaphore_mem>>, %arg15: memref<!tpu.dma_semaphore, #tpu.memory_space<semaphore_mem>>, %arg16: memref<!tpu.dma_semaphore, #tpu.memory_space<semaphore_mem>>, %arg17: memref<!tpu.dma_semaphore, #tpu.memory_space<semaphore_mem>>, %arg18: memref<!tpu.dma_semaphore, #tpu.memory_space<semaphore_mem>>, %arg19: memref<!tpu.dma_semaphore, #tpu.memory_space<semaphore_mem>>) attributes {dimension_semantics = [#tpu.dimension_semantics<core_parallel>, #tpu.dimension_semantics<subcore_parallel>], iteration_bounds = array<i64: 2, 16>, scalar_prefetch = 0 : i64, scratch_operands = 15 : i64, tpu.core_type = #tpu.core_type<sc_vector_subcore>, window_params = [{transform_indices = #map}, {transform_indices = #map1}, {transform_indices = #map}]} {
    %mul3A = arith.constant 2 : i32
    %mul3A_0 = arith.muli %arg1, %mul3A : i32
    %add3A = arith.addi %mul3A_0, %arg0 : i32
    %mul3A_1 = arith.constant 256 : i32
    %mul3A_2 = arith.muli %add3A, %mul3A_1 : i32
    %add3A_3 = arith.constant 0 : i32
    %add3A_4 = arith.addi %mul3A_2, %add3A_3 : i32
    %dma_start3A = arith.constant 0 : i32
    %dma_start3A_5 = tpu.memref_slice %arg3[%add3A_4, %dma_start3A] : memref<8192x1024xf32, #tpu.memory_space<hbm>> -> memref<4x1024xf32, #tpu.memory_space<hbm>>
    %dma_start3A_6 = arith.constant 0 : i32
    %dma_start3A_7 = tpu.memref_slice %arg3[%add3A_4, %dma_start3A_6] : memref<8192x1024xf32, #tpu.memory_space<hbm>> -> memref<4x1024xf32, #tpu.memory_space<hbm>>
    tpu.enqueue_dma source(%dma_start3A_7 : memref<4x1024xf32, #tpu.memory_space<hbm>>) target(%arg5 : memref<4x1024xf32, #tpu.memory_space<vmem>>) target_semaphore(%arg14 : memref<!tpu.dma_semaphore, #tpu.memory_space<semaphore_mem>>)
    %dma_start3A_8 = arith.constant 0 : i32
    %dma_start3A_9 = arith.constant 0 : i32
    %dma_start3A_10 = tpu.memref_slice %arg2[%dma_start3A_8, %add3A_4, %dma_start3A_9] : memref<4x8192x1024xf32, #tpu.memory_space<hbm>> -> memref<4x4x1024xf32, #tpu.memory_space<hbm>>
    %dma_start3A_11 = arith.constant 0 : i32
    %dma_start3A_12 = arith.constant 0 : i32
    %dma_start3A_13 = tpu.memref_slice %arg2[%dma_start3A_11, %add3A_4, %dma_start3A_12] : memref<4x8192x1024xf32, #tpu.memory_space<hbm>> -> memref<4x4x1024xf32, #tpu.memory_space<hbm>>
    tpu.enqueue_dma source(%dma_start3A_13 : memref<4x4x1024xf32, #tpu.memory_space<hbm>>) target(%arg6 : memref<4x4x1024xf32, #tpu.memory_space<vmem>>) target_semaphore(%arg14 : memref<!tpu.dma_semaphore, #tpu.memory_space<semaphore_mem>>)
    %add3A_14 = arith.constant 4 : i32
    %add3A_15 = arith.addi %mul3A_2, %add3A_14 : i32
    %dma_start3A_16 = arith.constant 0 : i32
    %dma_start3A_17 = tpu.memref_slice %arg3[%add3A_15, %dma_start3A_16] : memref<8192x1024xf32, #tpu.memory_space<hbm>> -> memref<4x1024xf32, #tpu.memory_space<hbm>>
    %dma_start3A_18 = arith.constant 0 : i32
    %dma_start3A_19 = tpu.memref_slice %arg3[%add3A_15, %dma_start3A_18] : memref<8192x1024xf32, #tpu.memory_space<hbm>> -> memref<4x1024xf32, #tpu.memory_space<hbm>>
    tpu.enqueue_dma source(%dma_start3A_19 : memref<4x1024xf32, #tpu.memory_space<hbm>>) target(%arg8 : memref<4x1024xf32, #tpu.memory_space<vmem>>) target_semaphore(%arg15 : memref<!tpu.dma_semaphore, #tpu.memory_space<semaphore_mem>>)
    %dma_start3A_20 = arith.constant 0 : i32
    %dma_start3A_21 = arith.constant 0 : i32
    %dma_start3A_22 = tpu.memref_slice %arg2[%dma_start3A_20, %add3A_15, %dma_start3A_21] : memref<4x8192x1024xf32, #tpu.memory_space<hbm>> -> memref<4x4x1024xf32, #tpu.memory_space<hbm>>
    %dma_start3A_23 = arith.constant 0 : i32
    %dma_start3A_24 = arith.constant 0 : i32
    %dma_start3A_25 = tpu.memref_slice %arg2[%dma_start3A_23, %add3A_15, %dma_start3A_24] : memref<4x8192x1024xf32, #tpu.memory_space<hbm>> -> memref<4x4x1024xf32, #tpu.memory_space<hbm>>
    tpu.enqueue_dma source(%dma_start3A_25 : memref<4x4x1024xf32, #tpu.memory_space<hbm>>) target(%arg9 : memref<4x4x1024xf32, #tpu.memory_space<vmem>>) target_semaphore(%arg15 : memref<!tpu.dma_semaphore, #tpu.memory_space<semaphore_mem>>)
    %add3A_26 = arith.constant 8 : i32
    %add3A_27 = arith.addi %mul3A_2, %add3A_26 : i32
    %dma_start3A_28 = arith.constant 0 : i32
    %dma_start3A_29 = tpu.memref_slice %arg3[%add3A_27, %dma_start3A_28] : memref<8192x1024xf32, #tpu.memory_space<hbm>> -> memref<4x1024xf32, #tpu.memory_space<hbm>>
    %dma_start3A_30 = arith.constant 0 : i32
    %dma_start3A_31 = tpu.memref_slice %arg3[%add3A_27, %dma_start3A_30] : memref<8192x1024xf32, #tpu.memory_space<hbm>> -> memref<4x1024xf32, #tpu.memory_space<hbm>>
    tpu.enqueue_dma source(%dma_start3A_31 : memref<4x1024xf32, #tpu.memory_space<hbm>>) target(%arg11 : memref<4x1024xf32, #tpu.memory_space<vmem>>) target_semaphore(%arg16 : memref<!tpu.dma_semaphore, #tpu.memory_space<semaphore_mem>>)
    %dma_start3A_32 = arith.constant 0 : i32
    %dma_start3A_33 = arith.constant 0 : i32
    %dma_start3A_34 = tpu.memref_slice %arg2[%dma_start3A_32, %add3A_27, %dma_start3A_33] : memref<4x8192x1024xf32, #tpu.memory_space<hbm>> -> memref<4x4x1024xf32, #tpu.memory_space<hbm>>
    %dma_start3A_35 = arith.constant 0 : i32
    %dma_start3A_36 = arith.constant 0 : i32
    %dma_start3A_37 = tpu.memref_slice %arg2[%dma_start3A_35, %add3A_27, %dma_start3A_36] : memref<4x8192x1024xf32, #tpu.memory_space<hbm>> -> memref<4x4x1024xf32, #tpu.memory_space<hbm>>
    tpu.enqueue_dma source(%dma_start3A_37 : memref<4x4x1024xf32, #tpu.memory_space<hbm>>) target(%arg12 : memref<4x4x1024xf32, #tpu.memory_space<vmem>>) target_semaphore(%arg16 : memref<!tpu.dma_semaphore, #tpu.memory_space<semaphore_mem>>)
    %scan3A = arith.constant 0 : i32
    %scan3A_38 = arith.constant 0 : i32
    %scan3A_39 = arith.constant 21 : i32
    %scan3A_40 = arith.addi %scan3A_38, %scan3A_39 : i32
    %scan3A_41 = arith.constant 1 : i32
    %scan3A_42 = scf.for %scan3A_106 = %scan3A_38 to %scan3A_40 step %scan3A_41 iter_args(%scan3A_107 = %scan3A) -> (i32)  : i32 {
      %mul3A_108 = arith.constant 3 : i32
      %mul3A_109 = arith.muli %mul3A_108, %scan3A_106 : i32
      %add3A_110 = arith.constant 0 : i32
      %add3A_111 = arith.addi %mul3A_109, %add3A_110 : i32
      %mul3A_112 = arith.constant 4 : i32
      %mul3A_113 = arith.muli %add3A_111, %mul3A_112 : i32
      %add3A_114 = arith.addi %mul3A_2, %mul3A_113 : i32
      %dma_wait3A_115 = arith.constant 0 : i32
      %dma_wait3A_116 = tpu.memref_slice %arg3[%add3A_114, %dma_wait3A_115] : memref<8192x1024xf32, #tpu.memory_space<hbm>> -> memref<4x1024xf32, #tpu.memory_space<hbm>>
      %dma_wait3A_117 = arith.constant 0 : i32
      %dma_wait3A_118 = tpu.memref_slice %arg3[%add3A_114, %dma_wait3A_117] : memref<8192x1024xf32, #tpu.memory_space<hbm>> -> memref<4x1024xf32, #tpu.memory_space<hbm>>
      tpu.wait_dma2 semaphore(%arg14 : memref<!tpu.dma_semaphore, #tpu.memory_space<semaphore_mem>>) src(%dma_wait3A_118 : memref<4x1024xf32, #tpu.memory_space<hbm>>) dst(%arg5 : memref<4x1024xf32, #tpu.memory_space<vmem>>)
      %dma_wait3A_119 = arith.constant 0 : i32
      %dma_wait3A_120 = arith.constant 0 : i32
      %dma_wait3A_121 = tpu.memref_slice %arg2[%dma_wait3A_119, %add3A_114, %dma_wait3A_120] : memref<4x8192x1024xf32, #tpu.memory_space<hbm>> -> memref<4x4x1024xf32, #tpu.memory_space<hbm>>
      %dma_wait3A_122 = arith.constant 0 : i32
      %dma_wait3A_123 = arith.constant 0 : i32
      %dma_wait3A_124 = tpu.memref_slice %arg2[%dma_wait3A_122, %add3A_114, %dma_wait3A_123] : memref<4x8192x1024xf32, #tpu.memory_space<hbm>> -> memref<4x4x1024xf32, #tpu.memory_space<hbm>>
      tpu.wait_dma2 semaphore(%arg14 : memref<!tpu.dma_semaphore, #tpu.memory_space<semaphore_mem>>) src(%dma_wait3A_124 : memref<4x4x1024xf32, #tpu.memory_space<hbm>>) dst(%arg6 : memref<4x4x1024xf32, #tpu.memory_space<vmem>>)
      %ge3A = arith.constant 3 : i32
      %ge3A_125 = arith.cmpi sge, %add3A_111, %ge3A : i32
      %convert_element_type3A = arith.extui %ge3A_125 : i1 to i32
      %cond3A = arith.constant 0 : i32
      %cond3A_126 = arith.cmpi ne, %convert_element_type3A, %cond3A : i32
      scf.if %cond3A_126 {
        %sub3A = arith.constant 3 : i32
        %sub3A_255 = arith.subi %add3A_111, %sub3A : i32
        %mul3A_256 = arith.constant 4 : i32
        %mul3A_257 = arith.muli %sub3A_255, %mul3A_256 : i32
        %add3A_258 = arith.addi %mul3A_2, %mul3A_257 : i32
        %dma_wait3A_259 = arith.constant 0 : i32
        %dma_wait3A_260 = arith.constant 0 : i32
        %dma_wait3A_261 = tpu.memref_slice %arg4[%dma_wait3A_259, %add3A_258, %dma_wait3A_260] : memref<4x8192x1024xf32, #tpu.memory_space<hbm>> -> memref<4x4x1024xf32, #tpu.memory_space<hbm>>
        %dma_wait3A_262 = arith.constant 0 : i32
        %dma_wait3A_263 = arith.constant 0 : i32
        %dma_wait3A_264 = tpu.memref_slice %arg4[%dma_wait3A_262, %add3A_258, %dma_wait3A_263] : memref<4x8192x1024xf32, #tpu.memory_space<hbm>> -> memref<4x4x1024xf32, #tpu.memory_space<hbm>>
        tpu.wait_dma2 semaphore(%arg17 : memref<!tpu.dma_semaphore, #tpu.memory_space<semaphore_mem>>) src(%arg7 : memref<4x4x1024xf32, #tpu.memory_space<vmem>>) dst(%dma_wait3A_264 : memref<4x4x1024xf32, #tpu.memory_space<hbm>>)
      } else {
      }
      %parallel_loop3A_127 = arith.constant 0 : i32
      %parallel_loop3A_128 = arith.constant 64 : i32
      %parallel_loop3A_129 = arith.constant 1 : i32
      scf.for %parallel_loop3A_255 = %parallel_loop3A_127 to %parallel_loop3A_128 step %parallel_loop3A_129  : i32 {
        %parallel_loop3A_256 = arith.constant 16 : i32
        %parallel_loop3A_257 = arith.muli %parallel_loop3A_255, %parallel_loop3A_256 : i32
        %parallel_loop3A_258 = arith.constant 0 : i32
        %parallel_loop3A_259 = arith.index_cast %parallel_loop3A_258 : i32 to index
        %parallel_loop3A_260 = arith.index_cast %parallel_loop3A_257 : i32 to index
        %parallel_loop3A_261 = tpu.vector_load %arg5[%parallel_loop3A_259, %parallel_loop3A_260] {strides = array<i32>} : memref<4x1024xf32, #tpu.memory_space<vmem>>, vector<1x16xf32>,
        %parallel_loop3A_262 = vector.shape_cast %parallel_loop3A_261 : vector<1x16xf32> to vector<16xf32>
        %parallel_loop3A_263 = arith.constant 0 : i32
        %parallel_loop3A_264 = arith.constant 0 : i32
        %parallel_loop3A_265 = arith.index_cast %parallel_loop3A_263 : i32 to index
        %parallel_loop3A_266 = arith.index_cast %parallel_loop3A_264 : i32 to index
        %parallel_loop3A_267 = arith.index_cast %parallel_loop3A_257 : i32 to index
        %parallel_loop3A_268 = tpu.vector_load %arg6[%parallel_loop3A_265, %parallel_loop3A_266, %parallel_loop3A_267] {strides = array<i32>} : memref<4x4x1024xf32, #tpu.memory_space<vmem>>, vector<1x1x16xf32>,
        %parallel_loop3A_269 = vector.shape_cast %parallel_loop3A_268 : vector<1x1x16xf32> to vector<16xf32>
        %parallel_loop3A_270 = arith.addf %parallel_loop3A_269, %parallel_loop3A_262 : vector<16xf32>
        %parallel_loop3A_271 = arith.constant 0 : i32
        %parallel_loop3A_272 = arith.constant 0 : i32
        %parallel_loop3A_273 = arith.index_cast %parallel_loop3A_271 : i32 to index
        %parallel_loop3A_274 = arith.index_cast %parallel_loop3A_272 : i32 to index
        %parallel_loop3A_275 = arith.index_cast %parallel_loop3A_257 : i32 to index
        %parallel_loop3A_276 = tpu.vector_load %arg7[%parallel_loop3A_273, %parallel_loop3A_274, %parallel_loop3A_275] {strides = array<i32>} : memref<4x4x1024xf32, #tpu.memory_space<vmem>>, vector<1x1x16xf32>,
        %parallel_loop3A_277 = vector.shape_cast %parallel_loop3A_276 : vector<1x1x16xf32> to vector<16xf32>
        %parallel_loop3A_278 = vector.shape_cast %parallel_loop3A_270 : vector<16xf32> to vector<1x1x16xf32>
        tpu.vector_store %arg7[%parallel_loop3A_273, %parallel_loop3A_274, %parallel_loop3A_275], %parallel_loop3A_278 {strides = array<i32>} : memref<4x4x1024xf32, #tpu.memory_space<vmem>>, vector<1x1x16xf32>,
        %parallel_loop3A_279 = arith.constant 1 : i32
        %parallel_loop3A_280 = arith.constant 0 : i32
        %parallel_loop3A_281 = arith.index_cast %parallel_loop3A_279 : i32 to index
        %parallel_loop3A_282 = arith.index_cast %parallel_loop3A_280 : i32 to index
        %parallel_loop3A_283 = arith.index_cast %parallel_loop3A_257 : i32 to index
        %parallel_loop3A_284 = tpu.vector_load %arg6[%parallel_loop3A_281, %parallel_loop3A_282, %parallel_loop3A_283] {strides = array<i32>} : memref<4x4x1024xf32, #tpu.memory_space<vmem>>, vector<1x1x16xf32>,
        %parallel_loop3A_285 = vector.shape_cast %parallel_loop3A_284 : vector<1x1x16xf32> to vector<16xf32>
        %parallel_loop3A_286 = arith.addf %parallel_loop3A_285, %parallel_loop3A_262 : vector<16xf32>
        %parallel_loop3A_287 = arith.constant 1 : i32
        %parallel_loop3A_288 = arith.constant 0 : i32
        %parallel_loop3A_289 = arith.index_cast %parallel_loop3A_287 : i32 to index
        %parallel_loop3A_290 = arith.index_cast %parallel_loop3A_288 : i32 to index
        %parallel_loop3A_291 = arith.index_cast %parallel_loop3A_257 : i32 to index
        %parallel_loop3A_292 = tpu.vector_load %arg7[%parallel_loop3A_289, %parallel_loop3A_290, %parallel_loop3A_291] {strides = array<i32>} : memref<4x4x1024xf32, #tpu.memory_space<vmem>>, vector<1x1x16xf32>,
        %parallel_loop3A_293 = vector.shape_cast %parallel_loop3A_292 : vector<1x1x16xf32> to vector<16xf32>
        %parallel_loop3A_294 = vector.shape_cast %parallel_loop3A_286 : vector<16xf32> to vector<1x1x16xf32>
        tpu.vector_store %arg7[%parallel_loop3A_289, %parallel_loop3A_290, %parallel_loop3A_291], %parallel_loop3A_294 {strides = array<i32>} : memref<4x4x1024xf32, #tpu.memory_space<vmem>>, vector<1x1x16xf32>,
        %parallel_loop3A_295 = arith.constant 2 : i32
        %parallel_loop3A_296 = arith.constant 0 : i32
        %parallel_loop3A_297 = arith.index_cast %parallel_loop3A_295 : i32 to index
        %parallel_loop3A_298 = arith.index_cast %parallel_loop3A_296 : i32 to index
        %parallel_loop3A_299 = arith.index_cast %parallel_loop3A_257 : i32 to index
        %parallel_loop3A_300 = tpu.vector_load %arg6[%parallel_loop3A_297, %parallel_loop3A_298, %parallel_loop3A_299] {strides = array<i32>} : memref<4x4x1024xf32, #tpu.memory_space<vmem>>, vector<1x1x16xf32>,
        %parallel_loop3A_301 = vector.shape_cast %parallel_loop3A_300 : vector<1x1x16xf32> to vector<16xf32>
        %parallel_loop3A_302 = arith.addf %parallel_loop3A_301, %parallel_loop3A_262 : vector<16xf32>
        %parallel_loop3A_303 = arith.constant 2 : i32
        %parallel_loop3A_304 = arith.constant 0 : i32
        %parallel_loop3A_305 = arith.index_cast %parallel_loop3A_303 : i32 to index
        %parallel_loop3A_306 = arith.index_cast %parallel_loop3A_304 : i32 to index
        %parallel_loop3A_307 = arith.index_cast %parallel_loop3A_257 : i32 to index
        %parallel_loop3A_308 = tpu.vector_load %arg7[%parallel_loop3A_305, %parallel_loop3A_306, %parallel_loop3A_307] {strides = array<i32>} : memref<4x4x1024xf32, #tpu.memory_space<vmem>>, vector<1x1x16xf32>,
        %parallel_loop3A_309 = vector.shape_cast %parallel_loop3A_308 : vector<1x1x16xf32> to vector<16xf32>
        %parallel_loop3A_310 = vector.shape_cast %parallel_loop3A_302 : vector<16xf32> to vector<1x1x16xf32>
        tpu.vector_store %arg7[%parallel_loop3A_305, %parallel_loop3A_306, %parallel_loop3A_307], %parallel_loop3A_310 {strides = array<i32>} : memref<4x4x1024xf32, #tpu.memory_space<vmem>>, vector<1x1x16xf32>,
        %parallel_loop3A_311 = arith.constant 3 : i32
        %parallel_loop3A_312 = arith.constant 0 : i32
        %parallel_loop3A_313 = arith.index_cast %parallel_loop3A_311 : i32 to index
        %parallel_loop3A_314 = arith.index_cast %parallel_loop3A_312 : i32 to index
        %parallel_loop3A_315 = arith.index_cast %parallel_loop3A_257 : i32 to index
        %parallel_loop3A_316 = tpu.vector_load %arg6[%parallel_loop3A_313, %parallel_loop3A_314, %parallel_loop3A_315] {strides = array<i32>} : memref<4x4x1024xf32, #tpu.memory_space<vmem>>, vector<1x1x16xf32>,
        %parallel_loop3A_317 = vector.shape_cast %parallel_loop3A_316 : vector<1x1x16xf32> to vector<16xf32>
        %parallel_loop3A_318 = arith.addf %parallel_loop3A_317, %parallel_loop3A_262 : vector<16xf32>
        %parallel_loop3A_319 = arith.constant 3 : i32
        %parallel_loop3A_320 = arith.constant 0 : i32
        %parallel_loop3A_321 = arith.index_cast %parallel_loop3A_319 : i32 to index
        %parallel_loop3A_322 = arith.index_cast %parallel_loop3A_320 : i32 to index
        %parallel_loop3A_323 = arith.index_cast %parallel_loop3A_257 : i32 to index
        %parallel_loop3A_324 = tpu.vector_load %arg7[%parallel_loop3A_321, %parallel_loop3A_322, %parallel_loop3A_323] {strides = array<i32>} : memref<4x4x1024xf32, #tpu.memory_space<vmem>>, vector<1x1x16xf32>,
        %parallel_loop3A_325 = vector.shape_cast %parallel_loop3A_324 : vector<1x1x16xf32> to vector<16xf32>
        %parallel_loop3A_326 = vector.shape_cast %parallel_loop3A_318 : vector<16xf32> to vector<1x1x16xf32>
        tpu.vector_store %arg7[%parallel_loop3A_321, %parallel_loop3A_322, %parallel_loop3A_323], %parallel_loop3A_326 {strides = array<i32>} : memref<4x4x1024xf32, #tpu.memory_space<vmem>>, vector<1x1x16xf32>,
      } {sc.loop_unroll_factor = 4 : i64, sc.parallel_access}
      %parallel_loop3A_130 = arith.constant 0 : i32
      %parallel_loop3A_131 = arith.constant 64 : i32
      %parallel_loop3A_132 = arith.constant 1 : i32
      scf.for %parallel_loop3A_255 = %parallel_loop3A_130 to %parallel_loop3A_131 step %parallel_loop3A_132  : i32 {
        %parallel_loop3A_256 = arith.constant 16 : i32
        %parallel_loop3A_257 = arith.muli %parallel_loop3A_255, %parallel_loop3A_256 : i32
        %parallel_loop3A_258 = arith.constant 1 : i32
        %parallel_loop3A_259 = arith.index_cast %parallel_loop3A_258 : i32 to index
        %parallel_loop3A_260 = arith.index_cast %parallel_loop3A_257 : i32 to index
        %parallel_loop3A_261 = tpu.vector_load %arg5[%parallel_loop3A_259, %parallel_loop3A_260] {strides = array<i32>} : memref<4x1024xf32, #tpu.memory_space<vmem>>, vector<1x16xf32>,
        %parallel_loop3A_262 = vector.shape_cast %parallel_loop3A_261 : vector<1x16xf32> to vector<16xf32>
        %parallel_loop3A_263 = arith.constant 0 : i32
        %parallel_loop3A_264 = arith.constant 1 : i32
        %parallel_loop3A_265 = arith.index_cast %parallel_loop3A_263 : i32 to index
        %parallel_loop3A_266 = arith.index_cast %parallel_loop3A_264 : i32 to index
        %parallel_loop3A_267 = arith.index_cast %parallel_loop3A_257 : i32 to index
        %parallel_loop3A_268 = tpu.vector_load %arg6[%parallel_loop3A_265, %parallel_loop3A_266, %parallel_loop3A_267] {strides = array<i32>} : memref<4x4x1024xf32, #tpu.memory_space<vmem>>, vector<1x1x16xf32>,
        %parallel_loop3A_269 = vector.shape_cast %parallel_loop3A_268 : vector<1x1x16xf32> to vector<16xf32>
        %parallel_loop3A_270 = arith.addf %parallel_loop3A_269, %parallel_loop3A_262 : vector<16xf32>
        %parallel_loop3A_271 = arith.constant 0 : i32
        %parallel_loop3A_272 = arith.constant 1 : i32
        %parallel_loop3A_273 = arith.index_cast %parallel_loop3A_271 : i32 to index
        %parallel_loop3A_274 = arith.index_cast %parallel_loop3A_272 : i32 to index
        %parallel_loop3A_275 = arith.index_cast %parallel_loop3A_257 : i32 to index
        %parallel_loop3A_276 = tpu.vector_load %arg7[%parallel_loop3A_273, %parallel_loop3A_274, %parallel_loop3A_275] {strides = array<i32>} : memref<4x4x1024xf32, #tpu.memory_space<vmem>>, vector<1x1x16xf32>,
        %parallel_loop3A_277 = vector.shape_cast %parallel_loop3A_276 : vector<1x1x16xf32> to vector<16xf32>
        %parallel_loop3A_278 = vector.shape_cast %parallel_loop3A_270 : vector<16xf32> to vector<1x1x16xf32>
        tpu.vector_store %arg7[%parallel_loop3A_273, %parallel_loop3A_274, %parallel_loop3A_275], %parallel_loop3A_278 {strides = array<i32>} : memref<4x4x1024xf32, #tpu.memory_space<vmem>>, vector<1x1x16xf32>,
        %parallel_loop3A_279 = arith.constant 1 : i32
        %parallel_loop3A_280 = arith.constant 1 : i32
        %parallel_loop3A_281 = arith.index_cast %parallel_loop3A_279 : i32 to index
        %parallel_loop3A_282 = arith.index_cast %parallel_loop3A_280 : i32 to index
        %parallel_loop3A_283 = arith.index_cast %parallel_loop3A_257 : i32 to index
        %parallel_loop3A_284 = tpu.vector_load %arg6[%parallel_loop3A_281, %parallel_loop3A_282, %parallel_loop3A_283] {strides = array<i32>} : memref<4x4x1024xf32, #tpu.memory_space<vmem>>, vector<1x1x16xf32>,
        %parallel_loop3A_285 = vector.shape_cast %parallel_loop3A_284 : vector<1x1x16xf32> to vector<16xf32>
        %parallel_loop3A_286 = arith.addf %parallel_loop3A_285, %parallel_loop3A_262 : vector<16xf32>
        %parallel_loop3A_287 = arith.constant 1 : i32
        %parallel_loop3A_288 = arith.constant 1 : i32
        %parallel_loop3A_289 = arith.index_cast %parallel_loop3A_287 : i32 to index
        %parallel_loop3A_290 = arith.index_cast %parallel_loop3A_288 : i32 to index
        %parallel_loop3A_291 = arith.index_cast %parallel_loop3A_257 : i32 to index
        %parallel_loop3A_292 = tpu.vector_load %arg7[%parallel_loop3A_289, %parallel_loop3A_290, %parallel_loop3A_291] {strides = array<i32>} : memref<4x4x1024xf32, #tpu.memory_space<vmem>>, vector<1x1x16xf32>,
        %parallel_loop3A_293 = vector.shape_cast %parallel_loop3A_292 : vector<1x1x16xf32> to vector<16xf32>
        %parallel_loop3A_294 = vector.shape_cast %parallel_loop3A_286 : vector<16xf32> to vector<1x1x16xf32>
        tpu.vector_store %arg7[%parallel_loop3A_289, %parallel_loop3A_290, %parallel_loop3A_291], %parallel_loop3A_294 {strides = array<i32>} : memref<4x4x1024xf32, #tpu.memory_space<vmem>>, vector<1x1x16xf32>,
        %parallel_loop3A_295 = arith.constant 2 : i32
        %parallel_loop3A_296 = arith.constant 1 : i32
        %parallel_loop3A_297 = arith.index_cast %parallel_loop3A_295 : i32 to index
        %parallel_loop3A_298 = arith.index_cast %parallel_loop3A_296 : i32 to index
        %parallel_loop3A_299 = arith.index_cast %parallel_loop3A_257 : i32 to index
        %parallel_loop3A_300 = tpu.vector_load %arg6[%parallel_loop3A_297, %parallel_loop3A_298, %parallel_loop3A_299] {strides = array<i32>} : memref<4x4x1024xf32, #tpu.memory_space<vmem>>, vector<1x1x16xf32>,
        %parallel_loop3A_301 = vector.shape_cast %parallel_loop3A_300 : vector<1x1x16xf32> to vector<16xf32>
        %parallel_loop3A_302 = arith.addf %parallel_loop3A_301, %parallel_loop3A_262 : vector<16xf32>
        %parallel_loop3A_303 = arith.constant 2 : i32
        %parallel_loop3A_304 = arith.constant 1 : i32
        %parallel_loop3A_305 = arith.index_cast %parallel_loop3A_303 : i32 to index
        %parallel_loop3A_306 = arith.index_cast %parallel_loop3A_304 : i32 to index
        %parallel_loop3A_307 = arith.index_cast %parallel_loop3A_257 : i32 to index
        %parallel_loop3A_308 = tpu.vector_load %arg7[%parallel_loop3A_305, %parallel_loop3A_306, %parallel_loop3A_307] {strides = array<i32>} : memref<4x4x1024xf32, #tpu.memory_space<vmem>>, vector<1x1x16xf32>,
        %parallel_loop3A_309 = vector.shape_cast %parallel_loop3A_308 : vector<1x1x16xf32> to vector<16xf32>
        %parallel_loop3A_310 = vector.shape_cast %parallel_loop3A_302 : vector<16xf32> to vector<1x1x16xf32>
        tpu.vector_store %arg7[%parallel_loop3A_305, %parallel_loop3A_306, %parallel_loop3A_307], %parallel_loop3A_310 {strides = array<i32>} : memref<4x4x1024xf32, #tpu.memory_space<vmem>>, vector<1x1x16xf32>,
        %parallel_loop3A_311 = arith.constant 3 : i32
        %parallel_loop3A_312 = arith.constant 1 : i32
        %parallel_loop3A_313 = arith.index_cast %parallel_loop3A_311 : i32 to index
        %parallel_loop3A_314 = arith.index_cast %parallel_loop3A_312 : i32 to index
        %parallel_loop3A_315 = arith.index_cast %parallel_loop3A_257 : i32 to index
        %parallel_loop3A_316 = tpu.vector_load %arg6[%parallel_loop3A_313, %parallel_loop3A_314, %parallel_loop3A_315] {strides = array<i32>} : memref<4x4x1024xf32, #tpu.memory_space<vmem>>, vector<1x1x16xf32>,
        %parallel_loop3A_317 = vector.shape_cast %parallel_loop3A_316 : vector<1x1x16xf32> to vector<16xf32>
        %parallel_loop3A_318 = arith.addf %parallel_loop3A_317, %parallel_loop3A_262 : vector<16xf32>
        %parallel_loop3A_319 = arith.constant 3 : i32
        %parallel_loop3A_320 = arith.constant 1 : i32
        %parallel_loop3A_321 = arith.index_cast %parallel_loop3A_319 : i32 to index
        %parallel_loop3A_322 = arith.index_cast %parallel_loop3A_320 : i32 to index
        %parallel_loop3A_323 = arith.index_cast %parallel_loop3A_257 : i32 to index
        %parallel_loop3A_324 = tpu.vector_load %arg7[%parallel_loop3A_321, %parallel_loop3A_322, %parallel_loop3A_323] {strides = array<i32>} : memref<4x4x1024xf32, #tpu.memory_space<vmem>>, vector<1x1x16xf32>,
        %parallel_loop3A_325 = vector.shape_cast %parallel_loop3A_324 : vector<1x1x16xf32> to vector<16xf32>
        %parallel_loop3A_326 = vector.shape_cast %parallel_loop3A_318 : vector<16xf32> to vector<1x1x16xf32>
        tpu.vector_store %arg7[%parallel_loop3A_321, %parallel_loop3A_322, %parallel_loop3A_323], %parallel_loop3A_326 {strides = array<i32>} : memref<4x4x1024xf32, #tpu.memory_space<vmem>>, vector<1x1x16xf32>,
      } {sc.loop_unroll_factor = 4 : i64, sc.parallel_access}
      %parallel_loop3A_133 = arith.constant 0 : i32
      %parallel_loop3A_134 = arith.constant 64 : i32
      %parallel_loop3A_135 = arith.constant 1 : i32
      scf.for %parallel_loop3A_255 = %parallel_loop3A_133 to %parallel_loop3A_134 step %parallel_loop3A_135  : i32 {
        %parallel_loop3A_256 = arith.constant 16 : i32
        %parallel_loop3A_257 = arith.muli %parallel_loop3A_255, %parallel_loop3A_256 : i32
        %parallel_loop3A_258 = arith.constant 2 : i32
        %parallel_loop3A_259 = arith.index_cast %parallel_loop3A_258 : i32 to index
        %parallel_loop3A_260 = arith.index_cast %parallel_loop3A_257 : i32 to index
        %parallel_loop3A_261 = tpu.vector_load %arg5[%parallel_loop3A_259, %parallel_loop3A_260] {strides = array<i32>} : memref<4x1024xf32, #tpu.memory_space<vmem>>, vector<1x16xf32>,
        %parallel_loop3A_262 = vector.shape_cast %parallel_loop3A_261 : vector<1x16xf32> to vector<16xf32>
        %parallel_loop3A_263 = arith.constant 0 : i32
        %parallel_loop3A_264 = arith.constant 2 : i32
        %parallel_loop3A_265 = arith.index_cast %parallel_loop3A_263 : i32 to index
        %parallel_loop3A_266 = arith.index_cast %parallel_loop3A_264 : i32 to index
        %parallel_loop3A_267 = arith.index_cast %parallel_loop3A_257 : i32 to index
        %parallel_loop3A_268 = tpu.vector_load %arg6[%parallel_loop3A_265, %parallel_loop3A_266, %parallel_loop3A_267] {strides = array<i32>} : memref<4x4x1024xf32, #tpu.memory_space<vmem>>, vector<1x1x16xf32>,
        %parallel_loop3A_269 = vector.shape_cast %parallel_loop3A_268 : vector<1x1x16xf32> to vector<16xf32>
        %parallel_loop3A_270 = arith.addf %parallel_loop3A_269, %parallel_loop3A_262 : vector<16xf32>
        %parallel_loop3A_271 = arith.constant 0 : i32
        %parallel_loop3A_272 = arith.constant 2 : i32
        %parallel_loop3A_273 = arith.index_cast %parallel_loop3A_271 : i32 to index
        %parallel_loop3A_274 = arith.index_cast %parallel_loop3A_272 : i32 to index
        %parallel_loop3A_275 = arith.index_cast %parallel_loop3A_257 : i32 to index
        %parallel_loop3A_276 = tpu.vector_load %arg7[%parallel_loop3A_273, %parallel_loop3A_274, %parallel_loop3A_275] {strides = array<i32>} : memref<4x4x1024xf32, #tpu.memory_space<vmem>>, vector<1x1x16xf32>,
        %parallel_loop3A_277 = vector.shape_cast %parallel_loop3A_276 : vector<1x1x16xf32> to vector<16xf32>
        %parallel_loop3A_278 = vector.shape_cast %parallel_loop3A_270 : vector<16xf32> to vector<1x1x16xf32>
        tpu.vector_store %arg7[%parallel_loop3A_273, %parallel_loop3A_274, %parallel_loop3A_275], %parallel_loop3A_278 {strides = array<i32>} : memref<4x4x1024xf32, #tpu.memory_space<vmem>>, vector<1x1x16xf32>,
        %parallel_loop3A_279 = arith.constant 1 : i32
        %parallel_loop3A_280 = arith.constant 2 : i32
        %parallel_loop3A_281 = arith.index_cast %parallel_loop3A_279 : i32 to index
        %parallel_loop3A_282 = arith.index_cast %parallel_loop3A_280 : i32 to index
        %parallel_loop3A_283 = arith.index_cast %parallel_loop3A_257 : i32 to index
        %parallel_loop3A_284 = tpu.vector_load %arg6[%parallel_loop3A_281, %parallel_loop3A_282, %parallel_loop3A_283] {strides = array<i32>} : memref<4x4x1024xf32, #tpu.memory_space<vmem>>, vector<1x1x16xf32>,
        %parallel_loop3A_285 = vector.shape_cast %parallel_loop3A_284 : vector<1x1x16xf32> to vector<16xf32>
        %parallel_loop3A_286 = arith.addf %parallel_loop3A_285, %parallel_loop3A_262 : vector<16xf32>
        %parallel_loop3A_287 = arith.constant 1 : i32
        %parallel_loop3A_288 = arith.constant 2 : i32
        %parallel_loop3A_289 = arith.index_cast %parallel_loop3A_287 : i32 to index
        %parallel_loop3A_290 = arith.index_cast %parallel_loop3A_288 : i32 to index
        %parallel_loop3A_291 = arith.index_cast %parallel_loop3A_257 : i32 to index
        %parallel_loop3A_292 = tpu.vector_load %arg7[%parallel_loop3A_289, %parallel_loop3A_290, %parallel_loop3A_291] {strides = array<i32>} : memref<4x4x1024xf32, #tpu.memory_space<vmem>>, vector<1x1x16xf32>,
        %parallel_loop3A_293 = vector.shape_cast %parallel_loop3A_292 : vector<1x1x16xf32> to vector<16xf32>
        %parallel_loop3A_294 = vector.shape_cast %parallel_loop3A_286 : vector<16xf32> to vector<1x1x16xf32>
        tpu.vector_store %arg7[%parallel_loop3A_289, %parallel_loop3A_290, %parallel_loop3A_291], %parallel_loop3A_294 {strides = array<i32>} : memref<4x4x1024xf32, #tpu.memory_space<vmem>>, vector<1x1x16xf32>,
        %parallel_loop3A_295 = arith.constant 2 : i32
        %parallel_loop3A_296 = arith.constant 2 : i32
        %parallel_loop3A_297 = arith.index_cast %parallel_loop3A_295 : i32 to index
        %parallel_loop3A_298 = arith.index_cast %parallel_loop3A_296 : i32 to index
        %parallel_loop3A_299 = arith.index_cast %parallel_loop3A_257 : i32 to index
        %parallel_loop3A_300 = tpu.vector_load %arg6[%parallel_loop3A_297, %parallel_loop3A_298, %parallel_loop3A_299] {strides = array<i32>} : memref<4x4x1024xf32, #tpu.memory_space<vmem>>, vector<1x1x16xf32>,
        %parallel_loop3A_301 = vector.shape_cast %parallel_loop3A_300 : vector<1x1x16xf32> to vector<16xf32>
        %parallel_loop3A_302 = arith.addf %parallel_loop3A_301, %parallel_loop3A_262 : vector<16xf32>
        %parallel_loop3A_303 = arith.constant 2 : i32
        %parallel_loop3A_304 = arith.constant 2 : i32
        %parallel_loop3A_305 = arith.index_cast %parallel_loop3A_303 : i32 to index
        %parallel_loop3A_306 = arith.index_cast %parallel_loop3A_304 : i32 to index
        %parallel_loop3A_307 = arith.index_cast %parallel_loop3A_257 : i32 to index
        %parallel_loop3A_308 = tpu.vector_load %arg7[%parallel_loop3A_305, %parallel_loop3A_306, %parallel_loop3A_307] {strides = array<i32>} : memref<4x4x1024xf32, #tpu.memory_space<vmem>>, vector<1x1x16xf32>,
        %parallel_loop3A_309 = vector.shape_cast %parallel_loop3A_308 : vector<1x1x16xf32> to vector<16xf32>
        %parallel_loop3A_310 = vector.shape_cast %parallel_loop3A_302 : vector<16xf32> to vector<1x1x16xf32>
        tpu.vector_store %arg7[%parallel_loop3A_305, %parallel_loop3A_306, %parallel_loop3A_307], %parallel_loop3A_310 {strides = array<i32>} : memref<4x4x1024xf32, #tpu.memory_space<vmem>>, vector<1x1x16xf32>,
        %parallel_loop3A_311 = arith.constant 3 : i32
        %parallel_loop3A_312 = arith.constant 2 : i32
        %parallel_loop3A_313 = arith.index_cast %parallel_loop3A_311 : i32 to index
        %parallel_loop3A_314 = arith.index_cast %parallel_loop3A_312 : i32 to index
        %parallel_loop3A_315 = arith.index_cast %parallel_loop3A_257 : i32 to index
        %parallel_loop3A_316 = tpu.vector_load %arg6[%parallel_loop3A_313, %parallel_loop3A_314, %parallel_loop3A_315] {strides = array<i32>} : memref<4x4x1024xf32, #tpu.memory_space<vmem>>, vector<1x1x16xf32>,
        %parallel_loop3A_317 = vector.shape_cast %parallel_loop3A_316 : vector<1x1x16xf32> to vector<16xf32>
        %parallel_loop3A_318 = arith.addf %parallel_loop3A_317, %parallel_loop3A_262 : vector<16xf32>
        %parallel_loop3A_319 = arith.constant 3 : i32
        %parallel_loop3A_320 = arith.constant 2 : i32
        %parallel_loop3A_321 = arith.index_cast %parallel_loop3A_319 : i32 to index
        %parallel_loop3A_322 = arith.index_cast %parallel_loop3A_320 : i32 to index
        %parallel_loop3A_323 = arith.index_cast %parallel_loop3A_257 : i32 to index
        %parallel_loop3A_324 = tpu.vector_load %arg7[%parallel_loop3A_321, %parallel_loop3A_322, %parallel_loop3A_323] {strides = array<i32>} : memref<4x4x1024xf32, #tpu.memory_space<vmem>>, vector<1x1x16xf32>,
        %parallel_loop3A_325 = vector.shape_cast %parallel_loop3A_324 : vector<1x1x16xf32> to vector<16xf32>
        %parallel_loop3A_326 = vector.shape_cast %parallel_loop3A_318 : vector<16xf32> to vector<1x1x16xf32>
        tpu.vector_store %arg7[%parallel_loop3A_321, %parallel_loop3A_322, %parallel_loop3A_323], %parallel_loop3A_326 {strides = array<i32>} : memref<4x4x1024xf32, #tpu.memory_space<vmem>>, vector<1x1x16xf32>,
      } {sc.loop_unroll_factor = 4 : i64, sc.parallel_access}
      %parallel_loop3A_136 = arith.constant 0 : i32
      %parallel_loop3A_137 = arith.constant 64 : i32
      %parallel_loop3A_138 = arith.constant 1 : i32
      scf.for %parallel_loop3A_255 = %parallel_loop3A_136 to %parallel_loop3A_137 step %parallel_loop3A_138  : i32 {
        %parallel_loop3A_256 = arith.constant 16 : i32
        %parallel_loop3A_257 = arith.muli %parallel_loop3A_255, %parallel_loop3A_256 : i32
        %parallel_loop3A_258 = arith.constant 3 : i32
        %parallel_loop3A_259 = arith.index_cast %parallel_loop3A_258 : i32 to index
        %parallel_loop3A_260 = arith.index_cast %parallel_loop3A_257 : i32 to index
        %parallel_loop3A_261 = tpu.vector_load %arg5[%parallel_loop3A_259, %parallel_loop3A_260] {strides = array<i32>} : memref<4x1024xf32, #tpu.memory_space<vmem>>, vector<1x16xf32>,
        %parallel_loop3A_262 = vector.shape_cast %parallel_loop3A_261 : vector<1x16xf32> to vector<16xf32>
        %parallel_loop3A_263 = arith.constant 0 : i32
        %parallel_loop3A_264 = arith.constant 3 : i32
        %parallel_loop3A_265 = arith.index_cast %parallel_loop3A_263 : i32 to index
        %parallel_loop3A_266 = arith.index_cast %parallel_loop3A_264 : i32 to index
        %parallel_loop3A_267 = arith.index_cast %parallel_loop3A_257 : i32 to index
        %parallel_loop3A_268 = tpu.vector_load %arg6[%parallel_loop3A_265, %parallel_loop3A_266, %parallel_loop3A_267] {strides = array<i32>} : memref<4x4x1024xf32, #tpu.memory_space<vmem>>, vector<1x1x16xf32>,
        %parallel_loop3A_269 = vector.shape_cast %parallel_loop3A_268 : vector<1x1x16xf32> to vector<16xf32>
        %parallel_loop3A_270 = arith.addf %parallel_loop3A_269, %parallel_loop3A_262 : vector<16xf32>
        %parallel_loop3A_271 = arith.constant 0 : i32
        %parallel_loop3A_272 = arith.constant 3 : i32
        %parallel_loop3A_273 = arith.index_cast %parallel_loop3A_271 : i32 to index
        %parallel_loop3A_274 = arith.index_cast %parallel_loop3A_272 : i32 to index
        %parallel_loop3A_275 = arith.index_cast %parallel_loop3A_257 : i32 to index
        %parallel_loop3A_276 = tpu.vector_load %arg7[%parallel_loop3A_273, %parallel_loop3A_274, %parallel_loop3A_275] {strides = array<i32>} : memref<4x4x1024xf32, #tpu.memory_space<vmem>>, vector<1x1x16xf32>,
        %parallel_loop3A_277 = vector.shape_cast %parallel_loop3A_276 : vector<1x1x16xf32> to vector<16xf32>
        %parallel_loop3A_278 = vector.shape_cast %parallel_loop3A_270 : vector<16xf32> to vector<1x1x16xf32>
        tpu.vector_store %arg7[%parallel_loop3A_273, %parallel_loop3A_274, %parallel_loop3A_275], %parallel_loop3A_278 {strides = array<i32>} : memref<4x4x1024xf32, #tpu.memory_space<vmem>>, vector<1x1x16xf32>,
        %parallel_loop3A_279 = arith.constant 1 : i32
        %parallel_loop3A_280 = arith.constant 3 : i32
        %parallel_loop3A_281 = arith.index_cast %parallel_loop3A_279 : i32 to index
        %parallel_loop3A_282 = arith.index_cast %parallel_loop3A_280 : i32 to index
        %parallel_loop3A_283 = arith.index_cast %parallel_loop3A_257 : i32 to index
        %parallel_loop3A_284 = tpu.vector_load %arg6[%parallel_loop3A_281, %parallel_loop3A_282, %parallel_loop3A_283] {strides = array<i32>} : memref<4x4x1024xf32, #tpu.memory_space<vmem>>, vector<1x1x16xf32>,
        %parallel_loop3A_285 = vector.shape_cast %parallel_loop3A_284 : vector<1x1x16xf32> to vector<16xf32>
        %parallel_loop3A_286 = arith.addf %parallel_loop3A_285, %parallel_loop3A_262 : vector<16xf32>
        %parallel_loop3A_287 = arith.constant 1 : i32
        %parallel_loop3A_288 = arith.constant 3 : i32
        %parallel_loop3A_289 = arith.index_cast %parallel_loop3A_287 : i32 to index
        %parallel_loop3A_290 = arith.index_cast %parallel_loop3A_288 : i32 to index
        %parallel_loop3A_291 = arith.index_cast %parallel_loop3A_257 : i32 to index
        %parallel_loop3A_292 = tpu.vector_load %arg7[%parallel_loop3A_289, %parallel_loop3A_290, %parallel_loop3A_291] {strides = array<i32>} : memref<4x4x1024xf32, #tpu.memory_space<vmem>>, vector<1x1x16xf32>,
        %parallel_loop3A_293 = vector.shape_cast %parallel_loop3A_292 : vector<1x1x16xf32> to vector<16xf32>
        %parallel_loop3A_294 = vector.shape_cast %parallel_loop3A_286 : vector<16xf32> to vector<1x1x16xf32>
        tpu.vector_store %arg7[%parallel_loop3A_289, %parallel_loop3A_290, %parallel_loop3A_291], %parallel_loop3A_294 {strides = array<i32>} : memref<4x4x1024xf32, #tpu.memory_space<vmem>>, vector<1x1x16xf32>,
        %parallel_loop3A_295 = arith.constant 2 : i32
        %parallel_loop3A_296 = arith.constant 3 : i32
        %parallel_loop3A_297 = arith.index_cast %parallel_loop3A_295 : i32 to index
        %parallel_loop3A_298 = arith.index_cast %parallel_loop3A_296 : i32 to index
        %parallel_loop3A_299 = arith.index_cast %parallel_loop3A_257 : i32 to index
        %parallel_loop3A_300 = tpu.vector_load %arg6[%parallel_loop3A_297, %parallel_loop3A_298, %parallel_loop3A_299] {strides = array<i32>} : memref<4x4x1024xf32, #tpu.memory_space<vmem>>, vector<1x1x16xf32>,
        %parallel_loop3A_301 = vector.shape_cast %parallel_loop3A_300 : vector<1x1x16xf32> to vector<16xf32>
        %parallel_loop3A_302 = arith.addf %parallel_loop3A_301, %parallel_loop3A_262 : vector<16xf32>
        %parallel_loop3A_303 = arith.constant 2 : i32
        %parallel_loop3A_304 = arith.constant 3 : i32
        %parallel_loop3A_305 = arith.index_cast %parallel_loop3A_303 : i32 to index
        %parallel_loop3A_306 = arith.index_cast %parallel_loop3A_304 : i32 to index
        %parallel_loop3A_307 = arith.index_cast %parallel_loop3A_257 : i32 to index
        %parallel_loop3A_308 = tpu.vector_load %arg7[%parallel_loop3A_305, %parallel_loop3A_306, %parallel_loop3A_307] {strides = array<i32>} : memref<4x4x1024xf32, #tpu.memory_space<vmem>>, vector<1x1x16xf32>,
        %parallel_loop3A_309 = vector.shape_cast %parallel_loop3A_308 : vector<1x1x16xf32> to vector<16xf32>
        %parallel_loop3A_310 = vector.shape_cast %parallel_loop3A_302 : vector<16xf32> to vector<1x1x16xf32>
        tpu.vector_store %arg7[%parallel_loop3A_305, %parallel_loop3A_306, %parallel_loop3A_307], %parallel_loop3A_310 {strides = array<i32>} : memref<4x4x1024xf32, #tpu.memory_space<vmem>>, vector<1x1x16xf32>,
        %parallel_loop3A_311 = arith.constant 3 : i32
        %parallel_loop3A_312 = arith.constant 3 : i32
        %parallel_loop3A_313 = arith.index_cast %parallel_loop3A_311 : i32 to index
        %parallel_loop3A_314 = arith.index_cast %parallel_loop3A_312 : i32 to index
        %parallel_loop3A_315 = arith.index_cast %parallel_loop3A_257 : i32 to index
        %parallel_loop3A_316 = tpu.vector_load %arg6[%parallel_loop3A_313, %parallel_loop3A_314, %parallel_loop3A_315] {strides = array<i32>} : memref<4x4x1024xf32, #tpu.memory_space<vmem>>, vector<1x1x16xf32>,
        %parallel_loop3A_317 = vector.shape_cast %parallel_loop3A_316 : vector<1x1x16xf32> to vector<16xf32>
        %parallel_loop3A_318 = arith.addf %parallel_loop3A_317, %parallel_loop3A_262 : vector<16xf32>
        %parallel_loop3A_319 = arith.constant 3 : i32
        %parallel_loop3A_320 = arith.constant 3 : i32
        %parallel_loop3A_321 = arith.index_cast %parallel_loop3A_319 : i32 to index
        %parallel_loop3A_322 = arith.index_cast %parallel_loop3A_320 : i32 to index
        %parallel_loop3A_323 = arith.index_cast %parallel_loop3A_257 : i32 to index
        %parallel_loop3A_324 = tpu.vector_load %arg7[%parallel_loop3A_321, %parallel_loop3A_322, %parallel_loop3A_323] {strides = array<i32>} : memref<4x4x1024xf32, #tpu.memory_space<vmem>>, vector<1x1x16xf32>,
        %parallel_loop3A_325 = vector.shape_cast %parallel_loop3A_324 : vector<1x1x16xf32> to vector<16xf32>
        %parallel_loop3A_326 = vector.shape_cast %parallel_loop3A_318 : vector<16xf32> to vector<1x1x16xf32>
        tpu.vector_store %arg7[%parallel_loop3A_321, %parallel_loop3A_322, %parallel_loop3A_323], %parallel_loop3A_326 {strides = array<i32>} : memref<4x4x1024xf32, #tpu.memory_space<vmem>>, vector<1x1x16xf32>,
      } {sc.loop_unroll_factor = 4 : i64, sc.parallel_access}
      %mul3A_139 = arith.constant 4 : i32
      %mul3A_140 = arith.muli %add3A_111, %mul3A_139 : i32
      %add3A_141 = arith.addi %mul3A_2, %mul3A_140 : i32
      %dma_start3A_142 = arith.constant 0 : i32
      %dma_start3A_143 = arith.constant 0 : i32
      %dma_start3A_144 = tpu.memref_slice %arg4[%dma_start3A_142, %add3A_141, %dma_start3A_143] : memref<4x8192x1024xf32, #tpu.memory_space<hbm>> -> memref<4x4x1024xf32, #tpu.memory_space<hbm>>
      %dma_start3A_145 = arith.constant 0 : i32
      %dma_start3A_146 = arith.constant 0 : i32
      %dma_start3A_147 = tpu.memref_slice %arg4[%dma_start3A_145, %add3A_141, %dma_start3A_146] : memref<4x8192x1024xf32, #tpu.memory_space<hbm>> -> memref<4x4x1024xf32, #tpu.memory_space<hbm>>
      tpu.enqueue_dma source(%arg7 : memref<4x4x1024xf32, #tpu.memory_space<vmem>>) target(%dma_start3A_147 : memref<4x4x1024xf32, #tpu.memory_space<hbm>>) target_semaphore(%arg17 : memref<!tpu.dma_semaphore, #tpu.memory_space<semaphore_mem>>)
      %add3A_148 = arith.constant 3 : i32
      %add3A_149 = arith.addi %add3A_111, %add3A_148 : i32
      %lt3A = arith.constant 64 : i32
      %lt3A_150 = arith.cmpi slt, %add3A_149, %lt3A : i32
      %convert_element_type3A_151 = arith.extui %lt3A_150 : i1 to i32
      %cond3A_152 = arith.constant 0 : i32
      %cond3A_153 = arith.cmpi ne, %convert_element_type3A_151, %cond3A_152 : i32
      scf.if %cond3A_153 {
        %add3A_255 = arith.constant 3 : i32
        %add3A_256 = arith.addi %add3A_111, %add3A_255 : i32
        %mul3A_257 = arith.constant 4 : i32
        %mul3A_258 = arith.muli %add3A_256, %mul3A_257 : i32
        %add3A_259 = arith.addi %mul3A_2, %mul3A_258 : i32
        %dma_start3A_260 = arith.constant 0 : i32
        %dma_start3A_261 = tpu.memref_slice %arg3[%add3A_259, %dma_start3A_260] : memref<8192x1024xf32, #tpu.memory_space<hbm>> -> memref<4x1024xf32, #tpu.memory_space<hbm>>
        %dma_start3A_262 = arith.constant 0 : i32
        %dma_start3A_263 = tpu.memref_slice %arg3[%add3A_259, %dma_start3A_262] : memref<8192x1024xf32, #tpu.memory_space<hbm>> -> memref<4x1024xf32, #tpu.memory_space<hbm>>
        tpu.enqueue_dma source(%dma_start3A_263 : memref<4x1024xf32, #tpu.memory_space<hbm>>) target(%arg5 : memref<4x1024xf32, #tpu.memory_space<vmem>>) target_semaphore(%arg14 : memref<!tpu.dma_semaphore, #tpu.memory_space<semaphore_mem>>)
        %dma_start3A_264 = arith.constant 0 : i32
        %dma_start3A_265 = arith.constant 0 : i32
        %dma_start3A_266 = tpu.memref_slice %arg2[%dma_start3A_264, %add3A_259, %dma_start3A_265] : memref<4x8192x1024xf32, #tpu.memory_space<hbm>> -> memref<4x4x1024xf32, #tpu.memory_space<hbm>>
        %dma_start3A_267 = arith.constant 0 : i32
        %dma_start3A_268 = arith.constant 0 : i32
        %dma_start3A_269 = tpu.memref_slice %arg2[%dma_start3A_267, %add3A_259, %dma_start3A_268] : memref<4x8192x1024xf32, #tpu.memory_space<hbm>> -> memref<4x4x1024xf32, #tpu.memory_space<hbm>>
        tpu.enqueue_dma source(%dma_start3A_269 : memref<4x4x1024xf32, #tpu.memory_space<hbm>>) target(%arg6 : memref<4x4x1024xf32, #tpu.memory_space<vmem>>) target_semaphore(%arg14 : memref<!tpu.dma_semaphore, #tpu.memory_space<semaphore_mem>>)
      } else {
      }
      %mul3A_154 = arith.constant 3 : i32
      %mul3A_155 = arith.muli %mul3A_154, %scan3A_106 : i32
      %add3A_156 = arith.constant 1 : i32
      %add3A_157 = arith.addi %mul3A_155, %add3A_156 : i32
      %mul3A_158 = arith.constant 4 : i32
      %mul3A_159 = arith.muli %add3A_157, %mul3A_158 : i32
      %add3A_160 = arith.addi %mul3A_2, %mul3A_159 : i32
      %dma_wait3A_161 = arith.constant 0 : i32
      %dma_wait3A_162 = tpu.memref_slice %arg3[%add3A_160, %dma_wait3A_161] : memref<8192x1024xf32, #tpu.memory_space<hbm>> -> memref<4x1024xf32, #tpu.memory_space<hbm>>
      %dma_wait3A_163 = arith.constant 0 : i32
      %dma_wait3A_164 = tpu.memref_slice %arg3[%add3A_160, %dma_wait3A_163] : memref<8192x1024xf32, #tpu.memory_space<hbm>> -> memref<4x1024xf32, #tpu.memory_space<hbm>>
      tpu.wait_dma2 semaphore(%arg15 : memref<!tpu.dma_semaphore, #tpu.memory_space<semaphore_mem>>) src(%dma_wait3A_164 : memref<4x1024xf32, #tpu.memory_space<hbm>>) dst(%arg8 : memref<4x1024xf32, #tpu.memory_space<vmem>>)
      %dma_wait3A_165 = arith.constant 0 : i32
      %dma_wait3A_166 = arith.constant 0 : i32
      %dma_wait3A_167 = tpu.memref_slice %arg2[%dma_wait3A_165, %add3A_160, %dma_wait3A_166] : memref<4x8192x1024xf32, #tpu.memory_space<hbm>> -> memref<4x4x1024xf32, #tpu.memory_space<hbm>>
      %dma_wait3A_168 = arith.constant 0 : i32
      %dma_wait3A_169 = arith.constant 0 : i32
      %dma_wait3A_170 = tpu.memref_slice %arg2[%dma_wait3A_168, %add3A_160, %dma_wait3A_169] : memref<4x8192x1024xf32, #tpu.memory_space<hbm>> -> memref<4x4x1024xf32, #tpu.memory_space<hbm>>
      tpu.wait_dma2 semaphore(%arg15 : memref<!tpu.dma_semaphore, #tpu.memory_space<semaphore_mem>>) src(%dma_wait3A_170 : memref<4x4x1024xf32, #tpu.memory_space<hbm>>) dst(%arg9 : memref<4x4x1024xf32, #tpu.memory_space<vmem>>)
      %ge3A_171 = arith.constant 3 : i32
      %ge3A_172 = arith.cmpi sge, %add3A_157, %ge3A_171 : i32
      %convert_element_type3A_173 = arith.extui %ge3A_172 : i1 to i32
      %cond3A_174 = arith.constant 0 : i32
      %cond3A_175 = arith.cmpi ne, %convert_element_type3A_173, %cond3A_174 : i32
      scf.if %cond3A_175 {
        %sub3A = arith.constant 3 : i32
        %sub3A_255 = arith.subi %add3A_157, %sub3A : i32
        %mul3A_256 = arith.constant 4 : i32
        %mul3A_257 = arith.muli %sub3A_255, %mul3A_256 : i32
        %add3A_258 = arith.addi %mul3A_2, %mul3A_257 : i32
        %dma_wait3A_259 = arith.constant 0 : i32
        %dma_wait3A_260 = arith.constant 0 : i32
        %dma_wait3A_261 = tpu.memref_slice %arg4[%dma_wait3A_259, %add3A_258, %dma_wait3A_260] : memref<4x8192x1024xf32, #tpu.memory_space<hbm>> -> memref<4x4x1024xf32, #tpu.memory_space<hbm>>
        %dma_wait3A_262 = arith.constant 0 : i32
        %dma_wait3A_263 = arith.constant 0 : i32
        %dma_wait3A_264 = tpu.memref_slice %arg4[%dma_wait3A_262, %add3A_258, %dma_wait3A_263] : memref<4x8192x1024xf32, #tpu.memory_space<hbm>> -> memref<4x4x1024xf32, #tpu.memory_space<hbm>>
        tpu.wait_dma2 semaphore(%arg18 : memref<!tpu.dma_semaphore, #tpu.memory_space<semaphore_mem>>) src(%arg10 : memref<4x4x1024xf32, #tpu.memory_space<vmem>>) dst(%dma_wait3A_264 : memref<4x4x1024xf32, #tpu.memory_space<hbm>>)
      } else {
      }
      %parallel_loop3A_176 = arith.constant 0 : i32
      %parallel_loop3A_177 = arith.constant 64 : i32
      %parallel_loop3A_178 = arith.constant 1 : i32
      scf.for %parallel_loop3A_255 = %parallel_loop3A_176 to %parallel_loop3A_177 step %parallel_loop3A_178  : i32 {
        %parallel_loop3A_256 = arith.constant 16 : i32
        %parallel_loop3A_257 = arith.muli %parallel_loop3A_255, %parallel_loop3A_256 : i32
        %parallel_loop3A_258 = arith.constant 0 : i32
        %parallel_loop3A_259 = arith.index_cast %parallel_loop3A_258 : i32 to index
        %parallel_loop3A_260 = arith.index_cast %parallel_loop3A_257 : i32 to index
        %parallel_loop3A_261 = tpu.vector_load %arg8[%parallel_loop3A_259, %parallel_loop3A_260] {strides = array<i32>} : memref<4x1024xf32, #tpu.memory_space<vmem>>, vector<1x16xf32>,
        %parallel_loop3A_262 = vector.shape_cast %parallel_loop3A_261 : vector<1x16xf32> to vector<16xf32>
        %parallel_loop3A_263 = arith.constant 0 : i32
        %parallel_loop3A_264 = arith.constant 0 : i32
        %parallel_loop3A_265 = arith.index_cast %parallel_loop3A_263 : i32 to index
        %parallel_loop3A_266 = arith.index_cast %parallel_loop3A_264 : i32 to index
        %parallel_loop3A_267 = arith.index_cast %parallel_loop3A_257 : i32 to index
        %parallel_loop3A_268 = tpu.vector_load %arg9[%parallel_loop3A_265, %parallel_loop3A_266, %parallel_loop3A_267] {strides = array<i32>} : memref<4x4x1024xf32, #tpu.memory_space<vmem>>, vector<1x1x16xf32>,
        %parallel_loop3A_269 = vector.shape_cast %parallel_loop3A_268 : vector<1x1x16xf32> to vector<16xf32>
        %parallel_loop3A_270 = arith.addf %parallel_loop3A_269, %parallel_loop3A_262 : vector<16xf32>
        %parallel_loop3A_271 = arith.constant 0 : i32
        %parallel_loop3A_272 = arith.constant 0 : i32
        %parallel_loop3A_273 = arith.index_cast %parallel_loop3A_271 : i32 to index
        %parallel_loop3A_274 = arith.index_cast %parallel_loop3A_272 : i32 to index
        %parallel_loop3A_275 = arith.index_cast %parallel_loop3A_257 : i32 to index
        %parallel_loop3A_276 = tpu.vector_load %arg10[%parallel_loop3A_273, %parallel_loop3A_274, %parallel_loop3A_275] {strides = array<i32>} : memref<4x4x1024xf32, #tpu.memory_space<vmem>>, vector<1x1x16xf32>,
        %parallel_loop3A_277 = vector.shape_cast %parallel_loop3A_276 : vector<1x1x16xf32> to vector<16xf32>
        %parallel_loop3A_278 = vector.shape_cast %parallel_loop3A_270 : vector<16xf32> to vector<1x1x16xf32>
        tpu.vector_store %arg10[%parallel_loop3A_273, %parallel_loop3A_274, %parallel_loop3A_275], %parallel_loop3A_278 {strides = array<i32>} : memref<4x4x1024xf32, #tpu.memory_space<vmem>>, vector<1x1x16xf32>,
        %parallel_loop3A_279 = arith.constant 1 : i32
        %parallel_loop3A_280 = arith.constant 0 : i32
        %parallel_loop3A_281 = arith.index_cast %parallel_loop3A_279 : i32 to index
        %parallel_loop3A_282 = arith.index_cast %parallel_loop3A_280 : i32 to index
        %parallel_loop3A_283 = arith.index_cast %parallel_loop3A_257 : i32 to index
        %parallel_loop3A_284 = tpu.vector_load %arg9[%parallel_loop3A_281, %parallel_loop3A_282, %parallel_loop3A_283] {strides = array<i32>} : memref<4x4x1024xf32, #tpu.memory_space<vmem>>, vector<1x1x16xf32>,
        %parallel_loop3A_285 = vector.shape_cast %parallel_loop3A_284 : vector<1x1x16xf32> to vector<16xf32>
        %parallel_loop3A_286 = arith.addf %parallel_loop3A_285, %parallel_loop3A_262 : vector<16xf32>
        %parallel_loop3A_287 = arith.constant 1 : i32
        %parallel_loop3A_288 = arith.constant 0 : i32
        %parallel_loop3A_289 = arith.index_cast %parallel_loop3A_287 : i32 to index
        %parallel_loop3A_290 = arith.index_cast %parallel_loop3A_288 : i32 to index
        %parallel_loop3A_291 = arith.index_cast %parallel_loop3A_257 : i32 to index
        %parallel_loop3A_292 = tpu.vector_load %arg10[%parallel_loop3A_289, %parallel_loop3A_290, %parallel_loop3A_291] {strides = array<i32>} : memref<4x4x1024xf32, #tpu.memory_space<vmem>>, vector<1x1x16xf32>,
        %parallel_loop3A_293 = vector.shape_cast %parallel_loop3A_292 : vector<1x1x16xf32> to vector<16xf32>
        %parallel_loop3A_294 = vector.shape_cast %parallel_loop3A_286 : vector<16xf32> to vector<1x1x16xf32>
        tpu.vector_store %arg10[%parallel_loop3A_289, %parallel_loop3A_290, %parallel_loop3A_291], %parallel_loop3A_294 {strides = array<i32>} : memref<4x4x1024xf32, #tpu.memory_space<vmem>>, vector<1x1x16xf32>,
        %parallel_loop3A_295 = arith.constant 2 : i32
        %parallel_loop3A_296 = arith.constant 0 : i32
        %parallel_loop3A_297 = arith.index_cast %parallel_loop3A_295 : i32 to index
        %parallel_loop3A_298 = arith.index_cast %parallel_loop3A_296 : i32 to index
        %parallel_loop3A_299 = arith.index_cast %parallel_loop3A_257 : i32 to index
        %parallel_loop3A_300 = tpu.vector_load %arg9[%parallel_loop3A_297, %parallel_loop3A_298, %parallel_loop3A_299] {strides = array<i32>} : memref<4x4x1024xf32, #tpu.memory_space<vmem>>, vector<1x1x16xf32>,
        %parallel_loop3A_301 = vector.shape_cast %parallel_loop3A_300 : vector<1x1x16xf32> to vector<16xf32>
        %parallel_loop3A_302 = arith.addf %parallel_loop3A_301, %parallel_loop3A_262 : vector<16xf32>
        %parallel_loop3A_303 = arith.constant 2 : i32
        %parallel_loop3A_304 = arith.constant 0 : i32
        %parallel_loop3A_305 = arith.index_cast %parallel_loop3A_303 : i32 to index
        %parallel_loop3A_306 = arith.index_cast %parallel_loop3A_304 : i32 to index
        %parallel_loop3A_307 = arith.index_cast %parallel_loop3A_257 : i32 to index
        %parallel_loop3A_308 = tpu.vector_load %arg10[%parallel_loop3A_305, %parallel_loop3A_306, %parallel_loop3A_307] {strides = array<i32>} : memref<4x4x1024xf32, #tpu.memory_space<vmem>>, vector<1x1x16xf32>,
        %parallel_loop3A_309 = vector.shape_cast %parallel_loop3A_308 : vector<1x1x16xf32> to vector<16xf32>
        %parallel_loop3A_310 = vector.shape_cast %parallel_loop3A_302 : vector<16xf32> to vector<1x1x16xf32>
        tpu.vector_store %arg10[%parallel_loop3A_305, %parallel_loop3A_306, %parallel_loop3A_307], %parallel_loop3A_310 {strides = array<i32>} : memref<4x4x1024xf32, #tpu.memory_space<vmem>>, vector<1x1x16xf32>,
        %parallel_loop3A_311 = arith.constant 3 : i32
        %parallel_loop3A_312 = arith.constant 0 : i32
        %parallel_loop3A_313 = arith.index_cast %parallel_loop3A_311 : i32 to index
        %parallel_loop3A_314 = arith.index_cast %parallel_loop3A_312 : i32 to index
        %parallel_loop3A_315 = arith.index_cast %parallel_loop3A_257 : i32 to index
        %parallel_loop3A_316 = tpu.vector_load %arg9[%parallel_loop3A_313, %parallel_loop3A_314, %parallel_loop3A_315] {strides = array<i32>} : memref<4x4x1024xf32, #tpu.memory_space<vmem>>, vector<1x1x16xf32>,
        %parallel_loop3A_317 = vector.shape_cast %parallel_loop3A_316 : vector<1x1x16xf32> to vector<16xf32>
        %parallel_loop3A_318 = arith.addf %parallel_loop3A_317, %parallel_loop3A_262 : vector<16xf32>
        %parallel_loop3A_319 = arith.constant 3 : i32
        %parallel_loop3A_320 = arith.constant 0 : i32
        %parallel_loop3A_321 = arith.index_cast %parallel_loop3A_319 : i32 to index
        %parallel_loop3A_322 = arith.index_cast %parallel_loop3A_320 : i32 to index
        %parallel_loop3A_323 = arith.index_cast %parallel_loop3A_257 : i32 to index
        %parallel_loop3A_324 = tpu.vector_load %arg10[%parallel_loop3A_321, %parallel_loop3A_322, %parallel_loop3A_323] {strides = array<i32>} : memref<4x4x1024xf32, #tpu.memory_space<vmem>>, vector<1x1x16xf32>,
        %parallel_loop3A_325 = vector.shape_cast %parallel_loop3A_324 : vector<1x1x16xf32> to vector<16xf32>
        %parallel_loop3A_326 = vector.shape_cast %parallel_loop3A_318 : vector<16xf32> to vector<1x1x16xf32>
        tpu.vector_store %arg10[%parallel_loop3A_321, %parallel_loop3A_322, %parallel_loop3A_323], %parallel_loop3A_326 {strides = array<i32>} : memref<4x4x1024xf32, #tpu.memory_space<vmem>>, vector<1x1x16xf32>,
      } {sc.loop_unroll_factor = 4 : i64, sc.parallel_access}
      %parallel_loop3A_179 = arith.constant 0 : i32
      %parallel_loop3A_180 = arith.constant 64 : i32
      %parallel_loop3A_181 = arith.constant 1 : i32
      scf.for %parallel_loop3A_255 = %parallel_loop3A_179 to %parallel_loop3A_180 step %parallel_loop3A_181  : i32 {
        %parallel_loop3A_256 = arith.constant 16 : i32
        %parallel_loop3A_257 = arith.muli %parallel_loop3A_255, %parallel_loop3A_256 : i32
        %parallel_loop3A_258 = arith.constant 1 : i32
        %parallel_loop3A_259 = arith.index_cast %parallel_loop3A_258 : i32 to index
        %parallel_loop3A_260 = arith.index_cast %parallel_loop3A_257 : i32 to index
        %parallel_loop3A_261 = tpu.vector_load %arg8[%parallel_loop3A_259, %parallel_loop3A_260] {strides = array<i32>} : memref<4x1024xf32, #tpu.memory_space<vmem>>, vector<1x16xf32>,
        %parallel_loop3A_262 = vector.shape_cast %parallel_loop3A_261 : vector<1x16xf32> to vector<16xf32>
        %parallel_loop3A_263 = arith.constant 0 : i32
        %parallel_loop3A_264 = arith.constant 1 : i32
        %parallel_loop3A_265 = arith.index_cast %parallel_loop3A_263 : i32 to index
        %parallel_loop3A_266 = arith.index_cast %parallel_loop3A_264 : i32 to index
        %parallel_loop3A_267 = arith.index_cast %parallel_loop3A_257 : i32 to index
        %parallel_loop3A_268 = tpu.vector_load %arg9[%parallel_loop3A_265, %parallel_loop3A_266, %parallel_loop3A_267] {strides = array<i32>} : memref<4x4x1024xf32, #tpu.memory_space<vmem>>, vector<1x1x16xf32>,
        %parallel_loop3A_269 = vector.shape_cast %parallel_loop3A_268 : vector<1x1x16xf32> to vector<16xf32>
        %parallel_loop3A_270 = arith.addf %parallel_loop3A_269, %parallel_loop3A_262 : vector<16xf32>
        %parallel_loop3A_271 = arith.constant 0 : i32
        %parallel_loop3A_272 = arith.constant 1 : i32
        %parallel_loop3A_273 = arith.index_cast %parallel_loop3A_271 : i32 to index
        %parallel_loop3A_274 = arith.index_cast %parallel_loop3A_272 : i32 to index
        %parallel_loop3A_275 = arith.index_cast %parallel_loop3A_257 : i32 to index
        %parallel_loop3A_276 = tpu.vector_load %arg10[%parallel_loop3A_273, %parallel_loop3A_274, %parallel_loop3A_275] {strides = array<i32>} : memref<4x4x1024xf32, #tpu.memory_space<vmem>>, vector<1x1x16xf32>,
        %parallel_loop3A_277 = vector.shape_cast %parallel_loop3A_276 : vector<1x1x16xf32> to vector<16xf32>
        %parallel_loop3A_278 = vector.shape_cast %parallel_loop3A_270 : vector<16xf32> to vector<1x1x16xf32>
        tpu.vector_store %arg10[%parallel_loop3A_273, %parallel_loop3A_274, %parallel_loop3A_275], %parallel_loop3A_278 {strides = array<i32>} : memref<4x4x1024xf32, #tpu.memory_space<vmem>>, vector<1x1x16xf32>,
        %parallel_loop3A_279 = arith.constant 1 : i32
        %parallel_loop3A_280 = arith.constant 1 : i32
        %parallel_loop3A_281 = arith.index_cast %parallel_loop3A_279 : i32 to index
        %parallel_loop3A_282 = arith.index_cast %parallel_loop3A_280 : i32 to index
        %parallel_loop3A_283 = arith.index_cast %parallel_loop3A_257 : i32 to index
        %parallel_loop3A_284 = tpu.vector_load %arg9[%parallel_loop3A_281, %parallel_loop3A_282, %parallel_loop3A_283] {strides = array<i32>} : memref<4x4x1024xf32, #tpu.memory_space<vmem>>, vector<1x1x16xf32>,
        %parallel_loop3A_285 = vector.shape_cast %parallel_loop3A_284 : vector<1x1x16xf32> to vector<16xf32>
        %parallel_loop3A_286 = arith.addf %parallel_loop3A_285, %parallel_loop3A_262 : vector<16xf32>
        %parallel_loop3A_287 = arith.constant 1 : i32
        %parallel_loop3A_288 = arith.constant 1 : i32
        %parallel_loop3A_289 = arith.index_cast %parallel_loop3A_287 : i32 to index
        %parallel_loop3A_290 = arith.index_cast %parallel_loop3A_288 : i32 to index
        %parallel_loop3A_291 = arith.index_cast %parallel_loop3A_257 : i32 to index
        %parallel_loop3A_292 = tpu.vector_load %arg10[%parallel_loop3A_289, %parallel_loop3A_290, %parallel_loop3A_291] {strides = array<i32>} : memref<4x4x1024xf32, #tpu.memory_space<vmem>>, vector<1x1x16xf32>,
        %parallel_loop3A_293 = vector.shape_cast %parallel_loop3A_292 : vector<1x1x16xf32> to vector<16xf32>
        %parallel_loop3A_294 = vector.shape_cast %parallel_loop3A_286 : vector<16xf32> to vector<1x1x16xf32>
        tpu.vector_store %arg10[%parallel_loop3A_289, %parallel_loop3A_290, %parallel_loop3A_291], %parallel_loop3A_294 {strides = array<i32>} : memref<4x4x1024xf32, #tpu.memory_space<vmem>>, vector<1x1x16xf32>,
        %parallel_loop3A_295 = arith.constant 2 : i32
        %parallel_loop3A_296 = arith.constant 1 : i32
        %parallel_loop3A_297 = arith.index_cast %parallel_loop3A_295 : i32 to index
        %parallel_loop3A_298 = arith.index_cast %parallel_loop3A_296 : i32 to index
        %parallel_loop3A_299 = arith.index_cast %parallel_loop3A_257 : i32 to index
        %parallel_loop3A_300 = tpu.vector_load %arg9[%parallel_loop3A_297, %parallel_loop3A_298, %parallel_loop3A_299] {strides = array<i32>} : memref<4x4x1024xf32, #tpu.memory_space<vmem>>, vector<1x1x16xf32>,
        %parallel_loop3A_301 = vector.shape_cast %parallel_loop3A_300 : vector<1x1x16xf32> to vector<16xf32>
        %parallel_loop3A_302 = arith.addf %parallel_loop3A_301, %parallel_loop3A_262 : vector<16xf32>
        %parallel_loop3A_303 = arith.constant 2 : i32
        %parallel_loop3A_304 = arith.constant 1 : i32
        %parallel_loop3A_305 = arith.index_cast %parallel_loop3A_303 : i32 to index
        %parallel_loop3A_306 = arith.index_cast %parallel_loop3A_304 : i32 to index
        %parallel_loop3A_307 = arith.index_cast %parallel_loop3A_257 : i32 to index
        %parallel_loop3A_308 = tpu.vector_load %arg10[%parallel_loop3A_305, %parallel_loop3A_306, %parallel_loop3A_307] {strides = array<i32>} : memref<4x4x1024xf32, #tpu.memory_space<vmem>>, vector<1x1x16xf32>,
        %parallel_loop3A_309 = vector.shape_cast %parallel_loop3A_308 : vector<1x1x16xf32> to vector<16xf32>
        %parallel_loop3A_310 = vector.shape_cast %parallel_loop3A_302 : vector<16xf32> to vector<1x1x16xf32>
        tpu.vector_store %arg10[%parallel_loop3A_305, %parallel_loop3A_306, %parallel_loop3A_307], %parallel_loop3A_310 {strides = array<i32>} : memref<4x4x1024xf32, #tpu.memory_space<vmem>>, vector<1x1x16xf32>,
        %parallel_loop3A_311 = arith.constant 3 : i32
        %parallel_loop3A_312 = arith.constant 1 : i32
        %parallel_loop3A_313 = arith.index_cast %parallel_loop3A_311 : i32 to index
        %parallel_loop3A_314 = arith.index_cast %parallel_loop3A_312 : i32 to index
        %parallel_loop3A_315 = arith.index_cast %parallel_loop3A_257 : i32 to index
        %parallel_loop3A_316 = tpu.vector_load %arg9[%parallel_loop3A_313, %parallel_loop3A_314, %parallel_loop3A_315] {strides = array<i32>} : memref<4x4x1024xf32, #tpu.memory_space<vmem>>, vector<1x1x16xf32>,
        %parallel_loop3A_317 = vector.shape_cast %parallel_loop3A_316 : vector<1x1x16xf32> to vector<16xf32>
        %parallel_loop3A_318 = arith.addf %parallel_loop3A_317, %parallel_loop3A_262 : vector<16xf32>
        %parallel_loop3A_319 = arith.constant 3 : i32
        %parallel_loop3A_320 = arith.constant 1 : i32
        %parallel_loop3A_321 = arith.index_cast %parallel_loop3A_319 : i32 to index
        %parallel_loop3A_322 = arith.index_cast %parallel_loop3A_320 : i32 to index
        %parallel_loop3A_323 = arith.index_cast %parallel_loop3A_257 : i32 to index
        %parallel_loop3A_324 = tpu.vector_load %arg10[%parallel_loop3A_321, %parallel_loop3A_322, %parallel_loop3A_323] {strides = array<i32>} : memref<4x4x1024xf32, #tpu.memory_space<vmem>>, vector<1x1x16xf32>,
        %parallel_loop3A_325 = vector.shape_cast %parallel_loop3A_324 : vector<1x1x16xf32> to vector<16xf32>
        %parallel_loop3A_326 = vector.shape_cast %parallel_loop3A_318 : vector<16xf32> to vector<1x1x16xf32>
        tpu.vector_store %arg10[%parallel_loop3A_321, %parallel_loop3A_322, %parallel_loop3A_323], %parallel_loop3A_326 {strides = array<i32>} : memref<4x4x1024xf32, #tpu.memory_space<vmem>>, vector<1x1x16xf32>,
      } {sc.loop_unroll_factor = 4 : i64, sc.parallel_access}
      %parallel_loop3A_182 = arith.constant 0 : i32
      %parallel_loop3A_183 = arith.constant 64 : i32
      %parallel_loop3A_184 = arith.constant 1 : i32
      scf.for %parallel_loop3A_255 = %parallel_loop3A_182 to %parallel_loop3A_183 step %parallel_loop3A_184  : i32 {
        %parallel_loop3A_256 = arith.constant 16 : i32
        %parallel_loop3A_257 = arith.muli %parallel_loop3A_255, %parallel_loop3A_256 : i32
        %parallel_loop3A_258 = arith.constant 2 : i32
        %parallel_loop3A_259 = arith.index_cast %parallel_loop3A_258 : i32 to index
        %parallel_loop3A_260 = arith.index_cast %parallel_loop3A_257 : i32 to index
        %parallel_loop3A_261 = tpu.vector_load %arg8[%parallel_loop3A_259, %parallel_loop3A_260] {strides = array<i32>} : memref<4x1024xf32, #tpu.memory_space<vmem>>, vector<1x16xf32>,
        %parallel_loop3A_262 = vector.shape_cast %parallel_loop3A_261 : vector<1x16xf32> to vector<16xf32>
        %parallel_loop3A_263 = arith.constant 0 : i32
        %parallel_loop3A_264 = arith.constant 2 : i32
        %parallel_loop3A_265 = arith.index_cast %parallel_loop3A_263 : i32 to index
        %parallel_loop3A_266 = arith.index_cast %parallel_loop3A_264 : i32 to index
        %parallel_loop3A_267 = arith.index_cast %parallel_loop3A_257 : i32 to index
        %parallel_loop3A_268 = tpu.vector_load %arg9[%parallel_loop3A_265, %parallel_loop3A_266, %parallel_loop3A_267] {strides = array<i32>} : memref<4x4x1024xf32, #tpu.memory_space<vmem>>, vector<1x1x16xf32>,
        %parallel_loop3A_269 = vector.shape_cast %parallel_loop3A_268 : vector<1x1x16xf32> to vector<16xf32>
        %parallel_loop3A_270 = arith.addf %parallel_loop3A_269, %parallel_loop3A_262 : vector<16xf32>
        %parallel_loop3A_271 = arith.constant 0 : i32
        %parallel_loop3A_272 = arith.constant 2 : i32
        %parallel_loop3A_273 = arith.index_cast %parallel_loop3A_271 : i32 to index
        %parallel_loop3A_274 = arith.index_cast %parallel_loop3A_272 : i32 to index
        %parallel_loop3A_275 = arith.index_cast %parallel_loop3A_257 : i32 to index
        %parallel_loop3A_276 = tpu.vector_load %arg10[%parallel_loop3A_273, %parallel_loop3A_274, %parallel_loop3A_275] {strides = array<i32>} : memref<4x4x1024xf32, #tpu.memory_space<vmem>>, vector<1x1x16xf32>,
        %parallel_loop3A_277 = vector.shape_cast %parallel_loop3A_276 : vector<1x1x16xf32> to vector<16xf32>
        %parallel_loop3A_278 = vector.shape_cast %parallel_loop3A_270 : vector<16xf32> to vector<1x1x16xf32>
        tpu.vector_store %arg10[%parallel_loop3A_273, %parallel_loop3A_274, %parallel_loop3A_275], %parallel_loop3A_278 {strides = array<i32>} : memref<4x4x1024xf32, #tpu.memory_space<vmem>>, vector<1x1x16xf32>,
        %parallel_loop3A_279 = arith.constant 1 : i32
        %parallel_loop3A_280 = arith.constant 2 : i32
        %parallel_loop3A_281 = arith.index_cast %parallel_loop3A_279 : i32 to index
        %parallel_loop3A_282 = arith.index_cast %parallel_loop3A_280 : i32 to index
        %parallel_loop3A_283 = arith.index_cast %parallel_loop3A_257 : i32 to index
        %parallel_loop3A_284 = tpu.vector_load %arg9[%parallel_loop3A_281, %parallel_loop3A_282, %parallel_loop3A_283] {strides = array<i32>} : memref<4x4x1024xf32, #tpu.memory_space<vmem>>, vector<1x1x16xf32>,
        %parallel_loop3A_285 = vector.shape_cast %parallel_loop3A_284 : vector<1x1x16xf32> to vector<16xf32>
        %parallel_loop3A_286 = arith.addf %parallel_loop3A_285, %parallel_loop3A_262 : vector<16xf32>
        %parallel_loop3A_287 = arith.constant 1 : i32
        %parallel_loop3A_288 = arith.constant 2 : i32
        %parallel_loop3A_289 = arith.index_cast %parallel_loop3A_287 : i32 to index
        %parallel_loop3A_290 = arith.index_cast %parallel_loop3A_288 : i32 to index
        %parallel_loop3A_291 = arith.index_cast %parallel_loop3A_257 : i32 to index
        %parallel_loop3A_292 = tpu.vector_load %arg10[%parallel_loop3A_289, %parallel_loop3A_290, %parallel_loop3A_291] {strides = array<i32>} : memref<4x4x1024xf32, #tpu.memory_space<vmem>>, vector<1x1x16xf32>,
        %parallel_loop3A_293 = vector.shape_cast %parallel_loop3A_292 : vector<1x1x16xf32> to vector<16xf32>
        %parallel_loop3A_294 = vector.shape_cast %parallel_loop3A_286 : vector<16xf32> to vector<1x1x16xf32>
        tpu.vector_store %arg10[%parallel_loop3A_289, %parallel_loop3A_290, %parallel_loop3A_291], %parallel_loop3A_294 {strides = array<i32>} : memref<4x4x1024xf32, #tpu.memory_space<vmem>>, vector<1x1x16xf32>,
        %parallel_loop3A_295 = arith.constant 2 : i32
        %parallel_loop3A_296 = arith.constant 2 : i32
        %parallel_loop3A_297 = arith.index_cast %parallel_loop3A_295 : i32 to index
        %parallel_loop3A_298 = arith.index_cast %parallel_loop3A_296 : i32 to index
        %parallel_loop3A_299 = arith.index_cast %parallel_loop3A_257 : i32 to index
        %parallel_loop3A_300 = tpu.vector_load %arg9[%parallel_loop3A_297, %parallel_loop3A_298, %parallel_loop3A_299] {strides = array<i32>} : memref<4x4x1024xf32, #tpu.memory_space<vmem>>, vector<1x1x16xf32>,
        %parallel_loop3A_301 = vector.shape_cast %parallel_loop3A_300 : vector<1x1x16xf32> to vector<16xf32>
        %parallel_loop3A_302 = arith.addf %parallel_loop3A_301, %parallel_loop3A_262 : vector<16xf32>
        %parallel_loop3A_303 = arith.constant 2 : i32
        %parallel_loop3A_304 = arith.constant 2 : i32
        %parallel_loop3A_305 = arith.index_cast %parallel_loop3A_303 : i32 to index
        %parallel_loop3A_306 = arith.index_cast %parallel_loop3A_304 : i32 to index
        %parallel_loop3A_307 = arith.index_cast %parallel_loop3A_257 : i32 to index
        %parallel_loop3A_308 = tpu.vector_load %arg10[%parallel_loop3A_305, %parallel_loop3A_306, %parallel_loop3A_307] {strides = array<i32>} : memref<4x4x1024xf32, #tpu.memory_space<vmem>>, vector<1x1x16xf32>,
        %parallel_loop3A_309 = vector.shape_cast %parallel_loop3A_308 : vector<1x1x16xf32> to vector<16xf32>
        %parallel_loop3A_310 = vector.shape_cast %parallel_loop3A_302 : vector<16xf32> to vector<1x1x16xf32>
        tpu.vector_store %arg10[%parallel_loop3A_305, %parallel_loop3A_306, %parallel_loop3A_307], %parallel_loop3A_310 {strides = array<i32>} : memref<4x4x1024xf32, #tpu.memory_space<vmem>>, vector<1x1x16xf32>,
        %parallel_loop3A_311 = arith.constant 3 : i32
        %parallel_loop3A_312 = arith.constant 2 : i32
        %parallel_loop3A_313 = arith.index_cast %parallel_loop3A_311 : i32 to index
        %parallel_loop3A_314 = arith.index_cast %parallel_loop3A_312 : i32 to index
        %parallel_loop3A_315 = arith.index_cast %parallel_loop3A_257 : i32 to index
        %parallel_loop3A_316 = tpu.vector_load %arg9[%parallel_loop3A_313, %parallel_loop3A_314, %parallel_loop3A_315] {strides = array<i32>} : memref<4x4x1024xf32, #tpu.memory_space<vmem>>, vector<1x1x16xf32>,
        %parallel_loop3A_317 = vector.shape_cast %parallel_loop3A_316 : vector<1x1x16xf32> to vector<16xf32>
        %parallel_loop3A_318 = arith.addf %parallel_loop3A_317, %parallel_loop3A_262 : vector<16xf32>
        %parallel_loop3A_319 = arith.constant 3 : i32
        %parallel_loop3A_320 = arith.constant 2 : i32
        %parallel_loop3A_321 = arith.index_cast %parallel_loop3A_319 : i32 to index
        %parallel_loop3A_322 = arith.index_cast %parallel_loop3A_320 : i32 to index
        %parallel_loop3A_323 = arith.index_cast %parallel_loop3A_257 : i32 to index
        %parallel_loop3A_324 = tpu.vector_load %arg10[%parallel_loop3A_321, %parallel_loop3A_322, %parallel_loop3A_323] {strides = array<i32>} : memref<4x4x1024xf32, #tpu.memory_space<vmem>>, vector<1x1x16xf32>,
        %parallel_loop3A_325 = vector.shape_cast %parallel_loop3A_324 : vector<1x1x16xf32> to vector<16xf32>
        %parallel_loop3A_326 = vector.shape_cast %parallel_loop3A_318 : vector<16xf32> to vector<1x1x16xf32>
        tpu.vector_store %arg10[%parallel_loop3A_321, %parallel_loop3A_322, %parallel_loop3A_323], %parallel_loop3A_326 {strides = array<i32>} : memref<4x4x1024xf32, #tpu.memory_space<vmem>>, vector<1x1x16xf32>,
      } {sc.loop_unroll_factor = 4 : i64, sc.parallel_access}
      %parallel_loop3A_185 = arith.constant 0 : i32
      %parallel_loop3A_186 = arith.constant 64 : i32
      %parallel_loop3A_187 = arith.constant 1 : i32
      scf.for %parallel_loop3A_255 = %parallel_loop3A_185 to %parallel_loop3A_186 step %parallel_loop3A_187  : i32 {
        %parallel_loop3A_256 = arith.constant 16 : i32
        %parallel_loop3A_257 = arith.muli %parallel_loop3A_255, %parallel_loop3A_256 : i32
        %parallel_loop3A_258 = arith.constant 3 : i32
        %parallel_loop3A_259 = arith.index_cast %parallel_loop3A_258 : i32 to index
        %parallel_loop3A_260 = arith.index_cast %parallel_loop3A_257 : i32 to index
        %parallel_loop3A_261 = tpu.vector_load %arg8[%parallel_loop3A_259, %parallel_loop3A_260] {strides = array<i32>} : memref<4x1024xf32, #tpu.memory_space<vmem>>, vector<1x16xf32>,
        %parallel_loop3A_262 = vector.shape_cast %parallel_loop3A_261 : vector<1x16xf32> to vector<16xf32>
        %parallel_loop3A_263 = arith.constant 0 : i32
        %parallel_loop3A_264 = arith.constant 3 : i32
        %parallel_loop3A_265 = arith.index_cast %parallel_loop3A_263 : i32 to index
        %parallel_loop3A_266 = arith.index_cast %parallel_loop3A_264 : i32 to index
        %parallel_loop3A_267 = arith.index_cast %parallel_loop3A_257 : i32 to index
        %parallel_loop3A_268 = tpu.vector_load %arg9[%parallel_loop3A_265, %parallel_loop3A_266, %parallel_loop3A_267] {strides = array<i32>} : memref<4x4x1024xf32, #tpu.memory_space<vmem>>, vector<1x1x16xf32>,
        %parallel_loop3A_269 = vector.shape_cast %parallel_loop3A_268 : vector<1x1x16xf32> to vector<16xf32>
        %parallel_loop3A_270 = arith.addf %parallel_loop3A_269, %parallel_loop3A_262 : vector<16xf32>
        %parallel_loop3A_271 = arith.constant 0 : i32
        %parallel_loop3A_272 = arith.constant 3 : i32
        %parallel_loop3A_273 = arith.index_cast %parallel_loop3A_271 : i32 to index
        %parallel_loop3A_274 = arith.index_cast %parallel_loop3A_272 : i32 to index
        %parallel_loop3A_275 = arith.index_cast %parallel_loop3A_257 : i32 to index
        %parallel_loop3A_276 = tpu.vector_load %arg10[%parallel_loop3A_273, %parallel_loop3A_274, %parallel_loop3A_275] {strides = array<i32>} : memref<4x4x1024xf32, #tpu.memory_space<vmem>>, vector<1x1x16xf32>,
        %parallel_loop3A_277 = vector.shape_cast %parallel_loop3A_276 : vector<1x1x16xf32> to vector<16xf32>
        %parallel_loop3A_278 = vector.shape_cast %parallel_loop3A_270 : vector<16xf32> to vector<1x1x16xf32>
        tpu.vector_store %arg10[%parallel_loop3A_273, %parallel_loop3A_274, %parallel_loop3A_275], %parallel_loop3A_278 {strides = array<i32>} : memref<4x4x1024xf32, #tpu.memory_space<vmem>>, vector<1x1x16xf32>,
        %parallel_loop3A_279 = arith.constant 1 : i32
        %parallel_loop3A_280 = arith.constant 3 : i32
        %parallel_loop3A_281 = arith.index_cast %parallel_loop3A_279 : i32 to index
        %parallel_loop3A_282 = arith.index_cast %parallel_loop3A_280 : i32 to index
        %parallel_loop3A_283 = arith.index_cast %parallel_loop3A_257 : i32 to index
        %parallel_loop3A_284 = tpu.vector_load %arg9[%parallel_loop3A_281, %parallel_loop3A_282, %parallel_loop3A_283] {strides = array<i32>} : memref<4x4x1024xf32, #tpu.memory_space<vmem>>, vector<1x1x16xf32>,
        %parallel_loop3A_285 = vector.shape_cast %parallel_loop3A_284 : vector<1x1x16xf32> to vector<16xf32>
        %parallel_loop3A_286 = arith.addf %parallel_loop3A_285, %parallel_loop3A_262 : vector<16xf32>
        %parallel_loop3A_287 = arith.constant 1 : i32
        %parallel_loop3A_288 = arith.constant 3 : i32
        %parallel_loop3A_289 = arith.index_cast %parallel_loop3A_287 : i32 to index
        %parallel_loop3A_290 = arith.index_cast %parallel_loop3A_288 : i32 to index
        %parallel_loop3A_291 = arith.index_cast %parallel_loop3A_257 : i32 to index
        %parallel_loop3A_292 = tpu.vector_load %arg10[%parallel_loop3A_289, %parallel_loop3A_290, %parallel_loop3A_291] {strides = array<i32>} : memref<4x4x1024xf32, #tpu.memory_space<vmem>>, vector<1x1x16xf32>,
        %parallel_loop3A_293 = vector.shape_cast %parallel_loop3A_292 : vector<1x1x16xf32> to vector<16xf32>
        %parallel_loop3A_294 = vector.shape_cast %parallel_loop3A_286 : vector<16xf32> to vector<1x1x16xf32>
        tpu.vector_store %arg10[%parallel_loop3A_289, %parallel_loop3A_290, %parallel_loop3A_291], %parallel_loop3A_294 {strides = array<i32>} : memref<4x4x1024xf32, #tpu.memory_space<vmem>>, vector<1x1x16xf32>,
        %parallel_loop3A_295 = arith.constant 2 : i32
        %parallel_loop3A_296 = arith.constant 3 : i32
        %parallel_loop3A_297 = arith.index_cast %parallel_loop3A_295 : i32 to index
        %parallel_loop3A_298 = arith.index_cast %parallel_loop3A_296 : i32 to index
        %parallel_loop3A_299 = arith.index_cast %parallel_loop3A_257 : i32 to index
        %parallel_loop3A_300 = tpu.vector_load %arg9[%parallel_loop3A_297, %parallel_loop3A_298, %parallel_loop3A_299] {strides = array<i32>} : memref<4x4x1024xf32, #tpu.memory_space<vmem>>, vector<1x1x16xf32>,
        %parallel_loop3A_301 = vector.shape_cast %parallel_loop3A_300 : vector<1x1x16xf32> to vector<16xf32>
        %parallel_loop3A_302 = arith.addf %parallel_loop3A_301, %parallel_loop3A_262 : vector<16xf32>
        %parallel_loop3A_303 = arith.constant 2 : i32
        %parallel_loop3A_304 = arith.constant 3 : i32
        %parallel_loop3A_305 = arith.index_cast %parallel_loop3A_303 : i32 to index
        %parallel_loop3A_306 = arith.index_cast %parallel_loop3A_304 : i32 to index
        %parallel_loop3A_307 = arith.index_cast %parallel_loop3A_257 : i32 to index
        %parallel_loop3A_308 = tpu.vector_load %arg10[%parallel_loop3A_305, %parallel_loop3A_306, %parallel_loop3A_307] {strides = array<i32>} : memref<4x4x1024xf32, #tpu.memory_space<vmem>>, vector<1x1x16xf32>,
        %parallel_loop3A_309 = vector.shape_cast %parallel_loop3A_308 : vector<1x1x16xf32> to vector<16xf32>
        %parallel_loop3A_310 = vector.shape_cast %parallel_loop3A_302 : vector<16xf32> to vector<1x1x16xf32>
        tpu.vector_store %arg10[%parallel_loop3A_305, %parallel_loop3A_306, %parallel_loop3A_307], %parallel_loop3A_310 {strides = array<i32>} : memref<4x4x1024xf32, #tpu.memory_space<vmem>>, vector<1x1x16xf32>,
        %parallel_loop3A_311 = arith.constant 3 : i32
        %parallel_loop3A_312 = arith.constant 3 : i32
        %parallel_loop3A_313 = arith.index_cast %parallel_loop3A_311 : i32 to index
        %parallel_loop3A_314 = arith.index_cast %parallel_loop3A_312 : i32 to index
        %parallel_loop3A_315 = arith.index_cast %parallel_loop3A_257 : i32 to index
        %parallel_loop3A_316 = tpu.vector_load %arg9[%parallel_loop3A_313, %parallel_loop3A_314, %parallel_loop3A_315] {strides = array<i32>} : memref<4x4x1024xf32, #tpu.memory_space<vmem>>, vector<1x1x16xf32>,
        %parallel_loop3A_317 = vector.shape_cast %parallel_loop3A_316 : vector<1x1x16xf32> to vector<16xf32>
        %parallel_loop3A_318 = arith.addf %parallel_loop3A_317, %parallel_loop3A_262 : vector<16xf32>
        %parallel_loop3A_319 = arith.constant 3 : i32
        %parallel_loop3A_320 = arith.constant 3 : i32
        %parallel_loop3A_321 = arith.index_cast %parallel_loop3A_319 : i32 to index
        %parallel_loop3A_322 = arith.index_cast %parallel_loop3A_320 : i32 to index
        %parallel_loop3A_323 = arith.index_cast %parallel_loop3A_257 : i32 to index
        %parallel_loop3A_324 = tpu.vector_load %arg10[%parallel_loop3A_321, %parallel_loop3A_322, %parallel_loop3A_323] {strides = array<i32>} : memref<4x4x1024xf32, #tpu.memory_space<vmem>>, vector<1x1x16xf32>,
        %parallel_loop3A_325 = vector.shape_cast %parallel_loop3A_324 : vector<1x1x16xf32> to vector<16xf32>
        %parallel_loop3A_326 = vector.shape_cast %parallel_loop3A_318 : vector<16xf32> to vector<1x1x16xf32>
        tpu.vector_store %arg10[%parallel_loop3A_321, %parallel_loop3A_322, %parallel_loop3A_323], %parallel_loop3A_326 {strides = array<i32>} : memref<4x4x1024xf32, #tpu.memory_space<vmem>>, vector<1x1x16xf32>,
      } {sc.loop_unroll_factor = 4 : i64, sc.parallel_access}
      %mul3A_188 = arith.constant 4 : i32
      %mul3A_189 = arith.muli %add3A_157, %mul3A_188 : i32
      %add3A_190 = arith.addi %mul3A_2, %mul3A_189 : i32
      %dma_start3A_191 = arith.constant 0 : i32
      %dma_start3A_192 = arith.constant 0 : i32
      %dma_start3A_193 = tpu.memref_slice %arg4[%dma_start3A_191, %add3A_190, %dma_start3A_192] : memref<4x8192x1024xf32, #tpu.memory_space<hbm>> -> memref<4x4x1024xf32, #tpu.memory_space<hbm>>
      %dma_start3A_194 = arith.constant 0 : i32
      %dma_start3A_195 = arith.constant 0 : i32
      %dma_start3A_196 = tpu.memref_slice %arg4[%dma_start3A_194, %add3A_190, %dma_start3A_195] : memref<4x8192x1024xf32, #tpu.memory_space<hbm>> -> memref<4x4x1024xf32, #tpu.memory_space<hbm>>
      tpu.enqueue_dma source(%arg10 : memref<4x4x1024xf32, #tpu.memory_space<vmem>>) target(%dma_start3A_196 : memref<4x4x1024xf32, #tpu.memory_space<hbm>>) target_semaphore(%arg18 : memref<!tpu.dma_semaphore, #tpu.memory_space<semaphore_mem>>)
      %add3A_197 = arith.constant 3 : i32
      %add3A_198 = arith.addi %add3A_157, %add3A_197 : i32
      %lt3A_199 = arith.constant 64 : i32
      %lt3A_200 = arith.cmpi slt, %add3A_198, %lt3A_199 : i32
      %convert_element_type3A_201 = arith.extui %lt3A_200 : i1 to i32
      %cond3A_202 = arith.constant 0 : i32
      %cond3A_203 = arith.cmpi ne, %convert_element_type3A_201, %cond3A_202 : i32
      scf.if %cond3A_203 {
        %add3A_255 = arith.constant 3 : i32
        %add3A_256 = arith.addi %add3A_157, %add3A_255 : i32
        %mul3A_257 = arith.constant 4 : i32
        %mul3A_258 = arith.muli %add3A_256, %mul3A_257 : i32
        %add3A_259 = arith.addi %mul3A_2, %mul3A_258 : i32
        %dma_start3A_260 = arith.constant 0 : i32
        %dma_start3A_261 = tpu.memref_slice %arg3[%add3A_259, %dma_start3A_260] : memref<8192x1024xf32, #tpu.memory_space<hbm>> -> memref<4x1024xf32, #tpu.memory_space<hbm>>
        %dma_start3A_262 = arith.constant 0 : i32
        %dma_start3A_263 = tpu.memref_slice %arg3[%add3A_259, %dma_start3A_262] : memref<8192x1024xf32, #tpu.memory_space<hbm>> -> memref<4x1024xf32, #tpu.memory_space<hbm>>
        tpu.enqueue_dma source(%dma_start3A_263 : memref<4x1024xf32, #tpu.memory_space<hbm>>) target(%arg8 : memref<4x1024xf32, #tpu.memory_space<vmem>>) target_semaphore(%arg15 : memref<!tpu.dma_semaphore, #tpu.memory_space<semaphore_mem>>)
        %dma_start3A_264 = arith.constant 0 : i32
        %dma_start3A_265 = arith.constant 0 : i32
        %dma_start3A_266 = tpu.memref_slice %arg2[%dma_start3A_264, %add3A_259, %dma_start3A_265] : memref<4x8192x1024xf32, #tpu.memory_space<hbm>> -> memref<4x4x1024xf32, #tpu.memory_space<hbm>>
        %dma_start3A_267 = arith.constant 0 : i32
        %dma_start3A_268 = arith.constant 0 : i32
        %dma_start3A_269 = tpu.memref_slice %arg2[%dma_start3A_267, %add3A_259, %dma_start3A_268] : memref<4x8192x1024xf32, #tpu.memory_space<hbm>> -> memref<4x4x1024xf32, #tpu.memory_space<hbm>>
        tpu.enqueue_dma source(%dma_start3A_269 : memref<4x4x1024xf32, #tpu.memory_space<hbm>>) target(%arg9 : memref<4x4x1024xf32, #tpu.memory_space<vmem>>) target_semaphore(%arg15 : memref<!tpu.dma_semaphore, #tpu.memory_space<semaphore_mem>>)
      } else {
      }
      %mul3A_204 = arith.constant 3 : i32
      %mul3A_205 = arith.muli %mul3A_204, %scan3A_106 : i32
      %add3A_206 = arith.constant 2 : i32
      %add3A_207 = arith.addi %mul3A_205, %add3A_206 : i32
      %mul3A_208 = arith.constant 4 : i32
      %mul3A_209 = arith.muli %add3A_207, %mul3A_208 : i32
      %add3A_210 = arith.addi %mul3A_2, %mul3A_209 : i32
      %dma_wait3A_211 = arith.constant 0 : i32
      %dma_wait3A_212 = tpu.memref_slice %arg3[%add3A_210, %dma_wait3A_211] : memref<8192x1024xf32, #tpu.memory_space<hbm>> -> memref<4x1024xf32, #tpu.memory_space<hbm>>
      %dma_wait3A_213 = arith.constant 0 : i32
      %dma_wait3A_214 = tpu.memref_slice %arg3[%add3A_210, %dma_wait3A_213] : memref<8192x1024xf32, #tpu.memory_space<hbm>> -> memref<4x1024xf32, #tpu.memory_space<hbm>>
      tpu.wait_dma2 semaphore(%arg16 : memref<!tpu.dma_semaphore, #tpu.memory_space<semaphore_mem>>) src(%dma_wait3A_214 : memref<4x1024xf32, #tpu.memory_space<hbm>>) dst(%arg11 : memref<4x1024xf32, #tpu.memory_space<vmem>>)
      %dma_wait3A_215 = arith.constant 0 : i32
      %dma_wait3A_216 = arith.constant 0 : i32
      %dma_wait3A_217 = tpu.memref_slice %arg2[%dma_wait3A_215, %add3A_210, %dma_wait3A_216] : memref<4x8192x1024xf32, #tpu.memory_space<hbm>> -> memref<4x4x1024xf32, #tpu.memory_space<hbm>>
      %dma_wait3A_218 = arith.constant 0 : i32
      %dma_wait3A_219 = arith.constant 0 : i32
      %dma_wait3A_220 = tpu.memref_slice %arg2[%dma_wait3A_218, %add3A_210, %dma_wait3A_219] : memref<4x8192x1024xf32, #tpu.memory_space<hbm>> -> memref<4x4x1024xf32, #tpu.memory_space<hbm>>
      tpu.wait_dma2 semaphore(%arg16 : memref<!tpu.dma_semaphore, #tpu.memory_space<semaphore_mem>>) src(%dma_wait3A_220 : memref<4x4x1024xf32, #tpu.memory_space<hbm>>) dst(%arg12 : memref<4x4x1024xf32, #tpu.memory_space<vmem>>)
      %ge3A_221 = arith.constant 3 : i32
      %ge3A_222 = arith.cmpi sge, %add3A_207, %ge3A_221 : i32
      %convert_element_type3A_223 = arith.extui %ge3A_222 : i1 to i32
      %cond3A_224 = arith.constant 0 : i32
      %cond3A_225 = arith.cmpi ne, %convert_element_type3A_223, %cond3A_224 : i32
      scf.if %cond3A_225 {
        %sub3A = arith.constant 3 : i32
        %sub3A_255 = arith.subi %add3A_207, %sub3A : i32
        %mul3A_256 = arith.constant 4 : i32
        %mul3A_257 = arith.muli %sub3A_255, %mul3A_256 : i32
        %add3A_258 = arith.addi %mul3A_2, %mul3A_257 : i32
        %dma_wait3A_259 = arith.constant 0 : i32
        %dma_wait3A_260 = arith.constant 0 : i32
        %dma_wait3A_261 = tpu.memref_slice %arg4[%dma_wait3A_259, %add3A_258, %dma_wait3A_260] : memref<4x8192x1024xf32, #tpu.memory_space<hbm>> -> memref<4x4x1024xf32, #tpu.memory_space<hbm>>
        %dma_wait3A_262 = arith.constant 0 : i32
        %dma_wait3A_263 = arith.constant 0 : i32
        %dma_wait3A_264 = tpu.memref_slice %arg4[%dma_wait3A_262, %add3A_258, %dma_wait3A_263] : memref<4x8192x1024xf32, #tpu.memory_space<hbm>> -> memref<4x4x1024xf32, #tpu.memory_space<hbm>>
        tpu.wait_dma2 semaphore(%arg19 : memref<!tpu.dma_semaphore, #tpu.memory_space<semaphore_mem>>) src(%arg13 : memref<4x4x1024xf32, #tpu.memory_space<vmem>>) dst(%dma_wait3A_264 : memref<4x4x1024xf32, #tpu.memory_space<hbm>>)
      } else {
      }
      %parallel_loop3A_226 = arith.constant 0 : i32
      %parallel_loop3A_227 = arith.constant 64 : i32
      %parallel_loop3A_228 = arith.constant 1 : i32
      scf.for %parallel_loop3A_255 = %parallel_loop3A_226 to %parallel_loop3A_227 step %parallel_loop3A_228  : i32 {
        %parallel_loop3A_256 = arith.constant 16 : i32
        %parallel_loop3A_257 = arith.muli %parallel_loop3A_255, %parallel_loop3A_256 : i32
        %parallel_loop3A_258 = arith.constant 0 : i32
        %parallel_loop3A_259 = arith.index_cast %parallel_loop3A_258 : i32 to index
        %parallel_loop3A_260 = arith.index_cast %parallel_loop3A_257 : i32 to index
        %parallel_loop3A_261 = tpu.vector_load %arg11[%parallel_loop3A_259, %parallel_loop3A_260] {strides = array<i32>} : memref<4x1024xf32, #tpu.memory_space<vmem>>, vector<1x16xf32>,
        %parallel_loop3A_262 = vector.shape_cast %parallel_loop3A_261 : vector<1x16xf32> to vector<16xf32>
        %parallel_loop3A_263 = arith.constant 0 : i32
        %parallel_loop3A_264 = arith.constant 0 : i32
        %parallel_loop3A_265 = arith.index_cast %parallel_loop3A_263 : i32 to index
        %parallel_loop3A_266 = arith.index_cast %parallel_loop3A_264 : i32 to index
        %parallel_loop3A_267 = arith.index_cast %parallel_loop3A_257 : i32 to index
        %parallel_loop3A_268 = tpu.vector_load %arg12[%parallel_loop3A_265, %parallel_loop3A_266, %parallel_loop3A_267] {strides = array<i32>} : memref<4x4x1024xf32, #tpu.memory_space<vmem>>, vector<1x1x16xf32>,
        %parallel_loop3A_269 = vector.shape_cast %parallel_loop3A_268 : vector<1x1x16xf32> to vector<16xf32>
        %parallel_loop3A_270 = arith.addf %parallel_loop3A_269, %parallel_loop3A_262 : vector<16xf32>
        %parallel_loop3A_271 = arith.constant 0 : i32
        %parallel_loop3A_272 = arith.constant 0 : i32
        %parallel_loop3A_273 = arith.index_cast %parallel_loop3A_271 : i32 to index
        %parallel_loop3A_274 = arith.index_cast %parallel_loop3A_272 : i32 to index
        %parallel_loop3A_275 = arith.index_cast %parallel_loop3A_257 : i32 to index
        %parallel_loop3A_276 = tpu.vector_load %arg13[%parallel_loop3A_273, %parallel_loop3A_274, %parallel_loop3A_275] {strides = array<i32>} : memref<4x4x1024xf32, #tpu.memory_space<vmem>>, vector<1x1x16xf32>,
        %parallel_loop3A_277 = vector.shape_cast %parallel_loop3A_276 : vector<1x1x16xf32> to vector<16xf32>
        %parallel_loop3A_278 = vector.shape_cast %parallel_loop3A_270 : vector<16xf32> to vector<1x1x16xf32>
        tpu.vector_store %arg13[%parallel_loop3A_273, %parallel_loop3A_274, %parallel_loop3A_275], %parallel_loop3A_278 {strides = array<i32>} : memref<4x4x1024xf32, #tpu.memory_space<vmem>>, vector<1x1x16xf32>,
        %parallel_loop3A_279 = arith.constant 1 : i32
        %parallel_loop3A_280 = arith.constant 0 : i32
        %parallel_loop3A_281 = arith.index_cast %parallel_loop3A_279 : i32 to index
        %parallel_loop3A_282 = arith.index_cast %parallel_loop3A_280 : i32 to index
        %parallel_loop3A_283 = arith.index_cast %parallel_loop3A_257 : i32 to index
        %parallel_loop3A_284 = tpu.vector_load %arg12[%parallel_loop3A_281, %parallel_loop3A_282, %parallel_loop3A_283] {strides = array<i32>} : memref<4x4x1024xf32, #tpu.memory_space<vmem>>, vector<1x1x16xf32>,
        %parallel_loop3A_285 = vector.shape_cast %parallel_loop3A_284 : vector<1x1x16xf32> to vector<16xf32>
        %parallel_loop3A_286 = arith.addf %parallel_loop3A_285, %parallel_loop3A_262 : vector<16xf32>
        %parallel_loop3A_287 = arith.constant 1 : i32
        %parallel_loop3A_288 = arith.constant 0 : i32
        %parallel_loop3A_289 = arith.index_cast %parallel_loop3A_287 : i32 to index
        %parallel_loop3A_290 = arith.index_cast %parallel_loop3A_288 : i32 to index
        %parallel_loop3A_291 = arith.index_cast %parallel_loop3A_257 : i32 to index
        %parallel_loop3A_292 = tpu.vector_load %arg13[%parallel_loop3A_289, %parallel_loop3A_290, %parallel_loop3A_291] {strides = array<i32>} : memref<4x4x1024xf32, #tpu.memory_space<vmem>>, vector<1x1x16xf32>,
        %parallel_loop3A_293 = vector.shape_cast %parallel_loop3A_292 : vector<1x1x16xf32> to vector<16xf32>
        %parallel_loop3A_294 = vector.shape_cast %parallel_loop3A_286 : vector<16xf32> to vector<1x1x16xf32>
        tpu.vector_store %arg13[%parallel_loop3A_289, %parallel_loop3A_290, %parallel_loop3A_291], %parallel_loop3A_294 {strides = array<i32>} : memref<4x4x1024xf32, #tpu.memory_space<vmem>>, vector<1x1x16xf32>,
        %parallel_loop3A_295 = arith.constant 2 : i32
        %parallel_loop3A_296 = arith.constant 0 : i32
        %parallel_loop3A_297 = arith.index_cast %parallel_loop3A_295 : i32 to index
        %parallel_loop3A_298 = arith.index_cast %parallel_loop3A_296 : i32 to index
        %parallel_loop3A_299 = arith.index_cast %parallel_loop3A_257 : i32 to index
        %parallel_loop3A_300 = tpu.vector_load %arg12[%parallel_loop3A_297, %parallel_loop3A_298, %parallel_loop3A_299] {strides = array<i32>} : memref<4x4x1024xf32, #tpu.memory_space<vmem>>, vector<1x1x16xf32>,
        %parallel_loop3A_301 = vector.shape_cast %parallel_loop3A_300 : vector<1x1x16xf32> to vector<16xf32>
        %parallel_loop3A_302 = arith.addf %parallel_loop3A_301, %parallel_loop3A_262 : vector<16xf32>
        %parallel_loop3A_303 = arith.constant 2 : i32
        %parallel_loop3A_304 = arith.constant 0 : i32
        %parallel_loop3A_305 = arith.index_cast %parallel_loop3A_303 : i32 to index
        %parallel_loop3A_306 = arith.index_cast %parallel_loop3A_304 : i32 to index
        %parallel_loop3A_307 = arith.index_cast %parallel_loop3A_257 : i32 to index
        %parallel_loop3A_308 = tpu.vector_load %arg13[%parallel_loop3A_305, %parallel_loop3A_306, %parallel_loop3A_307] {strides = array<i32>} : memref<4x4x1024xf32, #tpu.memory_space<vmem>>, vector<1x1x16xf32>,
        %parallel_loop3A_309 = vector.shape_cast %parallel_loop3A_308 : vector<1x1x16xf32> to vector<16xf32>
        %parallel_loop3A_310 = vector.shape_cast %parallel_loop3A_302 : vector<16xf32> to vector<1x1x16xf32>
        tpu.vector_store %arg13[%parallel_loop3A_305, %parallel_loop3A_306, %parallel_loop3A_307], %parallel_loop3A_310 {strides = array<i32>} : memref<4x4x1024xf32, #tpu.memory_space<vmem>>, vector<1x1x16xf32>,
        %parallel_loop3A_311 = arith.constant 3 : i32
        %parallel_loop3A_312 = arith.constant 0 : i32
        %parallel_loop3A_313 = arith.index_cast %parallel_loop3A_311 : i32 to index
        %parallel_loop3A_314 = arith.index_cast %parallel_loop3A_312 : i32 to index
        %parallel_loop3A_315 = arith.index_cast %parallel_loop3A_257 : i32 to index
        %parallel_loop3A_316 = tpu.vector_load %arg12[%parallel_loop3A_313, %parallel_loop3A_314, %parallel_loop3A_315] {strides = array<i32>} : memref<4x4x1024xf32, #tpu.memory_space<vmem>>, vector<1x1x16xf32>,
        %parallel_loop3A_317 = vector.shape_cast %parallel_loop3A_316 : vector<1x1x16xf32> to vector<16xf32>
        %parallel_loop3A_318 = arith.addf %parallel_loop3A_317, %parallel_loop3A_262 : vector<16xf32>
        %parallel_loop3A_319 = arith.constant 3 : i32
        %parallel_loop3A_320 = arith.constant 0 : i32
        %parallel_loop3A_321 = arith.index_cast %parallel_loop3A_319 : i32 to index
        %parallel_loop3A_322 = arith.index_cast %parallel_loop3A_320 : i32 to index
        %parallel_loop3A_323 = arith.index_cast %parallel_loop3A_257 : i32 to index
        %parallel_loop3A_324 = tpu.vector_load %arg13[%parallel_loop3A_321, %parallel_loop3A_322, %parallel_loop3A_323] {strides = array<i32>} : memref<4x4x1024xf32, #tpu.memory_space<vmem>>, vector<1x1x16xf32>,
        %parallel_loop3A_325 = vector.shape_cast %parallel_loop3A_324 : vector<1x1x16xf32> to vector<16xf32>
        %parallel_loop3A_326 = vector.shape_cast %parallel_loop3A_318 : vector<16xf32> to vector<1x1x16xf32>
        tpu.vector_store %arg13[%parallel_loop3A_321, %parallel_loop3A_322, %parallel_loop3A_323], %parallel_loop3A_326 {strides = array<i32>} : memref<4x4x1024xf32, #tpu.memory_space<vmem>>, vector<1x1x16xf32>,
      } {sc.loop_unroll_factor = 4 : i64, sc.parallel_access}
      %parallel_loop3A_229 = arith.constant 0 : i32
      %parallel_loop3A_230 = arith.constant 64 : i32
      %parallel_loop3A_231 = arith.constant 1 : i32
      scf.for %parallel_loop3A_255 = %parallel_loop3A_229 to %parallel_loop3A_230 step %parallel_loop3A_231  : i32 {
        %parallel_loop3A_256 = arith.constant 16 : i32
        %parallel_loop3A_257 = arith.muli %parallel_loop3A_255, %parallel_loop3A_256 : i32
        %parallel_loop3A_258 = arith.constant 1 : i32
        %parallel_loop3A_259 = arith.index_cast %parallel_loop3A_258 : i32 to index
        %parallel_loop3A_260 = arith.index_cast %parallel_loop3A_257 : i32 to index
        %parallel_loop3A_261 = tpu.vector_load %arg11[%parallel_loop3A_259, %parallel_loop3A_260] {strides = array<i32>} : memref<4x1024xf32, #tpu.memory_space<vmem>>, vector<1x16xf32>,
        %parallel_loop3A_262 = vector.shape_cast %parallel_loop3A_261 : vector<1x16xf32> to vector<16xf32>
        %parallel_loop3A_263 = arith.constant 0 : i32
        %parallel_loop3A_264 = arith.constant 1 : i32
        %parallel_loop3A_265 = arith.index_cast %parallel_loop3A_263 : i32 to index
        %parallel_loop3A_266 = arith.index_cast %parallel_loop3A_264 : i32 to index
        %parallel_loop3A_267 = arith.index_cast %parallel_loop3A_257 : i32 to index
        %parallel_loop3A_268 = tpu.vector_load %arg12[%parallel_loop3A_265, %parallel_loop3A_266, %parallel_loop3A_267] {strides = array<i32>} : memref<4x4x1024xf32, #tpu.memory_space<vmem>>, vector<1x1x16xf32>,
        %parallel_loop3A_269 = vector.shape_cast %parallel_loop3A_268 : vector<1x1x16xf32> to vector<16xf32>
        %parallel_loop3A_270 = arith.addf %parallel_loop3A_269, %parallel_loop3A_262 : vector<16xf32>
        %parallel_loop3A_271 = arith.constant 0 : i32
        %parallel_loop3A_272 = arith.constant 1 : i32
        %parallel_loop3A_273 = arith.index_cast %parallel_loop3A_271 : i32 to index
        %parallel_loop3A_274 = arith.index_cast %parallel_loop3A_272 : i32 to index
        %parallel_loop3A_275 = arith.index_cast %parallel_loop3A_257 : i32 to index
        %parallel_loop3A_276 = tpu.vector_load %arg13[%parallel_loop3A_273, %parallel_loop3A_274, %parallel_loop3A_275] {strides = array<i32>} : memref<4x4x1024xf32, #tpu.memory_space<vmem>>, vector<1x1x16xf32>,
        %parallel_loop3A_277 = vector.shape_cast %parallel_loop3A_276 : vector<1x1x16xf32> to vector<16xf32>
        %parallel_loop3A_278 = vector.shape_cast %parallel_loop3A_270 : vector<16xf32> to vector<1x1x16xf32>
        tpu.vector_store %arg13[%parallel_loop3A_273, %parallel_loop3A_274, %parallel_loop3A_275], %parallel_loop3A_278 {strides = array<i32>} : memref<4x4x1024xf32, #tpu.memory_space<vmem>>, vector<1x1x16xf32>,
        %parallel_loop3A_279 = arith.constant 1 : i32
        %parallel_loop3A_280 = arith.constant 1 : i32
        %parallel_loop3A_281 = arith.index_cast %parallel_loop3A_279 : i32 to index
        %parallel_loop3A_282 = arith.index_cast %parallel_loop3A_280 : i32 to index
        %parallel_loop3A_283 = arith.index_cast %parallel_loop3A_257 : i32 to index
        %parallel_loop3A_284 = tpu.vector_load %arg12[%parallel_loop3A_281, %parallel_loop3A_282, %parallel_loop3A_283] {strides = array<i32>} : memref<4x4x1024xf32, #tpu.memory_space<vmem>>, vector<1x1x16xf32>,
        %parallel_loop3A_285 = vector.shape_cast %parallel_loop3A_284 : vector<1x1x16xf32> to vector<16xf32>
        %parallel_loop3A_286 = arith.addf %parallel_loop3A_285, %parallel_loop3A_262 : vector<16xf32>
        %parallel_loop3A_287 = arith.constant 1 : i32
        %parallel_loop3A_288 = arith.constant 1 : i32
        %parallel_loop3A_289 = arith.index_cast %parallel_loop3A_287 : i32 to index
        %parallel_loop3A_290 = arith.index_cast %parallel_loop3A_288 : i32 to index
        %parallel_loop3A_291 = arith.index_cast %parallel_loop3A_257 : i32 to index
        %parallel_loop3A_292 = tpu.vector_load %arg13[%parallel_loop3A_289, %parallel_loop3A_290, %parallel_loop3A_291] {strides = array<i32>} : memref<4x4x1024xf32, #tpu.memory_space<vmem>>, vector<1x1x16xf32>,
        %parallel_loop3A_293 = vector.shape_cast %parallel_loop3A_292 : vector<1x1x16xf32> to vector<16xf32>
        %parallel_loop3A_294 = vector.shape_cast %parallel_loop3A_286 : vector<16xf32> to vector<1x1x16xf32>
        tpu.vector_store %arg13[%parallel_loop3A_289, %parallel_loop3A_290, %parallel_loop3A_291], %parallel_loop3A_294 {strides = array<i32>} : memref<4x4x1024xf32, #tpu.memory_space<vmem>>, vector<1x1x16xf32>,
        %parallel_loop3A_295 = arith.constant 2 : i32
        %parallel_loop3A_296 = arith.constant 1 : i32
        %parallel_loop3A_297 = arith.index_cast %parallel_loop3A_295 : i32 to index
        %parallel_loop3A_298 = arith.index_cast %parallel_loop3A_296 : i32 to index
        %parallel_loop3A_299 = arith.index_cast %parallel_loop3A_257 : i32 to index
        %parallel_loop3A_300 = tpu.vector_load %arg12[%parallel_loop3A_297, %parallel_loop3A_298, %parallel_loop3A_299] {strides = array<i32>} : memref<4x4x1024xf32, #tpu.memory_space<vmem>>, vector<1x1x16xf32>,
        %parallel_loop3A_301 = vector.shape_cast %parallel_loop3A_300 : vector<1x1x16xf32> to vector<16xf32>
        %parallel_loop3A_302 = arith.addf %parallel_loop3A_301, %parallel_loop3A_262 : vector<16xf32>
        %parallel_loop3A_303 = arith.constant 2 : i32
        %parallel_loop3A_304 = arith.constant 1 : i32
        %parallel_loop3A_305 = arith.index_cast %parallel_loop3A_303 : i32 to index
        %parallel_loop3A_306 = arith.index_cast %parallel_loop3A_304 : i32 to index
        %parallel_loop3A_307 = arith.index_cast %parallel_loop3A_257 : i32 to index
        %parallel_loop3A_308 = tpu.vector_load %arg13[%parallel_loop3A_305, %parallel_loop3A_306, %parallel_loop3A_307] {strides = array<i32>} : memref<4x4x1024xf32, #tpu.memory_space<vmem>>, vector<1x1x16xf32>,
        %parallel_loop3A_309 = vector.shape_cast %parallel_loop3A_308 : vector<1x1x16xf32> to vector<16xf32>
        %parallel_loop3A_310 = vector.shape_cast %parallel_loop3A_302 : vector<16xf32> to vector<1x1x16xf32>
        tpu.vector_store %arg13[%parallel_loop3A_305, %parallel_loop3A_306, %parallel_loop3A_307], %parallel_loop3A_310 {strides = array<i32>} : memref<4x4x1024xf32, #tpu.memory_space<vmem>>, vector<1x1x16xf32>,
        %parallel_loop3A_311 = arith.constant 3 : i32
        %parallel_loop3A_312 = arith.constant 1 : i32
        %parallel_loop3A_313 = arith.index_cast %parallel_loop3A_311 : i32 to index
        %parallel_loop3A_314 = arith.index_cast %parallel_loop3A_312 : i32 to index
        %parallel_loop3A_315 = arith.index_cast %parallel_loop3A_257 : i32 to index
        %parallel_loop3A_316 = tpu.vector_load %arg12[%parallel_loop3A_313, %parallel_loop3A_314, %parallel_loop3A_315] {strides = array<i32>} : memref<4x4x1024xf32, #tpu.memory_space<vmem>>, vector<1x1x16xf32>,
        %parallel_loop3A_317 = vector.shape_cast %parallel_loop3A_316 : vector<1x1x16xf32> to vector<16xf32>
        %parallel_loop3A_318 = arith.addf %parallel_loop3A_317, %parallel_loop3A_262 : vector<16xf32>
        %parallel_loop3A_319 = arith.constant 3 : i32
        %parallel_loop3A_320 = arith.constant 1 : i32
        %parallel_loop3A_321 = arith.index_cast %parallel_loop3A_319 : i32 to index
        %parallel_loop3A_322 = arith.index_cast %parallel_loop3A_320 : i32 to index
        %parallel_loop3A_323 = arith.index_cast %parallel_loop3A_257 : i32 to index
        %parallel_loop3A_324 = tpu.vector_load %arg13[%parallel_loop3A_321, %parallel_loop3A_322, %parallel_loop3A_323] {strides = array<i32>} : memref<4x4x1024xf32, #tpu.memory_space<vmem>>, vector<1x1x16xf32>,
        %parallel_loop3A_325 = vector.shape_cast %parallel_loop3A_324 : vector<1x1x16xf32> to vector<16xf32>
        %parallel_loop3A_326 = vector.shape_cast %parallel_loop3A_318 : vector<16xf32> to vector<1x1x16xf32>
        tpu.vector_store %arg13[%parallel_loop3A_321, %parallel_loop3A_322, %parallel_loop3A_323], %parallel_loop3A_326 {strides = array<i32>} : memref<4x4x1024xf32, #tpu.memory_space<vmem>>, vector<1x1x16xf32>,
      } {sc.loop_unroll_factor = 4 : i64, sc.parallel_access}
      %parallel_loop3A_232 = arith.constant 0 : i32
      %parallel_loop3A_233 = arith.constant 64 : i32
      %parallel_loop3A_234 = arith.constant 1 : i32
      scf.for %parallel_loop3A_255 = %parallel_loop3A_232 to %parallel_loop3A_233 step %parallel_loop3A_234  : i32 {
        %parallel_loop3A_256 = arith.constant 16 : i32
        %parallel_loop3A_257 = arith.muli %parallel_loop3A_255, %parallel_loop3A_256 : i32
        %parallel_loop3A_258 = arith.constant 2 : i32
        %parallel_loop3A_259 = arith.index_cast %parallel_loop3A_258 : i32 to index
        %parallel_loop3A_260 = arith.index_cast %parallel_loop3A_257 : i32 to index
        %parallel_loop3A_261 = tpu.vector_load %arg11[%parallel_loop3A_259, %parallel_loop3A_260] {strides = array<i32>} : memref<4x1024xf32, #tpu.memory_space<vmem>>, vector<1x16xf32>,
        %parallel_loop3A_262 = vector.shape_cast %parallel_loop3A_261 : vector<1x16xf32> to vector<16xf32>
        %parallel_loop3A_263 = arith.constant 0 : i32
        %parallel_loop3A_264 = arith.constant 2 : i32
        %parallel_loop3A_265 = arith.index_cast %parallel_loop3A_263 : i32 to index
        %parallel_loop3A_266 = arith.index_cast %parallel_loop3A_264 : i32 to index
        %parallel_loop3A_267 = arith.index_cast %parallel_loop3A_257 : i32 to index
        %parallel_loop3A_268 = tpu.vector_load %arg12[%parallel_loop3A_265, %parallel_loop3A_266, %parallel_loop3A_267] {strides = array<i32>} : memref<4x4x1024xf32, #tpu.memory_space<vmem>>, vector<1x1x16xf32>,
        %parallel_loop3A_269 = vector.shape_cast %parallel_loop3A_268 : vector<1x1x16xf32> to vector<16xf32>
        %parallel_loop3A_270 = arith.addf %parallel_loop3A_269, %parallel_loop3A_262 : vector<16xf32>
        %parallel_loop3A_271 = arith.constant 0 : i32
        %parallel_loop3A_272 = arith.constant 2 : i32
        %parallel_loop3A_273 = arith.index_cast %parallel_loop3A_271 : i32 to index
        %parallel_loop3A_274 = arith.index_cast %parallel_loop3A_272 : i32 to index
        %parallel_loop3A_275 = arith.index_cast %parallel_loop3A_257 : i32 to index
        %parallel_loop3A_276 = tpu.vector_load %arg13[%parallel_loop3A_273, %parallel_loop3A_274, %parallel_loop3A_275] {strides = array<i32>} : memref<4x4x1024xf32, #tpu.memory_space<vmem>>, vector<1x1x16xf32>,
        %parallel_loop3A_277 = vector.shape_cast %parallel_loop3A_276 : vector<1x1x16xf32> to vector<16xf32>
        %parallel_loop3A_278 = vector.shape_cast %parallel_loop3A_270 : vector<16xf32> to vector<1x1x16xf32>
        tpu.vector_store %arg13[%parallel_loop3A_273, %parallel_loop3A_274, %parallel_loop3A_275], %parallel_loop3A_278 {strides = array<i32>} : memref<4x4x1024xf32, #tpu.memory_space<vmem>>, vector<1x1x16xf32>,
        %parallel_loop3A_279 = arith.constant 1 : i32
        %parallel_loop3A_280 = arith.constant 2 : i32
        %parallel_loop3A_281 = arith.index_cast %parallel_loop3A_279 : i32 to index
        %parallel_loop3A_282 = arith.index_cast %parallel_loop3A_280 : i32 to index
        %parallel_loop3A_283 = arith.index_cast %parallel_loop3A_257 : i32 to index
        %parallel_loop3A_284 = tpu.vector_load %arg12[%parallel_loop3A_281, %parallel_loop3A_282, %parallel_loop3A_283] {strides = array<i32>} : memref<4x4x1024xf32, #tpu.memory_space<vmem>>, vector<1x1x16xf32>,
        %parallel_loop3A_285 = vector.shape_cast %parallel_loop3A_284 : vector<1x1x16xf32> to vector<16xf32>
        %parallel_loop3A_286 = arith.addf %parallel_loop3A_285, %parallel_loop3A_262 : vector<16xf32>
        %parallel_loop3A_287 = arith.constant 1 : i32
        %parallel_loop3A_288 = arith.constant 2 : i32
        %parallel_loop3A_289 = arith.index_cast %parallel_loop3A_287 : i32 to index
        %parallel_loop3A_290 = arith.index_cast %parallel_loop3A_288 : i32 to index
        %parallel_loop3A_291 = arith.index_cast %parallel_loop3A_257 : i32 to index
        %parallel_loop3A_292 = tpu.vector_load %arg13[%parallel_loop3A_289, %parallel_loop3A_290, %parallel_loop3A_291] {strides = array<i32>} : memref<4x4x1024xf32, #tpu.memory_space<vmem>>, vector<1x1x16xf32>,
        %parallel_loop3A_293 = vector.shape_cast %parallel_loop3A_292 : vector<1x1x16xf32> to vector<16xf32>
        %parallel_loop3A_294 = vector.shape_cast %parallel_loop3A_286 : vector<16xf32> to vector<1x1x16xf32>
        tpu.vector_store %arg13[%parallel_loop3A_289, %parallel_loop3A_290, %parallel_loop3A_291], %parallel_loop3A_294 {strides = array<i32>} : memref<4x4x1024xf32, #tpu.memory_space<vmem>>, vector<1x1x16xf32>,
        %parallel_loop3A_295 = arith.constant 2 : i32
        %parallel_loop3A_296 = arith.constant 2 : i32
        %parallel_loop3A_297 = arith.index_cast %parallel_loop3A_295 : i32 to index
        %parallel_loop3A_298 = arith.index_cast %parallel_loop3A_296 : i32 to index
        %parallel_loop3A_299 = arith.index_cast %parallel_loop3A_257 : i32 to index
        %parallel_loop3A_300 = tpu.vector_load %arg12[%parallel_loop3A_297, %parallel_loop3A_298, %parallel_loop3A_299] {strides = array<i32>} : memref<4x4x1024xf32, #tpu.memory_space<vmem>>, vector<1x1x16xf32>,
        %parallel_loop3A_301 = vector.shape_cast %parallel_loop3A_300 : vector<1x1x16xf32> to vector<16xf32>
        %parallel_loop3A_302 = arith.addf %parallel_loop3A_301, %parallel_loop3A_262 : vector<16xf32>
        %parallel_loop3A_303 = arith.constant 2 : i32
        %parallel_loop3A_304 = arith.constant 2 : i32
        %parallel_loop3A_305 = arith.index_cast %parallel_loop3A_303 : i32 to index
        %parallel_loop3A_306 = arith.index_cast %parallel_loop3A_304 : i32 to index
        %parallel_loop3A_307 = arith.index_cast %parallel_loop3A_257 : i32 to index
        %parallel_loop3A_308 = tpu.vector_load %arg13[%parallel_loop3A_305, %parallel_loop3A_306, %parallel_loop3A_307] {strides = array<i32>} : memref<4x4x1024xf32, #tpu.memory_space<vmem>>, vector<1x1x16xf32>,
        %parallel_loop3A_309 = vector.shape_cast %parallel_loop3A_308 : vector<1x1x16xf32> to vector<16xf32>
        %parallel_loop3A_310 = vector.shape_cast %parallel_loop3A_302 : vector<16xf32> to vector<1x1x16xf32>
        tpu.vector_store %arg13[%parallel_loop3A_305, %parallel_loop3A_306, %parallel_loop3A_307], %parallel_loop3A_310 {strides = array<i32>} : memref<4x4x1024xf32, #tpu.memory_space<vmem>>, vector<1x1x16xf32>,
        %parallel_loop3A_311 = arith.constant 3 : i32
        %parallel_loop3A_312 = arith.constant 2 : i32
        %parallel_loop3A_313 = arith.index_cast %parallel_loop3A_311 : i32 to index
        %parallel_loop3A_314 = arith.index_cast %parallel_loop3A_312 : i32 to index
        %parallel_loop3A_315 = arith.index_cast %parallel_loop3A_257 : i32 to index
        %parallel_loop3A_316 = tpu.vector_load %arg12[%parallel_loop3A_313, %parallel_loop3A_314, %parallel_loop3A_315] {strides = array<i32>} : memref<4x4x1024xf32, #tpu.memory_space<vmem>>, vector<1x1x16xf32>,
        %parallel_loop3A_317 = vector.shape_cast %parallel_loop3A_316 : vector<1x1x16xf32> to vector<16xf32>
        %parallel_loop3A_318 = arith.addf %parallel_loop3A_317, %parallel_loop3A_262 : vector<16xf32>
        %parallel_loop3A_319 = arith.constant 3 : i32
        %parallel_loop3A_320 = arith.constant 2 : i32
        %parallel_loop3A_321 = arith.index_cast %parallel_loop3A_319 : i32 to index
        %parallel_loop3A_322 = arith.index_cast %parallel_loop3A_320 : i32 to index
        %parallel_loop3A_323 = arith.index_cast %parallel_loop3A_257 : i32 to index
        %parallel_loop3A_324 = tpu.vector_load %arg13[%parallel_loop3A_321, %parallel_loop3A_322, %parallel_loop3A_323] {strides = array<i32>} : memref<4x4x1024xf32, #tpu.memory_space<vmem>>, vector<1x1x16xf32>,
        %parallel_loop3A_325 = vector.shape_cast %parallel_loop3A_324 : vector<1x1x16xf32> to vector<16xf32>
        %parallel_loop3A_326 = vector.shape_cast %parallel_loop3A_318 : vector<16xf32> to vector<1x1x16xf32>
        tpu.vector_store %arg13[%parallel_loop3A_321, %parallel_loop3A_322, %parallel_loop3A_323], %parallel_loop3A_326 {strides = array<i32>} : memref<4x4x1024xf32, #tpu.memory_space<vmem>>, vector<1x1x16xf32>,
      } {sc.loop_unroll_factor = 4 : i64, sc.parallel_access}
      %parallel_loop3A_235 = arith.constant 0 : i32
      %parallel_loop3A_236 = arith.constant 64 : i32
      %parallel_loop3A_237 = arith.constant 1 : i32
      scf.for %parallel_loop3A_255 = %parallel_loop3A_235 to %parallel_loop3A_236 step %parallel_loop3A_237  : i32 {
        %parallel_loop3A_256 = arith.constant 16 : i32
        %parallel_loop3A_257 = arith.muli %parallel_loop3A_255, %parallel_loop3A_256 : i32
        %parallel_loop3A_258 = arith.constant 3 : i32
        %parallel_loop3A_259 = arith.index_cast %parallel_loop3A_258 : i32 to index
        %parallel_loop3A_260 = arith.index_cast %parallel_loop3A_257 : i32 to index
        %parallel_loop3A_261 = tpu.vector_load %arg11[%parallel_loop3A_259, %parallel_loop3A_260] {strides = array<i32>} : memref<4x1024xf32, #tpu.memory_space<vmem>>, vector<1x16xf32>,
        %parallel_loop3A_262 = vector.shape_cast %parallel_loop3A_261 : vector<1x16xf32> to vector<16xf32>
        %parallel_loop3A_263 = arith.constant 0 : i32
        %parallel_loop3A_264 = arith.constant 3 : i32
        %parallel_loop3A_265 = arith.index_cast %parallel_loop3A_263 : i32 to index
        %parallel_loop3A_266 = arith.index_cast %parallel_loop3A_264 : i32 to index
        %parallel_loop3A_267 = arith.index_cast %parallel_loop3A_257 : i32 to index
        %parallel_loop3A_268 = tpu.vector_load %arg12[%parallel_loop3A_265, %parallel_loop3A_266, %parallel_loop3A_267] {strides = array<i32>} : memref<4x4x1024xf32, #tpu.memory_space<vmem>>, vector<1x1x16xf32>,
        %parallel_loop3A_269 = vector.shape_cast %parallel_loop3A_268 : vector<1x1x16xf32> to vector<16xf32>
        %parallel_loop3A_270 = arith.addf %parallel_loop3A_269, %parallel_loop3A_262 : vector<16xf32>
        %parallel_loop3A_271 = arith.constant 0 : i32
        %parallel_loop3A_272 = arith.constant 3 : i32
        %parallel_loop3A_273 = arith.index_cast %parallel_loop3A_271 : i32 to index
        %parallel_loop3A_274 = arith.index_cast %parallel_loop3A_272 : i32 to index
        %parallel_loop3A_275 = arith.index_cast %parallel_loop3A_257 : i32 to index
        %parallel_loop3A_276 = tpu.vector_load %arg13[%parallel_loop3A_273, %parallel_loop3A_274, %parallel_loop3A_275] {strides = array<i32>} : memref<4x4x1024xf32, #tpu.memory_space<vmem>>, vector<1x1x16xf32>,
        %parallel_loop3A_277 = vector.shape_cast %parallel_loop3A_276 : vector<1x1x16xf32> to vector<16xf32>
        %parallel_loop3A_278 = vector.shape_cast %parallel_loop3A_270 : vector<16xf32> to vector<1x1x16xf32>
        tpu.vector_store %arg13[%parallel_loop3A_273, %parallel_loop3A_274, %parallel_loop3A_275], %parallel_loop3A_278 {strides = array<i32>} : memref<4x4x1024xf32, #tpu.memory_space<vmem>>, vector<1x1x16xf32>,
        %parallel_loop3A_279 = arith.constant 1 : i32
        %parallel_loop3A_280 = arith.constant 3 : i32
        %parallel_loop3A_281 = arith.index_cast %parallel_loop3A_279 : i32 to index
        %parallel_loop3A_282 = arith.index_cast %parallel_loop3A_280 : i32 to index
        %parallel_loop3A_283 = arith.index_cast %parallel_loop3A_257 : i32 to index
        %parallel_loop3A_284 = tpu.vector_load %arg12[%parallel_loop3A_281, %parallel_loop3A_282, %parallel_loop3A_283] {strides = array<i32>} : memref<4x4x1024xf32, #tpu.memory_space<vmem>>, vector<1x1x16xf32>,
        %parallel_loop3A_285 = vector.shape_cast %parallel_loop3A_284 : vector<1x1x16xf32> to vector<16xf32>
        %parallel_loop3A_286 = arith.addf %parallel_loop3A_285, %parallel_loop3A_262 : vector<16xf32>
        %parallel_loop3A_287 = arith.constant 1 : i32
        %parallel_loop3A_288 = arith.constant 3 : i32
        %parallel_loop3A_289 = arith.index_cast %parallel_loop3A_287 : i32 to index
        %parallel_loop3A_290 = arith.index_cast %parallel_loop3A_288 : i32 to index
        %parallel_loop3A_291 = arith.index_cast %parallel_loop3A_257 : i32 to index
        %parallel_loop3A_292 = tpu.vector_load %arg13[%parallel_loop3A_289, %parallel_loop3A_290, %parallel_loop3A_291] {strides = array<i32>} : memref<4x4x1024xf32, #tpu.memory_space<vmem>>, vector<1x1x16xf32>,
        %parallel_loop3A_293 = vector.shape_cast %parallel_loop3A_292 : vector<1x1x16xf32> to vector<16xf32>
        %parallel_loop3A_294 = vector.shape_cast %parallel_loop3A_286 : vector<16xf32> to vector<1x1x16xf32>
        tpu.vector_store %arg13[%parallel_loop3A_289, %parallel_loop3A_290, %parallel_loop3A_291], %parallel_loop3A_294 {strides = array<i32>} : memref<4x4x1024xf32, #tpu.memory_space<vmem>>, vector<1x1x16xf32>,
        %parallel_loop3A_295 = arith.constant 2 : i32
        %parallel_loop3A_296 = arith.constant 3 : i32
        %parallel_loop3A_297 = arith.index_cast %parallel_loop3A_295 : i32 to index
        %parallel_loop3A_298 = arith.index_cast %parallel_loop3A_296 : i32 to index
        %parallel_loop3A_299 = arith.index_cast %parallel_loop3A_257 : i32 to index
        %parallel_loop3A_300 = tpu.vector_load %arg12[%parallel_loop3A_297, %parallel_loop3A_298, %parallel_loop3A_299] {strides = array<i32>} : memref<4x4x1024xf32, #tpu.memory_space<vmem>>, vector<1x1x16xf32>,
        %parallel_loop3A_301 = vector.shape_cast %parallel_loop3A_300 : vector<1x1x16xf32> to vector<16xf32>
        %parallel_loop3A_302 = arith.addf %parallel_loop3A_301, %parallel_loop3A_262 : vector<16xf32>
        %parallel_loop3A_303 = arith.constant 2 : i32
        %parallel_loop3A_304 = arith.constant 3 : i32
        %parallel_loop3A_305 = arith.index_cast %parallel_loop3A_303 : i32 to index
        %parallel_loop3A_306 = arith.index_cast %parallel_loop3A_304 : i32 to index
        %parallel_loop3A_307 = arith.index_cast %parallel_loop3A_257 : i32 to index
        %parallel_loop3A_308 = tpu.vector_load %arg13[%parallel_loop3A_305, %parallel_loop3A_306, %parallel_loop3A_307] {strides = array<i32>} : memref<4x4x1024xf32, #tpu.memory_space<vmem>>, vector<1x1x16xf32>,
        %parallel_loop3A_309 = vector.shape_cast %parallel_loop3A_308 : vector<1x1x16xf32> to vector<16xf32>
        %parallel_loop3A_310 = vector.shape_cast %parallel_loop3A_302 : vector<16xf32> to vector<1x1x16xf32>
        tpu.vector_store %arg13[%parallel_loop3A_305, %parallel_loop3A_306, %parallel_loop3A_307], %parallel_loop3A_310 {strides = array<i32>} : memref<4x4x1024xf32, #tpu.memory_space<vmem>>, vector<1x1x16xf32>,
        %parallel_loop3A_311 = arith.constant 3 : i32
        %parallel_loop3A_312 = arith.constant 3 : i32
        %parallel_loop3A_313 = arith.index_cast %parallel_loop3A_311 : i32 to index
        %parallel_loop3A_314 = arith.index_cast %parallel_loop3A_312 : i32 to index
        %parallel_loop3A_315 = arith.index_cast %parallel_loop3A_257 : i32 to index
        %parallel_loop3A_316 = tpu.vector_load %arg12[%parallel_loop3A_313, %parallel_loop3A_314, %parallel_loop3A_315] {strides = array<i32>} : memref<4x4x1024xf32, #tpu.memory_space<vmem>>, vector<1x1x16xf32>,
        %parallel_loop3A_317 = vector.shape_cast %parallel_loop3A_316 : vector<1x1x16xf32> to vector<16xf32>
        %parallel_loop3A_318 = arith.addf %parallel_loop3A_317, %parallel_loop3A_262 : vector<16xf32>
        %parallel_loop3A_319 = arith.constant 3 : i32
        %parallel_loop3A_320 = arith.constant 3 : i32
        %parallel_loop3A_321 = arith.index_cast %parallel_loop3A_319 : i32 to index
        %parallel_loop3A_322 = arith.index_cast %parallel_loop3A_320 : i32 to index
        %parallel_loop3A_323 = arith.index_cast %parallel_loop3A_257 : i32 to index
        %parallel_loop3A_324 = tpu.vector_load %arg13[%parallel_loop3A_321, %parallel_loop3A_322, %parallel_loop3A_323] {strides = array<i32>} : memref<4x4x1024xf32, #tpu.memory_space<vmem>>, vector<1x1x16xf32>,
        %parallel_loop3A_325 = vector.shape_cast %parallel_loop3A_324 : vector<1x1x16xf32> to vector<16xf32>
        %parallel_loop3A_326 = vector.shape_cast %parallel_loop3A_318 : vector<16xf32> to vector<1x1x16xf32>
        tpu.vector_store %arg13[%parallel_loop3A_321, %parallel_loop3A_322, %parallel_loop3A_323], %parallel_loop3A_326 {strides = array<i32>} : memref<4x4x1024xf32, #tpu.memory_space<vmem>>, vector<1x1x16xf32>,
      } {sc.loop_unroll_factor = 4 : i64, sc.parallel_access}
      %mul3A_238 = arith.constant 4 : i32
      %mul3A_239 = arith.muli %add3A_207, %mul3A_238 : i32
      %add3A_240 = arith.addi %mul3A_2, %mul3A_239 : i32
      %dma_start3A_241 = arith.constant 0 : i32
      %dma_start3A_242 = arith.constant 0 : i32
      %dma_start3A_243 = tpu.memref_slice %arg4[%dma_start3A_241, %add3A_240, %dma_start3A_242] : memref<4x8192x1024xf32, #tpu.memory_space<hbm>> -> memref<4x4x1024xf32, #tpu.memory_space<hbm>>
      %dma_start3A_244 = arith.constant 0 : i32
      %dma_start3A_245 = arith.constant 0 : i32
      %dma_start3A_246 = tpu.memref_slice %arg4[%dma_start3A_244, %add3A_240, %dma_start3A_245] : memref<4x8192x1024xf32, #tpu.memory_space<hbm>> -> memref<4x4x1024xf32, #tpu.memory_space<hbm>>
      tpu.enqueue_dma source(%arg13 : memref<4x4x1024xf32, #tpu.memory_space<vmem>>) target(%dma_start3A_246 : memref<4x4x1024xf32, #tpu.memory_space<hbm>>) target_semaphore(%arg19 : memref<!tpu.dma_semaphore, #tpu.memory_space<semaphore_mem>>)
      %add3A_247 = arith.constant 3 : i32
      %add3A_248 = arith.addi %add3A_207, %add3A_247 : i32
      %lt3A_249 = arith.constant 64 : i32
      %lt3A_250 = arith.cmpi slt, %add3A_248, %lt3A_249 : i32
      %convert_element_type3A_251 = arith.extui %lt3A_250 : i1 to i32
      %cond3A_252 = arith.constant 0 : i32
      %cond3A_253 = arith.cmpi ne, %convert_element_type3A_251, %cond3A_252 : i32
      scf.if %cond3A_253 {
        %add3A_255 = arith.constant 3 : i32
        %add3A_256 = arith.addi %add3A_207, %add3A_255 : i32
        %mul3A_257 = arith.constant 4 : i32
        %mul3A_258 = arith.muli %add3A_256, %mul3A_257 : i32
        %add3A_259 = arith.addi %mul3A_2, %mul3A_258 : i32
        %dma_start3A_260 = arith.constant 0 : i32
        %dma_start3A_261 = tpu.memref_slice %arg3[%add3A_259, %dma_start3A_260] : memref<8192x1024xf32, #tpu.memory_space<hbm>> -> memref<4x1024xf32, #tpu.memory_space<hbm>>
        %dma_start3A_262 = arith.constant 0 : i32
        %dma_start3A_263 = tpu.memref_slice %arg3[%add3A_259, %dma_start3A_262] : memref<8192x1024xf32, #tpu.memory_space<hbm>> -> memref<4x1024xf32, #tpu.memory_space<hbm>>
        tpu.enqueue_dma source(%dma_start3A_263 : memref<4x1024xf32, #tpu.memory_space<hbm>>) target(%arg11 : memref<4x1024xf32, #tpu.memory_space<vmem>>) target_semaphore(%arg16 : memref<!tpu.dma_semaphore, #tpu.memory_space<semaphore_mem>>)
        %dma_start3A_264 = arith.constant 0 : i32
        %dma_start3A_265 = arith.constant 0 : i32
        %dma_start3A_266 = tpu.memref_slice %arg2[%dma_start3A_264, %add3A_259, %dma_start3A_265] : memref<4x8192x1024xf32, #tpu.memory_space<hbm>> -> memref<4x4x1024xf32, #tpu.memory_space<hbm>>
        %dma_start3A_267 = arith.constant 0 : i32
        %dma_start3A_268 = arith.constant 0 : i32
        %dma_start3A_269 = tpu.memref_slice %arg2[%dma_start3A_267, %add3A_259, %dma_start3A_268] : memref<4x8192x1024xf32, #tpu.memory_space<hbm>> -> memref<4x4x1024xf32, #tpu.memory_space<hbm>>
        tpu.enqueue_dma source(%dma_start3A_269 : memref<4x4x1024xf32, #tpu.memory_space<hbm>>) target(%arg12 : memref<4x4x1024xf32, #tpu.memory_space<vmem>>) target_semaphore(%arg16 : memref<!tpu.dma_semaphore, #tpu.memory_space<semaphore_mem>>)
      } else {
      }
      %scan3A_254 = arith.constant 0 : i32
      scf.yield %scan3A_254 : i32
    }
    %scan3A_43 = arith.constant 21 : i32
    %add3A_44 = arith.constant 252 : i32
    %add3A_45 = arith.addi %mul3A_2, %add3A_44 : i32
    %dma_wait3A = arith.constant 0 : i32
    %dma_wait3A_46 = tpu.memref_slice %arg3[%add3A_45, %dma_wait3A] : memref<8192x1024xf32, #tpu.memory_space<hbm>> -> memref<4x1024xf32, #tpu.memory_space<hbm>>
    %dma_wait3A_47 = arith.constant 0 : i32
    %dma_wait3A_48 = tpu.memref_slice %arg3[%add3A_45, %dma_wait3A_47] : memref<8192x1024xf32, #tpu.memory_space<hbm>> -> memref<4x1024xf32, #tpu.memory_space<hbm>>
    tpu.wait_dma2 semaphore(%arg14 : memref<!tpu.dma_semaphore, #tpu.memory_space<semaphore_mem>>) src(%dma_wait3A_48 : memref<4x1024xf32, #tpu.memory_space<hbm>>) dst(%arg5 : memref<4x1024xf32, #tpu.memory_space<vmem>>)
    %dma_wait3A_49 = arith.constant 0 : i32
    %dma_wait3A_50 = arith.constant 0 : i32
    %dma_wait3A_51 = tpu.memref_slice %arg2[%dma_wait3A_49, %add3A_45, %dma_wait3A_50] : memref<4x8192x1024xf32, #tpu.memory_space<hbm>> -> memref<4x4x1024xf32, #tpu.memory_space<hbm>>
    %dma_wait3A_52 = arith.constant 0 : i32
    %dma_wait3A_53 = arith.constant 0 : i32
    %dma_wait3A_54 = tpu.memref_slice %arg2[%dma_wait3A_52, %add3A_45, %dma_wait3A_53] : memref<4x8192x1024xf32, #tpu.memory_space<hbm>> -> memref<4x4x1024xf32, #tpu.memory_space<hbm>>
    tpu.wait_dma2 semaphore(%arg14 : memref<!tpu.dma_semaphore, #tpu.memory_space<semaphore_mem>>) src(%dma_wait3A_54 : memref<4x4x1024xf32, #tpu.memory_space<hbm>>) dst(%arg6 : memref<4x4x1024xf32, #tpu.memory_space<vmem>>)
    %add3A_55 = arith.constant 240 : i32
    %add3A_56 = arith.addi %mul3A_2, %add3A_55 : i32
    %dma_wait3A_57 = arith.constant 0 : i32
    %dma_wait3A_58 = arith.constant 0 : i32
    %dma_wait3A_59 = tpu.memref_slice %arg4[%dma_wait3A_57, %add3A_56, %dma_wait3A_58] : memref<4x8192x1024xf32, #tpu.memory_space<hbm>> -> memref<4x4x1024xf32, #tpu.memory_space<hbm>>
    %dma_wait3A_60 = arith.constant 0 : i32
    %dma_wait3A_61 = arith.constant 0 : i32
    %dma_wait3A_62 = tpu.memref_slice %arg4[%dma_wait3A_60, %add3A_56, %dma_wait3A_61] : memref<4x8192x1024xf32, #tpu.memory_space<hbm>> -> memref<4x4x1024xf32, #tpu.memory_space<hbm>>
    tpu.wait_dma2 semaphore(%arg17 : memref<!tpu.dma_semaphore, #tpu.memory_space<semaphore_mem>>) src(%arg7 : memref<4x4x1024xf32, #tpu.memory_space<vmem>>) dst(%dma_wait3A_62 : memref<4x4x1024xf32, #tpu.memory_space<hbm>>)
    %parallel_loop3A = arith.constant 0 : i32
    %parallel_loop3A_63 = arith.constant 64 : i32
    %parallel_loop3A_64 = arith.constant 1 : i32
    scf.for %parallel_loop3A_106 = %parallel_loop3A to %parallel_loop3A_63 step %parallel_loop3A_64  : i32 {
      %parallel_loop3A_107 = arith.constant 16 : i32
      %parallel_loop3A_108 = arith.muli %parallel_loop3A_106, %parallel_loop3A_107 : i32
      %parallel_loop3A_109 = arith.constant 0 : i32
      %parallel_loop3A_110 = arith.index_cast %parallel_loop3A_109 : i32 to index
      %parallel_loop3A_111 = arith.index_cast %parallel_loop3A_108 : i32 to index
      %parallel_loop3A_112 = tpu.vector_load %arg5[%parallel_loop3A_110, %parallel_loop3A_111] {strides = array<i32>} : memref<4x1024xf32, #tpu.memory_space<vmem>>, vector<1x16xf32>,
      %parallel_loop3A_113 = vector.shape_cast %parallel_loop3A_112 : vector<1x16xf32> to vector<16xf32>
      %parallel_loop3A_114 = arith.constant 0 : i32
      %parallel_loop3A_115 = arith.constant 0 : i32
      %parallel_loop3A_116 = arith.index_cast %parallel_loop3A_114 : i32 to index
      %parallel_loop3A_117 = arith.index_cast %parallel_loop3A_115 : i32 to index
      %parallel_loop3A_118 = arith.index_cast %parallel_loop3A_108 : i32 to index
      %parallel_loop3A_119 = tpu.vector_load %arg6[%parallel_loop3A_116, %parallel_loop3A_117, %parallel_loop3A_118] {strides = array<i32>} : memref<4x4x1024xf32, #tpu.memory_space<vmem>>, vector<1x1x16xf32>,
      %parallel_loop3A_120 = vector.shape_cast %parallel_loop3A_119 : vector<1x1x16xf32> to vector<16xf32>
      %parallel_loop3A_121 = arith.addf %parallel_loop3A_120, %parallel_loop3A_113 : vector<16xf32>
      %parallel_loop3A_122 = arith.constant 0 : i32
      %parallel_loop3A_123 = arith.constant 0 : i32
      %parallel_loop3A_124 = arith.index_cast %parallel_loop3A_122 : i32 to index
      %parallel_loop3A_125 = arith.index_cast %parallel_loop3A_123 : i32 to index
      %parallel_loop3A_126 = arith.index_cast %parallel_loop3A_108 : i32 to index
      %parallel_loop3A_127 = tpu.vector_load %arg7[%parallel_loop3A_124, %parallel_loop3A_125, %parallel_loop3A_126] {strides = array<i32>} : memref<4x4x1024xf32, #tpu.memory_space<vmem>>, vector<1x1x16xf32>,
      %parallel_loop3A_128 = vector.shape_cast %parallel_loop3A_127 : vector<1x1x16xf32> to vector<16xf32>
      %parallel_loop3A_129 = vector.shape_cast %parallel_loop3A_121 : vector<16xf32> to vector<1x1x16xf32>
      tpu.vector_store %arg7[%parallel_loop3A_124, %parallel_loop3A_125, %parallel_loop3A_126], %parallel_loop3A_129 {strides = array<i32>} : memref<4x4x1024xf32, #tpu.memory_space<vmem>>, vector<1x1x16xf32>,
      %parallel_loop3A_130 = arith.constant 1 : i32
      %parallel_loop3A_131 = arith.constant 0 : i32
      %parallel_loop3A_132 = arith.index_cast %parallel_loop3A_130 : i32 to index
      %parallel_loop3A_133 = arith.index_cast %parallel_loop3A_131 : i32 to index
      %parallel_loop3A_134 = arith.index_cast %parallel_loop3A_108 : i32 to index
      %parallel_loop3A_135 = tpu.vector_load %arg6[%parallel_loop3A_132, %parallel_loop3A_133, %parallel_loop3A_134] {strides = array<i32>} : memref<4x4x1024xf32, #tpu.memory_space<vmem>>, vector<1x1x16xf32>,
      %parallel_loop3A_136 = vector.shape_cast %parallel_loop3A_135 : vector<1x1x16xf32> to vector<16xf32>
      %parallel_loop3A_137 = arith.addf %parallel_loop3A_136, %parallel_loop3A_113 : vector<16xf32>
      %parallel_loop3A_138 = arith.constant 1 : i32
      %parallel_loop3A_139 = arith.constant 0 : i32
      %parallel_loop3A_140 = arith.index_cast %parallel_loop3A_138 : i32 to index
      %parallel_loop3A_141 = arith.index_cast %parallel_loop3A_139 : i32 to index
      %parallel_loop3A_142 = arith.index_cast %parallel_loop3A_108 : i32 to index
      %parallel_loop3A_143 = tpu.vector_load %arg7[%parallel_loop3A_140, %parallel_loop3A_141, %parallel_loop3A_142] {strides = array<i32>} : memref<4x4x1024xf32, #tpu.memory_space<vmem>>, vector<1x1x16xf32>,
      %parallel_loop3A_144 = vector.shape_cast %parallel_loop3A_143 : vector<1x1x16xf32> to vector<16xf32>
      %parallel_loop3A_145 = vector.shape_cast %parallel_loop3A_137 : vector<16xf32> to vector<1x1x16xf32>
      tpu.vector_store %arg7[%parallel_loop3A_140, %parallel_loop3A_141, %parallel_loop3A_142], %parallel_loop3A_145 {strides = array<i32>} : memref<4x4x1024xf32, #tpu.memory_space<vmem>>, vector<1x1x16xf32>,
      %parallel_loop3A_146 = arith.constant 2 : i32
      %parallel_loop3A_147 = arith.constant 0 : i32
      %parallel_loop3A_148 = arith.index_cast %parallel_loop3A_146 : i32 to index
      %parallel_loop3A_149 = arith.index_cast %parallel_loop3A_147 : i32 to index
      %parallel_loop3A_150 = arith.index_cast %parallel_loop3A_108 : i32 to index
      %parallel_loop3A_151 = tpu.vector_load %arg6[%parallel_loop3A_148, %parallel_loop3A_149, %parallel_loop3A_150] {strides = array<i32>} : memref<4x4x1024xf32, #tpu.memory_space<vmem>>, vector<1x1x16xf32>,
      %parallel_loop3A_152 = vector.shape_cast %parallel_loop3A_151 : vector<1x1x16xf32> to vector<16xf32>
      %parallel_loop3A_153 = arith.addf %parallel_loop3A_152, %parallel_loop3A_113 : vector<16xf32>
      %parallel_loop3A_154 = arith.constant 2 : i32
      %parallel_loop3A_155 = arith.constant 0 : i32
      %parallel_loop3A_156 = arith.index_cast %parallel_loop3A_154 : i32 to index
      %parallel_loop3A_157 = arith.index_cast %parallel_loop3A_155 : i32 to index
      %parallel_loop3A_158 = arith.index_cast %parallel_loop3A_108 : i32 to index
      %parallel_loop3A_159 = tpu.vector_load %arg7[%parallel_loop3A_156, %parallel_loop3A_157, %parallel_loop3A_158] {strides = array<i32>} : memref<4x4x1024xf32, #tpu.memory_space<vmem>>, vector<1x1x16xf32>,
      %parallel_loop3A_160 = vector.shape_cast %parallel_loop3A_159 : vector<1x1x16xf32> to vector<16xf32>
      %parallel_loop3A_161 = vector.shape_cast %parallel_loop3A_153 : vector<16xf32> to vector<1x1x16xf32>
      tpu.vector_store %arg7[%parallel_loop3A_156, %parallel_loop3A_157, %parallel_loop3A_158], %parallel_loop3A_161 {strides = array<i32>} : memref<4x4x1024xf32, #tpu.memory_space<vmem>>, vector<1x1x16xf32>,
      %parallel_loop3A_162 = arith.constant 3 : i32
      %parallel_loop3A_163 = arith.constant 0 : i32
      %parallel_loop3A_164 = arith.index_cast %parallel_loop3A_162 : i32 to index
      %parallel_loop3A_165 = arith.index_cast %parallel_loop3A_163 : i32 to index
      %parallel_loop3A_166 = arith.index_cast %parallel_loop3A_108 : i32 to index
      %parallel_loop3A_167 = tpu.vector_load %arg6[%parallel_loop3A_164, %parallel_loop3A_165, %parallel_loop3A_166] {strides = array<i32>} : memref<4x4x1024xf32, #tpu.memory_space<vmem>>, vector<1x1x16xf32>,
      %parallel_loop3A_168 = vector.shape_cast %parallel_loop3A_167 : vector<1x1x16xf32> to vector<16xf32>
      %parallel_loop3A_169 = arith.addf %parallel_loop3A_168, %parallel_loop3A_113 : vector<16xf32>
      %parallel_loop3A_170 = arith.constant 3 : i32
      %parallel_loop3A_171 = arith.constant 0 : i32
      %parallel_loop3A_172 = arith.index_cast %parallel_loop3A_170 : i32 to index
      %parallel_loop3A_173 = arith.index_cast %parallel_loop3A_171 : i32 to index
      %parallel_loop3A_174 = arith.index_cast %parallel_loop3A_108 : i32 to index
      %parallel_loop3A_175 = tpu.vector_load %arg7[%parallel_loop3A_172, %parallel_loop3A_173, %parallel_loop3A_174] {strides = array<i32>} : memref<4x4x1024xf32, #tpu.memory_space<vmem>>, vector<1x1x16xf32>,
      %parallel_loop3A_176 = vector.shape_cast %parallel_loop3A_175 : vector<1x1x16xf32> to vector<16xf32>
      %parallel_loop3A_177 = vector.shape_cast %parallel_loop3A_169 : vector<16xf32> to vector<1x1x16xf32>
      tpu.vector_store %arg7[%parallel_loop3A_172, %parallel_loop3A_173, %parallel_loop3A_174], %parallel_loop3A_177 {strides = array<i32>} : memref<4x4x1024xf32, #tpu.memory_space<vmem>>, vector<1x1x16xf32>,
    } {sc.loop_unroll_factor = 4 : i64, sc.parallel_access}
    %parallel_loop3A_65 = arith.constant 0 : i32
    %parallel_loop3A_66 = arith.constant 64 : i32
    %parallel_loop3A_67 = arith.constant 1 : i32
    scf.for %parallel_loop3A_106 = %parallel_loop3A_65 to %parallel_loop3A_66 step %parallel_loop3A_67  : i32 {
      %parallel_loop3A_107 = arith.constant 16 : i32
      %parallel_loop3A_108 = arith.muli %parallel_loop3A_106, %parallel_loop3A_107 : i32
      %parallel_loop3A_109 = arith.constant 1 : i32
      %parallel_loop3A_110 = arith.index_cast %parallel_loop3A_109 : i32 to index
      %parallel_loop3A_111 = arith.index_cast %parallel_loop3A_108 : i32 to index
      %parallel_loop3A_112 = tpu.vector_load %arg5[%parallel_loop3A_110, %parallel_loop3A_111] {strides = array<i32>} : memref<4x1024xf32, #tpu.memory_space<vmem>>, vector<1x16xf32>,
      %parallel_loop3A_113 = vector.shape_cast %parallel_loop3A_112 : vector<1x16xf32> to vector<16xf32>
      %parallel_loop3A_114 = arith.constant 0 : i32
      %parallel_loop3A_115 = arith.constant 1 : i32
      %parallel_loop3A_116 = arith.index_cast %parallel_loop3A_114 : i32 to index
      %parallel_loop3A_117 = arith.index_cast %parallel_loop3A_115 : i32 to index
      %parallel_loop3A_118 = arith.index_cast %parallel_loop3A_108 : i32 to index
      %parallel_loop3A_119 = tpu.vector_load %arg6[%parallel_loop3A_116, %parallel_loop3A_117, %parallel_loop3A_118] {strides = array<i32>} : memref<4x4x1024xf32, #tpu.memory_space<vmem>>, vector<1x1x16xf32>,
      %parallel_loop3A_120 = vector.shape_cast %parallel_loop3A_119 : vector<1x1x16xf32> to vector<16xf32>
      %parallel_loop3A_121 = arith.addf %parallel_loop3A_120, %parallel_loop3A_113 : vector<16xf32>
      %parallel_loop3A_122 = arith.constant 0 : i32
      %parallel_loop3A_123 = arith.constant 1 : i32
      %parallel_loop3A_124 = arith.index_cast %parallel_loop3A_122 : i32 to index
      %parallel_loop3A_125 = arith.index_cast %parallel_loop3A_123 : i32 to index
      %parallel_loop3A_126 = arith.index_cast %parallel_loop3A_108 : i32 to index
      %parallel_loop3A_127 = tpu.vector_load %arg7[%parallel_loop3A_124, %parallel_loop3A_125, %parallel_loop3A_126] {strides = array<i32>} : memref<4x4x1024xf32, #tpu.memory_space<vmem>>, vector<1x1x16xf32>,
      %parallel_loop3A_128 = vector.shape_cast %parallel_loop3A_127 : vector<1x1x16xf32> to vector<16xf32>
      %parallel_loop3A_129 = vector.shape_cast %parallel_loop3A_121 : vector<16xf32> to vector<1x1x16xf32>
      tpu.vector_store %arg7[%parallel_loop3A_124, %parallel_loop3A_125, %parallel_loop3A_126], %parallel_loop3A_129 {strides = array<i32>} : memref<4x4x1024xf32, #tpu.memory_space<vmem>>, vector<1x1x16xf32>,
      %parallel_loop3A_130 = arith.constant 1 : i32
      %parallel_loop3A_131 = arith.constant 1 : i32
      %parallel_loop3A_132 = arith.index_cast %parallel_loop3A_130 : i32 to index
      %parallel_loop3A_133 = arith.index_cast %parallel_loop3A_131 : i32 to index
      %parallel_loop3A_134 = arith.index_cast %parallel_loop3A_108 : i32 to index
      %parallel_loop3A_135 = tpu.vector_load %arg6[%parallel_loop3A_132, %parallel_loop3A_133, %parallel_loop3A_134] {strides = array<i32>} : memref<4x4x1024xf32, #tpu.memory_space<vmem>>, vector<1x1x16xf32>,
      %parallel_loop3A_136 = vector.shape_cast %parallel_loop3A_135 : vector<1x1x16xf32> to vector<16xf32>
      %parallel_loop3A_137 = arith.addf %parallel_loop3A_136, %parallel_loop3A_113 : vector<16xf32>
      %parallel_loop3A_138 = arith.constant 1 : i32
      %parallel_loop3A_139 = arith.constant 1 : i32
      %parallel_loop3A_140 = arith.index_cast %parallel_loop3A_138 : i32 to index
      %parallel_loop3A_141 = arith.index_cast %parallel_loop3A_139 : i32 to index
      %parallel_loop3A_142 = arith.index_cast %parallel_loop3A_108 : i32 to index
      %parallel_loop3A_143 = tpu.vector_load %arg7[%parallel_loop3A_140, %parallel_loop3A_141, %parallel_loop3A_142] {strides = array<i32>} : memref<4x4x1024xf32, #tpu.memory_space<vmem>>, vector<1x1x16xf32>,
      %parallel_loop3A_144 = vector.shape_cast %parallel_loop3A_143 : vector<1x1x16xf32> to vector<16xf32>
      %parallel_loop3A_145 = vector.shape_cast %parallel_loop3A_137 : vector<16xf32> to vector<1x1x16xf32>
      tpu.vector_store %arg7[%parallel_loop3A_140, %parallel_loop3A_141, %parallel_loop3A_142], %parallel_loop3A_145 {strides = array<i32>} : memref<4x4x1024xf32, #tpu.memory_space<vmem>>, vector<1x1x16xf32>,
      %parallel_loop3A_146 = arith.constant 2 : i32
      %parallel_loop3A_147 = arith.constant 1 : i32
      %parallel_loop3A_148 = arith.index_cast %parallel_loop3A_146 : i32 to index
      %parallel_loop3A_149 = arith.index_cast %parallel_loop3A_147 : i32 to index
      %parallel_loop3A_150 = arith.index_cast %parallel_loop3A_108 : i32 to index
      %parallel_loop3A_151 = tpu.vector_load %arg6[%parallel_loop3A_148, %parallel_loop3A_149, %parallel_loop3A_150] {strides = array<i32>} : memref<4x4x1024xf32, #tpu.memory_space<vmem>>, vector<1x1x16xf32>,
      %parallel_loop3A_152 = vector.shape_cast %parallel_loop3A_151 : vector<1x1x16xf32> to vector<16xf32>
      %parallel_loop3A_153 = arith.addf %parallel_loop3A_152, %parallel_loop3A_113 : vector<16xf32>
      %parallel_loop3A_154 = arith.constant 2 : i32
      %parallel_loop3A_155 = arith.constant 1 : i32
      %parallel_loop3A_156 = arith.index_cast %parallel_loop3A_154 : i32 to index
      %parallel_loop3A_157 = arith.index_cast %parallel_loop3A_155 : i32 to index
      %parallel_loop3A_158 = arith.index_cast %parallel_loop3A_108 : i32 to index
      %parallel_loop3A_159 = tpu.vector_load %arg7[%parallel_loop3A_156, %parallel_loop3A_157, %parallel_loop3A_158] {strides = array<i32>} : memref<4x4x1024xf32, #tpu.memory_space<vmem>>, vector<1x1x16xf32>,
      %parallel_loop3A_160 = vector.shape_cast %parallel_loop3A_159 : vector<1x1x16xf32> to vector<16xf32>
      %parallel_loop3A_161 = vector.shape_cast %parallel_loop3A_153 : vector<16xf32> to vector<1x1x16xf32>
      tpu.vector_store %arg7[%parallel_loop3A_156, %parallel_loop3A_157, %parallel_loop3A_158], %parallel_loop3A_161 {strides = array<i32>} : memref<4x4x1024xf32, #tpu.memory_space<vmem>>, vector<1x1x16xf32>,
      %parallel_loop3A_162 = arith.constant 3 : i32
      %parallel_loop3A_163 = arith.constant 1 : i32
      %parallel_loop3A_164 = arith.index_cast %parallel_loop3A_162 : i32 to index
      %parallel_loop3A_165 = arith.index_cast %parallel_loop3A_163 : i32 to index
      %parallel_loop3A_166 = arith.index_cast %parallel_loop3A_108 : i32 to index
      %parallel_loop3A_167 = tpu.vector_load %arg6[%parallel_loop3A_164, %parallel_loop3A_165, %parallel_loop3A_166] {strides = array<i32>} : memref<4x4x1024xf32, #tpu.memory_space<vmem>>, vector<1x1x16xf32>,
      %parallel_loop3A_168 = vector.shape_cast %parallel_loop3A_167 : vector<1x1x16xf32> to vector<16xf32>
      %parallel_loop3A_169 = arith.addf %parallel_loop3A_168, %parallel_loop3A_113 : vector<16xf32>
      %parallel_loop3A_170 = arith.constant 3 : i32
      %parallel_loop3A_171 = arith.constant 1 : i32
      %parallel_loop3A_172 = arith.index_cast %parallel_loop3A_170 : i32 to index
      %parallel_loop3A_173 = arith.index_cast %parallel_loop3A_171 : i32 to index
      %parallel_loop3A_174 = arith.index_cast %parallel_loop3A_108 : i32 to index
      %parallel_loop3A_175 = tpu.vector_load %arg7[%parallel_loop3A_172, %parallel_loop3A_173, %parallel_loop3A_174] {strides = array<i32>} : memref<4x4x1024xf32, #tpu.memory_space<vmem>>, vector<1x1x16xf32>,
      %parallel_loop3A_176 = vector.shape_cast %parallel_loop3A_175 : vector<1x1x16xf32> to vector<16xf32>
      %parallel_loop3A_177 = vector.shape_cast %parallel_loop3A_169 : vector<16xf32> to vector<1x1x16xf32>
      tpu.vector_store %arg7[%parallel_loop3A_172, %parallel_loop3A_173, %parallel_loop3A_174], %parallel_loop3A_177 {strides = array<i32>} : memref<4x4x1024xf32, #tpu.memory_space<vmem>>, vector<1x1x16xf32>,
    } {sc.loop_unroll_factor = 4 : i64, sc.parallel_access}
    %parallel_loop3A_68 = arith.constant 0 : i32
    %parallel_loop3A_69 = arith.constant 64 : i32
    %parallel_loop3A_70 = arith.constant 1 : i32
    scf.for %parallel_loop3A_106 = %parallel_loop3A_68 to %parallel_loop3A_69 step %parallel_loop3A_70  : i32 {
      %parallel_loop3A_107 = arith.constant 16 : i32
      %parallel_loop3A_108 = arith.muli %parallel_loop3A_106, %parallel_loop3A_107 : i32
      %parallel_loop3A_109 = arith.constant 2 : i32
      %parallel_loop3A_110 = arith.index_cast %parallel_loop3A_109 : i32 to index
      %parallel_loop3A_111 = arith.index_cast %parallel_loop3A_108 : i32 to index
      %parallel_loop3A_112 = tpu.vector_load %arg5[%parallel_loop3A_110, %parallel_loop3A_111] {strides = array<i32>} : memref<4x1024xf32, #tpu.memory_space<vmem>>, vector<1x16xf32>,
      %parallel_loop3A_113 = vector.shape_cast %parallel_loop3A_112 : vector<1x16xf32> to vector<16xf32>
      %parallel_loop3A_114 = arith.constant 0 : i32
      %parallel_loop3A_115 = arith.constant 2 : i32
      %parallel_loop3A_116 = arith.index_cast %parallel_loop3A_114 : i32 to index
      %parallel_loop3A_117 = arith.index_cast %parallel_loop3A_115 : i32 to index
      %parallel_loop3A_118 = arith.index_cast %parallel_loop3A_108 : i32 to index
      %parallel_loop3A_119 = tpu.vector_load %arg6[%parallel_loop3A_116, %parallel_loop3A_117, %parallel_loop3A_118] {strides = array<i32>} : memref<4x4x1024xf32, #tpu.memory_space<vmem>>, vector<1x1x16xf32>,
      %parallel_loop3A_120 = vector.shape_cast %parallel_loop3A_119 : vector<1x1x16xf32> to vector<16xf32>
      %parallel_loop3A_121 = arith.addf %parallel_loop3A_120, %parallel_loop3A_113 : vector<16xf32>
      %parallel_loop3A_122 = arith.constant 0 : i32
      %parallel_loop3A_123 = arith.constant 2 : i32
      %parallel_loop3A_124 = arith.index_cast %parallel_loop3A_122 : i32 to index
      %parallel_loop3A_125 = arith.index_cast %parallel_loop3A_123 : i32 to index
      %parallel_loop3A_126 = arith.index_cast %parallel_loop3A_108 : i32 to index
      %parallel_loop3A_127 = tpu.vector_load %arg7[%parallel_loop3A_124, %parallel_loop3A_125, %parallel_loop3A_126] {strides = array<i32>} : memref<4x4x1024xf32, #tpu.memory_space<vmem>>, vector<1x1x16xf32>,
      %parallel_loop3A_128 = vector.shape_cast %parallel_loop3A_127 : vector<1x1x16xf32> to vector<16xf32>
      %parallel_loop3A_129 = vector.shape_cast %parallel_loop3A_121 : vector<16xf32> to vector<1x1x16xf32>
      tpu.vector_store %arg7[%parallel_loop3A_124, %parallel_loop3A_125, %parallel_loop3A_126], %parallel_loop3A_129 {strides = array<i32>} : memref<4x4x1024xf32, #tpu.memory_space<vmem>>, vector<1x1x16xf32>,
      %parallel_loop3A_130 = arith.constant 1 : i32
      %parallel_loop3A_131 = arith.constant 2 : i32
      %parallel_loop3A_132 = arith.index_cast %parallel_loop3A_130 : i32 to index
      %parallel_loop3A_133 = arith.index_cast %parallel_loop3A_131 : i32 to index
      %parallel_loop3A_134 = arith.index_cast %parallel_loop3A_108 : i32 to index
      %parallel_loop3A_135 = tpu.vector_load %arg6[%parallel_loop3A_132, %parallel_loop3A_133, %parallel_loop3A_134] {strides = array<i32>} : memref<4x4x1024xf32, #tpu.memory_space<vmem>>, vector<1x1x16xf32>,
      %parallel_loop3A_136 = vector.shape_cast %parallel_loop3A_135 : vector<1x1x16xf32> to vector<16xf32>
      %parallel_loop3A_137 = arith.addf %parallel_loop3A_136, %parallel_loop3A_113 : vector<16xf32>
      %parallel_loop3A_138 = arith.constant 1 : i32
      %parallel_loop3A_139 = arith.constant 2 : i32
      %parallel_loop3A_140 = arith.index_cast %parallel_loop3A_138 : i32 to index
      %parallel_loop3A_141 = arith.index_cast %parallel_loop3A_139 : i32 to index
      %parallel_loop3A_142 = arith.index_cast %parallel_loop3A_108 : i32 to index
      %parallel_loop3A_143 = tpu.vector_load %arg7[%parallel_loop3A_140, %parallel_loop3A_141, %parallel_loop3A_142] {strides = array<i32>} : memref<4x4x1024xf32, #tpu.memory_space<vmem>>, vector<1x1x16xf32>,
      %parallel_loop3A_144 = vector.shape_cast %parallel_loop3A_143 : vector<1x1x16xf32> to vector<16xf32>
      %parallel_loop3A_145 = vector.shape_cast %parallel_loop3A_137 : vector<16xf32> to vector<1x1x16xf32>
      tpu.vector_store %arg7[%parallel_loop3A_140, %parallel_loop3A_141, %parallel_loop3A_142], %parallel_loop3A_145 {strides = array<i32>} : memref<4x4x1024xf32, #tpu.memory_space<vmem>>, vector<1x1x16xf32>,
      %parallel_loop3A_146 = arith.constant 2 : i32
      %parallel_loop3A_147 = arith.constant 2 : i32
      %parallel_loop3A_148 = arith.index_cast %parallel_loop3A_146 : i32 to index
      %parallel_loop3A_149 = arith.index_cast %parallel_loop3A_147 : i32 to index
      %parallel_loop3A_150 = arith.index_cast %parallel_loop3A_108 : i32 to index
      %parallel_loop3A_151 = tpu.vector_load %arg6[%parallel_loop3A_148, %parallel_loop3A_149, %parallel_loop3A_150] {strides = array<i32>} : memref<4x4x1024xf32, #tpu.memory_space<vmem>>, vector<1x1x16xf32>,
      %parallel_loop3A_152 = vector.shape_cast %parallel_loop3A_151 : vector<1x1x16xf32> to vector<16xf32>
      %parallel_loop3A_153 = arith.addf %parallel_loop3A_152, %parallel_loop3A_113 : vector<16xf32>
      %parallel_loop3A_154 = arith.constant 2 : i32
      %parallel_loop3A_155 = arith.constant 2 : i32
      %parallel_loop3A_156 = arith.index_cast %parallel_loop3A_154 : i32 to index
      %parallel_loop3A_157 = arith.index_cast %parallel_loop3A_155 : i32 to index
      %parallel_loop3A_158 = arith.index_cast %parallel_loop3A_108 : i32 to index
      %parallel_loop3A_159 = tpu.vector_load %arg7[%parallel_loop3A_156, %parallel_loop3A_157, %parallel_loop3A_158] {strides = array<i32>} : memref<4x4x1024xf32, #tpu.memory_space<vmem>>, vector<1x1x16xf32>,
      %parallel_loop3A_160 = vector.shape_cast %parallel_loop3A_159 : vector<1x1x16xf32> to vector<16xf32>
      %parallel_loop3A_161 = vector.shape_cast %parallel_loop3A_153 : vector<16xf32> to vector<1x1x16xf32>
      tpu.vector_store %arg7[%parallel_loop3A_156, %parallel_loop3A_157, %parallel_loop3A_158], %parallel_loop3A_161 {strides = array<i32>} : memref<4x4x1024xf32, #tpu.memory_space<vmem>>, vector<1x1x16xf32>,
      %parallel_loop3A_162 = arith.constant 3 : i32
      %parallel_loop3A_163 = arith.constant 2 : i32
      %parallel_loop3A_164 = arith.index_cast %parallel_loop3A_162 : i32 to index
      %parallel_loop3A_165 = arith.index_cast %parallel_loop3A_163 : i32 to index
      %parallel_loop3A_166 = arith.index_cast %parallel_loop3A_108 : i32 to index
      %parallel_loop3A_167 = tpu.vector_load %arg6[%parallel_loop3A_164, %parallel_loop3A_165, %parallel_loop3A_166] {strides = array<i32>} : memref<4x4x1024xf32, #tpu.memory_space<vmem>>, vector<1x1x16xf32>,
      %parallel_loop3A_168 = vector.shape_cast %parallel_loop3A_167 : vector<1x1x16xf32> to vector<16xf32>
      %parallel_loop3A_169 = arith.addf %parallel_loop3A_168, %parallel_loop3A_113 : vector<16xf32>
      %parallel_loop3A_170 = arith.constant 3 : i32
      %parallel_loop3A_171 = arith.constant 2 : i32
      %parallel_loop3A_172 = arith.index_cast %parallel_loop3A_170 : i32 to index
      %parallel_loop3A_173 = arith.index_cast %parallel_loop3A_171 : i32 to index
      %parallel_loop3A_174 = arith.index_cast %parallel_loop3A_108 : i32 to index
      %parallel_loop3A_175 = tpu.vector_load %arg7[%parallel_loop3A_172, %parallel_loop3A_173, %parallel_loop3A_174] {strides = array<i32>} : memref<4x4x1024xf32, #tpu.memory_space<vmem>>, vector<1x1x16xf32>,
      %parallel_loop3A_176 = vector.shape_cast %parallel_loop3A_175 : vector<1x1x16xf32> to vector<16xf32>
      %parallel_loop3A_177 = vector.shape_cast %parallel_loop3A_169 : vector<16xf32> to vector<1x1x16xf32>
      tpu.vector_store %arg7[%parallel_loop3A_172, %parallel_loop3A_173, %parallel_loop3A_174], %parallel_loop3A_177 {strides = array<i32>} : memref<4x4x1024xf32, #tpu.memory_space<vmem>>, vector<1x1x16xf32>,
    } {sc.loop_unroll_factor = 4 : i64, sc.parallel_access}
    %parallel_loop3A_71 = arith.constant 0 : i32
    %parallel_loop3A_72 = arith.constant 64 : i32
    %parallel_loop3A_73 = arith.constant 1 : i32
    scf.for %parallel_loop3A_106 = %parallel_loop3A_71 to %parallel_loop3A_72 step %parallel_loop3A_73  : i32 {
      %parallel_loop3A_107 = arith.constant 16 : i32
      %parallel_loop3A_108 = arith.muli %parallel_loop3A_106, %parallel_loop3A_107 : i32
      %parallel_loop3A_109 = arith.constant 3 : i32
      %parallel_loop3A_110 = arith.index_cast %parallel_loop3A_109 : i32 to index
      %parallel_loop3A_111 = arith.index_cast %parallel_loop3A_108 : i32 to index
      %parallel_loop3A_112 = tpu.vector_load %arg5[%parallel_loop3A_110, %parallel_loop3A_111] {strides = array<i32>} : memref<4x1024xf32, #tpu.memory_space<vmem>>, vector<1x16xf32>,
      %parallel_loop3A_113 = vector.shape_cast %parallel_loop3A_112 : vector<1x16xf32> to vector<16xf32>
      %parallel_loop3A_114 = arith.constant 0 : i32
      %parallel_loop3A_115 = arith.constant 3 : i32
      %parallel_loop3A_116 = arith.index_cast %parallel_loop3A_114 : i32 to index
      %parallel_loop3A_117 = arith.index_cast %parallel_loop3A_115 : i32 to index
      %parallel_loop3A_118 = arith.index_cast %parallel_loop3A_108 : i32 to index
      %parallel_loop3A_119 = tpu.vector_load %arg6[%parallel_loop3A_116, %parallel_loop3A_117, %parallel_loop3A_118] {strides = array<i32>} : memref<4x4x1024xf32, #tpu.memory_space<vmem>>, vector<1x1x16xf32>,
      %parallel_loop3A_120 = vector.shape_cast %parallel_loop3A_119 : vector<1x1x16xf32> to vector<16xf32>
      %parallel_loop3A_121 = arith.addf %parallel_loop3A_120, %parallel_loop3A_113 : vector<16xf32>
      %parallel_loop3A_122 = arith.constant 0 : i32
      %parallel_loop3A_123 = arith.constant 3 : i32
      %parallel_loop3A_124 = arith.index_cast %parallel_loop3A_122 : i32 to index
      %parallel_loop3A_125 = arith.index_cast %parallel_loop3A_123 : i32 to index
      %parallel_loop3A_126 = arith.index_cast %parallel_loop3A_108 : i32 to index
      %parallel_loop3A_127 = tpu.vector_load %arg7[%parallel_loop3A_124, %parallel_loop3A_125, %parallel_loop3A_126] {strides = array<i32>} : memref<4x4x1024xf32, #tpu.memory_space<vmem>>, vector<1x1x16xf32>,
      %parallel_loop3A_128 = vector.shape_cast %parallel_loop3A_127 : vector<1x1x16xf32> to vector<16xf32>
      %parallel_loop3A_129 = vector.shape_cast %parallel_loop3A_121 : vector<16xf32> to vector<1x1x16xf32>
      tpu.vector_store %arg7[%parallel_loop3A_124, %parallel_loop3A_125, %parallel_loop3A_126], %parallel_loop3A_129 {strides = array<i32>} : memref<4x4x1024xf32, #tpu.memory_space<vmem>>, vector<1x1x16xf32>,
      %parallel_loop3A_130 = arith.constant 1 : i32
      %parallel_loop3A_131 = arith.constant 3 : i32
      %parallel_loop3A_132 = arith.index_cast %parallel_loop3A_130 : i32 to index
      %parallel_loop3A_133 = arith.index_cast %parallel_loop3A_131 : i32 to index
      %parallel_loop3A_134 = arith.index_cast %parallel_loop3A_108 : i32 to index
      %parallel_loop3A_135 = tpu.vector_load %arg6[%parallel_loop3A_132, %parallel_loop3A_133, %parallel_loop3A_134] {strides = array<i32>} : memref<4x4x1024xf32, #tpu.memory_space<vmem>>, vector<1x1x16xf32>,
      %parallel_loop3A_136 = vector.shape_cast %parallel_loop3A_135 : vector<1x1x16xf32> to vector<16xf32>
      %parallel_loop3A_137 = arith.addf %parallel_loop3A_136, %parallel_loop3A_113 : vector<16xf32>
      %parallel_loop3A_138 = arith.constant 1 : i32
      %parallel_loop3A_139 = arith.constant 3 : i32
      %parallel_loop3A_140 = arith.index_cast %parallel_loop3A_138 : i32 to index
      %parallel_loop3A_141 = arith.index_cast %parallel_loop3A_139 : i32 to index
      %parallel_loop3A_142 = arith.index_cast %parallel_loop3A_108 : i32 to index
      %parallel_loop3A_143 = tpu.vector_load %arg7[%parallel_loop3A_140, %parallel_loop3A_141, %parallel_loop3A_142] {strides = array<i32>} : memref<4x4x1024xf32, #tpu.memory_space<vmem>>, vector<1x1x16xf32>,
      %parallel_loop3A_144 = vector.shape_cast %parallel_loop3A_143 : vector<1x1x16xf32> to vector<16xf32>
      %parallel_loop3A_145 = vector.shape_cast %parallel_loop3A_137 : vector<16xf32> to vector<1x1x16xf32>
      tpu.vector_store %arg7[%parallel_loop3A_140, %parallel_loop3A_141, %parallel_loop3A_142], %parallel_loop3A_145 {strides = array<i32>} : memref<4x4x1024xf32, #tpu.memory_space<vmem>>, vector<1x1x16xf32>,
      %parallel_loop3A_146 = arith.constant 2 : i32
      %parallel_loop3A_147 = arith.constant 3 : i32
      %parallel_loop3A_148 = arith.index_cast %parallel_loop3A_146 : i32 to index
      %parallel_loop3A_149 = arith.index_cast %parallel_loop3A_147 : i32 to index
      %parallel_loop3A_150 = arith.index_cast %parallel_loop3A_108 : i32 to index
      %parallel_loop3A_151 = tpu.vector_load %arg6[%parallel_loop3A_148, %parallel_loop3A_149, %parallel_loop3A_150] {strides = array<i32>} : memref<4x4x1024xf32, #tpu.memory_space<vmem>>, vector<1x1x16xf32>,
      %parallel_loop3A_152 = vector.shape_cast %parallel_loop3A_151 : vector<1x1x16xf32> to vector<16xf32>
      %parallel_loop3A_153 = arith.addf %parallel_loop3A_152, %parallel_loop3A_113 : vector<16xf32>
      %parallel_loop3A_154 = arith.constant 2 : i32
      %parallel_loop3A_155 = arith.constant 3 : i32
      %parallel_loop3A_156 = arith.index_cast %parallel_loop3A_154 : i32 to index
      %parallel_loop3A_157 = arith.index_cast %parallel_loop3A_155 : i32 to index
      %parallel_loop3A_158 = arith.index_cast %parallel_loop3A_108 : i32 to index
      %parallel_loop3A_159 = tpu.vector_load %arg7[%parallel_loop3A_156, %parallel_loop3A_157, %parallel_loop3A_158] {strides = array<i32>} : memref<4x4x1024xf32, #tpu.memory_space<vmem>>, vector<1x1x16xf32>,
      %parallel_loop3A_160 = vector.shape_cast %parallel_loop3A_159 : vector<1x1x16xf32> to vector<16xf32>
      %parallel_loop3A_161 = vector.shape_cast %parallel_loop3A_153 : vector<16xf32> to vector<1x1x16xf32>
      tpu.vector_store %arg7[%parallel_loop3A_156, %parallel_loop3A_157, %parallel_loop3A_158], %parallel_loop3A_161 {strides = array<i32>} : memref<4x4x1024xf32, #tpu.memory_space<vmem>>, vector<1x1x16xf32>,
      %parallel_loop3A_162 = arith.constant 3 : i32
      %parallel_loop3A_163 = arith.constant 3 : i32
      %parallel_loop3A_164 = arith.index_cast %parallel_loop3A_162 : i32 to index
      %parallel_loop3A_165 = arith.index_cast %parallel_loop3A_163 : i32 to index
      %parallel_loop3A_166 = arith.index_cast %parallel_loop3A_108 : i32 to index
      %parallel_loop3A_167 = tpu.vector_load %arg6[%parallel_loop3A_164, %parallel_loop3A_165, %parallel_loop3A_166] {strides = array<i32>} : memref<4x4x1024xf32, #tpu.memory_space<vmem>>, vector<1x1x16xf32>,
      %parallel_loop3A_168 = vector.shape_cast %parallel_loop3A_167 : vector<1x1x16xf32> to vector<16xf32>
      %parallel_loop3A_169 = arith.addf %parallel_loop3A_168, %parallel_loop3A_113 : vector<16xf32>
      %parallel_loop3A_170 = arith.constant 3 : i32
      %parallel_loop3A_171 = arith.constant 3 : i32
      %parallel_loop3A_172 = arith.index_cast %parallel_loop3A_170 : i32 to index
      %parallel_loop3A_173 = arith.index_cast %parallel_loop3A_171 : i32 to index
      %parallel_loop3A_174 = arith.index_cast %parallel_loop3A_108 : i32 to index
      %parallel_loop3A_175 = tpu.vector_load %arg7[%parallel_loop3A_172, %parallel_loop3A_173, %parallel_loop3A_174] {strides = array<i32>} : memref<4x4x1024xf32, #tpu.memory_space<vmem>>, vector<1x1x16xf32>,
      %parallel_loop3A_176 = vector.shape_cast %parallel_loop3A_175 : vector<1x1x16xf32> to vector<16xf32>
      %parallel_loop3A_177 = vector.shape_cast %parallel_loop3A_169 : vector<16xf32> to vector<1x1x16xf32>
      tpu.vector_store %arg7[%parallel_loop3A_172, %parallel_loop3A_173, %parallel_loop3A_174], %parallel_loop3A_177 {strides = array<i32>} : memref<4x4x1024xf32, #tpu.memory_space<vmem>>, vector<1x1x16xf32>,
    } {sc.loop_unroll_factor = 4 : i64, sc.parallel_access}
    %add3A_74 = arith.constant 252 : i32
    %add3A_75 = arith.addi %mul3A_2, %add3A_74 : i32
    %dma_start3A_76 = arith.constant 0 : i32
    %dma_start3A_77 = arith.constant 0 : i32
    %dma_start3A_78 = tpu.memref_slice %arg4[%dma_start3A_76, %add3A_75, %dma_start3A_77] : memref<4x8192x1024xf32, #tpu.memory_space<hbm>> -> memref<4x4x1024xf32, #tpu.memory_space<hbm>>
    %dma_start3A_79 = arith.constant 0 : i32
    %dma_start3A_80 = arith.constant 0 : i32
    %dma_start3A_81 = tpu.memref_slice %arg4[%dma_start3A_79, %add3A_75, %dma_start3A_80] : memref<4x8192x1024xf32, #tpu.memory_space<hbm>> -> memref<4x4x1024xf32, #tpu.memory_space<hbm>>
    tpu.enqueue_dma source(%arg7 : memref<4x4x1024xf32, #tpu.memory_space<vmem>>) target(%dma_start3A_81 : memref<4x4x1024xf32, #tpu.memory_space<hbm>>) target_semaphore(%arg17 : memref<!tpu.dma_semaphore, #tpu.memory_space<semaphore_mem>>)
    %add3A_82 = arith.constant 244 : i32
    %add3A_83 = arith.addi %mul3A_2, %add3A_82 : i32
    %dma_wait3A_84 = arith.constant 0 : i32
    %dma_wait3A_85 = arith.constant 0 : i32
    %dma_wait3A_86 = tpu.memref_slice %arg4[%dma_wait3A_84, %add3A_83, %dma_wait3A_85] : memref<4x8192x1024xf32, #tpu.memory_space<hbm>> -> memref<4x4x1024xf32, #tpu.memory_space<hbm>>
    %dma_wait3A_87 = arith.constant 0 : i32
    %dma_wait3A_88 = arith.constant 0 : i32
    %dma_wait3A_89 = tpu.memref_slice %arg4[%dma_wait3A_87, %add3A_83, %dma_wait3A_88] : memref<4x8192x1024xf32, #tpu.memory_space<hbm>> -> memref<4x4x1024xf32, #tpu.memory_space<hbm>>
    tpu.wait_dma2 semaphore(%arg18 : memref<!tpu.dma_semaphore, #tpu.memory_space<semaphore_mem>>) src(%arg10 : memref<4x4x1024xf32, #tpu.memory_space<vmem>>) dst(%dma_wait3A_89 : memref<4x4x1024xf32, #tpu.memory_space<hbm>>)
    %add3A_90 = arith.constant 248 : i32
    %add3A_91 = arith.addi %mul3A_2, %add3A_90 : i32
    %dma_wait3A_92 = arith.constant 0 : i32
    %dma_wait3A_93 = arith.constant 0 : i32
    %dma_wait3A_94 = tpu.memref_slice %arg4[%dma_wait3A_92, %add3A_91, %dma_wait3A_93] : memref<4x8192x1024xf32, #tpu.memory_space<hbm>> -> memref<4x4x1024xf32, #tpu.memory_space<hbm>>
    %dma_wait3A_95 = arith.constant 0 : i32
    %dma_wait3A_96 = arith.constant 0 : i32
    %dma_wait3A_97 = tpu.memref_slice %arg4[%dma_wait3A_95, %add3A_91, %dma_wait3A_96] : memref<4x8192x1024xf32, #tpu.memory_space<hbm>> -> memref<4x4x1024xf32, #tpu.memory_space<hbm>>
    tpu.wait_dma2 semaphore(%arg19 : memref<!tpu.dma_semaphore, #tpu.memory_space<semaphore_mem>>) src(%arg13 : memref<4x4x1024xf32, #tpu.memory_space<vmem>>) dst(%dma_wait3A_97 : memref<4x4x1024xf32, #tpu.memory_space<hbm>>)
    %add3A_98 = arith.constant 252 : i32
    %add3A_99 = arith.addi %mul3A_2, %add3A_98 : i32
    %dma_wait3A_100 = arith.constant 0 : i32
    %dma_wait3A_101 = arith.constant 0 : i32
    %dma_wait3A_102 = tpu.memref_slice %arg4[%dma_wait3A_100, %add3A_99, %dma_wait3A_101] : memref<4x8192x1024xf32, #tpu.memory_space<hbm>> -> memref<4x4x1024xf32, #tpu.memory_space<hbm>>
    %dma_wait3A_103 = arith.constant 0 : i32
    %dma_wait3A_104 = arith.constant 0 : i32
    %dma_wait3A_105 = tpu.memref_slice %arg4[%dma_wait3A_103, %add3A_99, %dma_wait3A_104] : memref<4x8192x1024xf32, #tpu.memory_space<hbm>> -> memref<4x4x1024xf32, #tpu.memory_space<hbm>>
    tpu.wait_dma2 semaphore(%arg17 : memref<!tpu.dma_semaphore, #tpu.memory_space<semaphore_mem>>) src(%arg7 : memref<4x4x1024xf32, #tpu.memory_space<vmem>>) dst(%dma_wait3A_105 : memref<4x4x1024xf32, #tpu.memory_space<hbm>>)
    return
  }
}

</mosaic_0001>

<sc_bundles>
// kernel: kernel.3.cloned.1.call-start
scs
__scs_entry_jumppad:
0x0: {  	(pc) =	sbr.rel $0x88, $3  }
0x1: {  	(tag) =	ssettag $0x0;
	lr =	simm.s32 $0x1  }
0x2: {  	[smem:$0x3F9F] =	sst lr;
	_ =	strace $0xD0000000  }
0x3: {  	_ = 	snop  }
0x4: {  	_ = 	snop  }
0x5: {  	_ = 	snop  }
0x6: {  	_ = 	snop  }
0x7: {  	_ = 	snop  }
__scs_overlays_trampoline_lowered:
0x8: {  	[smem:$0x3FAE] =	sst s0  }
0x9: {  	[smem:$0x3FAF] =	sst s1  }
0xa: {  	[smem:$0x3FB0] =	sst s2  }
0xb: {  	[smem:$0x3FB1] =	sst s3  }
0xc: {  	[smem:$0x3FB2] =	sst s4  }
0xd: {  	[smem:$0x3FB3] =	sst s5  }
0xe: {  	[smem:$0x3FB4] =	sst s6  }
0xf: {  	[smem:$0x3FB5] =	sst s7  }
0x10: {  	[smem:$0x3FB6] =	sst s8  }
0x11: {  	[smem:$0x3FB7] =	sst s9;
	s0 =	simm.s32 @!p0 $0x0  }
0x12: {  	s1 =	sld [smem:$0x3F9D];
	s0 =	simm.s32 @p0 $0x1  }
0x13: {  	[smem:$0x3FB8] =	sst s0;
	s0 =	simm.s32 @!p1 $0x0  }
0x14: {  	s2 =	sld [smem:$0x3F9C];
	s0 =	simm.s32 @p1 $0x1  }
0x15: {  	[smem:$0x3FB9] =	sst s0;
	s0 =	simm.s32 @!p2 $0x0  }
0x16: {  	s3 =	sld [smem:$0x3FDB];
	s0 =	simm.s32 @p2 $0x1  }
0x17: {  	s4 =	simm.s32 $0x1BF5;
	[smem:$0x3FBB] =	sst s0  }
0x18: {  	s0 =	sld [smem:$0x3F9E];
	_ =	swait.ge [sflag:s4], $0x0  }
0x19: {  	s7 =	sld [smem:$0x3F9F]  }
0x1a: {  	s8 =	sadd.s32 $0xFFFFE003, lr  }
0x1b: {  	s9 =	sadd.s32 $0xFFFFFEF7, lr;
	s5 =	simm.s32 $0xFFFFFFFF;
	p2 =	slt.u32 s8, $0xFFFFF086  }
0x1c: {  	p1 =	slt.u32 s9, $0xF7A;
	s5 =	simm.s32 @!p2 $0x0  }
0x1d: {  	s5 =	simm.s32 @p1 $0x1;
	p0 =	seq.s32 s7, s2  }
0x1e: {  	s7 =	smul.u32 @!p0 $0xF7A, s2;
	p2 =	seq.s32 @!p0 s5, $0x0  }
0x1f: {  	s9 =	smul.u32 $0xF7A, s1;
	s8 =	simm.s32 @!p0 $0x1BF5;
	p2 =	por !p2, p0  }
0x20: {  	[sflag:s8] =	ssyncset.s32 @!p0 $0xFFFFF086;
	s6 =	sadd.s32 @!p0 s3, s7;
	s7 =	simm.s32 @!p0 $0x108  }
0x21: {  	s3 =	sadd.s32 s3, s9;
	s6 =	sadd.s32 @!p0 $0x88, s6;
	s7 =	simm.s32 @p2 $0x1082  }
0x22: {  	[simem:s7], [sflag:s8] =	dma.local @!p0 [hbm:s6], $0xF7A  }
0x23: {  	s9 =	sor.u32 $0xD0000000, s2;
	s6 =	simm.s32 $0x108;
	_ =	swait.ge @!p0 [sflag:s8], $0x0  }
0x24: {  	s3 =	sadd.s32 $0x88, s3;
	s6 =	simm.s32 @!p1 $0x1082;
	[sflag:s4] =	ssyncset.s32 $0xFFFFF086  }
0x25: {  	[simem:s6], [sflag:s4] =	dma.local [hbm:s3], $0xF7A  }
0x26: {  	[smem:$0x3F9F] =	sst s1;
	(tag) =	ssettag s2;
	_ =	strace s9  }
0x27: {  	s1 =	sld [smem:$0x3FAF]  }
0x28: {  	s2 =	sld [smem:$0x3FB0]  }
0x29: {  	s4 =	sld [smem:$0x3FB2]  }
0x2a: {  	p0 =	seq.s32 s5, $0x0;
	s5 =	sld [smem:$0x3FB3]  }
0x2b: {  	s6 =	sld [smem:$0x3FB4]  }
0x2c: {  	s7 =	sld [smem:$0x3FB5]  }
0x2d: {  	s3 =	simm.s32 $0x108;
	s8 =	sld [smem:$0x3FB6]  }
0x2e: {  	s3 =	simm.s32 @!p0 $0x1082;
	s9 =	sld [smem:$0x3FB7]  }
0x2f: {  	lr =	sadd.s32 s0, s3;
	s0 =	sld [smem:$0x3FAE]  }
0x30: {  	s3 =	sld [smem:$0x3FB1]  }
0x31: {  	[smem:$0x3FBA] =	sst s10  }
0x32: {  	s10 =	sld [smem:$0x3FB8];
	_ =	sdelay $0x3  }
0x33: {  	p0 =	seq.s32 s10, $0x1;
	s10 =	sld [smem:$0x3FBA];
	_ =	sdelay $0x3  }
0x34: {  	[smem:$0x3FBA] =	sst s10  }
0x35: {  	s10 =	sld [smem:$0x3FB9];
	_ =	sdelay $0x3  }
0x36: {  	p1 =	seq.s32 s10, $0x1;
	s10 =	sld [smem:$0x3FBA];
	_ =	sdelay $0x3  }
0x37: {  	[smem:$0x3FBA] =	sst s10  }
0x38: {  	s10 =	sld [smem:$0x3FBB]  }
0x39: {  	_ = 	snop;
	(pc) =	sbr.ind lr, $3  }
0x3a: {  	_ = 	snop  }
0x3b: {  	_ = 	snop  }
0x3c: {  	p2 =	seq.s32 s10, $0x1;
	s10 =	sld [smem:$0x3FBA]  }
0x3d: {  	_ =	shalt  }
0x3e: {  	_ =	shalt  }
0x3f: {  	_ =	shalt  }
0x40: {  	_ =	shalt  }
0x41: {  	_ =	shalt  }
0x42: {  	_ =	shalt  }
0x43: {  	_ =	shalt  }
0x44: {  	_ =	shalt  }
0x45: {  	_ =	shalt  }
0x46: {  	_ =	shalt  }
0x47: {  	_ =	shalt  }
0x48: {  	_ =	shalt  }
0x49: {  	_ =	shalt  }
0x4a: {  	_ =	shalt  }
0x4b: {  	_ =	shalt  }
0x4c: {  	_ =	shalt  }
0x4d: {  	_ =	shalt  }
0x4e: {  	_ =	shalt  }
0x4f: {  	_ =	shalt  }
0x50: {  	_ =	shalt  }
0x51: {  	_ =	shalt  }
0x52: {  	_ =	shalt  }
0x53: {  	_ =	shalt  }
0x54: {  	_ =	shalt  }
0x55: {  	_ =	shalt  }
0x56: {  	_ =	shalt  }
0x57: {  	_ =	shalt  }
0x58: {  	_ =	shalt  }
0x59: {  	_ =	shalt  }
0x5a: {  	_ =	shalt  }
0x5b: {  	_ =	shalt  }
0x5c: {  	_ =	shalt  }
0x5d: {  	_ =	shalt  }
0x5e: {  	_ =	shalt  }
0x5f: {  	_ =	shalt  }
0x60: {  	_ =	shalt  }
0x61: {  	_ =	shalt  }
0x62: {  	_ =	shalt  }
0x63: {  	_ =	shalt  }
0x64: {  	_ =	shalt  }
0x65: {  	_ =	shalt  }
0x66: {  	_ =	shalt  }
0x67: {  	_ =	shalt  }
0x68: {  	_ =	shalt  }
0x69: {  	_ =	shalt  }
0x6a: {  	_ =	shalt  }
0x6b: {  	_ =	shalt  }
0x6c: {  	_ =	shalt  }
0x6d: {  	_ =	shalt  }
0x6e: {  	_ =	shalt  }
0x6f: {  	_ =	shalt  }
0x70: {  	_ =	shalt  }
0x71: {  	_ =	shalt  }
0x72: {  	_ =	shalt  }
0x73: {  	_ =	shalt  }
0x74: {  	_ =	shalt  }
0x75: {  	_ =	shalt  }
0x76: {  	_ =	shalt  }
0x77: {  	_ =	shalt  }
0x78: {  	_ =	shalt  }
0x79: {  	_ =	shalt  }
0x7a: {  	_ =	shalt  }
0x7b: {  	_ =	shalt  }
0x7c: {  	_ =	shalt  }
0x7d: {  	_ =	shalt  }
0x7e: {  	_ =	shalt  }
0x7f: {  	_ =	shalt  }
0x80: {  	_ =	shalt  }
0x81: {  	_ =	shalt  }
0x82: {  	_ =	shalt  }
0x83: {  	_ =	shalt  }
0x84: {  	_ =	shalt  }
0x85: {  	_ =	shalt  }
0x86: {  	_ =	shalt  }
0x87: {  	_ =	shalt  }
.Lfunc_end0:
.L_simem_size_0:
called_computation_lowered:
.L_overlay_start_0:
0x88: {  	s2 =	sld [smem:$0x3FD9]  }
0x89: {  	s3 =	sld [smem:$0x3FFE];
	_ =	sdelay $0x1  }
0x8a: {  	s1 =	srdreg.scid  }
0x8b: {  	s0 =	sand.u32 $0x1, s1  }
0x8c: {  	s18 =	sshll.u32 s0, $0xA;
	s2 =	sadd.s32 s3, s2  }
0x8d: {  	s2 =	sadd.s32 s2, s18  }
0x8e: {  	[smem:$0x3FC6] =	sst s2  }
0x8f: {  	_ = 	snop  }
0x90: {  	s2 =	sld [smem:$0x3FC9]  }
0x91: {  	s19 =	sld [smem:$0x3FC8]  }
0x92: {  	s4 =	sld [smem:$0x3FD0];
	(tm) =	ssettm $0x1  }
0x93: {  	s5 =	sld [smem:$0x3FFB];
	_ =	sdelay $0x3  }
0x94: {  	_ =	strace s5  }
0x95: {  	s5 =	sld [smem:$0x3FFC];
	_ =	sdelay $0x3  }
0x96: {  	_ =	strace s5  }
0x97: {  	s5 =	sld [smem:$0x3FFD];
	_ =	sdelay $0x3  }
0x98: {  	_ =	strace s5  }
0x99: {  	_ =	strace $0x8FFFFFFF  }
0x9a: {  	s20 =	sld [smem:$0x3FDB];
	_ =	sdelay $0x1  }
0x9b: {  	s6 =	simm.s32 $_scs_section_size  }
0x9c: {  	s7 =	simm.s32 $_size__tile_overlayer_lowered;
	s8 =	simm.s32 $_tile_overlayer_lowered  }
0x9d: {  	s23 =	simm.s32 $0x1BFF;
	s22 =	sshll.u32 s8, $0x1;
	s5 =	sadd.s32 s6, s20  }
0x9e: {  	s9 =	simm.s32 $0x0;
	s21 =	sshll.u32 s7, $0x1;
	s7 =	sadd.s32 s22, s5  }
0x9f: {  	[timem:s9], [sflag:s23] =	dma.local [hbm:s7], s21  }
0xa0: {  	_ =	swait.ge [sflag:s23], s21  }
0xa1: {  	s6 =	ssub.s32 $0x0, s21;
	[sflag:s23] =	ssyncset.done $0x0  }
0xa2: {  	[sflag:s23] =	ssyncadd.s32 s6;
	_ =	sdelay $0x1  }
0xa3: {  	s24 =	simm.s32 $0x1B8B  }
0xa4: {  	_ =	swait.ge [sflag:s24], $0x1  }
0xa5: {  	[sflag:s24] =	ssyncset.done $0x0  }
0xa6: {  	s25 =	simm.s32 $0x1B8E;
	[sflag:s24] =	ssyncadd.s32 $0xFFFFFFFF  }
0xa7: {  	s26 =	simm.s32 $execute0_lowered;
	[smem:$0x3FD2] =	sst s25  }
0xa8: {  	s6 =	sshll.u32 s26, $0x1;
	_ =	strace $0x80000046;
	[dreg:$0x1] =	wrdreg $0xFFFFFFFF  }
0xa9: {  	s28 =	simm.s32 $_size_execute0_lowered;
	s5 =	sadd.s32 s5, s6;
	[dreg:$0x0] =	wrdreg $0x0  }
0xaa: {  	s6 =	sshll.u32 s28, $0x1;
	[dreg:$0x2] =	wrdreg s5  }
0xab: {  	[dreg:$0x3] =	wrdreg s6  }
0xac: {  	[dreg:$0x4] =	wrdreg $0xC0  }
0xad: {  	_ =	task [dreg:s9], $0x5FFFF  }
0xae: {  	[dreg:$0x1] =	wrdreg $0xFFFFFFFF  }
0xaf: {  	[dreg:$0x0] =	wrdreg $0x60  }
0xb0: {  	[dreg:$0x2] =	wrdreg s2  }
0xb1: {  	[dreg:$0x3] =	wrdreg s19  }
0xb2: {  	[dreg:$0x4] =	wrdreg s4  }
0xb3: {  	[dreg:$0x5] =	wrdreg $0x9  }
0xb4: {  	_ =	task.clear_ibuf [dreg:s9], $0x6FFFF;
	_ =	strace $0x90000046  }
0xb5: {  	s29 =	simm.s32 $0x9;
	_ =	strace $0x80000048  }
0xb6: {  	_ =	swait.ge [sflag:s29], $0x1  }
0xb7: {  	[sflag:s29] =	ssyncadd.s32 $0xFFFFFFFF  }
0xb8: {  	_ =	strace $0x90000048  }
0xb9: {  	_ =	sfence  }
0xba: {  	s30 =	sld [smem:$0x0];
	_ =	sdelay $0x2  }
0xbb: {  	s31 =	sshll.u32 s1, $0xD;
	s1 =	sshrl.u32 s1, $0x2  }
0xbc: {  	s3 =	sand.u32 $0x4000, s31;
	s1 =	sadd.s32 s1, s30  }
0xbd: {  	s0 =	sor.u32 s3, s0;
	s1 =	sshll.u32 s1, $0x11  }
0xbe: {  	s0 =	sor.u32 s1, s0  }
0xbf: {  	s0 =	sadd.s32 $0x8F2B, s0  }
0xc0: {  	[sflag:s0] =	ssyncadd.remote.s32 $0x1  }
0xc1: {  	_ =	sfence.sel $0xFFFF  }
0xc2: {  	[dreg:$0x0] =	wrdreg $0xFFFFFFFF;
	(pc) =	sbr.abs _section_cstart, $3  }
0xc3: {  	[dreg:$0x1] =	wrdreg $0xFFFFFFFF  }
0xc4: {  	_ =	task.clear_ibuf [dreg:s9], $0x2FFFF;
	_ =	strace $0x9FFFFFFF  }
0xc5: {  	(tm) =	ssettm $0x7FFFFFFF  }
tec
execute0_lowered:
.L_overlay_start_1:
0x0: {  	(tag) =	ssettag $0x1  }
0x1: {  	s3 =	rddreg [dreg:$0x0]  }
0x2: {  	s4 =	rddreg [dreg:$0x1];
	s0 =	srdreg.scid  }
0x3: {  	s5 =	rddreg [dreg:$0x2];
	s1 =	stileid.u32;
	s0 =	sand.u32 $0x1, s0  }
0x4: {  	s6 =	simm.s32 $0x0;
	s1 =	sshll.u32 s1, $0x9;
	s2 =	sshll.u32 s0, $0x8  }
0x5: {  	[smem:$0x7FF] =	sst s6;
	s0 =	ssub.s32 $0x2, s0;
	s7 =	sor.u32 s2, s1  }
0x6: {  	_ =	strace $0x80000047;
	s12 =	sshll.u32 s7, $0x7;
	[dreg:$0x4] =	wrdreg s7  }
0x7: {  	s11 =	sshrl.u32 s0, $0x1;
	s20 =	sor.u32 $0x10, s7;
	[dreg:$0x5] =	wrdreg s12  }
0x8: {  	s18 =	sshll.u32 s7, $0xA;
	s13 =	sadd.s32 s4, s12;
	[dreg:$0xc] =	wrdreg s20  }
0x9: {  	s0 =	ssub.s32 s0, s11;
	s1 =	sor.u32 $0x2000, s18;
	[dreg:$0x6] =	wrdreg s13  }
0xa: {  	s0 =	smax.u32 s0, $0x1;
	[dreg:$0xd] =	wrdreg s1  }
0xb: {  	s8 =	sadd.s32 s3, s12;
	s14 =	sor.u32 $0x40, s12;
	[dreg:$0xf] =	wrdreg s0  }
0xc: {  	s15 =	sor.u32 $0x400, s12;
	s9 =	sadd.s32 s4, s14;
	[dreg:$0x7] =	wrdreg s8  }
0xd: {  	s19 =	sadd.s32 s12, s5;
	s17 =	sadd.s32 s4, s15;
	[dreg:$0x8] =	wrdreg s9  }
0xe: {  	s21 =	sadd.s32 $0x7C40, s19;
	[dreg:$0xa] =	wrdreg s17  }
0xf: {  	s22 =	sadd.s32 $0x100000, s8;
	[dreg:$0xe] =	wrdreg s21  }
0x10: {  	s23 =	sadd.s32 $0x200000, s8;
	[dreg:$0x10] =	wrdreg s22  }
0x11: {  	s24 =	sadd.s32 $0x300000, s8;
	[dreg:$0x11] =	wrdreg s23  }
0x12: {  	s16 =	sadd.s32 s3, s14;
	[dreg:$0x12] =	wrdreg s24  }
0x13: {  	s3 =	sadd.s32 s3, s15;
	[dreg:$0x9] =	wrdreg s16  }
0x14: {  	s25 =	sadd.s32 $0x100000, s16;
	[dreg:$0xb] =	wrdreg s3  }
0x15: {  	s26 =	sadd.s32 $0x200000, s16;
	[dreg:$0x13] =	wrdreg s25  }
0x16: {  	s28 =	sadd.s32 $0x300000, s16;
	[dreg:$0x14] =	wrdreg s26  }
0x17: {  	s29 =	sadd.s32 $0x100000, s3;
	[dreg:$0x15] =	wrdreg s28  }
0x18: {  	s30 =	sadd.s32 $0x200000, s3;
	[dreg:$0x16] =	wrdreg s29  }
0x19: {  	s2 =	simm.s32 $0x200;
	s31 =	sadd.s32 $0x300000, s3;
	[dreg:$0x17] =	wrdreg s30  }
0x1a: {  	s4 =	simm.s32 $0x0;
	s3 =	simm.s32 $0x400;
	[dreg:$0x18] =	wrdreg s31  }
.LBB2_1:
0x1b: {  	[dreg:$0x19] =	wrdreg s4  }
0x1c: {  	s0 =	simm.s32 $0x0;
	s1 =	rddreg [dreg:$0x6]  }
0x1d: {  	[tilespmem:s0], [sflag:$0x1] =	stream.strided.gather [hbm4b:s1+s2], $0x1000, s3, s2, $0x38;
	[tilespmem:$0x1B000] =	vst v63  }
0x1e: {  	s4 =	simm.s32 $0x1000;
	s1 =	rddreg [dreg:$0x7]  }
0x1f: {  	[tilespmem:s4], [sflag:$0x1] =	stream.strided.gather [hbm4b:s1+s2], $0x1000, s3, s2, $0x38;
	[tilespmem:$0x1B000] =	vst v63  }
0x20: {  	s5 =	rddreg [dreg:$0x10];
	s6 =	simm.s32 $0x2000  }
0x21: {  	[tilespmem:s6], [sflag:$0x1] =	stream.strided.gather [hbm4b:s5+s2], $0x1000, s3, s2, $0x38;
	[tilespmem:$0x1B000] =	vst v63  }
0x22: {  	s7 =	rddreg [dreg:$0x11];
	s8 =	simm.s32 $0x3000  }
0x23: {  	[tilespmem:s8], [sflag:$0x1] =	stream.strided.gather [hbm4b:s7+s2], $0x1000, s3, s2, $0x38;
	[tilespmem:$0x1B000] =	vst v63  }
0x24: {  	s9 =	rddreg [dreg:$0x12];
	s10 =	simm.s32 $0x4000  }
0x25: {  	[tilespmem:s10], [sflag:$0x1] =	stream.strided.gather [hbm4b:s9+s2], $0x1000, s3, s2, $0x38;
	[tilespmem:$0x1B000] =	vst v63  }
0x26: {  	s11 =	rddreg [dreg:$0x8];
	s12 =	simm.s32 $0x9000  }
0x27: {  	[tilespmem:s12], [sflag:$0x2] =	stream.strided.gather [hbm4b:s11+s2], $0x1000, s3, s2, $0x38;
	[tilespmem:$0x1B000] =	vst v63  }
0x28: {  	s13 =	rddreg [dreg:$0x9];
	s14 =	simm.s32 $0xA000  }
0x29: {  	[tilespmem:s14], [sflag:$0x2] =	stream.strided.gather [hbm4b:s13+s2], $0x1000, s3, s2, $0x38;
	[tilespmem:$0x1B000] =	vst v63  }
0x2a: {  	s15 =	rddreg [dreg:$0x13];
	s16 =	simm.s32 $0xB000  }
0x2b: {  	[tilespmem:s16], [sflag:$0x2] =	stream.strided.gather [hbm4b:s15+s2], $0x1000, s3, s2, $0x38;
	[tilespmem:$0x1B000] =	vst v63  }
0x2c: {  	s17 =	rddreg [dreg:$0x14];
	s18 =	simm.s32 $0xC000  }
0x2d: {  	[tilespmem:s18], [sflag:$0x2] =	stream.strided.gather [hbm4b:s17+s2], $0x1000, s3, s2, $0x38;
	[tilespmem:$0x1B000] =	vst v63  }
0x2e: {  	s19 =	rddreg [dreg:$0x15];
	s20 =	simm.s32 $0xD000  }
0x2f: {  	[tilespmem:s20], [sflag:$0x2] =	stream.strided.gather [hbm4b:s19+s2], $0x1000, s3, s2, $0x38;
	[tilespmem:$0x1B000] =	vst v63  }
0x30: {  	s21 =	rddreg [dreg:$0xa];
	s22 =	simm.s32 $0x12000  }
0x31: {  	[tilespmem:s22], [sflag:$0x3] =	stream.strided.gather [hbm4b:s21+s2], $0x1000, s3, s2, $0x38;
	[tilespmem:$0x1B000] =	vst v63  }
0x32: {  	s23 =	rddreg [dreg:$0xb];
	s24 =	simm.s32 $0x13000  }
0x33: {  	[tilespmem:s24], [sflag:$0x3] =	stream.strided.gather [hbm4b:s23+s2], $0x1000, s3, s2, $0x38;
	[tilespmem:$0x1B000] =	vst v63  }
0x34: {  	s25 =	rddreg [dreg:$0x16];
	s26 =	simm.s32 $0x14000  }
0x35: {  	[tilespmem:s26], [sflag:$0x3] =	stream.strided.gather [hbm4b:s25+s2], $0x1000, s3, s2, $0x38;
	[tilespmem:$0x1B000] =	vst v63  }
0x36: {  	s28 =	rddreg [dreg:$0x17];
	s29 =	simm.s32 $0x15000  }
0x37: {  	[tilespmem:s29], [sflag:$0x3] =	stream.strided.gather [hbm4b:s28+s2], $0x1000, s3, s2, $0x38;
	[tilespmem:$0x1B000] =	vst v63  }
0x38: {  	s30 =	rddreg [dreg:$0x18];
	s31 =	simm.s32 $0x16000  }
0x39: {  	[tilespmem:s31], [sflag:$0x3] =	stream.strided.gather [hbm4b:s30+s2], $0x1000, s3, s2, $0x38;
	[tilespmem:$0x1B000] =	vst v63  }
0x3a: {  	s3 =	simm.s32 $0x0  }
.LBB2_2:
0x3b: {  	s0 =	simm.s32 $0x1  }
0x3c: {  	_ =	swait.ge [sflag:s0], $0x1000  }
0x3d: {  	[sflag:s0] =	ssyncset.done $0x0  }
0x3e: {  	[sflag:s0] =	ssyncadd.s32 $0xFFFFF000  }
0x3f: {  	_ =	swait.ge [sflag:s0], $0x4000  }
0x40: {  	p0 =	seq.s32 s3, $0x0;
	[sflag:s0] =	ssyncset.done $0x0  }
0x41: {  	[sflag:s0] =	ssyncadd.s32 $0xFFFFC000;
	s0 =	simm.s32 @!p0 $0x4  }
0x42: {  	s1 =	simm.s32 $0x0;
	_ =	swait.ge @!p0 [sflag:s0], $0x4000  }
0x43: {  	s2 =	sand.u32 $0x40, s1;
	s1 =	sand.u32 $0xE00, s1;
	[sflag:s0] =	ssyncset.done @!p0 $0x0  }
0x44: {  	s8 =	sor.u32 s2, s1;
	[sflag:s0] =	ssyncadd.s32 @!p0 $0xFFFFC000  }
0x45: {  	v0 =	vld [tilespmem:s8+$0x30]  }
0x46: {  	v1 =	vld [tilespmem:s8+$0x4030]  }
0x47: {  	v2 =	vld [tilespmem:s8+$0x0]  }
0x48: {  	v3 =	vld [tilespmem:s8+$0x1000]  }
0x49: {  	v4 =	vld [tilespmem:s8+$0x2000]  }
0x4a: {  	v5 =	vld [tilespmem:s8+$0x3000]  }
0x4b: {  	v6 =	vld [tilespmem:s8+$0x4000]  }
0x4c: {  	v7 =	vld [tilespmem:s8+$0x10];
	v1 =	vadd.f32 v1, v0  }
0x4d: {  	v8 =	vld [tilespmem:s8+$0x1010];
	v3 =	vadd.f32 v3, v2  }
0x4e: {  	v9 =	vld [tilespmem:s8+$0x2010];
	[tilespmem:s8+$0x8030] =	vst v1;
	v1 =	vadd.f32 v4, v2  }
0x4f: {  	v10 =	vld [tilespmem:s8+$0x3010];
	[tilespmem:s8+$0x5000] =	vst v3;
	v3 =	vadd.f32 v5, v2  }
0x50: {  	s26 =	smul.u32 $0xC, s3;
	v11 =	vld [tilespmem:s8+$0x4010];
	[tilespmem:s8+$0x6000] =	vst v1  }
0x51: {  	v2 =	vadd.f32 v6, v2;
	v4 =	vld [tilespmem:s8+$0x1020];
	[tilespmem:s8+$0x7000] =	vst v3  }
0x52: {  	v1 =	vld [tilespmem:s8+$0x20];
	v3 =	vadd.f32 v8, v7;
	[dreg:$0x1c] =	wrdreg s26  }
0x53: {  	s28 =	rddreg [dreg:$0x4];
	[tilespmem:s8+$0x8000] =	vst v2  }
0x54: {  	s30 =	smul.u32 $0x3, s3;
	v2 =	vld [tilespmem:s8+$0x2020];
	[tilespmem:s8+$0x5010] =	vst v3  }
0x55: {  	s29 =	sshll.u32 s3, $0x6;
	s0 =	sadd.s32 s28, s26;
	v3 =	vld [tilespmem:s8+$0x3020];
	[dreg:$0x1a] =	wrdreg s3  }
0x56: {  	s31 =	sand.u32 $0x40, s29;
	s0 =	sshll.u32 s0, $0x7;
	[dreg:$0x1b] =	wrdreg s30  }
0x57: {  	v5 =	vadd.f32 v9, v7;
	[dreg:$0x1d] =	wrdreg s31;
	s0 =	sand.u32 $0x1FFC00, s0  }
0x58: {  	v6 =	vadd.f32 v10, v7;
	[dreg:$0x1e] =	wrdreg s0  }
0x59: {  	s1 =	simm.s32 $0x0;
	v7 =	vadd.f32 v11, v7;
	[tilespmem:s8+$0x6010] =	vst v5;
	v5 =	vld [tilespmem:s8+$0x4020]  }
0x5a: {  	s2 =	simm.s32 $0x100;
	s3 =	simm.s32 $0x40;
	s0 =	smov.u32 s8;
	[tilespmem:s8+$0x7010] =	vst v6;
	v6 =	vld [tilespmem:s8+$0x1030]  }
.LBB2_3:
0x5b: {  	s4 =	sand.u32 $0x40, s3;
	s5 =	sand.u32 $0xE00, s2;
	[tilespmem:s0+$0x8010] =	vst v7;
	v4 =	vadd.f32 v4, v1;
	v7 =	vld [tilespmem:s0+$0x2030]  }
0x5c: {  	s1 =	sadd.s32 $0x4, s1;
	s4 =	sor.u32 s4, s5;
	v2 =	vadd.f32 v2, v1;
	v8 =	vld [tilespmem:s0+$0x3030]  }
0x5d: {  	p1 =	slt.u32 s1, $0x3C;
	v9 =	vld [tilespmem:s4+$0x30];
	[tilespmem:s0+$0x5020] =	vst v4;
	v3 =	vadd.f32 v3, v1  }
0x5e: {  	v4 =	vld [tilespmem:s4+$0x4030];
	[tilespmem:s0+$0x6020] =	vst v2;
	v1 =	vadd.f32 v5, v1  }
0x5f: {  	v2 =	vld [tilespmem:s4+$0x0];
	[tilespmem:s0+$0x7020] =	vst v3;
	v3 =	vadd.f32 v6, v0  }
0x60: {  	v5 =	vld [tilespmem:s4+$0x1000];
	[tilespmem:s0+$0x8020] =	vst v1;
	v1 =	vadd.f32 v7, v0  }
0x61: {  	v6 =	vld [tilespmem:s4+$0x2000];
	[tilespmem:s0+$0x5030] =	vst v3;
	v3 =	vadd.f32 v8, v0  }
0x62: {  	v7 =	vld [tilespmem:s4+$0x3000];
	[tilespmem:s0+$0x6030] =	vst v1;
	v0 =	vmov v9  }
0x63: {  	v1 =	vld [tilespmem:s4+$0x4000];
	v4 =	vadd.f32 v4, v0;
	[tilespmem:s0+$0x7030] =	vst v3;
	s0 =	smov.u32 s4  }
0x64: {  	v8 =	vld [tilespmem:s0+$0x10]  }
0x65: {  	v3 =	vadd.f32 v5, v2;
	v5 =	vld [tilespmem:s0+$0x1010];
	[tilespmem:s0+$0x8030] =	vst v4  }
0x66: {  	v4 =	vadd.f32 v6, v2;
	v6 =	vld [tilespmem:s0+$0x2010]  }
0x67: {  	[tilespmem:s0+$0x5000] =	vst v3;
	v3 =	vadd.f32 v7, v2;
	v7 =	vld [tilespmem:s0+$0x3010]  }
0x68: {  	[tilespmem:s0+$0x6000] =	vst v4;
	v2 =	vadd.f32 v1, v2;
	v9 =	vld [tilespmem:s0+$0x4010]  }
0x69: {  	[tilespmem:s0+$0x7000] =	vst v3;
	v1 =	vld [tilespmem:s0+$0x20]  }
.Ltmp0:
0x6a: {  	[tilespmem:s0+$0x8000] =	vst v2;
	v3 =	vadd.f32 v5, v8;
	v4 =	vld [tilespmem:s0+$0x1020];
	(pc) =	sbr.rel @p1 .LBB2_3-.Ltmp0, $4  }
0x6b: {  	v5 =	vadd.f32 v6, v8;
	v2 =	vld [tilespmem:s0+$0x2020]  }
0x6c: {  	[tilespmem:s0+$0x5010] =	vst v3;
	v6 =	vadd.f32 v7, v8;
	v3 =	vld [tilespmem:s0+$0x3020]  }
0x6d: {  	[tilespmem:s0+$0x6010] =	vst v5;
	v7 =	vadd.f32 v9, v8;
	v5 =	vld [tilespmem:s0+$0x4020]  }
0x6e: {  	s2 =	sadd.s32 $0x100, s2;
	s3 =	sadd.s32 $0x40, s3;
	[tilespmem:s0+$0x7010] =	vst v6;
	v6 =	vld [tilespmem:s0+$0x1030]  }
0x6f: {  	v4 =	vadd.f32 v4, v1;
	v8 =	vld [tilespmem:s0+$0x2030]  }
0x70: {  	[tilespmem:s0+$0x8010] =	vst v7;
	v7 =	vld [tilespmem:s0+$0x3030];
	v2 =	vadd.f32 v2, v1  }
0x71: {  	[tilespmem:s0+$0x5020] =	vst v4;
	v3 =	vadd.f32 v3, v1  }
0x72: {  	[tilespmem:s0+$0x6020] =	vst v2;
	v1 =	vadd.f32 v5, v1  }
0x73: {  	[tilespmem:s0+$0x7020] =	vst v3;
	v2 =	vadd.f32 v6, v0  }
0x74: {  	[tilespmem:s0+$0x8020] =	vst v1;
	v1 =	vadd.f32 v8, v0  }
0x75: {  	v0 =	vadd.f32 v7, v0;
	[tilespmem:s0+$0x5030] =	vst v2  }
0x76: {  	[tilespmem:s0+$0x6030] =	vst v1  }
0x77: {  	[tilespmem:s0+$0x7030] =	vst v0  }
0x78: {  	v0 =	vld [tilespmem:s8+$0xB0]  }
0x79: {  	v1 =	vld [tilespmem:s8+$0x40B0]  }
0x7a: {  	v2 =	vld [tilespmem:s8+$0x80]  }
0x7b: {  	v3 =	vld [tilespmem:s8+$0x1080]  }
0x7c: {  	v4 =	vld [tilespmem:s8+$0x2080]  }
0x7d: {  	v7 =	vld [tilespmem:s8+$0x90]  }
0x7e: {  	v10 =	vld [tilespmem:s8+$0x3090]  }
0x7f: {  	v5 =	vld [tilespmem:s8+$0x3080]  }
0x80: {  	v6 =	vld [tilespmem:s8+$0x4080]  }
0x81: {  	v1 =	vadd.f32 v1, v0  }
0x82: {  	v8 =	vld [tilespmem:s8+$0x1090];
	v3 =	vadd.f32 v3, v2  }
0x83: {  	v9 =	vld [tilespmem:s8+$0x2090];
	v63 =	vadd.f32 v10, v7;
	[tilespmem:s8+$0x80B0] =	vst v1  }
0x84: {  	v1 =	vadd.f32 v4, v2;
	[tilespmem:s8+$0x5080] =	vst v3;
	v3 =	vadd.f32 v5, v2;
	v5 =	vld [tilespmem:s8+$0x4090]  }
0x85: {  	v2 =	vadd.f32 v6, v2;
	v6 =	vld [tilespmem:s8+$0x10A0];
	[tilespmem:s8+$0x7090] =	vst v63  }
0x86: {  	[tilespmem:s8+$0x6080] =	vst v1;
	v1 =	vld [tilespmem:s8+$0xA0]  }
0x87: {  	v4 =	vld [tilespmem:s8+$0x20A0];
	[tilespmem:s8+$0x7080] =	vst v3;
	v3 =	vadd.f32 v8, v7  }
0x88: {  	[tilespmem:s8+$0x8080] =	vst v2;
	v8 =	vadd.f32 v9, v7;
	v2 =	vld [tilespmem:s8+$0x30A0]  }
0x89: {  	p1 =	por $0x0, $0x0;
	[tilespmem:s8+$0x5090] =	vst v3;
	v3 =	vld [tilespmem:s8+$0x40A0];
	v7 =	vadd.f32 v5, v7  }
0x8a: {  	s1 =	simm.s32 $0x100;
	s2 =	simm.s32 $0x40;
	s0 =	simm.s32 $0x0;
	[tilespmem:s8+$0x6090] =	vst v8;
	v5 =	vld [tilespmem:s8+$0x10B0]  }
.LBB2_5:
0x8b: {  	s3 =	sand.u32 $0x40, s2;
	s4 =	sand.u32 $0xE00, s1;
	[tilespmem:s8+$0x8090] =	vst v7;
	v6 =	vadd.f32 v6, v1;
	v7 =	vld [tilespmem:s8+$0x20B0]  }
0x8c: {  	s0 =	sadd.s32 $0x4, s0;
	s3 =	sor.u32 s3, s4;
	v4 =	vadd.f32 v4, v1;
	v8 =	vld [tilespmem:s8+$0x30B0]  }
0x8d: {  	p2 =	slt.u32 s0, $0x3C;
	v9 =	vld [tilespmem:s3+$0xB0];
	[tilespmem:s8+$0x50A0] =	vst v6;
	v2 =	vadd.f32 v2, v1  }
0x8e: {  	v6 =	vld [tilespmem:s3+$0x40B0];
	[tilespmem:s8+$0x60A0] =	vst v4;
	v1 =	vadd.f32 v3, v1  }
0x8f: {  	v3 =	vld [tilespmem:s3+$0x80];
	[tilespmem:s8+$0x70A0] =	vst v2;
	v2 =	vadd.f32 v5, v0  }
0x90: {  	v4 =	vld [tilespmem:s3+$0x1080];
	[tilespmem:s8+$0x80A0] =	vst v1;
	v1 =	vadd.f32 v7, v0  }
0x91: {  	v5 =	vld [tilespmem:s3+$0x2080];
	[tilespmem:s8+$0x50B0] =	vst v2;
	v2 =	vadd.f32 v8, v0  }
0x92: {  	v7 =	vld [tilespmem:s3+$0x3080];
	[tilespmem:s8+$0x60B0] =	vst v1;
	v0 =	vmov v9  }
0x93: {  	v1 =	vld [tilespmem:s3+$0x4080];
	v6 =	vadd.f32 v6, v0;
	[tilespmem:s8+$0x70B0] =	vst v2;
	s8 =	smov.u32 s3  }
0x94: {  	v8 =	vld [tilespmem:s8+$0x90]  }
0x95: {  	v2 =	vadd.f32 v4, v3;
	v4 =	vld [tilespmem:s8+$0x1090];
	[tilespmem:s8+$0x80B0] =	vst v6  }
0x96: {  	v5 =	vadd.f32 v5, v3;
	v9 =	vld [tilespmem:s8+$0x2090]  }
0x97: {  	[tilespmem:s8+$0x5080] =	vst v2;
	v2 =	vadd.f32 v7, v3;
	v7 =	vld [tilespmem:s8+$0x3090]  }
0x98: {  	[tilespmem:s8+$0x6080] =	vst v5;
	v3 =	vadd.f32 v1, v3;
	v5 =	vld [tilespmem:s8+$0x4090]  }
0x99: {  	[tilespmem:s8+$0x7080] =	vst v2;
	v1 =	vld [tilespmem:s8+$0xA0]  }
.Ltmp1:
0x9a: {  	[tilespmem:s8+$0x8080] =	vst v3;
	v2 =	vadd.f32 v4, v8;
	v6 =	vld [tilespmem:s8+$0x10A0];
	(pc) =	sbr.rel @p2 .LBB2_5-.Ltmp1, $4  }
0x9b: {  	v3 =	vadd.f32 v9, v8;
	v4 =	vld [tilespmem:s8+$0x20A0]  }
0x9c: {  	[tilespmem:s8+$0x5090] =	vst v2;
	v9 =	vadd.f32 v7, v8;
	v2 =	vld [tilespmem:s8+$0x30A0]  }
0x9d: {  	[tilespmem:s8+$0x6090] =	vst v3;
	v7 =	vadd.f32 v5, v8;
	v3 =	vld [tilespmem:s8+$0x40A0]  }
0x9e: {  	s1 =	sadd.s32 $0x100, s1;
	s2 =	sadd.s32 $0x40, s2;
	[tilespmem:s8+$0x7090] =	vst v9;
	v5 =	vld [tilespmem:s8+$0x10B0]  }
0x9f: {  	v6 =	vadd.f32 v6, v1;
	v8 =	vld [tilespmem:s8+$0x20B0]  }
0xa0: {  	[tilespmem:s8+$0x8090] =	vst v7;
	v7 =	vld [tilespmem:s8+$0x30B0];
	v4 =	vadd.f32 v4, v1  }
0xa1: {  	[tilespmem:s8+$0x50A0] =	vst v6;
	v2 =	vadd.f32 v2, v1  }
0xa2: {  	[tilespmem:s8+$0x60A0] =	vst v4;
	v1 =	vadd.f32 v3, v1  }
0xa3: {  	s0 =	simm.s32 $0x1;
	[tilespmem:s8+$0x70A0] =	vst v2;
	v2 =	vadd.f32 v5, v0  }
0xa4: {  	s0 =	simm.s32 @!p1 $0x0;
	[tilespmem:s8+$0x80A0] =	vst v1;
	v1 =	vadd.f32 v8, v0  }
0xa5: {  	s0 =	sshll.u32 s0, $0x6;
	v0 =	vadd.f32 v7, v0;
	[tilespmem:s8+$0x50B0] =	vst v2  }
0xa6: {  	s11 =	sadd.s32 $0x0, s0;
	[tilespmem:s8+$0x60B0] =	vst v1  }
0xa7: {  	s0 =	sor.u32 $0x130, s11;
	[tilespmem:s8+$0x70B0] =	vst v0  }
0xa8: {  	v5 =	vld [tilespmem:s0+$0x0]  }
0xa9: {  	s1 =	sor.u32 $0x100, s11;
	v0 =	vld [tilespmem:s0+$0x1000]  }
0xaa: {  	v7 =	vld [tilespmem:s1+$0x0]  }
0xab: {  	s2 =	sor.u32 $0x110, s11;
	v1 =	vld [tilespmem:s1+$0x1000]  }
0xac: {  	v8 =	vld [tilespmem:s2+$0x0]  }
0xad: {  	v2 =	vld [tilespmem:s2+$0x1000];
	_ =	sdelay $0x1  }
0xae: {  	s3 =	sor.u32 $0x120, s11  }
0xaf: {  	v4 =	vld [tilespmem:s3+$0x1000];
	v1 =	vadd.f32 v1, v7  }
0xb0: {  	v3 =	vadd.f32 v0, v5;
	v0 =	vld [tilespmem:s3+$0x0]  }
0xb1: {  	p1 =	por !p1, !p1;
	v2 =	vadd.f32 v2, v8;
	[tilespmem:s1+$0x5000] =	vst v1;
	s1 =	simm.s32 $0x1  }
0xb2: {  	s12 =	sor.u32 $0x1130, s11;
	[tilespmem:s0+$0x5000] =	vst v3;
	s1 =	simm.s32 @!p1 $0x0  }
0xb3: {  	s5 =	sor.u32 $0x1110, s11;
	[tilespmem:s2+$0x5000] =	vst v2;
	v3 =	vld [tilespmem:s12+$0x1000];
	s1 =	sshll.u32 s1, $0x6  }
0xb4: {  	s4 =	sor.u32 $0x1100, s11;
	v6 =	vld [tilespmem:s5+$0x1000];
	s16 =	sadd.s32 $0x100, s1  }
0xb5: {  	v1 =	vadd.f32 v4, v0;
	v4 =	vld [tilespmem:s4+$0x1000];
	s1 =	sor.u32 $0x130, s16  }
0xb6: {  	s15 =	sor.u32 $0x100, s16;
	v11 =	vld [tilespmem:s1+$0x0]  }
0xb7: {  	s17 =	sor.u32 $0x110, s16;
	v12 =	vld [tilespmem:s15+$0x1000]  }
0xb8: {  	s13 =	sor.u32 $0x1120, s11;
	[tilespmem:s3+$0x5000] =	vst v1;
	v14 =	vld [tilespmem:s17+$0x1000]  }
0xb9: {  	v2 =	vadd.f32 v3, v5;
	v9 =	vld [tilespmem:s13+$0x1000]  }
0xba: {  	v1 =	vadd.f32 v4, v7;
	v4 =	vld [tilespmem:s1+$0x1000]  }
0xbb: {  	s14 =	sor.u32 $0x2130, s11;
	v3 =	vld [tilespmem:s15+$0x0];
	[tilespmem:s12+$0x5000] =	vst v2  }
0xbc: {  	s7 =	sor.u32 $0x120, s16;
	v10 =	vld [tilespmem:s14+$0x1000]  }
0xbd: {  	s6 =	sor.u32 $0x2100, s11;
	v15 =	vld [tilespmem:s7+$0x1000];
	[tilespmem:s4+$0x5000] =	vst v1  }
0xbe: {  	v6 =	vadd.f32 v6, v8;
	v13 =	vld [tilespmem:s6+$0x1000]  }
0xbf: {  	v2 =	vld [tilespmem:s17+$0x0];
	v4 =	vadd.f32 v4, v11  }
0xc0: {  	s10 =	sor.u32 $0x2110, s11;
	[tilespmem:s5+$0x5000] =	vst v6;
	v1 =	vld [tilespmem:s7+$0x0];
	v12 =	vadd.f32 v12, v3  }
0xc1: {  	s18 =	sor.u32 $0x1130, s16;
	v9 =	vadd.f32 v9, v0;
	[tilespmem:s1+$0x5000] =	vst v4;
	v4 =	vadd.f32 v10, v5;
	v10 =	vld [tilespmem:s10+$0x1000]  }
0xc2: {  	[tilespmem:s15+$0x5000] =	vst v12;
	v6 =	vld [tilespmem:s18+$0x1000]  }
0xc3: {  	s19 =	sor.u32 $0x1100, s16;
	[tilespmem:s13+$0x5000] =	vst v9;
	v12 =	vadd.f32 v13, v7  }
0xc4: {  	s20 =	sor.u32 $0x3130, s11;
	v13 =	vadd.f32 v14, v2;
	[tilespmem:s14+$0x5000] =	vst v4;
	v4 =	vld [tilespmem:s19+$0x1000]  }
0xc5: {  	s21 =	sor.u32 $0x2120, s11;
	v14 =	vadd.f32 v15, v1;
	v9 =	vld [tilespmem:s20+$0x1000];
	[tilespmem:s6+$0x5000] =	vst v12  }
0xc6: {  	s22 =	sor.u32 $0x3100, s11;
	v12 =	vld [tilespmem:s21+$0x1000];
	[tilespmem:s17+$0x5000] =	vst v13;
	v10 =	vadd.f32 v10, v8  }
0xc7: {  	p1 =	por !p1, !p1;
	s23 =	sor.u32 $0x1110, s16;
	[tilespmem:s7+$0x5000] =	vst v14;
	s7 =	simm.s32 $0x1;
	v13 =	vld [tilespmem:s22+$0x1000];
	v6 =	vadd.f32 v6, v11  }
0xc8: {  	s25 =	sor.u32 $0x1120, s16;
	v15 =	vld [tilespmem:s23+$0x1000];
	s7 =	simm.s32 @!p1 $0x0;
	[tilespmem:s10+$0x5000] =	vst v10  }
0xc9: {  	s26 =	sor.u32 $0x2130, s16;
	v14 =	vld [tilespmem:s25+$0x1000];
	s7 =	sshll.u32 s7, $0x6;
	[tilespmem:s18+$0x5000] =	vst v6  }
0xca: {  	s12 =	sor.u32 $0x3110, s11;
	v4 =	vadd.f32 v4, v3;
	s10 =	sadd.s32 $0x200, s7;
	v16 =	vld [tilespmem:s26+$0x1000];
	[smem:$0x7FD] =	sst s7  }
0xcb: {  	s28 =	sor.u32 $0x130, s10;
	v10 =	vld [tilespmem:s12+$0x1000]  }
0xcc: {  	[tilespmem:s19+$0x5000] =	vst v4;
	v4 =	vld [tilespmem:s28+$0x0]  }
0xcd: {  	v5 =	vadd.f32 v9, v5;
	s7 =	sor.u32 $0x100, s10;
	v9 =	vld [tilespmem:s28+$0x1000]  }
0xce: {  	v6 =	vld [tilespmem:s7+$0x0]  }
0xcf: {  	v12 =	vadd.f32 v12, v0;
	s29 =	sor.u32 $0x110, s10;
	v18 =	vld [tilespmem:s7+$0x1000]  }
0xd0: {  	v7 =	vadd.f32 v13, v7;
	[tilespmem:s20+$0x5000] =	vst v5;
	v5 =	vld [tilespmem:s29+$0x0]  }
0xd1: {  	s13 =	sor.u32 $0x2100, s16;
	[tilespmem:s21+$0x5000] =	vst v12;
	v63 =	vld [tilespmem:s29+$0x1000];
	v16 =	vadd.f32 v16, v11  }
0xd2: {  	s24 =	sor.u32 $0x120, s10;
	v13 =	vadd.f32 v15, v2;
	v17 =	vld [tilespmem:s13+$0x1000];
	[tilespmem:s22+$0x5000] =	vst v7  }
0xd3: {  	s18 =	sor.u32 $0x3130, s16;
	v7 =	vld [tilespmem:s24+$0x0];
	v9 =	vadd.f32 v9, v4;
	[tilespmem:s26+$0x5000] =	vst v16  }
0xd4: {  	[tilespmem:s23+$0x5000] =	vst v13;
	v13 =	vadd.f32 v18, v6;
	v15 =	vld [tilespmem:s18+$0x1000]  }
0xd5: {  	s1 =	sor.u32 $0x2110, s16;
	v12 =	vadd.f32 v14, v1;
	[tilespmem:s28+$0x5000] =	vst v9;
	v9 =	vld [tilespmem:s24+$0x1000]  }
0xd6: {  	s19 =	sor.u32 $0x1130, s10;
	v8 =	vadd.f32 v10, v8;
	[tilespmem:s7+$0x5000] =	vst v13;
	v13 =	vld [tilespmem:s1+$0x1000]  }
0xd7: {  	s2 =	simm.s32 $0x200;
	s6 =	sor.u32 $0x1100, s10;
	[tilespmem:s25+$0x5000] =	vst v12;
	v10 =	vadd.f32 v17, v3;
	v14 =	vld [tilespmem:s19+$0x1000]  }
0xd8: {  	p2 =	por !p1, !p1;
	s5 =	sor.u32 $0x3110, s16;
	s7 =	sor.u32 $0x2120, s16;
	[tilespmem:s12+$0x5000] =	vst v8;
	v8 =	vadd.f32 v63, v5;
	v12 =	vld [tilespmem:s6+$0x1000]  }
0xd9: {  	s15 =	simm.s32 $0x8;
	s4 =	sor.u32 $0x1110, s10;
	s23 =	sor.u32 $0x3100, s16;
	[tilespmem:s13+$0x5000] =	vst v10;
	v10 =	vld [tilespmem:s7+$0x1000];
	v11 =	vadd.f32 v15, v11  }
0xda: {  	s14 =	sor.u32 $0x2110, s10;
	s3 =	sor.u32 $0x1120, s10;
	s0 =	sor.u32 $0x3100, s10;
	[tilespmem:s29+$0x5000] =	vst v8;
	v8 =	vld [tilespmem:s23+$0x1000];
	v9 =	vadd.f32 v9, v7  }
0xdb: {  	s30 =	sor.u32 $0x3110, s10;
	s31 =	sor.u32 $0x3120, s10;
	s20 =	sor.u32 $0x3120, s11;
	[tilespmem:s18+$0x5000] =	vst v11;
	v11 =	vld [tilespmem:s4+$0x1000]  }
0xdc: {  	s21 =	sor.u32 $0x2100, s10;
	s22 =	sor.u32 $0x2120, s10;
	s12 =	sor.u32 $0x3120, s16;
	v13 =	vadd.f32 v13, v2;
	v14 =	vadd.f32 v14, v4;
	[tilespmem:s24+$0x5000] =	vst v9;
	v9 =	vld [tilespmem:s20+$0x1000]  }
.LBB2_7:
0xdd: {  	s13 =	simm.s32 $0x1  }
0xde: {  	v12 =	vadd.f32 v12, v6;
	v15 =	vld [tilespmem:s3+$0x1000];
	[tilespmem:s19+$0x5000] =	vst v14;
	s25 =	sor.u32 $0x2130, s10;
	s13 =	simm.s32 @!p2 $0x0  }
0xdf: {  	s15 =	sadd.s32 $0x4, s15;
	s2 =	sadd.s32 $0x100, s2;
	v10 =	vadd.f32 v10, v1;
	s13 =	sshll.u32 s13, $0x6;
	v14 =	vld [tilespmem:s25+$0x1000];
	[tilespmem:s1+$0x5000] =	vst v13  }
0xe0: {  	p3 =	slt.u32 s15, $0x3C;
	v8 =	vadd.f32 v8, v3;
	v3 =	vmov v6;
	s1 =	smov.u32 s14;
	s26 =	sadd.s32 s13, s2;
	[tilespmem:s6+$0x5000] =	vst v12;
	v12 =	vld [tilespmem:s5+$0x1000]  }
0xe1: {  	v6 =	vadd.f32 v11, v5;
	s18 =	sor.u32 $0x100, s26;
	s24 =	sor.u32 $0x110, s26;
	s19 =	sor.u32 $0x130, s26;
	v13 =	vld [tilespmem:s21+$0x1000];
	[tilespmem:s7+$0x5000] =	vst v10  }
0xe2: {  	s6 =	sor.u32 $0x1100, s26;
	s7 =	sor.u32 $0x1110, s26;
	s13 =	sor.u32 $0x120, s26;
	v10 =	vld [tilespmem:s19+$0x0];
	[tilespmem:s23+$0x5000] =	vst v8;
	v8 =	vadd.f32 v9, v0;
	v0 =	vmov v1;
	v1 =	vmov v7  }
0xe3: {  	s9 =	sor.u32 $0x2100, s26;
	s14 =	sor.u32 $0x2110, s26;
	s23 =	sor.u32 $0x1120, s26;
	v7 =	vld [tilespmem:s19+$0x1000];
	[tilespmem:s4+$0x5000] =	vst v6;
	v9 =	vadd.f32 v15, v1  }
0xe4: {  	s28 =	sor.u32 $0x3100, s26;
	s29 =	sor.u32 $0x3110, s26;
	s17 =	sor.u32 $0x2120, s26;
	v6 =	vld [tilespmem:s18+$0x0];
	v11 =	vadd.f32 v14, v4;
	[tilespmem:s20+$0x5000] =	vst v8  }
0xe5: {  	s8 =	sor.u32 $0x3120, s26;
	s4 =	smov.u32 s7;
	v8 =	vld [tilespmem:s18+$0x1000];
	[tilespmem:s3+$0x5000] =	vst v9;
	v9 =	vadd.f32 v12, v2;
	v2 =	vmov v5;
	s3 =	smov.u32 s23  }
0xe6: {  	s23 =	smov.u32 s0;
	v5 =	vld [tilespmem:s24+$0x0];
	v12 =	vadd.f32 v13, v3;
	[tilespmem:s25+$0x5000] =	vst v11;
	s25 =	sor.u32 $0x3130, s10;
	s10 =	smov.u32 s26  }
0xe7: {  	s0 =	smov.u32 s28;
	v11 =	vld [tilespmem:s25+$0x1000];
	[tilespmem:s5+$0x5000] =	vst v9;
	s5 =	smov.u32 s30;
	s30 =	smov.u32 s29  }
0xe8: {  	s7 =	smov.u32 s22;
	s22 =	smov.u32 s17;
	v9 =	vld [tilespmem:s24+$0x1000];
	v13 =	vadd.f32 v7, v10;
	[tilespmem:s21+$0x5000] =	vst v12;
	s21 =	smov.u32 s9  }
0xe9: {  	s20 =	smov.u32 s12;
	s12 =	smov.u32 s31;
	s31 =	smov.u32 s8;
	v7 =	vld [tilespmem:s13+$0x0]  }
0xea: {  	v8 =	vadd.f32 v8, v6;
	v14 =	vld [tilespmem:s13+$0x1000];
	[tilespmem:s19+$0x5000] =	vst v13;
	s19 =	sor.u32 $0x1130, s10  }
0xeb: {  	v13 =	vld [tilespmem:s19+$0x1000]  }
0xec: {  	[tilespmem:s18+$0x5000] =	vst v8;
	v15 =	vld [tilespmem:s1+$0x1000];
	v8 =	vadd.f32 v11, v4;
	v4 =	vmov v10  }
.Ltmp2:
0xed: {  	v12 =	vld [tilespmem:s6+$0x1000];
	v9 =	vadd.f32 v9, v5;
	(pc) =	sbr.rel @p3 .LBB2_7-.Ltmp2, $4  }
0xee: {  	v10 =	vld [tilespmem:s7+$0x1000];
	[tilespmem:s25+$0x5000] =	vst v8  }
0xef: {  	[tilespmem:s24+$0x5000] =	vst v9;
	v9 =	vadd.f32 v14, v7;
	v8 =	vld [tilespmem:s23+$0x1000]  }
0xf0: {  	v11 =	vld [tilespmem:s4+$0x1000];
	v14 =	vadd.f32 v13, v4  }
0xf1: {  	p2 =	por !p2, !p2;
	[tilespmem:s13+$0x5000] =	vst v9;
	v13 =	vadd.f32 v15, v2;
	v9 =	vld [tilespmem:s20+$0x1000]  }
0xf2: {  	v15 =	vld [tilespmem:s3+$0x1000];
	_ =	sdelay $0x1  }
0xf3: {  	v12 =	vadd.f32 v12, v6  }
0xf4: {  	[tilespmem:s19+$0x5000] =	vst v14;
	s2 =	sor.u32 $0x2130, s10  }
0xf5: {  	[tilespmem:s6+$0x5000] =	vst v12;
	v12 =	vld [tilespmem:s2+$0x1000];
	v11 =	vadd.f32 v11, v5  }
0xf6: {  	v14 =	vld [tilespmem:s21+$0x1000];
	v15 =	vadd.f32 v15, v7  }
0xf7: {  	[tilespmem:s4+$0x5000] =	vst v11  }
0xf8: {  	v11 =	vld [tilespmem:s14+$0x1000];
	[tilespmem:s3+$0x5000] =	vst v15  }
0xf9: {  	v15 =	vld [tilespmem:s22+$0x1000]  }
0xfa: {  	v12 =	vadd.f32 v12, v4  }
0xfb: {  	[tilespmem:s1+$0x5000] =	vst v13;
	v13 =	vadd.f32 v14, v6  }
0xfc: {  	s29 =	sor.u32 $0x3130, s10;
	v10 =	vadd.f32 v10, v1;
	v14 =	vld [tilespmem:s5+$0x1000];
	[tilespmem:s2+$0x5000] =	vst v12  }
0xfd: {  	v12 =	vld [tilespmem:s29+$0x1000];
	[tilespmem:s21+$0x5000] =	vst v13;
	v11 =	vadd.f32 v11, v5  }
0xfe: {  	[tilespmem:s7+$0x5000] =	vst v10;
	v10 =	vld [tilespmem:s0+$0x1000];
	v13 =	vadd.f32 v15, v7  }
0xff: {  	v3 =	vadd.f32 v8, v3;
	v8 =	vld [tilespmem:s12+$0x1000];
	[tilespmem:s14+$0x5000] =	vst v11  }
0x100: {  	v0 =	vadd.f32 v9, v0;
	v9 =	vld [tilespmem:s30+$0x1000];
	[tilespmem:s22+$0x5000] =	vst v13  }
0x101: {  	[tilespmem:s23+$0x5000] =	vst v3;
	v2 =	vadd.f32 v14, v2;
	v3 =	vld [tilespmem:s31+$0x1000]  }
0x102: {  	[tilespmem:s20+$0x5000] =	vst v0;
	v0 =	vadd.f32 v12, v4  }
0x103: {  	[tilespmem:s5+$0x5000] =	vst v2;
	v2 =	vadd.f32 v10, v6  }
0x104: {  	[tilespmem:s29+$0x5000] =	vst v0;
	v0 =	vadd.f32 v8, v1  }
0x105: {  	[tilespmem:s0+$0x5000] =	vst v2;
	v1 =	vadd.f32 v9, v5  }
0x106: {  	[tilespmem:s12+$0x5000] =	vst v0;
	v0 =	vadd.f32 v3, v7  }
0x107: {  	[tilespmem:s30+$0x5000] =	vst v1  }
0x108: {  	s1 =	sor.u32 $0x1B0, s11;
	[tilespmem:s31+$0x5000] =	vst v0  }
0x109: {  	v5 =	vld [tilespmem:s1+$0x0]  }
0x10a: {  	s2 =	sor.u32 $0x180, s11;
	v0 =	vld [tilespmem:s1+$0x1000]  }
0x10b: {  	v7 =	vld [tilespmem:s2+$0x0]  }
0x10c: {  	s3 =	sor.u32 $0x190, s11;
	v1 =	vld [tilespmem:s2+$0x1000]  }
0x10d: {  	v8 =	vld [tilespmem:s3+$0x0]  }
0x10e: {  	s4 =	sor.u32 $0x1A0, s11;
	v2 =	vld [tilespmem:s3+$0x1000]  }
0x10f: {  	v4 =	vld [tilespmem:s4+$0x1000]  }
0x110: {  	v3 =	vadd.f32 v0, v5;
	v0 =	vld [tilespmem:s4+$0x0];
	_ =	sdelay $0x1  }
0x111: {  	s12 =	sor.u32 $0x1B0, s16;
	v1 =	vadd.f32 v1, v7  }
0x112: {  	s5 =	sor.u32 $0x11B0, s11;
	v11 =	vld [tilespmem:s12+$0x0];
	[tilespmem:s1+$0x5000] =	vst v3  }
0x113: {  	s6 =	sor.u32 $0x1180, s11;
	[tilespmem:s2+$0x5000] =	vst v1;
	v3 =	vld [tilespmem:s5+$0x1000]  }
0x114: {  	s13 =	sor.u32 $0x180, s16;
	v2 =	vadd.f32 v2, v8;
	v1 =	vadd.f32 v4, v0;
	v4 =	vld [tilespmem:s6+$0x1000]  }
0x115: {  	s15 =	sor.u32 $0x190, s16;
	v12 =	vld [tilespmem:s13+$0x1000]  }
0x116: {  	s7 =	sor.u32 $0x1190, s11;
	v14 =	vld [tilespmem:s15+$0x1000];
	[tilespmem:s3+$0x5000] =	vst v2  }
0x117: {  	s9 =	sor.u32 $0x11A0, s11;
	v6 =	vld [tilespmem:s7+$0x1000];
	[tilespmem:s4+$0x5000] =	vst v1  }
0x118: {  	v2 =	vadd.f32 v3, v5;
	v9 =	vld [tilespmem:s9+$0x1000]  }
0x119: {  	v1 =	vadd.f32 v4, v7;
	v4 =	vld [tilespmem:s12+$0x1000]  }
0x11a: {  	s10 =	sor.u32 $0x21B0, s11;
	v3 =	vld [tilespmem:s13+$0x0];
	[tilespmem:s5+$0x5000] =	vst v2  }
0x11b: {  	s17 =	sor.u32 $0x1A0, s16;
	v10 =	vld [tilespmem:s10+$0x1000]  }
0x11c: {  	s14 =	sor.u32 $0x2180, s11;
	v15 =	vld [tilespmem:s17+$0x1000];
	[tilespmem:s6+$0x5000] =	vst v1  }
0x11d: {  	v6 =	vadd.f32 v6, v8;
	v13 =	vld [tilespmem:s14+$0x1000]  }
0x11e: {  	v2 =	vld [tilespmem:s15+$0x0];
	v4 =	vadd.f32 v4, v11  }
0x11f: {  	s8 =	sor.u32 $0x2190, s11;
	[tilespmem:s7+$0x5000] =	vst v6;
	v1 =	vld [tilespmem:s17+$0x0];
	v12 =	vadd.f32 v12, v3  }
0x120: {  	s18 =	sor.u32 $0x11B0, s16;
	v9 =	vadd.f32 v9, v0;
	[tilespmem:s12+$0x5000] =	vst v4;
	v4 =	vadd.f32 v10, v5;
	v10 =	vld [tilespmem:s8+$0x1000]  }
0x121: {  	[tilespmem:s13+$0x5000] =	vst v12;
	v6 =	vld [tilespmem:s18+$0x1000]  }
0x122: {  	[tilespmem:s9+$0x5000] =	vst v9;
	v12 =	vadd.f32 v13, v7  }
0x123: {  	v13 =	vadd.f32 v14, v2;
	[tilespmem:s10+$0x5000] =	vst v4  }
0x124: {  	v14 =	vadd.f32 v15, v1;
	[tilespmem:s14+$0x5000] =	vst v12  }
0x125: {  	s19 =	sor.u32 $0x1180, s16;
	[tilespmem:s15+$0x5000] =	vst v13;
	v10 =	vadd.f32 v10, v8  }
0x126: {  	s20 =	sor.u32 $0x31B0, s11;
	v4 =	vld [tilespmem:s19+$0x1000];
	[tilespmem:s17+$0x5000] =	vst v14;
	v6 =	vadd.f32 v6, v11  }
0x127: {  	s21 =	sor.u32 $0x21A0, s11;
	v9 =	vld [tilespmem:s20+$0x1000];
	[tilespmem:s8+$0x5000] =	vst v10  }
0x128: {  	s22 =	sor.u32 $0x3180, s11;
	v12 =	vld [tilespmem:s21+$0x1000];
	[tilespmem:s18+$0x5000] =	vst v6  }
0x129: {  	s23 =	sor.u32 $0x1190, s16;
	v13 =	vld [tilespmem:s22+$0x1000];
	s8 =	sld [smem:$0x7FD]  }
0x12a: {  	s24 =	sor.u32 $0x11A0, s16;
	v15 =	vld [tilespmem:s23+$0x1000]  }
0x12b: {  	s26 =	sor.u32 $0x3190, s11;
	v14 =	vld [tilespmem:s24+$0x1000]  }
0x12c: {  	s25 =	sor.u32 $0x21B0, s16;
	v4 =	vadd.f32 v4, v3;
	v10 =	vld [tilespmem:s26+$0x1000];
	s8 =	sadd.s32 $0x200, s8  }
0x12d: {  	v16 =	vld [tilespmem:s25+$0x1000];
	s28 =	sor.u32 $0x1B0, s8  }
0x12e: {  	[tilespmem:s19+$0x5000] =	vst v4;
	v4 =	vld [tilespmem:s28+$0x0]  }
0x12f: {  	v5 =	vadd.f32 v9, v5;
	s29 =	sor.u32 $0x180, s8;
	v9 =	vld [tilespmem:s28+$0x1000]  }
0x130: {  	v12 =	vadd.f32 v12, v0;
	v6 =	vld [tilespmem:s29+$0x0]  }
0x131: {  	s9 =	sor.u32 $0x2180, s16;
	v7 =	vadd.f32 v13, v7;
	[tilespmem:s20+$0x5000] =	vst v5;
	v18 =	vld [tilespmem:s29+$0x1000]  }
0x132: {  	v13 =	vadd.f32 v15, v2;
	v17 =	vld [tilespmem:s9+$0x1000];
	[tilespmem:s21+$0x5000] =	vst v12;
	s30 =	sor.u32 $0x190, s8  }
0x133: {  	[tilespmem:s22+$0x5000] =	vst v7;
	v16 =	vadd.f32 v16, v11;
	v5 =	vld [tilespmem:s30+$0x0]  }
0x134: {  	v12 =	vadd.f32 v14, v1;
	[tilespmem:s23+$0x5000] =	vst v13;
	s13 =	sor.u32 $0x1A0, s8;
	v63 =	vld [tilespmem:s30+$0x1000]  }
0x135: {  	s31 =	sor.u32 $0x31B0, s16;
	v7 =	vld [tilespmem:s13+$0x0];
	[tilespmem:s25+$0x5000] =	vst v16;
	v9 =	vadd.f32 v9, v4  }
0x136: {  	[tilespmem:s24+$0x5000] =	vst v12;
	v15 =	vld [tilespmem:s31+$0x1000];
	v13 =	vadd.f32 v18, v6  }
0x137: {  	s1 =	sor.u32 $0x2190, s16;
	v8 =	vadd.f32 v10, v8;
	[tilespmem:s28+$0x5000] =	vst v9;
	v9 =	vld [tilespmem:s13+$0x1000]  }
0x138: {  	s19 =	sor.u32 $0x11B0, s8;
	v10 =	vadd.f32 v17, v3;
	[tilespmem:s29+$0x5000] =	vst v13;
	v13 =	vld [tilespmem:s1+$0x1000]  }
0x139: {  	p1 =	por !p1, !p1;
	s4 =	sor.u32 $0x21A0, s16;
	[tilespmem:s26+$0x5000] =	vst v8;
	v14 =	vld [tilespmem:s19+$0x1000]  }
0x13a: {  	s5 =	sor.u32 $0x3190, s16;
	s10 =	sor.u32 $0x31A0, s16;
	s6 =	sor.u32 $0x1180, s8;
	[tilespmem:s9+$0x5000] =	vst v10;
	v10 =	vld [tilespmem:s4+$0x1000];
	v8 =	vadd.f32 v63, v5  }
0x13b: {  	s15 =	simm.s32 $0x8;
	s20 =	sor.u32 $0x31A0, s11;
	s22 =	sor.u32 $0x3180, s16;
	v12 =	vld [tilespmem:s6+$0x1000];
	v11 =	vadd.f32 v15, v11  }
0x13c: {  	s23 =	simm.s32 $0x200;
	s3 =	sor.u32 $0x1190, s8;
	s16 =	sor.u32 $0x2180, s8;
	[tilespmem:s30+$0x5000] =	vst v8;
	v8 =	vld [tilespmem:s22+$0x1000];
	v9 =	vadd.f32 v9, v7  }
0x13d: {  	s14 =	sor.u32 $0x2190, s8;
	s2 =	sor.u32 $0x11A0, s8;
	s0 =	sor.u32 $0x3180, s8;
	[tilespmem:s31+$0x5000] =	vst v11;
	v11 =	vld [tilespmem:s3+$0x1000]  }
0x13e: {  	s11 =	sor.u32 $0x3190, s8;
	s21 =	sor.u32 $0x21A0, s8;
	s12 =	sor.u32 $0x31A0, s8;
	v13 =	vadd.f32 v13, v2;
	v14 =	vadd.f32 v14, v4;
	[tilespmem:s13+$0x5000] =	vst v9;
	v9 =	vld [tilespmem:s20+$0x1000]  }
.LBB2_9:
0x13f: {  	s7 =	simm.s32 $0x1  }
0x140: {  	v12 =	vadd.f32 v12, v6;
	v15 =	vld [tilespmem:s2+$0x1000];
	[tilespmem:s19+$0x5000] =	vst v14;
	s9 =	sor.u32 $0x21B0, s8;
	s7 =	simm.s32 @!p1 $0x0  }
0x141: {  	s15 =	sadd.s32 $0x4, s15;
	s23 =	sadd.s32 $0x100, s23;
	v10 =	vadd.f32 v10, v1;
	s7 =	sshll.u32 s7, $0x6;
	v14 =	vld [tilespmem:s9+$0x1000];
	[tilespmem:s1+$0x5000] =	vst v13  }
0x142: {  	p2 =	slt.u32 s15, $0x3C;
	v8 =	vadd.f32 v8, v3;
	v3 =	vmov v6;
	s1 =	smov.u32 s14;
	s17 =	sadd.s32 s7, s23;
	[tilespmem:s6+$0x5000] =	vst v12;
	v12 =	vld [tilespmem:s5+$0x1000]  }
0x143: {  	v6 =	vadd.f32 v11, v5;
	s18 =	sor.u32 $0x180, s17;
	s7 =	sor.u32 $0x190, s17;
	s19 =	sor.u32 $0x1B0, s17;
	v13 =	vld [tilespmem:s16+$0x1000];
	[tilespmem:s4+$0x5000] =	vst v10  }
0x144: {  	s6 =	sor.u32 $0x1180, s17;
	s4 =	sor.u32 $0x1190, s17;
	s13 =	sor.u32 $0x1A0, s17;
	v10 =	vld [tilespmem:s19+$0x0];
	[tilespmem:s22+$0x5000] =	vst v8;
	v8 =	vadd.f32 v9, v0;
	v0 =	vmov v1;
	v1 =	vmov v7  }
0x145: {  	s24 =	sor.u32 $0x2180, s17;
	s14 =	sor.u32 $0x2190, s17;
	s22 =	sor.u32 $0x11A0, s17;
	v7 =	vld [tilespmem:s19+$0x1000];
	[tilespmem:s3+$0x5000] =	vst v6;
	v9 =	vadd.f32 v15, v1  }
0x146: {  	s25 =	sor.u32 $0x3180, s17;
	s26 =	sor.u32 $0x3190, s17;
	s28 =	sor.u32 $0x21A0, s17;
	v6 =	vld [tilespmem:s18+$0x0];
	v11 =	vadd.f32 v14, v4;
	[tilespmem:s20+$0x5000] =	vst v8  }
0x147: {  	s29 =	sor.u32 $0x31A0, s17;
	s3 =	smov.u32 s4;
	v8 =	vld [tilespmem:s18+$0x1000];
	[tilespmem:s2+$0x5000] =	vst v9;
	v9 =	vadd.f32 v12, v2;
	v2 =	vmov v5;
	s2 =	smov.u32 s22  }
0x148: {  	s22 =	smov.u32 s0;
	v5 =	vld [tilespmem:s7+$0x0];
	v12 =	vadd.f32 v13, v3;
	[tilespmem:s9+$0x5000] =	vst v11;
	s9 =	sor.u32 $0x31B0, s8;
	s8 =	smov.u32 s17  }
0x149: {  	s0 =	smov.u32 s25;
	v11 =	vld [tilespmem:s9+$0x1000];
	[tilespmem:s5+$0x5000] =	vst v9;
	s5 =	smov.u32 s11;
	s11 =	smov.u32 s26  }
0x14a: {  	s4 =	smov.u32 s21;
	s21 =	smov.u32 s28;
	v9 =	vld [tilespmem:s7+$0x1000];
	v13 =	vadd.f32 v7, v10;
	[tilespmem:s16+$0x5000] =	vst v12;
	s16 =	smov.u32 s24  }
0x14b: {  	s20 =	smov.u32 s10;
	s10 =	smov.u32 s12;
	s12 =	smov.u32 s29;
	v7 =	vld [tilespmem:s13+$0x0]  }
0x14c: {  	v8 =	vadd.f32 v8, v6;
	v14 =	vld [tilespmem:s13+$0x1000];
	[tilespmem:s19+$0x5000] =	vst v13;
	s19 =	sor.u32 $0x11B0, s8  }
0x14d: {  	v13 =	vld [tilespmem:s19+$0x1000]  }
0x14e: {  	[tilespmem:s18+$0x5000] =	vst v8;
	v15 =	vld [tilespmem:s1+$0x1000];
	v8 =	vadd.f32 v11, v4;
	v4 =	vmov v10  }
.Ltmp3:
0x14f: {  	v12 =	vld [tilespmem:s6+$0x1000];
	v9 =	vadd.f32 v9, v5;
	(pc) =	sbr.rel @p2 .LBB2_9-.Ltmp3, $4  }
0x150: {  	v10 =	vld [tilespmem:s4+$0x1000];
	[tilespmem:s9+$0x5000] =	vst v8  }
0x151: {  	[tilespmem:s7+$0x5000] =	vst v9;
	v9 =	vadd.f32 v14, v7;
	v8 =	vld [tilespmem:s22+$0x1000]  }
0x152: {  	v11 =	vld [tilespmem:s3+$0x1000];
	v14 =	vadd.f32 v13, v4  }
0x153: {  	p1 =	por !p1, !p1;
	[tilespmem:s13+$0x5000] =	vst v9;
	v13 =	vadd.f32 v15, v2;
	v9 =	vld [tilespmem:s20+$0x1000]  }
0x154: {  	v15 =	vld [tilespmem:s2+$0x1000];
	_ =	sdelay $0x1  }
0x155: {  	v12 =	vadd.f32 v12, v6  }
0x156: {  	[tilespmem:s19+$0x5000] =	vst v14;
	s7 =	sor.u32 $0x21B0, s8  }
0x157: {  	v53 =	vld [tilespmem:s7+$0x1000];
	[tilespmem:s6+$0x5000] =	vst v12;
	v11 =	vadd.f32 v11, v5  }
0x158: {  	v54 =	vld [tilespmem:s16+$0x1000];
	v15 =	vadd.f32 v15, v7  }
0x159: {  	[tilespmem:s3+$0x5000] =	vst v11  }
0x15a: {  	v11 =	vld [tilespmem:s14+$0x1000];
	[tilespmem:s2+$0x5000] =	vst v15  }
0x15b: {  	v15 =	vld [tilespmem:s21+$0x1000]  }
0x15c: {  	v12 =	vadd.f32 v53, v4  }
0x15d: {  	[tilespmem:s1+$0x5000] =	vst v13;
	v55 =	vadd.f32 v54, v6  }
0x15e: {  	v10 =	vadd.f32 v10, v1;
	v56 =	vld [tilespmem:s5+$0x1000];
	s3 =	sor.u32 $0x31B0, s8;
	[tilespmem:s7+$0x5000] =	vst v12  }
0x15f: {  	v57 =	vld [tilespmem:s3+$0x1000];
	[tilespmem:s16+$0x5000] =	vst v55;
	v11 =	vadd.f32 v11, v5  }
0x160: {  	[tilespmem:s4+$0x5000] =	vst v10;
	v58 =	vld [tilespmem:s0+$0x1000];
	v59 =	vadd.f32 v15, v7  }
0x161: {  	v3 =	vadd.f32 v8, v3;
	v8 =	vld [tilespmem:s10+$0x1000];
	[tilespmem:s14+$0x5000] =	vst v11  }
0x162: {  	v0 =	vadd.f32 v9, v0;
	v60 =	vld [tilespmem:s11+$0x1000];
	[tilespmem:s21+$0x5000] =	vst v59  }
0x163: {  	[tilespmem:s22+$0x5000] =	vst v3;
	v2 =	vadd.f32 v56, v2;
	v3 =	vld [tilespmem:s12+$0x1000]  }
0x164: {  	[tilespmem:s20+$0x5000] =	vst v0;
	v0 =	vadd.f32 v57, v4  }
0x165: {  	[tilespmem:s5+$0x5000] =	vst v2;
	v2 =	vadd.f32 v58, v6  }
0x166: {  	[tilespmem:s3+$0x5000] =	vst v0;
	v0 =	vadd.f32 v8, v1  }
0x167: {  	[tilespmem:s0+$0x5000] =	vst v2;
	v1 =	vadd.f32 v60, v5  }
0x168: {  	[tilespmem:s10+$0x5000] =	vst v0;
	v0 =	vadd.f32 v3, v7  }
0x169: {  	s5 =	rddreg [dreg:$0x2];
	[tilespmem:s11+$0x5000] =	vst v1  }
0x16a: {  	s9 =	simm.s32 $0x5000;
	s1 =	rddreg [dreg:$0x1d];
	[tilespmem:s12+$0x5000] =	vst v0  }
0x16b: {  	s13 =	simm.s32 $0x7000;
	s0 =	sadd.s32 s5, s1;
	s6 =	rddreg [dreg:$0x1e]  }
0x16c: {  	s8 =	simm.s32 $0x400;
	s7 =	simm.s32 $0x200;
	s0 =	sadd.s32 s6, s0  }
0x16d: {  	[hbm4b:s0+s7] =	stream.strided.scatter [tilespmem:s9], [sflag:$0x4], $0x1000, s8, s7, $0x38;
	[tilespmem:$0x1B000] =	vst v63  }
0x16e: {  	s11 =	simm.s32 $0x6000;
	s6 =	rddreg [dreg:$0x1b];
	s10 =	sadd.s32 $0x100000, s0  }
0x16f: {  	[hbm4b:s10+s7] =	stream.strided.scatter [tilespmem:s11], [sflag:$0x4], $0x1000, s8, s7, $0x38;
	[tilespmem:$0x1B000] =	vst v63  }
0x170: {  	s14 =	simm.s32 $0x8000;
	s12 =	sadd.s32 $0x200000, s0;
	s15 =	sadd.s32 $0x3, s6  }
0x171: {  	[hbm4b:s12+s7] =	stream.strided.scatter [tilespmem:s13], [sflag:$0x4], $0x1000, s8, s7, $0x38;
	[tilespmem:$0x1B000] =	vst v63  }
0x172: {  	s3 =	rddreg [dreg:$0x5];
	s0 =	sadd.s32 $0x300000, s0;
	s16 =	sshll.u32 s15, $0x9  }
0x173: {  	[hbm4b:s0+s7] =	stream.strided.scatter [tilespmem:s14], [sflag:$0x4], $0x1000, s8, s7, $0x38;
	[tilespmem:$0x1B000] =	vst v63  }
0x174: {  	s1 =	sadd.s32 s3, s16;
	s0 =	sshll.u32 s15, $0x6  }
0x175: {  	s1 =	sand.u32 $0x1FFC00, s1;
	s0 =	sand.u32 $0x40, s0  }
0x176: {  	s17 =	rddreg [dreg:$0x1];
	s0 =	sor.u32 s0, s1  }
0x177: {  	s18 =	simm.s32 $0x0;
	s19 =	rddreg [dreg:$0x0];
	s1 =	sadd.s32 s17, s0  }
0x178: {  	[tilespmem:s18], [sflag:$0x1] =	stream.strided.gather [hbm4b:s1+s7], $0x1000, s8, s7, $0x38;
	[tilespmem:$0x1B000] =	vst v63  }
0x179: {  	s20 =	simm.s32 $0x1000;
	s0 =	sadd.s32 s19, s0  }
0x17a: {  	[tilespmem:s20], [sflag:$0x1] =	stream.strided.gather [hbm4b:s0+s7], $0x1000, s8, s7, $0x38;
	[tilespmem:$0x1B000] =	vst v63  }
0x17b: {  	s22 =	simm.s32 $0x2000;
	s21 =	sadd.s32 $0x100000, s0  }
0x17c: {  	[tilespmem:s22], [sflag:$0x1] =	stream.strided.gather [hbm4b:s21+s7], $0x1000, s8, s7, $0x38;
	[tilespmem:$0x1B000] =	vst v63  }
0x17d: {  	s24 =	simm.s32 $0x3000;
	s23 =	sadd.s32 $0x200000, s0  }
0x17e: {  	[tilespmem:s24], [sflag:$0x1] =	stream.strided.gather [hbm4b:s23+s7], $0x1000, s8, s7, $0x38;
	[tilespmem:$0x1B000] =	vst v63  }
0x17f: {  	s25 =	simm.s32 $0x4000;
	s26 =	simm.s32 $0x2;
	s0 =	sadd.s32 $0x300000, s0  }
0x180: {  	[tilespmem:s25], [sflag:$0x1] =	stream.strided.gather [hbm4b:s0+s7], $0x1000, s8, s7, $0x38;
	[tilespmem:$0x1B000] =	vst v63  }
0x181: {  	_ =	swait.ge [sflag:s26], $0x1000  }
0x182: {  	[sflag:s26] =	ssyncset.done $0x0  }
0x183: {  	[sflag:s26] =	ssyncadd.s32 $0xFFFFF000  }
0x184: {  	_ =	swait.ge [sflag:s26], $0x4000  }
0x185: {  	[sflag:s26] =	ssyncset.done $0x0  }
0x186: {  	s0 =	simm.s32 @!p0 $0x5;
	[sflag:s26] =	ssyncadd.s32 $0xFFFFC000  }
0x187: {  	s28 =	simm.s32 $0x0;
	_ =	swait.ge @!p0 [sflag:s0], $0x4000  }
0x188: {  	s29 =	sand.u32 $0x40, s28;
	s1 =	sand.u32 $0xE00, s28;
	[sflag:s0] =	ssyncset.done @!p0 $0x0  }
0x189: {  	s8 =	sor.u32 s29, s1;
	[sflag:s0] =	ssyncadd.s32 @!p0 $0xFFFFC000  }
0x18a: {  	v0 =	vld [tilespmem:s8+$0x9030]  }
0x18b: {  	v1 =	vld [tilespmem:s8+$0xD030]  }
0x18c: {  	v2 =	vld [tilespmem:s8+$0x9000]  }
0x18d: {  	v3 =	vld [tilespmem:s8+$0xA000]  }
0x18e: {  	v4 =	vld [tilespmem:s8+$0xB000]  }
0x18f: {  	v5 =	vld [tilespmem:s8+$0xC000]  }
0x190: {  	v6 =	vld [tilespmem:s8+$0xD000]  }
0x191: {  	v7 =	vld [tilespmem:s8+$0x9010]  }
0x192: {  	v8 =	vld [tilespmem:s8+$0xA010];
	v1 =	vadd.f32 v1, v0  }
0x193: {  	v3 =	vadd.f32 v3, v2  }
0x194: {  	v61 =	vld [tilespmem:s8+$0xB010];
	[tilespmem:s8+$0x11030] =	vst v1;
	v1 =	vadd.f32 v4, v2  }
0x195: {  	v62 =	vld [tilespmem:s8+$0xC010];
	[tilespmem:s8+$0xE000] =	vst v3;
	v3 =	vadd.f32 v5, v2  }
0x196: {  	s30 =	sadd.s32 $0x1, s6;
	v63 =	vld [tilespmem:s8+$0xD010];
	v2 =	vadd.f32 v6, v2;
	[tilespmem:s8+$0xF000] =	vst v1  }
0x197: {  	s31 =	sshll.u32 s30, $0x9;
	v4 =	vld [tilespmem:s8+$0xA020];
	[tilespmem:s8+$0x10000] =	vst v3;
	v3 =	vadd.f32 v8, v7  }
0x198: {  	s1 =	sadd.s32 s3, s31;
	v1 =	vld [tilespmem:s8+$0x9020];
	[tilespmem:s8+$0x11000] =	vst v2  }
0x199: {  	s1 =	sand.u32 $0x1FFC00, s1;
	s0 =	sshll.u32 s30, $0x6;
	v2 =	vld [tilespmem:s8+$0xB020];
	[tilespmem:s8+$0xE010] =	vst v3  }
0x19a: {  	s0 =	sand.u32 $0x40, s0;
	v5 =	vadd.f32 v61, v7;
	v3 =	vld [tilespmem:s8+$0xC020];
	[dreg:$0x1f] =	wrdreg s1  }
0x19b: {  	v6 =	vadd.f32 v62, v7;
	[smem:$0x7FC] =	sst s0  }
0x19c: {  	s2 =	simm.s32 $0x100;
	v7 =	vadd.f32 v63, v7;
	[tilespmem:s8+$0xF010] =	vst v5;
	v5 =	vld [tilespmem:s8+$0xD020]  }
0x19d: {  	s3 =	simm.s32 $0x40;
	s1 =	simm.s32 $0x0;
	s0 =	smov.u32 s8;
	[tilespmem:s8+$0x10010] =	vst v6;
	v6 =	vld [tilespmem:s8+$0xA030]  }
.LBB2_11:
0x19e: {  	s4 =	sand.u32 $0x40, s3;
	s5 =	sand.u32 $0xE00, s2;
	[tilespmem:s0+$0x11010] =	vst v7;
	v4 =	vadd.f32 v4, v1;
	v7 =	vld [tilespmem:s0+$0xB030]  }
0x19f: {  	s1 =	sadd.s32 $0x4, s1;
	s4 =	sor.u32 s4, s5;
	v2 =	vadd.f32 v2, v1;
	v8 =	vld [tilespmem:s0+$0xC030]  }
0x1a0: {  	p1 =	slt.u32 s1, $0x3C;
	v9 =	vld [tilespmem:s4+$0x9030];
	[tilespmem:s0+$0xE020] =	vst v4;
	v3 =	vadd.f32 v3, v1  }
0x1a1: {  	v4 =	vld [tilespmem:s4+$0xD030];
	[tilespmem:s0+$0xF020] =	vst v2;
	v1 =	vadd.f32 v5, v1  }
0x1a2: {  	v2 =	vld [tilespmem:s4+$0x9000];
	[tilespmem:s0+$0x10020] =	vst v3;
	v3 =	vadd.f32 v6, v0  }
0x1a3: {  	v5 =	vld [tilespmem:s4+$0xA000];
	[tilespmem:s0+$0x11020] =	vst v1;
	v1 =	vadd.f32 v7, v0  }
0x1a4: {  	v6 =	vld [tilespmem:s4+$0xB000];
	[tilespmem:s0+$0xE030] =	vst v3;
	v3 =	vadd.f32 v8, v0  }
0x1a5: {  	v7 =	vld [tilespmem:s4+$0xC000];
	[tilespmem:s0+$0xF030] =	vst v1;
	v0 =	vmov v9  }
0x1a6: {  	v1 =	vld [tilespmem:s4+$0xD000];
	v4 =	vadd.f32 v4, v0;
	[tilespmem:s0+$0x10030] =	vst v3;
	s0 =	smov.u32 s4  }
0x1a7: {  	v8 =	vld [tilespmem:s0+$0x9010]  }
0x1a8: {  	v3 =	vadd.f32 v5, v2;
	v5 =	vld [tilespmem:s0+$0xA010];
	[tilespmem:s0+$0x11030] =	vst v4  }
0x1a9: {  	v4 =	vadd.f32 v6, v2;
	v6 =	vld [tilespmem:s0+$0xB010]  }
0x1aa: {  	[tilespmem:s0+$0xE000] =	vst v3;
	v3 =	vadd.f32 v7, v2;
	v7 =	vld [tilespmem:s0+$0xC010]  }
0x1ab: {  	[tilespmem:s0+$0xF000] =	vst v4;
	v2 =	vadd.f32 v1, v2;
	v9 =	vld [tilespmem:s0+$0xD010]  }
0x1ac: {  	[tilespmem:s0+$0x10000] =	vst v3;
	v1 =	vld [tilespmem:s0+$0x9020]  }
.Ltmp4:
0x1ad: {  	[tilespmem:s0+$0x11000] =	vst v2;
	v3 =	vadd.f32 v5, v8;
	v4 =	vld [tilespmem:s0+$0xA020];
	(pc) =	sbr.rel @p1 .LBB2_11-.Ltmp4, $4  }
0x1ae: {  	v5 =	vadd.f32 v6, v8;
	v2 =	vld [tilespmem:s0+$0xB020]  }
0x1af: {  	[tilespmem:s0+$0xE010] =	vst v3;
	v6 =	vadd.f32 v7, v8;
	v3 =	vld [tilespmem:s0+$0xC020]  }
0x1b0: {  	[tilespmem:s0+$0xF010] =	vst v5;
	v7 =	vadd.f32 v9, v8;
	v5 =	vld [tilespmem:s0+$0xD020]  }
0x1b1: {  	s2 =	sadd.s32 $0x100, s2;
	s3 =	sadd.s32 $0x40, s3;
	[tilespmem:s0+$0x10010] =	vst v6;
	v6 =	vld [tilespmem:s0+$0xA030]  }
0x1b2: {  	v4 =	vadd.f32 v4, v1;
	v8 =	vld [tilespmem:s0+$0xB030]  }
0x1b3: {  	[tilespmem:s0+$0x11010] =	vst v7;
	v7 =	vld [tilespmem:s0+$0xC030];
	v2 =	vadd.f32 v2, v1  }
0x1b4: {  	[tilespmem:s0+$0xE020] =	vst v4;
	v3 =	vadd.f32 v3, v1  }
0x1b5: {  	[tilespmem:s0+$0xF020] =	vst v2;
	v1 =	vadd.f32 v5, v1  }
0x1b6: {  	[tilespmem:s0+$0x10020] =	vst v3;
	v2 =	vadd.f32 v6, v0  }
0x1b7: {  	[tilespmem:s0+$0x11020] =	vst v1;
	v1 =	vadd.f32 v8, v0  }
0x1b8: {  	v0 =	vadd.f32 v7, v0;
	[tilespmem:s0+$0xE030] =	vst v2  }
0x1b9: {  	[tilespmem:s0+$0xF030] =	vst v1  }
0x1ba: {  	[tilespmem:s0+$0x10030] =	vst v0  }
0x1bb: {  	v0 =	vld [tilespmem:s8+$0x90B0]  }
0x1bc: {  	v1 =	vld [tilespmem:s8+$0xD0B0]  }
0x1bd: {  	v2 =	vld [tilespmem:s8+$0x9080]  }
0x1be: {  	v3 =	vld [tilespmem:s8+$0xA080]  }
0x1bf: {  	v4 =	vld [tilespmem:s8+$0xB080]  }
0x1c0: {  	v5 =	vld [tilespmem:s8+$0xC080]  }
0x1c1: {  	v6 =	vld [tilespmem:s8+$0xD080]  }
0x1c2: {  	v7 =	vld [tilespmem:s8+$0x9090]  }
0x1c3: {  	v8 =	vld [tilespmem:s8+$0xA090];
	v1 =	vadd.f32 v1, v0  }
0x1c4: {  	v9 =	vld [tilespmem:s8+$0xB090];
	v3 =	vadd.f32 v3, v2  }
0x1c5: {  	[tilespmem:s8+$0x110B0] =	vst v1;
	v1 =	vadd.f32 v4, v2;
	v4 =	vld [tilespmem:s8+$0xC090]  }
0x1c6: {  	v10 =	vld [tilespmem:s8+$0xD090];
	[tilespmem:s8+$0xE080] =	vst v3;
	v3 =	vadd.f32 v5, v2  }
0x1c7: {  	v2 =	vadd.f32 v6, v2;
	v6 =	vld [tilespmem:s8+$0xA0A0];
	[tilespmem:s8+$0xF080] =	vst v1  }
0x1c8: {  	v1 =	vld [tilespmem:s8+$0x90A0];
	[tilespmem:s8+$0x10080] =	vst v3;
	v3 =	vadd.f32 v8, v7  }
0x1c9: {  	v5 =	vld [tilespmem:s8+$0xB0A0];
	[tilespmem:s8+$0x11080] =	vst v2;
	v8 =	vadd.f32 v9, v7  }
0x1ca: {  	v2 =	vld [tilespmem:s8+$0xC0A0];
	[tilespmem:s8+$0xE090] =	vst v3;
	v4 =	vadd.f32 v4, v7  }
0x1cb: {  	[tilespmem:s8+$0xF090] =	vst v8;
	v3 =	vld [tilespmem:s8+$0xD0A0];
	v7 =	vadd.f32 v10, v7  }
0x1cc: {  	s1 =	simm.s32 $0x100;
	s2 =	simm.s32 $0x40;
	s0 =	simm.s32 $0x0;
	[tilespmem:s8+$0x10090] =	vst v4;
	v4 =	vld [tilespmem:s8+$0xA0B0]  }
.LBB2_13:
0x1cd: {  	s3 =	sand.u32 $0x40, s2;
	s4 =	sand.u32 $0xE00, s1;
	[tilespmem:s8+$0x11090] =	vst v7;
	v6 =	vadd.f32 v6, v1;
	v7 =	vld [tilespmem:s8+$0xB0B0]  }
0x1ce: {  	s0 =	sadd.s32 $0x4, s0;
	s3 =	sor.u32 s3, s4;
	v5 =	vadd.f32 v5, v1;
	v8 =	vld [tilespmem:s8+$0xC0B0]  }
0x1cf: {  	p2 =	slt.u32 s0, $0x3C;
	v9 =	vld [tilespmem:s3+$0x90B0];
	[tilespmem:s8+$0xE0A0] =	vst v6;
	v2 =	vadd.f32 v2, v1  }
0x1d0: {  	v6 =	vld [tilespmem:s3+$0xD0B0];
	[tilespmem:s8+$0xF0A0] =	vst v5;
	v1 =	vadd.f32 v3, v1  }
0x1d1: {  	v3 =	vld [tilespmem:s3+$0x9080];
	[tilespmem:s8+$0x100A0] =	vst v2;
	v2 =	vadd.f32 v4, v0  }
0x1d2: {  	v4 =	vld [tilespmem:s3+$0xA080];
	[tilespmem:s8+$0x110A0] =	vst v1;
	v1 =	vadd.f32 v7, v0  }
0x1d3: {  	v5 =	vld [tilespmem:s3+$0xB080];
	[tilespmem:s8+$0xE0B0] =	vst v2;
	v2 =	vadd.f32 v8, v0  }
0x1d4: {  	v7 =	vld [tilespmem:s3+$0xC080];
	[tilespmem:s8+$0xF0B0] =	vst v1;
	v0 =	vmov v9  }
0x1d5: {  	v1 =	vld [tilespmem:s3+$0xD080];
	v6 =	vadd.f32 v6, v0;
	[tilespmem:s8+$0x100B0] =	vst v2;
	s8 =	smov.u32 s3  }
0x1d6: {  	v8 =	vld [tilespmem:s8+$0x9090]  }
0x1d7: {  	p1 =	por $0x0, $0x0;
	v2 =	vadd.f32 v4, v3;
	v4 =	vld [tilespmem:s8+$0xA090];
	[tilespmem:s8+$0x110B0] =	vst v6  }
0x1d8: {  	v5 =	vadd.f32 v5, v3;
	v9 =	vld [tilespmem:s8+$0xB090]  }
0x1d9: {  	[tilespmem:s8+$0xE080] =	vst v2;
	v2 =	vadd.f32 v7, v3;
	v7 =	vld [tilespmem:s8+$0xC090]  }
0x1da: {  	[tilespmem:s8+$0xF080] =	vst v5;
	v3 =	vadd.f32 v1, v3;
	v10 =	vld [tilespmem:s8+$0xD090]  }
0x1db: {  	[tilespmem:s8+$0x10080] =	vst v2;
	v1 =	vld [tilespmem:s8+$0x90A0]  }
.Ltmp5:
0x1dc: {  	[tilespmem:s8+$0x11080] =	vst v3;
	v2 =	vadd.f32 v4, v8;
	v6 =	vld [tilespmem:s8+$0xA0A0];
	(pc) =	sbr.rel @p2 .LBB2_13-.Ltmp5, $4  }
0x1dd: {  	v3 =	vadd.f32 v9, v8;
	v5 =	vld [tilespmem:s8+$0xB0A0]  }
0x1de: {  	[tilespmem:s8+$0xE090] =	vst v2;
	v4 =	vadd.f32 v7, v8;
	v2 =	vld [tilespmem:s8+$0xC0A0]  }
0x1df: {  	[tilespmem:s8+$0xF090] =	vst v3;
	v7 =	vadd.f32 v10, v8;
	v3 =	vld [tilespmem:s8+$0xD0A0]  }
0x1e0: {  	s1 =	sadd.s32 $0x100, s1;
	s2 =	sadd.s32 $0x40, s2;
	[tilespmem:s8+$0x10090] =	vst v4;
	v4 =	vld [tilespmem:s8+$0xA0B0]  }
0x1e1: {  	v6 =	vadd.f32 v6, v1;
	v8 =	vld [tilespmem:s8+$0xB0B0]  }
0x1e2: {  	[tilespmem:s8+$0x11090] =	vst v7;
	v7 =	vld [tilespmem:s8+$0xC0B0];
	v5 =	vadd.f32 v5, v1  }
0x1e3: {  	[tilespmem:s8+$0xE0A0] =	vst v6;
	v2 =	vadd.f32 v2, v1  }
0x1e4: {  	[tilespmem:s8+$0xF0A0] =	vst v5;
	v1 =	vadd.f32 v3, v1  }
0x1e5: {  	s0 =	simm.s32 $0x1;
	[tilespmem:s8+$0x100A0] =	vst v2;
	v2 =	vadd.f32 v4, v0  }
0x1e6: {  	s0 =	simm.s32 @!p1 $0x0;
	[tilespmem:s8+$0x110A0] =	vst v1;
	v1 =	vadd.f32 v8, v0  }
0x1e7: {  	s0 =	sshll.u32 s0, $0x6;
	v0 =	vadd.f32 v7, v0;
	[tilespmem:s8+$0xE0B0] =	vst v2  }
0x1e8: {  	s16 =	sadd.s32 $0x0, s0;
	[tilespmem:s8+$0xF0B0] =	vst v1  }
0x1e9: {  	s0 =	sor.u32 $0x130, s16;
	[tilespmem:s8+$0x100B0] =	vst v0  }
0x1ea: {  	v5 =	vld [tilespmem:s0+$0x9000]  }
0x1eb: {  	s1 =	sor.u32 $0x100, s16;
	v0 =	vld [tilespmem:s0+$0xA000]  }
0x1ec: {  	v7 =	vld [tilespmem:s1+$0x9000]  }
0x1ed: {  	s2 =	sor.u32 $0x110, s16;
	v1 =	vld [tilespmem:s1+$0xA000]  }
0x1ee: {  	v8 =	vld [tilespmem:s2+$0x9000]  }
0x1ef: {  	v2 =	vld [tilespmem:s2+$0xA000];
	_ =	sdelay $0x1  }
0x1f0: {  	s3 =	sor.u32 $0x120, s16  }
0x1f1: {  	v4 =	vld [tilespmem:s3+$0xA000];
	v1 =	vadd.f32 v1, v7  }
0x1f2: {  	v3 =	vadd.f32 v0, v5;
	v0 =	vld [tilespmem:s3+$0x9000]  }
0x1f3: {  	p1 =	por !p1, !p1;
	v2 =	vadd.f32 v2, v8;
	[tilespmem:s1+$0xE000] =	vst v1;
	s1 =	simm.s32 $0x1  }
0x1f4: {  	s12 =	sor.u32 $0x1130, s16;
	[tilespmem:s0+$0xE000] =	vst v3;
	s1 =	simm.s32 @!p1 $0x0  }
0x1f5: {  	s5 =	sor.u32 $0x1110, s16;
	[tilespmem:s2+$0xE000] =	vst v2;
	v3 =	vld [tilespmem:s12+$0xA000];
	s1 =	sshll.u32 s1, $0x6  }
0x1f6: {  	s4 =	sor.u32 $0x1100, s16;
	v6 =	vld [tilespmem:s5+$0xA000];
	s8 =	sadd.s32 $0x100, s1  }
0x1f7: {  	v1 =	vadd.f32 v4, v0;
	v4 =	vld [tilespmem:s4+$0xA000];
	s1 =	sor.u32 $0x130, s8  }
0x1f8: {  	s15 =	sor.u32 $0x100, s8;
	v11 =	vld [tilespmem:s1+$0x9000]  }
0x1f9: {  	s17 =	sor.u32 $0x110, s8;
	v12 =	vld [tilespmem:s15+$0xA000]  }
0x1fa: {  	s13 =	sor.u32 $0x1120, s16;
	[tilespmem:s3+$0xE000] =	vst v1;
	v14 =	vld [tilespmem:s17+$0xA000]  }
0x1fb: {  	v2 =	vadd.f32 v3, v5;
	v9 =	vld [tilespmem:s13+$0xA000]  }
0x1fc: {  	v1 =	vadd.f32 v4, v7;
	v4 =	vld [tilespmem:s1+$0xA000]  }
0x1fd: {  	s14 =	sor.u32 $0x2130, s16;
	v3 =	vld [tilespmem:s15+$0x9000];
	[tilespmem:s12+$0xE000] =	vst v2  }
0x1fe: {  	s7 =	sor.u32 $0x120, s8;
	v10 =	vld [tilespmem:s14+$0xA000]  }
0x1ff: {  	s6 =	sor.u32 $0x2100, s16;
	v15 =	vld [tilespmem:s7+$0xA000];
	[tilespmem:s4+$0xE000] =	vst v1  }
0x200: {  	v6 =	vadd.f32 v6, v8;
	v13 =	vld [tilespmem:s6+$0xA000]  }
0x201: {  	v2 =	vld [tilespmem:s17+$0x9000];
	v4 =	vadd.f32 v4, v11  }
0x202: {  	s12 =	sor.u32 $0x2110, s16;
	[tilespmem:s5+$0xE000] =	vst v6;
	v1 =	vld [tilespmem:s7+$0x9000];
	v12 =	vadd.f32 v12, v3  }
0x203: {  	s18 =	sor.u32 $0x1130, s8;
	v9 =	vadd.f32 v9, v0;
	[tilespmem:s1+$0xE000] =	vst v4;
	v4 =	vadd.f32 v10, v5;
	v10 =	vld [tilespmem:s12+$0xA000]  }
0x204: {  	[tilespmem:s15+$0xE000] =	vst v12;
	v6 =	vld [tilespmem:s18+$0xA000]  }
0x205: {  	s19 =	sor.u32 $0x1100, s8;
	[tilespmem:s13+$0xE000] =	vst v9;
	v12 =	vadd.f32 v13, v7  }
0x206: {  	s20 =	sor.u32 $0x3130, s16;
	v13 =	vadd.f32 v14, v2;
	[tilespmem:s14+$0xE000] =	vst v4;
	v4 =	vld [tilespmem:s19+$0xA000]  }
0x207: {  	s21 =	sor.u32 $0x2120, s16;
	v14 =	vadd.f32 v15, v1;
	v9 =	vld [tilespmem:s20+$0xA000];
	[tilespmem:s6+$0xE000] =	vst v12  }
0x208: {  	s22 =	sor.u32 $0x3100, s16;
	v12 =	vld [tilespmem:s21+$0xA000];
	[tilespmem:s17+$0xE000] =	vst v13;
	v10 =	vadd.f32 v10, v8  }
0x209: {  	p1 =	por !p1, !p1;
	s23 =	sor.u32 $0x1110, s8;
	[tilespmem:s7+$0xE000] =	vst v14;
	s7 =	simm.s32 $0x1;
	v13 =	vld [tilespmem:s22+$0xA000];
	v6 =	vadd.f32 v6, v11  }
0x20a: {  	s24 =	sor.u32 $0x1120, s8;
	v15 =	vld [tilespmem:s23+$0xA000];
	s7 =	simm.s32 @!p1 $0x0;
	[tilespmem:s12+$0xE000] =	vst v10  }
0x20b: {  	s25 =	sor.u32 $0x2130, s8;
	v14 =	vld [tilespmem:s24+$0xA000];
	s9 =	sshll.u32 s7, $0x6;
	[tilespmem:s18+$0xE000] =	vst v6  }
0x20c: {  	s13 =	sor.u32 $0x3110, s16;
	v4 =	vadd.f32 v4, v3;
	s12 =	sadd.s32 $0x200, s9;
	v16 =	vld [tilespmem:s25+$0xA000];
	[smem:$0x7FB] =	sst s9  }
0x20d: {  	s28 =	sor.u32 $0x130, s12;
	v10 =	vld [tilespmem:s13+$0xA000]  }
0x20e: {  	[tilespmem:s19+$0xE000] =	vst v4;
	v4 =	vld [tilespmem:s28+$0x9000]  }
0x20f: {  	v5 =	vadd.f32 v9, v5;
	s15 =	sor.u32 $0x100, s12;
	v9 =	vld [tilespmem:s28+$0xA000]  }
0x210: {  	v6 =	vld [tilespmem:s15+$0x9000]  }
0x211: {  	v12 =	vadd.f32 v12, v0;
	s29 =	sor.u32 $0x110, s12;
	v18 =	vld [tilespmem:s15+$0xA000]  }
0x212: {  	v7 =	vadd.f32 v13, v7;
	[tilespmem:s20+$0xE000] =	vst v5;
	v5 =	vld [tilespmem:s29+$0x9000]  }
0x213: {  	s26 =	sor.u32 $0x2100, s8;
	[tilespmem:s21+$0xE000] =	vst v12;
	v63 =	vld [tilespmem:s29+$0xA000];
	v16 =	vadd.f32 v16, v11  }
0x214: {  	v13 =	vadd.f32 v15, v2;
	s19 =	sor.u32 $0x120, s12;
	v17 =	vld [tilespmem:s26+$0xA000];
	[tilespmem:s22+$0xE000] =	vst v7  }
0x215: {  	s17 =	sor.u32 $0x3130, s8;
	v7 =	vld [tilespmem:s19+$0x9000];
	v9 =	vadd.f32 v9, v4;
	[tilespmem:s25+$0xE000] =	vst v16  }
0x216: {  	[tilespmem:s23+$0xE000] =	vst v13;
	v13 =	vadd.f32 v18, v6;
	v15 =	vld [tilespmem:s17+$0xA000]  }
0x217: {  	v12 =	vadd.f32 v14, v1;
	s20 =	sor.u32 $0x2110, s8;
	[tilespmem:s28+$0xE000] =	vst v9;
	v9 =	vld [tilespmem:s19+$0xA000]  }
0x218: {  	s18 =	sor.u32 $0x1130, s12;
	v8 =	vadd.f32 v10, v8;
	[tilespmem:s15+$0xE000] =	vst v13;
	v13 =	vld [tilespmem:s20+$0xA000]  }
0x219: {  	s2 =	simm.s32 $0x8;
	s14 =	sor.u32 $0x1100, s12;
	[tilespmem:s24+$0xE000] =	vst v12;
	v10 =	vadd.f32 v17, v3;
	v14 =	vld [tilespmem:s18+$0xA000]  }
0x21a: {  	p2 =	por !p1, !p1;
	s30 =	sor.u32 $0x3110, s8;
	s24 =	sor.u32 $0x2120, s8;
	[tilespmem:s13+$0xE000] =	vst v8;
	v8 =	vadd.f32 v63, v5;
	v12 =	vld [tilespmem:s14+$0xA000]  }
0x21b: {  	s3 =	simm.s32 $0x200;
	s5 =	sor.u32 $0x3120, s8;
	s6 =	sor.u32 $0x3100, s8;
	[tilespmem:s26+$0xE000] =	vst v10;
	v10 =	vld [tilespmem:s24+$0xA000];
	v11 =	vadd.f32 v15, v11  }
0x21c: {  	s7 =	sor.u32 $0x1110, s12;
	s4 =	sor.u32 $0x1120, s12;
	s1 =	sor.u32 $0x3100, s12;
	[tilespmem:s29+$0xE000] =	vst v8;
	v8 =	vld [tilespmem:s6+$0xA000];
	v9 =	vadd.f32 v9, v7  }
0x21d: {  	s31 =	sor.u32 $0x3110, s12;
	s0 =	sor.u32 $0x3120, s12;
	s21 =	sor.u32 $0x3120, s16;
	[tilespmem:s17+$0xE000] =	vst v11;
	v11 =	vld [tilespmem:s7+$0xA000]  }
0x21e: {  	s22 =	sor.u32 $0x2100, s12;
	s23 =	sor.u32 $0x2120, s12;
	s15 =	sor.u32 $0x2110, s12;
	v13 =	vadd.f32 v13, v2;
	v14 =	vadd.f32 v14, v4;
	[tilespmem:s19+$0xE000] =	vst v9;
	v9 =	vld [tilespmem:s21+$0xA000]  }
.LBB2_15:
0x21f: {  	s13 =	simm.s32 $0x1  }
0x220: {  	v12 =	vadd.f32 v12, v6;
	v15 =	vld [tilespmem:s4+$0xA000];
	[tilespmem:s18+$0xE000] =	vst v14;
	s17 =	sor.u32 $0x2130, s12;
	s13 =	simm.s32 @!p2 $0x0  }
0x221: {  	s2 =	sadd.s32 $0x4, s2;
	s3 =	sadd.s32 $0x100, s3;
	v10 =	vadd.f32 v10, v1;
	s13 =	sshll.u32 s13, $0x6;
	v14 =	vld [tilespmem:s17+$0xA000];
	[tilespmem:s20+$0xE000] =	vst v13  }
0x222: {  	p3 =	slt.u32 s2, $0x3C;
	v8 =	vadd.f32 v8, v3;
	v3 =	vmov v6;
	s20 =	smov.u32 s15;
	s26 =	sadd.s32 s13, s3;
	[tilespmem:s14+$0xE000] =	vst v12;
	v12 =	vld [tilespmem:s30+$0xA000]  }
0x223: {  	v6 =	vadd.f32 v11, v5;
	s25 =	sor.u32 $0x100, s26;
	s13 =	sor.u32 $0x110, s26;
	s18 =	sor.u32 $0x130, s26;
	v13 =	vld [tilespmem:s22+$0xA000];
	[tilespmem:s24+$0xE000] =	vst v10  }
0x224: {  	s14 =	sor.u32 $0x1100, s26;
	s24 =	sor.u32 $0x1110, s26;
	s19 =	sor.u32 $0x120, s26;
	v10 =	vld [tilespmem:s18+$0x9000];
	[tilespmem:s6+$0xE000] =	vst v8;
	v8 =	vadd.f32 v9, v0;
	v0 =	vmov v1;
	v1 =	vmov v7  }
0x225: {  	s28 =	sor.u32 $0x2100, s26;
	s15 =	sor.u32 $0x2110, s26;
	s6 =	sor.u32 $0x1120, s26;
	v7 =	vld [tilespmem:s18+$0xA000];
	[tilespmem:s7+$0xE000] =	vst v6;
	v9 =	vadd.f32 v15, v1  }
0x226: {  	s29 =	sor.u32 $0x3100, s26;
	s9 =	sor.u32 $0x3110, s26;
	s11 =	sor.u32 $0x2120, s26;
	v6 =	vld [tilespmem:s25+$0x9000];
	v11 =	vadd.f32 v14, v4;
	[tilespmem:s21+$0xE000] =	vst v8  }
0x227: {  	s10 =	sor.u32 $0x3120, s26;
	s7 =	smov.u32 s24;
	v8 =	vld [tilespmem:s25+$0xA000];
	[tilespmem:s4+$0xE000] =	vst v9;
	v9 =	vadd.f32 v12, v2;
	v2 =	vmov v5;
	s4 =	smov.u32 s6  }
0x228: {  	s6 =	smov.u32 s1;
	v5 =	vld [tilespmem:s13+$0x9000];
	v12 =	vadd.f32 v13, v3;
	[tilespmem:s17+$0xE000] =	vst v11;
	s17 =	sor.u32 $0x3130, s12;
	s12 =	smov.u32 s26  }
0x229: {  	s1 =	smov.u32 s29;
	v11 =	vld [tilespmem:s17+$0xA000];
	[tilespmem:s30+$0xE000] =	vst v9;
	s30 =	smov.u32 s31;
	s31 =	smov.u32 s9  }
0x22a: {  	s24 =	smov.u32 s23;
	s23 =	smov.u32 s11;
	v9 =	vld [tilespmem:s13+$0xA000];
	v13 =	vadd.f32 v7, v10;
	[tilespmem:s22+$0xE000] =	vst v12;
	s22 =	smov.u32 s28  }
0x22b: {  	s21 =	smov.u32 s5;
	s5 =	smov.u32 s0;
	s0 =	smov.u32 s10;
	v7 =	vld [tilespmem:s19+$0x9000]  }
0x22c: {  	v8 =	vadd.f32 v8, v6;
	v14 =	vld [tilespmem:s19+$0xA000];
	[tilespmem:s18+$0xE000] =	vst v13;
	s18 =	sor.u32 $0x1130, s12  }
0x22d: {  	v13 =	vld [tilespmem:s18+$0xA000]  }
0x22e: {  	[tilespmem:s25+$0xE000] =	vst v8;
	v15 =	vld [tilespmem:s20+$0xA000];
	v8 =	vadd.f32 v11, v4;
	v4 =	vmov v10  }
.Ltmp6:
0x22f: {  	v12 =	vld [tilespmem:s14+$0xA000];
	v9 =	vadd.f32 v9, v5;
	(pc) =	sbr.rel @p3 .LBB2_15-.Ltmp6, $4  }
0x230: {  	v10 =	vld [tilespmem:s24+$0xA000];
	[tilespmem:s17+$0xE000] =	vst v8  }
0x231: {  	[tilespmem:s13+$0xE000] =	vst v9;
	v9 =	vadd.f32 v14, v7;
	v8 =	vld [tilespmem:s6+$0xA000]  }
0x232: {  	v11 =	vld [tilespmem:s7+$0xA000];
	v14 =	vadd.f32 v13, v4  }
0x233: {  	p2 =	por !p2, !p2;
	[tilespmem:s19+$0xE000] =	vst v9;
	v13 =	vadd.f32 v15, v2;
	v9 =	vld [tilespmem:s21+$0xA000]  }
0x234: {  	v15 =	vld [tilespmem:s4+$0xA000];
	_ =	sdelay $0x1  }
0x235: {  	v12 =	vadd.f32 v12, v6  }
0x236: {  	[tilespmem:s18+$0xE000] =	vst v14;
	s2 =	sor.u32 $0x2130, s12  }
0x237: {  	[tilespmem:s14+$0xE000] =	vst v12;
	v12 =	vld [tilespmem:s2+$0xA000];
	v11 =	vadd.f32 v11, v5  }
0x238: {  	v14 =	vld [tilespmem:s22+$0xA000];
	v15 =	vadd.f32 v15, v7  }
0x239: {  	[tilespmem:s7+$0xE000] =	vst v11  }
0x23a: {  	v11 =	vld [tilespmem:s15+$0xA000];
	[tilespmem:s4+$0xE000] =	vst v15  }
0x23b: {  	v15 =	vld [tilespmem:s23+$0xA000]  }
0x23c: {  	v12 =	vadd.f32 v12, v4  }
0x23d: {  	[tilespmem:s20+$0xE000] =	vst v13;
	v13 =	vadd.f32 v14, v6  }
0x23e: {  	v10 =	vadd.f32 v10, v1;
	s4 =	sor.u32 $0x3130, s12;
	v14 =	vld [tilespmem:s30+$0xA000];
	[tilespmem:s2+$0xE000] =	vst v12  }
0x23f: {  	v12 =	vld [tilespmem:s4+$0xA000];
	[tilespmem:s22+$0xE000] =	vst v13;
	v11 =	vadd.f32 v11, v5  }
0x240: {  	[tilespmem:s24+$0xE000] =	vst v10;
	v10 =	vld [tilespmem:s1+$0xA000];
	v13 =	vadd.f32 v15, v7  }
0x241: {  	v3 =	vadd.f32 v8, v3;
	v8 =	vld [tilespmem:s5+$0xA000];
	[tilespmem:s15+$0xE000] =	vst v11  }
0x242: {  	v0 =	vadd.f32 v9, v0;
	v9 =	vld [tilespmem:s31+$0xA000];
	[tilespmem:s23+$0xE000] =	vst v13  }
0x243: {  	[tilespmem:s6+$0xE000] =	vst v3;
	v2 =	vadd.f32 v14, v2;
	v3 =	vld [tilespmem:s0+$0xA000]  }
0x244: {  	[tilespmem:s21+$0xE000] =	vst v0;
	v0 =	vadd.f32 v12, v4  }
0x245: {  	[tilespmem:s30+$0xE000] =	vst v2;
	v2 =	vadd.f32 v10, v6  }
0x246: {  	[tilespmem:s4+$0xE000] =	vst v0;
	v0 =	vadd.f32 v8, v1  }
0x247: {  	[tilespmem:s1+$0xE000] =	vst v2;
	v1 =	vadd.f32 v9, v5  }
0x248: {  	[tilespmem:s5+$0xE000] =	vst v0;
	v0 =	vadd.f32 v3, v7  }
0x249: {  	[tilespmem:s31+$0xE000] =	vst v1  }
0x24a: {  	s5 =	sor.u32 $0x1B0, s16;
	[tilespmem:s0+$0xE000] =	vst v0  }
0x24b: {  	v5 =	vld [tilespmem:s5+$0x9000]  }
0x24c: {  	s6 =	sor.u32 $0x180, s16;
	v0 =	vld [tilespmem:s5+$0xA000]  }
0x24d: {  	v7 =	vld [tilespmem:s6+$0x9000]  }
0x24e: {  	s7 =	sor.u32 $0x190, s16;
	v1 =	vld [tilespmem:s6+$0xA000]  }
0x24f: {  	v8 =	vld [tilespmem:s7+$0x9000]  }
0x250: {  	s3 =	sor.u32 $0x1A0, s16;
	v2 =	vld [tilespmem:s7+$0xA000]  }
0x251: {  	v4 =	vld [tilespmem:s3+$0xA000]  }
0x252: {  	v3 =	vadd.f32 v0, v5;
	v0 =	vld [tilespmem:s3+$0x9000];
	_ =	sdelay $0x1  }
0x253: {  	s14 =	sor.u32 $0x1B0, s8;
	v1 =	vadd.f32 v1, v7  }
0x254: {  	s9 =	sor.u32 $0x11B0, s16;
	v11 =	vld [tilespmem:s14+$0x9000];
	[tilespmem:s5+$0xE000] =	vst v3  }
0x255: {  	s10 =	sor.u32 $0x1180, s16;
	[tilespmem:s6+$0xE000] =	vst v1;
	v3 =	vld [tilespmem:s9+$0xA000]  }
0x256: {  	s15 =	sor.u32 $0x180, s8;
	v2 =	vadd.f32 v2, v8;
	v1 =	vadd.f32 v4, v0;
	v4 =	vld [tilespmem:s10+$0xA000]  }
0x257: {  	s18 =	sor.u32 $0x190, s8;
	v12 =	vld [tilespmem:s15+$0xA000]  }
0x258: {  	s11 =	sor.u32 $0x1190, s16;
	v14 =	vld [tilespmem:s18+$0xA000];
	[tilespmem:s7+$0xE000] =	vst v2  }
0x259: {  	s12 =	sor.u32 $0x11A0, s16;
	v6 =	vld [tilespmem:s11+$0xA000];
	[tilespmem:s3+$0xE000] =	vst v1  }
0x25a: {  	v2 =	vadd.f32 v3, v5;
	v9 =	vld [tilespmem:s12+$0xA000]  }
0x25b: {  	v1 =	vadd.f32 v4, v7;
	v4 =	vld [tilespmem:s14+$0xA000]  }
0x25c: {  	s13 =	sor.u32 $0x21B0, s16;
	v3 =	vld [tilespmem:s15+$0x9000];
	[tilespmem:s9+$0xE000] =	vst v2  }
0x25d: {  	s19 =	sor.u32 $0x1A0, s8;
	v10 =	vld [tilespmem:s13+$0xA000]  }
0x25e: {  	s17 =	sor.u32 $0x2180, s16;
	v15 =	vld [tilespmem:s19+$0xA000];
	[tilespmem:s10+$0xE000] =	vst v1  }
0x25f: {  	v6 =	vadd.f32 v6, v8;
	v13 =	vld [tilespmem:s17+$0xA000]  }
0x260: {  	v2 =	vld [tilespmem:s18+$0x9000];
	v4 =	vadd.f32 v4, v11  }
0x261: {  	s9 =	sor.u32 $0x2190, s16;
	[tilespmem:s11+$0xE000] =	vst v6;
	v1 =	vld [tilespmem:s19+$0x9000];
	v12 =	vadd.f32 v12, v3  }
0x262: {  	s20 =	sor.u32 $0x11B0, s8;
	v9 =	vadd.f32 v9, v0;
	[tilespmem:s14+$0xE000] =	vst v4;
	v4 =	vadd.f32 v10, v5;
	v10 =	vld [tilespmem:s9+$0xA000]  }
0x263: {  	[tilespmem:s15+$0xE000] =	vst v12;
	v6 =	vld [tilespmem:s20+$0xA000]  }
0x264: {  	[tilespmem:s12+$0xE000] =	vst v9;
	v12 =	vadd.f32 v13, v7  }
0x265: {  	v13 =	vadd.f32 v14, v2;
	[tilespmem:s13+$0xE000] =	vst v4  }
0x266: {  	s21 =	sor.u32 $0x1180, s8;
	v14 =	vadd.f32 v15, v1;
	[tilespmem:s17+$0xE000] =	vst v12  }
0x267: {  	v4 =	vld [tilespmem:s21+$0xA000];
	[tilespmem:s18+$0xE000] =	vst v13;
	v10 =	vadd.f32 v10, v8  }
0x268: {  	s22 =	sor.u32 $0x31B0, s16;
	[tilespmem:s19+$0xE000] =	vst v14;
	v6 =	vadd.f32 v6, v11  }
0x269: {  	s23 =	sor.u32 $0x21A0, s16;
	v9 =	vld [tilespmem:s22+$0xA000];
	[tilespmem:s9+$0xE000] =	vst v10  }
0x26a: {  	s24 =	sor.u32 $0x3180, s16;
	v12 =	vld [tilespmem:s23+$0xA000];
	[tilespmem:s20+$0xE000] =	vst v6  }
0x26b: {  	s25 =	sor.u32 $0x1190, s8;
	v13 =	vld [tilespmem:s24+$0xA000];
	s7 =	sld [smem:$0x7FB]  }
0x26c: {  	s11 =	sor.u32 $0x3190, s16;
	v15 =	vld [tilespmem:s25+$0xA000];
	v4 =	vadd.f32 v4, v3  }
0x26d: {  	s28 =	sor.u32 $0x21B0, s8;
	v10 =	vld [tilespmem:s11+$0xA000]  }
0x26e: {  	s29 =	sor.u32 $0x2180, s8;
	v16 =	vld [tilespmem:s28+$0xA000];
	[tilespmem:s21+$0xE000] =	vst v4;
	s10 =	sadd.s32 $0x200, s7  }
0x26f: {  	v17 =	vld [tilespmem:s29+$0xA000];
	s30 =	sor.u32 $0x1B0, s10  }
0x270: {  	v4 =	vld [tilespmem:s30+$0x9000]  }
0x271: {  	v5 =	vadd.f32 v9, v5;
	s7 =	sor.u32 $0x180, s10;
	v9 =	vld [tilespmem:s30+$0xA000]  }
0x272: {  	v12 =	vadd.f32 v12, v0;
	v6 =	vld [tilespmem:s7+$0x9000]  }
0x273: {  	v7 =	vadd.f32 v13, v7;
	[tilespmem:s22+$0xE000] =	vst v5;
	s31 =	sor.u32 $0x190, s10;
	v18 =	vld [tilespmem:s7+$0xA000]  }
0x274: {  	v13 =	vadd.f32 v15, v2;
	[tilespmem:s23+$0xE000] =	vst v12;
	v5 =	vld [tilespmem:s31+$0x9000]  }
0x275: {  	s26 =	sor.u32 $0x11A0, s8;
	[tilespmem:s24+$0xE000] =	vst v7;
	v16 =	vadd.f32 v16, v11;
	v63 =	vld [tilespmem:s31+$0xA000]  }
0x276: {  	v14 =	vld [tilespmem:s26+$0xA000];
	[tilespmem:s25+$0xE000] =	vst v13;
	s17 =	sor.u32 $0x1A0, s10;
	v8 =	vadd.f32 v10, v8  }
0x277: {  	s13 =	sor.u32 $0x31B0, s8;
	v7 =	vld [tilespmem:s17+$0x9000];
	[tilespmem:s28+$0xE000] =	vst v16;
	v9 =	vadd.f32 v9, v4  }
0x278: {  	[tilespmem:s11+$0xE000] =	vst v8;
	v15 =	vld [tilespmem:s13+$0xA000];
	v13 =	vadd.f32 v18, v6  }
0x279: {  	s1 =	sor.u32 $0x2190, s8;
	v10 =	vadd.f32 v17, v3;
	[tilespmem:s30+$0xE000] =	vst v9;
	v9 =	vld [tilespmem:s17+$0xA000]  }
0x27a: {  	s18 =	sor.u32 $0x11B0, s10;
	v8 =	vadd.f32 v63, v5;
	[tilespmem:s7+$0xE000] =	vst v13;
	v13 =	vld [tilespmem:s1+$0xA000]  }
0x27b: {  	p1 =	por !p1, !p1;
	s6 =	sor.u32 $0x3180, s8;
	v12 =	vadd.f32 v14, v1;
	[tilespmem:s29+$0xE000] =	vst v10;
	v14 =	vld [tilespmem:s18+$0xA000]  }
0x27c: {  	s2 =	simm.s32 $0x200;
	s5 =	sor.u32 $0x3190, s8;
	s14 =	sor.u32 $0x1180, s10;
	[tilespmem:s31+$0xE000] =	vst v8;
	v8 =	vld [tilespmem:s6+$0xA000]  }
0x27d: {  	s20 =	sor.u32 $0x31A0, s16;
	s23 =	simm.s32 $0x8;
	[tilespmem:s26+$0xE000] =	vst v12;
	s7 =	sor.u32 $0x21A0, s8;
	v12 =	vld [tilespmem:s14+$0xA000];
	v11 =	vadd.f32 v15, v11  }
0x27e: {  	s4 =	sor.u32 $0x1190, s10;
	s21 =	sor.u32 $0x2180, s10;
	s15 =	sor.u32 $0x2190, s10;
	v10 =	vld [tilespmem:s7+$0xA000];
	v9 =	vadd.f32 v9, v7  }
0x27f: {  	s3 =	sor.u32 $0x11A0, s10;
	s0 =	sor.u32 $0x3180, s10;
	s12 =	sor.u32 $0x3190, s10;
	[tilespmem:s13+$0xE000] =	vst v11;
	v11 =	vld [tilespmem:s4+$0xA000]  }
0x280: {  	s22 =	sor.u32 $0x21A0, s10;
	s16 =	sor.u32 $0x31A0, s10;
	s8 =	sor.u32 $0x31A0, s8;
	v13 =	vadd.f32 v13, v2;
	v14 =	vadd.f32 v14, v4;
	[tilespmem:s17+$0xE000] =	vst v9;
	v9 =	vld [tilespmem:s20+$0xA000]  }
.LBB2_17:
0x281: {  	s9 =	simm.s32 $0x1  }
0x282: {  	v12 =	vadd.f32 v12, v6;
	v15 =	vld [tilespmem:s3+$0xA000];
	[tilespmem:s18+$0xE000] =	vst v14;
	s11 =	sor.u32 $0x21B0, s10;
	s9 =	simm.s32 @!p1 $0x0  }
0x283: {  	s23 =	sadd.s32 $0x4, s23;
	s2 =	sadd.s32 $0x100, s2;
	v10 =	vadd.f32 v10, v1;
	s9 =	sshll.u32 s9, $0x6;
	v14 =	vld [tilespmem:s11+$0xA000];
	[tilespmem:s1+$0xE000] =	vst v13  }
0x284: {  	p2 =	slt.u32 s23, $0x3C;
	v8 =	vadd.f32 v8, v3;
	v3 =	vmov v6;
	s1 =	smov.u32 s15;
	s9 =	sadd.s32 s9, s2;
	[tilespmem:s14+$0xE000] =	vst v12;
	v12 =	vld [tilespmem:s5+$0xA000]  }
0x285: {  	v6 =	vadd.f32 v11, v5;
	s24 =	sor.u32 $0x180, s9;
	s13 =	sor.u32 $0x190, s9;
	s18 =	sor.u32 $0x1B0, s9;
	v13 =	vld [tilespmem:s21+$0xA000];
	[tilespmem:s7+$0xE000] =	vst v10  }
0x286: {  	s14 =	sor.u32 $0x1180, s9;
	s7 =	sor.u32 $0x1190, s9;
	s19 =	sor.u32 $0x1A0, s9;
	v10 =	vld [tilespmem:s18+$0x9000];
	[tilespmem:s6+$0xE000] =	vst v8;
	v8 =	vadd.f32 v9, v0;
	v0 =	vmov v1;
	v1 =	vmov v7  }
0x287: {  	s17 =	sor.u32 $0x2180, s9;
	s15 =	sor.u32 $0x2190, s9;
	s6 =	sor.u32 $0x11A0, s9;
	v7 =	vld [tilespmem:s18+$0xA000];
	[tilespmem:s4+$0xE000] =	vst v6;
	v9 =	vadd.f32 v15, v1  }
0x288: {  	s25 =	sor.u32 $0x3180, s9;
	s26 =	sor.u32 $0x3190, s9;
	s28 =	sor.u32 $0x21A0, s9;
	v6 =	vld [tilespmem:s24+$0x9000];
	v11 =	vadd.f32 v14, v4;
	[tilespmem:s20+$0xE000] =	vst v8  }
0x289: {  	s29 =	sor.u32 $0x31A0, s9;
	s4 =	smov.u32 s7;
	v8 =	vld [tilespmem:s24+$0xA000];
	[tilespmem:s3+$0xE000] =	vst v9;
	v9 =	vadd.f32 v12, v2;
	v2 =	vmov v5;
	s3 =	smov.u32 s6  }
0x28a: {  	s6 =	smov.u32 s0;
	v5 =	vld [tilespmem:s13+$0x9000];
	v12 =	vadd.f32 v13, v3;
	[tilespmem:s11+$0xE000] =	vst v11;
	s11 =	sor.u32 $0x31B0, s10;
	s10 =	smov.u32 s9  }
0x28b: {  	s0 =	smov.u32 s25;
	v11 =	vld [tilespmem:s11+$0xA000];
	[tilespmem:s5+$0xE000] =	vst v9;
	s5 =	smov.u32 s12;
	s12 =	smov.u32 s26  }
0x28c: {  	s7 =	smov.u32 s22;
	s22 =	smov.u32 s28;
	v9 =	vld [tilespmem:s13+$0xA000];
	v13 =	vadd.f32 v7, v10;
	[tilespmem:s21+$0xE000] =	vst v12;
	s21 =	smov.u32 s17  }
0x28d: {  	s20 =	smov.u32 s8;
	s8 =	smov.u32 s16;
	s16 =	smov.u32 s29;
	v7 =	vld [tilespmem:s19+$0x9000]  }
0x28e: {  	v8 =	vadd.f32 v8, v6;
	v14 =	vld [tilespmem:s19+$0xA000];
	[tilespmem:s18+$0xE000] =	vst v13;
	s18 =	sor.u32 $0x11B0, s10  }
0x28f: {  	v13 =	vld [tilespmem:s18+$0xA000]  }
0x290: {  	[tilespmem:s24+$0xE000] =	vst v8;
	v15 =	vld [tilespmem:s1+$0xA000];
	v8 =	vadd.f32 v11, v4;
	v4 =	vmov v10  }
.Ltmp7:
0x291: {  	v12 =	vld [tilespmem:s14+$0xA000];
	v9 =	vadd.f32 v9, v5;
	(pc) =	sbr.rel @p2 .LBB2_17-.Ltmp7, $4  }
0x292: {  	v10 =	vld [tilespmem:s7+$0xA000];
	[tilespmem:s11+$0xE000] =	vst v8  }
0x293: {  	[tilespmem:s13+$0xE000] =	vst v9;
	v9 =	vadd.f32 v14, v7;
	v8 =	vld [tilespmem:s6+$0xA000]  }
0x294: {  	v11 =	vld [tilespmem:s4+$0xA000];
	v14 =	vadd.f32 v13, v4  }
0x295: {  	p1 =	por !p1, !p1;
	[tilespmem:s19+$0xE000] =	vst v9;
	v13 =	vadd.f32 v15, v2;
	v9 =	vld [tilespmem:s20+$0xA000]  }
0x296: {  	_ = 	snop  }
0x297: {  	v15 =	vld [tilespmem:s3+$0xA000];
	v12 =	vadd.f32 v12, v6  }
0x298: {  	[tilespmem:s18+$0xE000] =	vst v14;
	s2 =	sor.u32 $0x21B0, s10  }
0x299: {  	v54 =	vld [tilespmem:s2+$0xA000];
	[tilespmem:s14+$0xE000] =	vst v12;
	v11 =	vadd.f32 v11, v5  }
0x29a: {  	v55 =	vld [tilespmem:s21+$0xA000]  }
0x29b: {  	[tilespmem:s4+$0xE000] =	vst v11  }
0x29c: {  	v15 =	vadd.f32 v15, v7;
	v11 =	vld [tilespmem:s15+$0xA000];
	_ =	sdelay $0x1  }
0x29d: {  	v12 =	vadd.f32 v54, v4;
	[tilespmem:s3+$0xE000] =	vst v15  }
0x29e: {  	[tilespmem:s1+$0xE000] =	vst v13;
	v15 =	vld [tilespmem:s22+$0xA000];
	v56 =	vadd.f32 v55, v6  }
0x29f: {  	v10 =	vadd.f32 v10, v1;
	v57 =	vld [tilespmem:s5+$0xA000];
	s14 =	sor.u32 $0x31B0, s10;
	[tilespmem:s2+$0xE000] =	vst v12  }
0x2a0: {  	v58 =	vld [tilespmem:s14+$0xA000];
	[tilespmem:s21+$0xE000] =	vst v56;
	v11 =	vadd.f32 v11, v5  }
0x2a1: {  	v3 =	vadd.f32 v8, v3;
	[tilespmem:s7+$0xE000] =	vst v10;
	v59 =	vld [tilespmem:s0+$0xA000]  }
0x2a2: {  	v8 =	vld [tilespmem:s8+$0xA000];
	v0 =	vadd.f32 v9, v0;
	[tilespmem:s15+$0xE000] =	vst v11  }
0x2a3: {  	[tilespmem:s6+$0xE000] =	vst v3;
	v60 =	vadd.f32 v15, v7;
	v61 =	vld [tilespmem:s12+$0xA000]  }
0x2a4: {  	[tilespmem:s20+$0xE000] =	vst v0;
	v2 =	vadd.f32 v57, v2  }
0x2a5: {  	v0 =	vadd.f32 v58, v4;
	[tilespmem:s22+$0xE000] =	vst v60  }
0x2a6: {  	[tilespmem:s5+$0xE000] =	vst v2;
	v3 =	vld [tilespmem:s16+$0xA000];
	v2 =	vadd.f32 v59, v6  }
0x2a7: {  	[tilespmem:s14+$0xE000] =	vst v0;
	v0 =	vadd.f32 v8, v1  }
0x2a8: {  	[tilespmem:s0+$0xE000] =	vst v2;
	v1 =	vadd.f32 v61, v5  }
0x2a9: {  	[tilespmem:s8+$0xE000] =	vst v0  }
0x2aa: {  	[tilespmem:s12+$0xE000] =	vst v1  }
0x2ab: {  	v0 =	vadd.f32 v3, v7;
	s1 =	sld [smem:$0x7FC];
	_ =	sdelay $0x1  }
0x2ac: {  	s15 =	rddreg [dreg:$0x2];
	[tilespmem:s16+$0xE000] =	vst v0  }
0x2ad: {  	s17 =	simm.s32 $0x200;
	s16 =	rddreg [dreg:$0x1f];
	s0 =	sadd.s32 s15, s1  }
0x2ae: {  	s18 =	simm.s32 $0x400;
	s19 =	simm.s32 $0xE000;
	s0 =	sadd.s32 s16, s0  }
0x2af: {  	[hbm4b:s0+s17] =	stream.strided.scatter [tilespmem:s19], [sflag:$0x5], $0x1000, s18, s17, $0x38;
	[tilespmem:$0x1B000] =	vst v63  }
0x2b0: {  	s21 =	simm.s32 $0xF000;
	s20 =	sadd.s32 $0x100000, s0  }
0x2b1: {  	[hbm4b:s20+s17] =	stream.strided.scatter [tilespmem:s21], [sflag:$0x5], $0x1000, s18, s17, $0x38;
	[tilespmem:$0x1B000] =	vst v63  }
0x2b2: {  	s23 =	simm.s32 $0x10000;
	s5 =	rddreg [dreg:$0x1a];
	s22 =	sadd.s32 $0x200000, s0  }
0x2b3: {  	[hbm4b:s22+s17] =	stream.strided.scatter [tilespmem:s23], [sflag:$0x5], $0x1000, s18, s17, $0x38;
	[tilespmem:$0x1B000] =	vst v63  }
0x2b4: {  	s24 =	simm.s32 $0x11000;
	s1 =	rddreg [dreg:$0x1c];
	s0 =	sadd.s32 $0x300000, s0  }
0x2b5: {  	[hbm4b:s0+s17] =	stream.strided.scatter [tilespmem:s24], [sflag:$0x5], $0x1000, s18, s17, $0x38;
	[tilespmem:$0x1B000] =	vst v63  }
0x2b6: {  	p1 =	seq.s32 s5, $0x14;
	s0 =	rddreg [dreg:$0xc]  }
0x2b7: {  	s0 =	sadd.s32 @!p1 s1, s0  }
0x2b8: {  	s0 =	sshll.u32 @!p1 s0, $0x7  }
0x2b9: {  	s1 =	rddreg [dreg:$0x1d];
	s0 =	sand.u32 @!p1 $0x1FFC00, s0  }
0x2ba: {  	s2 =	simm.s32 @!p1 $0x200;
	s0 =	sor.u32 @!p1 s1, s0;
	s1 =	rddreg [dreg:$0x1]  }
0x2bb: {  	s3 =	simm.s32 @!p1 $0x400;
	s4 =	simm.s32 @!p1 $0x9000;
	s1 =	sadd.s32 @!p1 s1, s0  }
0x2bc: {  	[tilespmem:s4], [sflag:$0x2] =	stream.strided.gather @!p1 [hbm4b:s1+s2], $0x1000, s3, s2, $0x38;
	[tilespmem:$0x1B000] =	vst v63  }
0x2bd: {  	s1 =	rddreg [dreg:$0x0]  }
0x2be: {  	s0 =	sadd.s32 @!p1 s1, s0;
	s1 =	simm.s32 @!p1 $0xA000  }
0x2bf: {  	[tilespmem:s1], [sflag:$0x2] =	stream.strided.gather @!p1 [hbm4b:s0+s2], $0x1000, s3, s2, $0x38;
	[tilespmem:$0x1B000] =	vst v63  }
0x2c0: {  	s4 =	simm.s32 @!p1 $0xB000;
	s1 =	sadd.s32 @!p1 $0x100000, s0  }
0x2c1: {  	[tilespmem:s4], [sflag:$0x2] =	stream.strided.gather @!p1 [hbm4b:s1+s2], $0x1000, s3, s2, $0x38;
	[tilespmem:$0x1B000] =	vst v63  }
0x2c2: {  	s1 =	sadd.s32 @!p1 $0x200000, s0;
	s4 =	simm.s32 @!p1 $0xC000  }
0x2c3: {  	[tilespmem:s4], [sflag:$0x2] =	stream.strided.gather @!p1 [hbm4b:s1+s2], $0x1000, s3, s2, $0x38;
	[tilespmem:$0x1B000] =	vst v63  }
0x2c4: {  	s25 =	simm.s32 $0x3;
	s0 =	sadd.s32 @!p1 $0x300000, s0;
	s1 =	simm.s32 @!p1 $0xD000  }
0x2c5: {  	[tilespmem:s1], [sflag:$0x2] =	stream.strided.gather @!p1 [hbm4b:s0+s2], $0x1000, s3, s2, $0x38;
	[tilespmem:$0x1B000] =	vst v63  }
0x2c6: {  	_ =	swait.ge [sflag:s25], $0x1000  }
0x2c7: {  	[sflag:s25] =	ssyncset.done $0x0  }
0x2c8: {  	[sflag:s25] =	ssyncadd.s32 $0xFFFFF000  }
0x2c9: {  	_ =	swait.ge [sflag:s25], $0x4000  }
0x2ca: {  	[sflag:s25] =	ssyncset.done $0x0  }
0x2cb: {  	s0 =	simm.s32 @!p0 $0x6;
	[sflag:s25] =	ssyncadd.s32 $0xFFFFC000  }
0x2cc: {  	s26 =	simm.s32 $0x0;
	_ =	swait.ge @!p0 [sflag:s0], $0x4000  }
0x2cd: {  	s28 =	sand.u32 $0x40, s26;
	s1 =	sand.u32 $0xE00, s26;
	[sflag:s0] =	ssyncset.done @!p0 $0x0  }
0x2ce: {  	s8 =	sor.u32 s28, s1;
	[sflag:s0] =	ssyncadd.s32 @!p0 $0xFFFFC000  }
0x2cf: {  	v0 =	vld [tilespmem:s8+$0x12030]  }
0x2d0: {  	v1 =	vld [tilespmem:s8+$0x16030]  }
0x2d1: {  	v2 =	vld [tilespmem:s8+$0x12000]  }
0x2d2: {  	v3 =	vld [tilespmem:s8+$0x13000]  }
0x2d3: {  	v4 =	vld [tilespmem:s8+$0x14000]  }
0x2d4: {  	v5 =	vld [tilespmem:s8+$0x15000];
	_ =	sdelay $0x1  }
0x2d5: {  	v6 =	vld [tilespmem:s8+$0x16000];
	v1 =	vadd.f32 v1, v0  }
0x2d6: {  	v7 =	vld [tilespmem:s8+$0x12010];
	v3 =	vadd.f32 v3, v2  }
0x2d7: {  	v8 =	vld [tilespmem:s8+$0x13010];
	[tilespmem:s8+$0x1A030] =	vst v1;
	v1 =	vadd.f32 v4, v2  }
0x2d8: {  	[tilespmem:s8+$0x17000] =	vst v3;
	v3 =	vadd.f32 v5, v2  }
0x2d9: {  	v62 =	vld [tilespmem:s8+$0x14010];
	[tilespmem:s8+$0x18000] =	vst v1  }
0x2da: {  	s29 =	smul.u32 $0x3000, s5;
	v4 =	vld [tilespmem:s8+$0x15010];
	[tilespmem:s8+$0x19000] =	vst v3  }
0x2db: {  	v63 =	vld [tilespmem:s8+$0x16010];
	v5 =	vadd.f32 v6, v2;
	s30 =	rddreg [dreg:$0xd]  }
0x2dc: {  	s31 =	sshll.u32 s5, $0x9;
	v6 =	vadd.f32 v8, v7;
	v2 =	vld [tilespmem:s8+$0x13020];
	s0 =	sadd.s32 s29, s30  }
0x2dd: {  	s1 =	sand.u32 $0x200, s31;
	v1 =	vld [tilespmem:s8+$0x12020];
	[tilespmem:s8+$0x1A000] =	vst v5;
	s0 =	sand.u32 $0xFFE000, s0  }
0x2de: {  	v3 =	vld [tilespmem:s8+$0x14020];
	v5 =	vadd.f32 v62, v7;
	[tilespmem:s8+$0x17010] =	vst v6;
	s0 =	sor.u32 s1, s0  }
0x2df: {  	v6 =	vadd.f32 v4, v7;
	v4 =	vld [tilespmem:s8+$0x15020];
	[smem:$0x7FA] =	sst s0  }
0x2e0: {  	s2 =	simm.s32 $0x100;
	v7 =	vadd.f32 v63, v7;
	[tilespmem:s8+$0x18010] =	vst v5;
	v5 =	vld [tilespmem:s8+$0x16020]  }
0x2e1: {  	s3 =	simm.s32 $0x40;
	s1 =	simm.s32 $0x0;
	s0 =	smov.u32 s8;
	[tilespmem:s8+$0x19010] =	vst v6;
	v6 =	vld [tilespmem:s8+$0x13030]  }
.LBB2_19:
0x2e2: {  	s4 =	sand.u32 $0x40, s3;
	s5 =	sand.u32 $0xE00, s2;
	[tilespmem:s0+$0x1A010] =	vst v7;
	v2 =	vadd.f32 v2, v1;
	v7 =	vld [tilespmem:s0+$0x14030]  }
0x2e3: {  	s1 =	sadd.s32 $0x4, s1;
	s4 =	sor.u32 s4, s5;
	v3 =	vadd.f32 v3, v1;
	v8 =	vld [tilespmem:s0+$0x15030]  }
0x2e4: {  	p0 =	slt.u32 s1, $0x3C;
	v9 =	vld [tilespmem:s4+$0x12030];
	[tilespmem:s0+$0x17020] =	vst v2;
	v2 =	vadd.f32 v4, v1  }
0x2e5: {  	v4 =	vld [tilespmem:s4+$0x16030];
	[tilespmem:s0+$0x18020] =	vst v3;
	v1 =	vadd.f32 v5, v1  }
0x2e6: {  	v3 =	vld [tilespmem:s4+$0x12000];
	[tilespmem:s0+$0x19020] =	vst v2;
	v2 =	vadd.f32 v6, v0  }
0x2e7: {  	v5 =	vld [tilespmem:s4+$0x13000];
	[tilespmem:s0+$0x1A020] =	vst v1;
	v1 =	vadd.f32 v7, v0  }
0x2e8: {  	v6 =	vld [tilespmem:s4+$0x14000];
	[tilespmem:s0+$0x17030] =	vst v2;
	v2 =	vadd.f32 v8, v0  }
0x2e9: {  	v7 =	vld [tilespmem:s4+$0x15000];
	[tilespmem:s0+$0x18030] =	vst v1;
	v0 =	vmov v9  }
0x2ea: {  	v1 =	vld [tilespmem:s4+$0x16000];
	v4 =	vadd.f32 v4, v0;
	[tilespmem:s0+$0x19030] =	vst v2;
	s0 =	smov.u32 s4  }
0x2eb: {  	v8 =	vld [tilespmem:s0+$0x12010]  }
0x2ec: {  	v2 =	vadd.f32 v5, v3;
	v5 =	vld [tilespmem:s0+$0x13010];
	[tilespmem:s0+$0x1A030] =	vst v4  }
0x2ed: {  	v4 =	vadd.f32 v6, v3;
	v6 =	vld [tilespmem:s0+$0x14010]  }
0x2ee: {  	[tilespmem:s0+$0x17000] =	vst v2;
	v2 =	vadd.f32 v7, v3;
	v7 =	vld [tilespmem:s0+$0x15010]  }
0x2ef: {  	[tilespmem:s0+$0x18000] =	vst v4;
	v3 =	vadd.f32 v1, v3;
	v9 =	vld [tilespmem:s0+$0x16010]  }
0x2f0: {  	[tilespmem:s0+$0x19000] =	vst v2;
	v1 =	vld [tilespmem:s0+$0x12020]  }
.Ltmp8:
0x2f1: {  	[tilespmem:s0+$0x1A000] =	vst v3;
	v4 =	vadd.f32 v5, v8;
	v2 =	vld [tilespmem:s0+$0x13020];
	(pc) =	sbr.rel @p0 .LBB2_19-.Ltmp8, $4  }
0x2f2: {  	v5 =	vadd.f32 v6, v8;
	v3 =	vld [tilespmem:s0+$0x14020]  }
0x2f3: {  	[tilespmem:s0+$0x17010] =	vst v4;
	v6 =	vadd.f32 v7, v8;
	v4 =	vld [tilespmem:s0+$0x15020]  }
0x2f4: {  	[tilespmem:s0+$0x18010] =	vst v5;
	v7 =	vadd.f32 v9, v8;
	v5 =	vld [tilespmem:s0+$0x16020]  }
0x2f5: {  	s2 =	sadd.s32 $0x100, s2;
	s3 =	sadd.s32 $0x40, s3;
	[tilespmem:s0+$0x19010] =	vst v6;
	v6 =	vld [tilespmem:s0+$0x13030]  }
0x2f6: {  	v2 =	vadd.f32 v2, v1;
	v8 =	vld [tilespmem:s0+$0x14030]  }
0x2f7: {  	[tilespmem:s0+$0x1A010] =	vst v7;
	v7 =	vld [tilespmem:s0+$0x15030];
	v3 =	vadd.f32 v3, v1  }
0x2f8: {  	[tilespmem:s0+$0x17020] =	vst v2;
	v2 =	vadd.f32 v4, v1  }
0x2f9: {  	[tilespmem:s0+$0x18020] =	vst v3;
	v1 =	vadd.f32 v5, v1  }
0x2fa: {  	[tilespmem:s0+$0x19020] =	vst v2;
	v2 =	vadd.f32 v6, v0  }
0x2fb: {  	[tilespmem:s0+$0x1A020] =	vst v1;
	v1 =	vadd.f32 v8, v0  }
0x2fc: {  	v0 =	vadd.f32 v7, v0;
	[tilespmem:s0+$0x17030] =	vst v2  }
0x2fd: {  	[tilespmem:s0+$0x18030] =	vst v1  }
0x2fe: {  	[tilespmem:s0+$0x19030] =	vst v0  }
0x2ff: {  	v0 =	vld [tilespmem:s8+$0x120B0]  }
0x300: {  	v1 =	vld [tilespmem:s8+$0x160B0]  }
0x301: {  	v2 =	vld [tilespmem:s8+$0x12080]  }
0x302: {  	v3 =	vld [tilespmem:s8+$0x13080]  }
0x303: {  	v4 =	vld [tilespmem:s8+$0x14080]  }
0x304: {  	v5 =	vld [tilespmem:s8+$0x15080]  }
0x305: {  	v6 =	vld [tilespmem:s8+$0x16080]  }
0x306: {  	v7 =	vld [tilespmem:s8+$0x12090]  }
0x307: {  	v8 =	vld [tilespmem:s8+$0x13090];
	v1 =	vadd.f32 v1, v0  }
0x308: {  	v9 =	vld [tilespmem:s8+$0x14090];
	v3 =	vadd.f32 v3, v2  }
0x309: {  	[tilespmem:s8+$0x1A0B0] =	vst v1;
	v1 =	vadd.f32 v4, v2;
	v4 =	vld [tilespmem:s8+$0x15090]  }
0x30a: {  	v10 =	vld [tilespmem:s8+$0x16090];
	[tilespmem:s8+$0x17080] =	vst v3;
	v3 =	vadd.f32 v5, v2  }
0x30b: {  	v2 =	vadd.f32 v6, v2;
	v6 =	vld [tilespmem:s8+$0x130A0];
	[tilespmem:s8+$0x18080] =	vst v1  }
0x30c: {  	v1 =	vld [tilespmem:s8+$0x120A0];
	[tilespmem:s8+$0x19080] =	vst v3;
	v3 =	vadd.f32 v8, v7  }
0x30d: {  	v5 =	vld [tilespmem:s8+$0x140A0];
	[tilespmem:s8+$0x1A080] =	vst v2;
	v8 =	vadd.f32 v9, v7  }
0x30e: {  	v2 =	vld [tilespmem:s8+$0x150A0];
	[tilespmem:s8+$0x17090] =	vst v3;
	v4 =	vadd.f32 v4, v7  }
0x30f: {  	[tilespmem:s8+$0x18090] =	vst v8;
	v3 =	vld [tilespmem:s8+$0x160A0];
	v7 =	vadd.f32 v10, v7  }
0x310: {  	s1 =	simm.s32 $0x100;
	s2 =	simm.s32 $0x40;
	s0 =	simm.s32 $0x0;
	[tilespmem:s8+$0x19090] =	vst v4;
	v4 =	vld [tilespmem:s8+$0x130B0]  }
.LBB2_21:
0x311: {  	s3 =	sand.u32 $0x40, s2;
	s4 =	sand.u32 $0xE00, s1;
	[tilespmem:s8+$0x1A090] =	vst v7;
	v6 =	vadd.f32 v6, v1;
	v7 =	vld [tilespmem:s8+$0x140B0]  }
0x312: {  	s0 =	sadd.s32 $0x4, s0;
	s3 =	sor.u32 s3, s4;
	v5 =	vadd.f32 v5, v1;
	v8 =	vld [tilespmem:s8+$0x150B0]  }
0x313: {  	p2 =	slt.u32 s0, $0x3C;
	v9 =	vld [tilespmem:s3+$0x120B0];
	[tilespmem:s8+$0x170A0] =	vst v6;
	v2 =	vadd.f32 v2, v1  }
0x314: {  	v6 =	vld [tilespmem:s3+$0x160B0];
	[tilespmem:s8+$0x180A0] =	vst v5;
	v1 =	vadd.f32 v3, v1  }
0x315: {  	v3 =	vld [tilespmem:s3+$0x12080];
	[tilespmem:s8+$0x190A0] =	vst v2;
	v2 =	vadd.f32 v4, v0  }
0x316: {  	v4 =	vld [tilespmem:s3+$0x13080];
	[tilespmem:s8+$0x1A0A0] =	vst v1;
	v1 =	vadd.f32 v7, v0  }
0x317: {  	v5 =	vld [tilespmem:s3+$0x14080];
	[tilespmem:s8+$0x170B0] =	vst v2;
	v2 =	vadd.f32 v8, v0  }
0x318: {  	v7 =	vld [tilespmem:s3+$0x15080];
	[tilespmem:s8+$0x180B0] =	vst v1;
	v0 =	vmov v9  }
0x319: {  	v1 =	vld [tilespmem:s3+$0x16080];
	v6 =	vadd.f32 v6, v0;
	[tilespmem:s8+$0x190B0] =	vst v2;
	s8 =	smov.u32 s3  }
0x31a: {  	v8 =	vld [tilespmem:s8+$0x12090]  }
0x31b: {  	p0 =	por $0x0, $0x0;
	v2 =	vadd.f32 v4, v3;
	v4 =	vld [tilespmem:s8+$0x13090];
	[tilespmem:s8+$0x1A0B0] =	vst v6  }
0x31c: {  	v5 =	vadd.f32 v5, v3;
	v9 =	vld [tilespmem:s8+$0x14090]  }
0x31d: {  	[tilespmem:s8+$0x17080] =	vst v2;
	v2 =	vadd.f32 v7, v3;
	v7 =	vld [tilespmem:s8+$0x15090]  }
0x31e: {  	[tilespmem:s8+$0x18080] =	vst v5;
	v3 =	vadd.f32 v1, v3;
	v10 =	vld [tilespmem:s8+$0x16090]  }
0x31f: {  	[tilespmem:s8+$0x19080] =	vst v2;
	v1 =	vld [tilespmem:s8+$0x120A0]  }
.Ltmp9:
0x320: {  	[tilespmem:s8+$0x1A080] =	vst v3;
	v2 =	vadd.f32 v4, v8;
	v6 =	vld [tilespmem:s8+$0x130A0];
	(pc) =	sbr.rel @p2 .LBB2_21-.Ltmp9, $4  }
0x321: {  	v3 =	vadd.f32 v9, v8;
	v5 =	vld [tilespmem:s8+$0x140A0]  }
0x322: {  	[tilespmem:s8+$0x17090] =	vst v2;
	v4 =	vadd.f32 v7, v8;
	v2 =	vld [tilespmem:s8+$0x150A0]  }
0x323: {  	[tilespmem:s8+$0x18090] =	vst v3;
	v7 =	vadd.f32 v10, v8;
	v3 =	vld [tilespmem:s8+$0x160A0]  }
0x324: {  	s1 =	sadd.s32 $0x100, s1;
	s2 =	sadd.s32 $0x40, s2;
	[tilespmem:s8+$0x19090] =	vst v4;
	v4 =	vld [tilespmem:s8+$0x130B0]  }
0x325: {  	v6 =	vadd.f32 v6, v1;
	v8 =	vld [tilespmem:s8+$0x140B0]  }
0x326: {  	[tilespmem:s8+$0x1A090] =	vst v7;
	v7 =	vld [tilespmem:s8+$0x150B0];
	v5 =	vadd.f32 v5, v1  }
0x327: {  	[tilespmem:s8+$0x170A0] =	vst v6;
	v2 =	vadd.f32 v2, v1  }
0x328: {  	[tilespmem:s8+$0x180A0] =	vst v5;
	v1 =	vadd.f32 v3, v1  }
0x329: {  	s0 =	simm.s32 $0x1;
	[tilespmem:s8+$0x190A0] =	vst v2;
	v2 =	vadd.f32 v4, v0  }
0x32a: {  	s0 =	simm.s32 @!p0 $0x0;
	[tilespmem:s8+$0x1A0A0] =	vst v1;
	v1 =	vadd.f32 v8, v0  }
0x32b: {  	s0 =	sshll.u32 s0, $0x6;
	v0 =	vadd.f32 v7, v0;
	[tilespmem:s8+$0x170B0] =	vst v2  }
0x32c: {  	s11 =	sadd.s32 $0x0, s0;
	[tilespmem:s8+$0x180B0] =	vst v1  }
0x32d: {  	s0 =	sor.u32 $0x130, s11;
	[tilespmem:s8+$0x190B0] =	vst v0  }
0x32e: {  	v5 =	vld [tilespmem:s0+$0x12000]  }
0x32f: {  	s1 =	sor.u32 $0x100, s11;
	v0 =	vld [tilespmem:s0+$0x13000]  }
0x330: {  	v7 =	vld [tilespmem:s1+$0x12000]  }
0x331: {  	s2 =	sor.u32 $0x110, s11;
	v1 =	vld [tilespmem:s1+$0x13000]  }
0x332: {  	v8 =	vld [tilespmem:s2+$0x12000]  }
0x333: {  	v2 =	vld [tilespmem:s2+$0x13000];
	_ =	sdelay $0x1  }
0x334: {  	s3 =	sor.u32 $0x120, s11  }
0x335: {  	v4 =	vld [tilespmem:s3+$0x13000];
	v1 =	vadd.f32 v1, v7  }
0x336: {  	v3 =	vadd.f32 v0, v5;
	v0 =	vld [tilespmem:s3+$0x12000]  }
0x337: {  	p0 =	por !p0, !p0;
	v2 =	vadd.f32 v2, v8;
	[tilespmem:s1+$0x17000] =	vst v1;
	s1 =	simm.s32 $0x1  }
0x338: {  	s15 =	sor.u32 $0x1130, s11;
	[tilespmem:s0+$0x17000] =	vst v3;
	s1 =	simm.s32 @!p0 $0x0  }
0x339: {  	s5 =	sor.u32 $0x1110, s11;
	[tilespmem:s2+$0x17000] =	vst v2;
	v3 =	vld [tilespmem:s15+$0x13000];
	s1 =	sshll.u32 s1, $0x6  }
0x33a: {  	s4 =	sor.u32 $0x1100, s11;
	v6 =	vld [tilespmem:s5+$0x13000];
	s8 =	sadd.s32 $0x100, s1  }
0x33b: {  	v1 =	vadd.f32 v4, v0;
	v4 =	vld [tilespmem:s4+$0x13000];
	s1 =	sor.u32 $0x130, s8  }
0x33c: {  	s18 =	sor.u32 $0x100, s8;
	v11 =	vld [tilespmem:s1+$0x12000]  }
0x33d: {  	s19 =	sor.u32 $0x110, s8;
	v12 =	vld [tilespmem:s18+$0x13000]  }
0x33e: {  	s16 =	sor.u32 $0x1120, s11;
	[tilespmem:s3+$0x17000] =	vst v1;
	v14 =	vld [tilespmem:s19+$0x13000]  }
0x33f: {  	v2 =	vadd.f32 v3, v5;
	v9 =	vld [tilespmem:s16+$0x13000]  }
0x340: {  	v1 =	vadd.f32 v4, v7;
	v4 =	vld [tilespmem:s1+$0x13000]  }
0x341: {  	s17 =	sor.u32 $0x2130, s11;
	v3 =	vld [tilespmem:s18+$0x12000];
	[tilespmem:s15+$0x17000] =	vst v2  }
0x342: {  	s7 =	sor.u32 $0x120, s8;
	v10 =	vld [tilespmem:s17+$0x13000]  }
0x343: {  	s6 =	sor.u32 $0x2100, s11;
	v15 =	vld [tilespmem:s7+$0x13000];
	[tilespmem:s4+$0x17000] =	vst v1  }
0x344: {  	v6 =	vadd.f32 v6, v8;
	v13 =	vld [tilespmem:s6+$0x13000]  }
0x345: {  	v2 =	vld [tilespmem:s19+$0x12000];
	v4 =	vadd.f32 v4, v11  }
0x346: {  	s12 =	sor.u32 $0x2110, s11;
	[tilespmem:s5+$0x17000] =	vst v6;
	v1 =	vld [tilespmem:s7+$0x12000];
	v12 =	vadd.f32 v12, v3  }
0x347: {  	s20 =	sor.u32 $0x1130, s8;
	v9 =	vadd.f32 v9, v0;
	[tilespmem:s1+$0x17000] =	vst v4;
	v4 =	vadd.f32 v10, v5;
	v10 =	vld [tilespmem:s12+$0x13000]  }
0x348: {  	[tilespmem:s18+$0x17000] =	vst v12;
	v6 =	vld [tilespmem:s20+$0x13000]  }
0x349: {  	s21 =	sor.u32 $0x1100, s8;
	[tilespmem:s16+$0x17000] =	vst v9;
	v12 =	vadd.f32 v13, v7  }
0x34a: {  	s22 =	sor.u32 $0x3130, s11;
	v13 =	vadd.f32 v14, v2;
	[tilespmem:s17+$0x17000] =	vst v4;
	v4 =	vld [tilespmem:s21+$0x13000]  }
0x34b: {  	s23 =	sor.u32 $0x2120, s11;
	v14 =	vadd.f32 v15, v1;
	v9 =	vld [tilespmem:s22+$0x13000];
	[tilespmem:s6+$0x17000] =	vst v12  }
0x34c: {  	s24 =	sor.u32 $0x3100, s11;
	v12 =	vld [tilespmem:s23+$0x13000];
	[tilespmem:s19+$0x17000] =	vst v13;
	v10 =	vadd.f32 v10, v8  }
0x34d: {  	p0 =	por !p0, !p0;
	s25 =	sor.u32 $0x1110, s8;
	[tilespmem:s7+$0x17000] =	vst v14;
	s7 =	simm.s32 $0x1;
	v13 =	vld [tilespmem:s24+$0x13000];
	v6 =	vadd.f32 v6, v11  }
0x34e: {  	s26 =	sor.u32 $0x1120, s8;
	v15 =	vld [tilespmem:s25+$0x13000];
	s7 =	simm.s32 @!p0 $0x0;
	[tilespmem:s12+$0x17000] =	vst v10  }
0x34f: {  	s28 =	sor.u32 $0x2130, s8;
	v14 =	vld [tilespmem:s26+$0x13000];
	s9 =	sshll.u32 s7, $0x6;
	[tilespmem:s20+$0x17000] =	vst v6  }
0x350: {  	s13 =	sor.u32 $0x3110, s11;
	v4 =	vadd.f32 v4, v3;
	s12 =	sadd.s32 $0x200, s9;
	v16 =	vld [tilespmem:s28+$0x13000];
	[smem:$0x7F9] =	sst s9  }
0x351: {  	s30 =	sor.u32 $0x130, s12;
	v10 =	vld [tilespmem:s13+$0x13000]  }
0x352: {  	[tilespmem:s21+$0x17000] =	vst v4;
	v4 =	vld [tilespmem:s30+$0x12000]  }
0x353: {  	v5 =	vadd.f32 v9, v5;
	s15 =	sor.u32 $0x100, s12;
	v9 =	vld [tilespmem:s30+$0x13000]  }
0x354: {  	v6 =	vld [tilespmem:s15+$0x12000]  }
0x355: {  	v12 =	vadd.f32 v12, v0;
	s31 =	sor.u32 $0x110, s12;
	v18 =	vld [tilespmem:s15+$0x13000]  }
0x356: {  	v7 =	vadd.f32 v13, v7;
	[tilespmem:s22+$0x17000] =	vst v5;
	v5 =	vld [tilespmem:s31+$0x12000]  }
0x357: {  	s29 =	sor.u32 $0x2100, s8;
	[tilespmem:s23+$0x17000] =	vst v12;
	v63 =	vld [tilespmem:s31+$0x13000];
	v16 =	vadd.f32 v16, v11  }
0x358: {  	s19 =	sor.u32 $0x120, s12;
	v13 =	vadd.f32 v15, v2;
	v17 =	vld [tilespmem:s29+$0x13000];
	[tilespmem:s24+$0x17000] =	vst v7  }
0x359: {  	s17 =	sor.u32 $0x3130, s8;
	v7 =	vld [tilespmem:s19+$0x12000];
	v9 =	vadd.f32 v9, v4;
	[tilespmem:s28+$0x17000] =	vst v16  }
0x35a: {  	[tilespmem:s25+$0x17000] =	vst v13;
	v13 =	vadd.f32 v18, v6;
	v15 =	vld [tilespmem:s17+$0x13000]  }
0x35b: {  	s20 =	sor.u32 $0x2110, s8;
	v12 =	vadd.f32 v14, v1;
	[tilespmem:s30+$0x17000] =	vst v9;
	v9 =	vld [tilespmem:s19+$0x13000]  }
0x35c: {  	s18 =	sor.u32 $0x1130, s12;
	v8 =	vadd.f32 v10, v8;
	[tilespmem:s15+$0x17000] =	vst v13;
	v13 =	vld [tilespmem:s20+$0x13000]  }
0x35d: {  	s2 =	simm.s32 $0x8;
	s14 =	sor.u32 $0x1100, s12;
	[tilespmem:s26+$0x17000] =	vst v12;
	v10 =	vadd.f32 v17, v3;
	v14 =	vld [tilespmem:s18+$0x13000]  }
0x35e: {  	p2 =	por !p0, !p0;
	s3 =	simm.s32 $0x200;
	s24 =	sor.u32 $0x2120, s8;
	[tilespmem:s13+$0x17000] =	vst v8;
	v8 =	vadd.f32 v63, v5;
	v12 =	vld [tilespmem:s14+$0x13000]  }
0x35f: {  	s5 =	sor.u32 $0x3120, s8;
	s16 =	sor.u32 $0x3110, s8;
	s6 =	sor.u32 $0x3100, s8;
	[tilespmem:s29+$0x17000] =	vst v10;
	v10 =	vld [tilespmem:s24+$0x13000];
	v11 =	vadd.f32 v15, v11  }
0x360: {  	s7 =	sor.u32 $0x1110, s12;
	s4 =	sor.u32 $0x1120, s12;
	s1 =	sor.u32 $0x3100, s12;
	[tilespmem:s31+$0x17000] =	vst v8;
	v8 =	vld [tilespmem:s6+$0x13000];
	v9 =	vadd.f32 v9, v7  }
0x361: {  	s0 =	sor.u32 $0x3120, s12;
	s21 =	sor.u32 $0x3120, s11;
	s22 =	sor.u32 $0x2100, s12;
	[tilespmem:s17+$0x17000] =	vst v11;
	v11 =	vld [tilespmem:s7+$0x13000]  }
0x362: {  	s23 =	sor.u32 $0x2120, s12;
	s25 =	sor.u32 $0x3110, s12;
	s15 =	sor.u32 $0x2110, s12;
	v13 =	vadd.f32 v13, v2;
	v14 =	vadd.f32 v14, v4;
	[tilespmem:s19+$0x17000] =	vst v9;
	v9 =	vld [tilespmem:s21+$0x13000]  }
.LBB2_23:
0x363: {  	s13 =	simm.s32 $0x1  }
0x364: {  	v12 =	vadd.f32 v12, v6;
	v15 =	vld [tilespmem:s4+$0x13000];
	[tilespmem:s18+$0x17000] =	vst v14;
	s17 =	sor.u32 $0x2130, s12;
	s13 =	simm.s32 @!p2 $0x0  }
0x365: {  	s2 =	sadd.s32 $0x4, s2;
	s3 =	sadd.s32 $0x100, s3;
	v10 =	vadd.f32 v10, v1;
	s13 =	sshll.u32 s13, $0x6;
	v14 =	vld [tilespmem:s17+$0x13000];
	[tilespmem:s20+$0x17000] =	vst v13  }
0x366: {  	p3 =	slt.u32 s2, $0x3C;
	v8 =	vadd.f32 v8, v3;
	v3 =	vmov v6;
	s20 =	smov.u32 s15;
	s28 =	sadd.s32 s13, s3;
	[tilespmem:s14+$0x17000] =	vst v12;
	v12 =	vld [tilespmem:s16+$0x13000]  }
0x367: {  	v6 =	vadd.f32 v11, v5;
	s26 =	sor.u32 $0x100, s28;
	s13 =	sor.u32 $0x110, s28;
	s18 =	sor.u32 $0x130, s28;
	v13 =	vld [tilespmem:s22+$0x13000];
	[tilespmem:s24+$0x17000] =	vst v10  }
0x368: {  	s14 =	sor.u32 $0x1100, s28;
	s24 =	sor.u32 $0x1110, s28;
	s19 =	sor.u32 $0x120, s28;
	v10 =	vld [tilespmem:s18+$0x12000];
	[tilespmem:s6+$0x17000] =	vst v8;
	v8 =	vadd.f32 v9, v0;
	v0 =	vmov v1;
	v1 =	vmov v7  }
0x369: {  	s29 =	sor.u32 $0x2100, s28;
	s15 =	sor.u32 $0x2110, s28;
	s6 =	sor.u32 $0x1120, s28;
	v7 =	vld [tilespmem:s18+$0x13000];
	[tilespmem:s7+$0x17000] =	vst v6;
	v9 =	vadd.f32 v15, v1  }
0x36a: {  	s30 =	sor.u32 $0x3100, s28;
	s31 =	sor.u32 $0x3110, s28;
	s9 =	sor.u32 $0x2120, s28;
	v6 =	vld [tilespmem:s26+$0x12000];
	v11 =	vadd.f32 v14, v4;
	[tilespmem:s21+$0x17000] =	vst v8  }
0x36b: {  	s10 =	sor.u32 $0x3120, s28;
	s7 =	smov.u32 s24;
	v8 =	vld [tilespmem:s26+$0x13000];
	[tilespmem:s4+$0x17000] =	vst v9;
	v9 =	vadd.f32 v12, v2;
	v2 =	vmov v5;
	s4 =	smov.u32 s6  }
0x36c: {  	s6 =	smov.u32 s1;
	v5 =	vld [tilespmem:s13+$0x12000];
	v12 =	vadd.f32 v13, v3;
	[tilespmem:s17+$0x17000] =	vst v11;
	s17 =	sor.u32 $0x3130, s12;
	s12 =	smov.u32 s28  }
0x36d: {  	s1 =	smov.u32 s30;
	v11 =	vld [tilespmem:s17+$0x13000];
	[tilespmem:s16+$0x17000] =	vst v9;
	s16 =	smov.u32 s25;
	s25 =	smov.u32 s31  }
0x36e: {  	s24 =	smov.u32 s23;
	s23 =	smov.u32 s9;
	v9 =	vld [tilespmem:s13+$0x13000];
	v13 =	vadd.f32 v7, v10;
	[tilespmem:s22+$0x17000] =	vst v12;
	s22 =	smov.u32 s29  }
0x36f: {  	s21 =	smov.u32 s5;
	s5 =	smov.u32 s0;
	s0 =	smov.u32 s10;
	v7 =	vld [tilespmem:s19+$0x12000]  }
0x370: {  	v8 =	vadd.f32 v8, v6;
	v14 =	vld [tilespmem:s19+$0x13000];
	[tilespmem:s18+$0x17000] =	vst v13;
	s18 =	sor.u32 $0x1130, s12  }
0x371: {  	v13 =	vld [tilespmem:s18+$0x13000]  }
0x372: {  	[tilespmem:s26+$0x17000] =	vst v8;
	v15 =	vld [tilespmem:s20+$0x13000];
	v8 =	vadd.f32 v11, v4;
	v4 =	vmov v10  }
.Ltmp10:
0x373: {  	v12 =	vld [tilespmem:s14+$0x13000];
	v9 =	vadd.f32 v9, v5;
	(pc) =	sbr.rel @p3 .LBB2_23-.Ltmp10, $4  }
0x374: {  	v10 =	vld [tilespmem:s24+$0x13000];
	[tilespmem:s17+$0x17000] =	vst v8  }
0x375: {  	[tilespmem:s13+$0x17000] =	vst v9;
	v9 =	vadd.f32 v14, v7;
	v8 =	vld [tilespmem:s6+$0x13000]  }
0x376: {  	v11 =	vld [tilespmem:s7+$0x13000];
	v14 =	vadd.f32 v13, v4  }
0x377: {  	p2 =	por !p2, !p2;
	[tilespmem:s19+$0x17000] =	vst v9;
	v13 =	vadd.f32 v15, v2;
	v9 =	vld [tilespmem:s21+$0x13000]  }
0x378: {  	v15 =	vld [tilespmem:s4+$0x13000];
	_ =	sdelay $0x1  }
0x379: {  	v12 =	vadd.f32 v12, v6  }
0x37a: {  	[tilespmem:s18+$0x17000] =	vst v14;
	s2 =	sor.u32 $0x2130, s12  }
0x37b: {  	[tilespmem:s14+$0x17000] =	vst v12;
	v12 =	vld [tilespmem:s2+$0x13000];
	v11 =	vadd.f32 v11, v5  }
0x37c: {  	v14 =	vld [tilespmem:s22+$0x13000];
	v15 =	vadd.f32 v15, v7  }
0x37d: {  	[tilespmem:s7+$0x17000] =	vst v11  }
0x37e: {  	v11 =	vld [tilespmem:s15+$0x13000];
	[tilespmem:s4+$0x17000] =	vst v15  }
0x37f: {  	v15 =	vld [tilespmem:s23+$0x13000]  }
0x380: {  	v12 =	vadd.f32 v12, v4  }
0x381: {  	[tilespmem:s20+$0x17000] =	vst v13;
	v13 =	vadd.f32 v14, v6  }
0x382: {  	s3 =	sor.u32 $0x3130, s12;
	v10 =	vadd.f32 v10, v1;
	v14 =	vld [tilespmem:s16+$0x13000];
	[tilespmem:s2+$0x17000] =	vst v12  }
0x383: {  	v12 =	vld [tilespmem:s3+$0x13000];
	[tilespmem:s22+$0x17000] =	vst v13;
	v11 =	vadd.f32 v11, v5  }
0x384: {  	[tilespmem:s24+$0x17000] =	vst v10;
	v10 =	vld [tilespmem:s1+$0x13000];
	v13 =	vadd.f32 v15, v7  }
0x385: {  	v3 =	vadd.f32 v8, v3;
	v8 =	vld [tilespmem:s5+$0x13000];
	[tilespmem:s15+$0x17000] =	vst v11  }
0x386: {  	v0 =	vadd.f32 v9, v0;
	v9 =	vld [tilespmem:s25+$0x13000];
	[tilespmem:s23+$0x17000] =	vst v13  }
0x387: {  	[tilespmem:s6+$0x17000] =	vst v3;
	v2 =	vadd.f32 v14, v2;
	v3 =	vld [tilespmem:s0+$0x13000]  }
0x388: {  	[tilespmem:s21+$0x17000] =	vst v0;
	v0 =	vadd.f32 v12, v4  }
0x389: {  	[tilespmem:s16+$0x17000] =	vst v2;
	v2 =	vadd.f32 v10, v6  }
0x38a: {  	[tilespmem:s3+$0x17000] =	vst v0;
	v0 =	vadd.f32 v8, v1  }
0x38b: {  	[tilespmem:s1+$0x17000] =	vst v2;
	v1 =	vadd.f32 v9, v5  }
0x38c: {  	[tilespmem:s5+$0x17000] =	vst v0;
	v0 =	vadd.f32 v3, v7  }
0x38d: {  	[tilespmem:s25+$0x17000] =	vst v1  }
0x38e: {  	s4 =	sor.u32 $0x1B0, s11;
	[tilespmem:s0+$0x17000] =	vst v0  }
0x38f: {  	v5 =	vld [tilespmem:s4+$0x12000]  }
0x390: {  	s5 =	sor.u32 $0x180, s11;
	v0 =	vld [tilespmem:s4+$0x13000]  }
0x391: {  	v7 =	vld [tilespmem:s5+$0x12000]  }
0x392: {  	s6 =	sor.u32 $0x190, s11;
	v1 =	vld [tilespmem:s5+$0x13000]  }
0x393: {  	v8 =	vld [tilespmem:s6+$0x12000]  }
0x394: {  	s3 =	sor.u32 $0x1A0, s11;
	v2 =	vld [tilespmem:s6+$0x13000]  }
0x395: {  	v4 =	vld [tilespmem:s3+$0x13000]  }
0x396: {  	v3 =	vadd.f32 v0, v5;
	v0 =	vld [tilespmem:s3+$0x12000];
	_ =	sdelay $0x1  }
0x397: {  	s14 =	sor.u32 $0x1B0, s8;
	v1 =	vadd.f32 v1, v7  }
0x398: {  	s7 =	sor.u32 $0x11B0, s11;
	v11 =	vld [tilespmem:s14+$0x12000];
	[tilespmem:s4+$0x17000] =	vst v3  }
0x399: {  	s9 =	sor.u32 $0x1180, s11;
	[tilespmem:s5+$0x17000] =	vst v1;
	v3 =	vld [tilespmem:s7+$0x13000]  }
0x39a: {  	s15 =	sor.u32 $0x180, s8;
	v2 =	vadd.f32 v2, v8;
	v1 =	vadd.f32 v4, v0;
	v4 =	vld [tilespmem:s9+$0x13000]  }
0x39b: {  	s17 =	sor.u32 $0x190, s8;
	v12 =	vld [tilespmem:s15+$0x13000]  }
0x39c: {  	s10 =	sor.u32 $0x1190, s11;
	v14 =	vld [tilespmem:s17+$0x13000];
	[tilespmem:s6+$0x17000] =	vst v2  }
0x39d: {  	s12 =	sor.u32 $0x11A0, s11;
	v6 =	vld [tilespmem:s10+$0x13000];
	[tilespmem:s3+$0x17000] =	vst v1  }
0x39e: {  	v2 =	vadd.f32 v3, v5;
	v9 =	vld [tilespmem:s12+$0x13000]  }
0x39f: {  	v1 =	vadd.f32 v4, v7;
	v4 =	vld [tilespmem:s14+$0x13000]  }
0x3a0: {  	s13 =	sor.u32 $0x21B0, s11;
	v3 =	vld [tilespmem:s15+$0x12000];
	[tilespmem:s7+$0x17000] =	vst v2  }
0x3a1: {  	s18 =	sor.u32 $0x1A0, s8;
	v10 =	vld [tilespmem:s13+$0x13000]  }
0x3a2: {  	s16 =	sor.u32 $0x2180, s11;
	v15 =	vld [tilespmem:s18+$0x13000];
	[tilespmem:s9+$0x17000] =	vst v1  }
0x3a3: {  	v6 =	vadd.f32 v6, v8;
	v13 =	vld [tilespmem:s16+$0x13000]  }
0x3a4: {  	v2 =	vld [tilespmem:s17+$0x12000];
	v4 =	vadd.f32 v4, v11  }
0x3a5: {  	[tilespmem:s10+$0x17000] =	vst v6;
	v1 =	vld [tilespmem:s18+$0x12000];
	s9 =	sor.u32 $0x2190, s11;
	v12 =	vadd.f32 v12, v3  }
0x3a6: {  	s19 =	sor.u32 $0x11B0, s8;
	v9 =	vadd.f32 v9, v0;
	[tilespmem:s14+$0x17000] =	vst v4;
	v4 =	vadd.f32 v10, v5;
	v10 =	vld [tilespmem:s9+$0x13000]  }
0x3a7: {  	[tilespmem:s15+$0x17000] =	vst v12;
	v6 =	vld [tilespmem:s19+$0x13000]  }
0x3a8: {  	[tilespmem:s12+$0x17000] =	vst v9;
	v12 =	vadd.f32 v13, v7  }
0x3a9: {  	v13 =	vadd.f32 v14, v2;
	[tilespmem:s13+$0x17000] =	vst v4  }
0x3aa: {  	s20 =	sor.u32 $0x1180, s8;
	v14 =	vadd.f32 v15, v1;
	[tilespmem:s16+$0x17000] =	vst v12  }
0x3ab: {  	v4 =	vld [tilespmem:s20+$0x13000];
	[tilespmem:s17+$0x17000] =	vst v13;
	v10 =	vadd.f32 v10, v8  }
0x3ac: {  	s21 =	sor.u32 $0x31B0, s11;
	[tilespmem:s18+$0x17000] =	vst v14;
	v6 =	vadd.f32 v6, v11  }
0x3ad: {  	s22 =	sor.u32 $0x21A0, s11;
	v9 =	vld [tilespmem:s21+$0x13000];
	[tilespmem:s9+$0x17000] =	vst v10  }
0x3ae: {  	s23 =	sor.u32 $0x3180, s11;
	v12 =	vld [tilespmem:s22+$0x13000];
	[tilespmem:s19+$0x17000] =	vst v6  }
0x3af: {  	s24 =	sor.u32 $0x1190, s8;
	v13 =	vld [tilespmem:s23+$0x13000];
	s7 =	sld [smem:$0x7F9]  }
0x3b0: {  	s28 =	sor.u32 $0x3190, s11;
	v15 =	vld [tilespmem:s24+$0x13000];
	v4 =	vadd.f32 v4, v3  }
0x3b1: {  	s26 =	sor.u32 $0x21B0, s8;
	v10 =	vld [tilespmem:s28+$0x13000]  }
0x3b2: {  	s29 =	sor.u32 $0x2180, s8;
	v16 =	vld [tilespmem:s26+$0x13000];
	[tilespmem:s20+$0x17000] =	vst v4;
	s10 =	sadd.s32 $0x200, s7  }
0x3b3: {  	v17 =	vld [tilespmem:s29+$0x13000];
	s30 =	sor.u32 $0x1B0, s10  }
0x3b4: {  	v4 =	vld [tilespmem:s30+$0x12000]  }
0x3b5: {  	v5 =	vadd.f32 v9, v5;
	s7 =	sor.u32 $0x180, s10;
	v9 =	vld [tilespmem:s30+$0x13000]  }
0x3b6: {  	v12 =	vadd.f32 v12, v0;
	v6 =	vld [tilespmem:s7+$0x12000]  }
0x3b7: {  	v7 =	vadd.f32 v13, v7;
	[tilespmem:s21+$0x17000] =	vst v5;
	s31 =	sor.u32 $0x190, s10;
	v18 =	vld [tilespmem:s7+$0x13000]  }
0x3b8: {  	v13 =	vadd.f32 v15, v2;
	[tilespmem:s22+$0x17000] =	vst v12;
	v5 =	vld [tilespmem:s31+$0x12000]  }
0x3b9: {  	s25 =	sor.u32 $0x11A0, s8;
	[tilespmem:s23+$0x17000] =	vst v7;
	v16 =	vadd.f32 v16, v11;
	v63 =	vld [tilespmem:s31+$0x13000]  }
0x3ba: {  	v14 =	vld [tilespmem:s25+$0x13000];
	[tilespmem:s24+$0x17000] =	vst v13;
	s17 =	sor.u32 $0x1A0, s10;
	v8 =	vadd.f32 v10, v8  }
0x3bb: {  	s13 =	sor.u32 $0x31B0, s8;
	v7 =	vld [tilespmem:s17+$0x12000];
	[tilespmem:s26+$0x17000] =	vst v16;
	v9 =	vadd.f32 v9, v4  }
0x3bc: {  	[tilespmem:s28+$0x17000] =	vst v8;
	v15 =	vld [tilespmem:s13+$0x13000];
	v13 =	vadd.f32 v18, v6  }
0x3bd: {  	s1 =	sor.u32 $0x2190, s8;
	v10 =	vadd.f32 v17, v3;
	[tilespmem:s30+$0x17000] =	vst v9;
	v9 =	vld [tilespmem:s17+$0x13000]  }
0x3be: {  	s18 =	sor.u32 $0x11B0, s10;
	v8 =	vadd.f32 v63, v5;
	[tilespmem:s7+$0x17000] =	vst v13;
	v13 =	vld [tilespmem:s1+$0x13000]  }
0x3bf: {  	p0 =	por !p0, !p0;
	s6 =	sor.u32 $0x3180, s8;
	v12 =	vadd.f32 v14, v1;
	[tilespmem:s29+$0x17000] =	vst v10;
	v14 =	vld [tilespmem:s18+$0x13000]  }
0x3c0: {  	s2 =	simm.s32 $0x200;
	s5 =	sor.u32 $0x3190, s8;
	s22 =	sor.u32 $0x1180, s10;
	[tilespmem:s31+$0x17000] =	vst v8;
	v8 =	vld [tilespmem:s6+$0x13000]  }
0x3c1: {  	s15 =	simm.s32 $0x8;
	s16 =	sor.u32 $0x31A0, s11;
	[tilespmem:s25+$0x17000] =	vst v12;
	s7 =	sor.u32 $0x21A0, s8;
	v12 =	vld [tilespmem:s22+$0x13000];
	v11 =	vadd.f32 v15, v11  }
0x3c2: {  	s4 =	sor.u32 $0x1190, s10;
	s20 =	sor.u32 $0x2180, s10;
	s14 =	sor.u32 $0x2190, s10;
	v10 =	vld [tilespmem:s7+$0x13000];
	v9 =	vadd.f32 v9, v7  }
0x3c3: {  	s3 =	sor.u32 $0x11A0, s10;
	s0 =	sor.u32 $0x3180, s10;
	s11 =	sor.u32 $0x3190, s10;
	[tilespmem:s13+$0x17000] =	vst v11;
	v11 =	vld [tilespmem:s4+$0x13000]  }
0x3c4: {  	s21 =	sor.u32 $0x21A0, s10;
	s12 =	sor.u32 $0x31A0, s10;
	s8 =	sor.u32 $0x31A0, s8;
	v13 =	vadd.f32 v13, v2;
	v14 =	vadd.f32 v14, v4;
	[tilespmem:s17+$0x17000] =	vst v9;
	v9 =	vld [tilespmem:s16+$0x13000]  }
.LBB2_25:
0x3c5: {  	s9 =	simm.s32 $0x1  }
0x3c6: {  	v12 =	vadd.f32 v12, v6;
	v15 =	vld [tilespmem:s3+$0x13000];
	[tilespmem:s18+$0x17000] =	vst v14;
	s17 =	sor.u32 $0x21B0, s10;
	s9 =	simm.s32 @!p0 $0x0  }
0x3c7: {  	s15 =	sadd.s32 $0x4, s15;
	s2 =	sadd.s32 $0x100, s2;
	v10 =	vadd.f32 v10, v1;
	s9 =	sshll.u32 s9, $0x6;
	v14 =	vld [tilespmem:s17+$0x13000];
	[tilespmem:s1+$0x17000] =	vst v13  }
0x3c8: {  	p2 =	slt.u32 s15, $0x3C;
	v8 =	vadd.f32 v8, v3;
	v3 =	vmov v6;
	s1 =	smov.u32 s14;
	s9 =	sadd.s32 s9, s2;
	[tilespmem:s22+$0x17000] =	vst v12;
	v12 =	vld [tilespmem:s5+$0x13000]  }
0x3c9: {  	v6 =	vadd.f32 v11, v5;
	s23 =	sor.u32 $0x180, s9;
	s13 =	sor.u32 $0x190, s9;
	s18 =	sor.u32 $0x1B0, s9;
	v13 =	vld [tilespmem:s20+$0x13000];
	[tilespmem:s7+$0x17000] =	vst v10  }
0x3ca: {  	s22 =	sor.u32 $0x1180, s9;
	s7 =	sor.u32 $0x1190, s9;
	s19 =	sor.u32 $0x1A0, s9;
	v10 =	vld [tilespmem:s18+$0x12000];
	[tilespmem:s6+$0x17000] =	vst v8;
	v8 =	vadd.f32 v9, v0;
	v0 =	vmov v1;
	v1 =	vmov v7  }
0x3cb: {  	s24 =	sor.u32 $0x2180, s9;
	s14 =	sor.u32 $0x2190, s9;
	s6 =	sor.u32 $0x11A0, s9;
	v7 =	vld [tilespmem:s18+$0x13000];
	[tilespmem:s4+$0x17000] =	vst v6;
	v9 =	vadd.f32 v15, v1  }
0x3cc: {  	s25 =	sor.u32 $0x3180, s9;
	s26 =	sor.u32 $0x3190, s9;
	s28 =	sor.u32 $0x21A0, s9;
	v6 =	vld [tilespmem:s23+$0x12000];
	v11 =	vadd.f32 v14, v4;
	[tilespmem:s16+$0x17000] =	vst v8  }
0x3cd: {  	s29 =	sor.u32 $0x31A0, s9;
	s4 =	smov.u32 s7;
	v8 =	vld [tilespmem:s23+$0x13000];
	[tilespmem:s3+$0x17000] =	vst v9;
	v9 =	vadd.f32 v12, v2;
	v2 =	vmov v5;
	s3 =	smov.u32 s6  }
0x3ce: {  	s6 =	smov.u32 s0;
	v5 =	vld [tilespmem:s13+$0x12000];
	v12 =	vadd.f32 v13, v3;
	[tilespmem:s17+$0x17000] =	vst v11;
	s17 =	sor.u32 $0x31B0, s10;
	s10 =	smov.u32 s9  }
0x3cf: {  	s0 =	smov.u32 s25;
	v11 =	vld [tilespmem:s17+$0x13000];
	[tilespmem:s5+$0x17000] =	vst v9;
	s5 =	smov.u32 s11;
	s11 =	smov.u32 s26  }
0x3d0: {  	s7 =	smov.u32 s21;
	s21 =	smov.u32 s28;
	v9 =	vld [tilespmem:s13+$0x13000];
	v13 =	vadd.f32 v7, v10;
	[tilespmem:s20+$0x17000] =	vst v12;
	s20 =	smov.u32 s24  }
0x3d1: {  	s16 =	smov.u32 s8;
	s8 =	smov.u32 s12;
	s12 =	smov.u32 s29;
	v7 =	vld [tilespmem:s19+$0x12000]  }
0x3d2: {  	v8 =	vadd.f32 v8, v6;
	v14 =	vld [tilespmem:s19+$0x13000];
	[tilespmem:s18+$0x17000] =	vst v13;
	s18 =	sor.u32 $0x11B0, s10  }
0x3d3: {  	v13 =	vld [tilespmem:s18+$0x13000]  }
0x3d4: {  	[tilespmem:s23+$0x17000] =	vst v8;
	v15 =	vld [tilespmem:s1+$0x13000];
	v8 =	vadd.f32 v11, v4;
	v4 =	vmov v10  }
.Ltmp11:
0x3d5: {  	v12 =	vld [tilespmem:s22+$0x13000];
	v9 =	vadd.f32 v9, v5;
	(pc) =	sbr.rel @p2 .LBB2_25-.Ltmp11, $4  }
0x3d6: {  	v10 =	vld [tilespmem:s7+$0x13000];
	[tilespmem:s17+$0x17000] =	vst v8  }
0x3d7: {  	[tilespmem:s13+$0x17000] =	vst v9;
	v9 =	vadd.f32 v14, v7;
	v8 =	vld [tilespmem:s6+$0x13000]  }
0x3d8: {  	v11 =	vld [tilespmem:s4+$0x13000];
	v14 =	vadd.f32 v13, v4  }
0x3d9: {  	p0 =	por !p0, !p0;
	[tilespmem:s19+$0x17000] =	vst v9;
	v13 =	vadd.f32 v15, v2;
	v9 =	vld [tilespmem:s16+$0x13000]  }
0x3da: {  	_ =	sdelay $0x1  }
0x3db: {  	v12 =	vadd.f32 v12, v6  }
0x3dc: {  	v15 =	vld [tilespmem:s3+$0x13000];
	[tilespmem:s18+$0x17000] =	vst v14;
	s2 =	sor.u32 $0x21B0, s10;
	v11 =	vadd.f32 v11, v5  }
0x3dd: {  	v14 =	vld [tilespmem:s2+$0x13000];
	[tilespmem:s22+$0x17000] =	vst v12  }
0x3de: {  	v12 =	vld [tilespmem:s20+$0x13000];
	[tilespmem:s4+$0x17000] =	vst v11  }
0x3df: {  	v11 =	vld [tilespmem:s14+$0x13000]  }
0x3e0: {  	v10 =	vadd.f32 v10, v1  }
0x3e1: {  	[tilespmem:s1+$0x17000] =	vst v13;
	v15 =	vadd.f32 v15, v7  }
0x3e2: {  	v13 =	vld [tilespmem:s5+$0x13000];
	[tilespmem:s7+$0x17000] =	vst v10;
	v14 =	vadd.f32 v14, v4  }
0x3e3: {  	v56 =	vld [tilespmem:s8+$0x13000];
	[tilespmem:s3+$0x17000] =	vst v15;
	v12 =	vadd.f32 v12, v6  }
0x3e4: {  	s23 =	sor.u32 $0x31B0, s10;
	v15 =	vld [tilespmem:s21+$0x13000];
	[tilespmem:s2+$0x17000] =	vst v14;
	v11 =	vadd.f32 v11, v5  }
0x3e5: {  	v3 =	vadd.f32 v8, v3;
	v14 =	vld [tilespmem:s23+$0x13000];
	[tilespmem:s20+$0x17000] =	vst v12  }
0x3e6: {  	v0 =	vadd.f32 v9, v0;
	v54 =	vld [tilespmem:s0+$0x13000];
	[tilespmem:s14+$0x17000] =	vst v11  }
0x3e7: {  	[tilespmem:s6+$0x17000] =	vst v3;
	v2 =	vadd.f32 v13, v2;
	v57 =	vld [tilespmem:s11+$0x13000]  }
0x3e8: {  	[tilespmem:s16+$0x17000] =	vst v0;
	v61 =	vadd.f32 v56, v1  }
0x3e9: {  	[tilespmem:s5+$0x17000] =	vst v2;
	v55 =	vadd.f32 v15, v7  }
0x3ea: {  	[tilespmem:s8+$0x17000] =	vst v61;
	v59 =	vadd.f32 v14, v4  }
0x3eb: {  	[tilespmem:s21+$0x17000] =	vst v55;
	v60 =	vadd.f32 v54, v6  }
0x3ec: {  	v58 =	vld [tilespmem:s12+$0x13000];
	[tilespmem:s23+$0x17000] =	vst v59;
	v62 =	vadd.f32 v57, v5  }
0x3ed: {  	[tilespmem:s0+$0x17000] =	vst v60  }
0x3ee: {  	[tilespmem:s11+$0x17000] =	vst v62  }
0x3ef: {  	s0 =	sld [smem:$0x7FA];
	_ =	sdelay $0x1  }
0x3f0: {  	v63 =	vadd.f32 v58, v7  }
0x3f1: {  	s24 =	rddreg [dreg:$0x2];
	s25 =	simm.s32 $0x17000;
	s0 =	sshrl.u32 s0, $0x3  }
0x3f2: {  	s4 =	simm.s32 $0x400;
	s3 =	simm.s32 $0x200;
	[tilespmem:s12+$0x17000] =	vst v63;
	s0 =	sadd.s32 s24, s0  }
0x3f3: {  	[hbm4b:s0+s3] =	stream.strided.scatter [tilespmem:s25], [sflag:$0x6], $0x1000, s4, s3, $0x38;
	[tilespmem:$0x1B000] =	vst v63  }
0x3f4: {  	s28 =	simm.s32 $0x18000;
	s26 =	sadd.s32 $0x100000, s0  }
0x3f5: {  	[hbm4b:s26+s3] =	stream.strided.scatter [tilespmem:s28], [sflag:$0x6], $0x1000, s4, s3, $0x38;
	[tilespmem:$0x1B000] =	vst v63  }
.Ltmp12:
0x3f6: {  	_ = 	snop;
	(pc) =	sbr.rel @p1 .LBB2_28-.Ltmp12, $4  }
0x3f7: {  	s30 =	simm.s32 $0x19000;
	s29 =	sadd.s32 $0x200000, s0  }
0x3f8: {  	[hbm4b:s29+s3] =	stream.strided.scatter [tilespmem:s30], [sflag:$0x6], $0x1000, s4, s3, $0x38;
	[tilespmem:$0x1B000] =	vst v63  }
0x3f9: {  	s31 =	simm.s32 $0x1A000;
	s0 =	sadd.s32 $0x300000, s0  }
0x3fa: {  	[hbm4b:s0+s3] =	stream.strided.scatter [tilespmem:s31], [sflag:$0x6], $0x1000, s4, s3, $0x38;
	[tilespmem:$0x1B000] =	vst v63  }
0x3fb: {  	s0 =	rddreg [dreg:$0x1b]  }
0x3fc: {  	s0 =	sadd.s32 $0x5, s0  }
0x3fd: {  	s2 =	rddreg [dreg:$0x5];
	s1 =	sshll.u32 s0, $0x9  }
0x3fe: {  	s0 =	sshll.u32 s0, $0x6;
	s1 =	sadd.s32 s2, s1  }
0x3ff: {  	s0 =	sand.u32 $0x40, s0;
	s1 =	sand.u32 $0x1FFC00, s1  }
0x400: {  	s21 =	rddreg [dreg:$0x1];
	s0 =	sor.u32 s0, s1  }
0x401: {  	s22 =	simm.s32 $0x12000;
	s23 =	rddreg [dreg:$0x0];
	s1 =	sadd.s32 s21, s0  }
0x402: {  	[tilespmem:s22], [sflag:$0x3] =	stream.strided.gather [hbm4b:s1+s3], $0x1000, s4, s3, $0x38;
	[tilespmem:$0x1B000] =	vst v63  }
0x403: {  	s24 =	simm.s32 $0x13000;
	s0 =	sadd.s32 s23, s0  }
0x404: {  	[tilespmem:s24], [sflag:$0x3] =	stream.strided.gather [hbm4b:s0+s3], $0x1000, s4, s3, $0x38;
	[tilespmem:$0x1B000] =	vst v63  }
0x405: {  	s26 =	simm.s32 $0x14000;
	s25 =	sadd.s32 $0x100000, s0  }
0x406: {  	[tilespmem:s26], [sflag:$0x3] =	stream.strided.gather [hbm4b:s25+s3], $0x1000, s4, s3, $0x38;
	[tilespmem:$0x1B000] =	vst v63  }
.Ltmp13:
0x407: {  	s29 =	simm.s32 $0x15000;
	s28 =	sadd.s32 $0x200000, s0;
	(pc) =	sbr.rel .LBB2_2-.Ltmp13, $4  }
0x408: {  	[tilespmem:s29], [sflag:$0x3] =	stream.strided.gather [hbm4b:s28+s3], $0x1000, s4, s3, $0x38;
	[tilespmem:$0x1B000] =	vst v63  }
0x409: {  	s30 =	simm.s32 $0x16000;
	s31 =	rddreg [dreg:$0x1a];
	s0 =	sadd.s32 $0x300000, s0  }
0x40a: {  	[tilespmem:s30], [sflag:$0x3] =	stream.strided.gather [hbm4b:s0+s3], $0x1000, s4, s3, $0x38;
	[tilespmem:$0x1B000] =	vst v63  }
0x40b: {  	s3 =	sadd.s32 $0x1, s31  }
.LBB2_28:
0x40c: {  	s0 =	simm.s32 $0x1  }
0x40d: {  	_ =	swait.ge [sflag:s0], $0x1000  }
0x40e: {  	[sflag:s0] =	ssyncset.done $0x0  }
0x40f: {  	[sflag:s0] =	ssyncadd.s32 $0xFFFFF000  }
0x410: {  	_ =	swait.ge [sflag:s0], $0x4000  }
0x411: {  	[sflag:s0] =	ssyncset.done $0x0  }
0x412: {  	s2 =	simm.s32 $0x4;
	[sflag:s0] =	ssyncadd.s32 $0xFFFFC000  }
0x413: {  	s31 =	simm.s32 $0x0;
	_ =	swait.ge [sflag:s2], $0x4000  }
0x414: {  	s1 =	sand.u32 $0x40, s31;
	s0 =	sand.u32 $0xE00, s31;
	[sflag:s2] =	ssyncset.done $0x0  }
0x415: {  	s8 =	sor.u32 s1, s0;
	[sflag:s2] =	ssyncadd.s32 $0xFFFFC000  }
0x416: {  	v0 =	vld [tilespmem:s8+$0x30]  }
0x417: {  	v1 =	vld [tilespmem:s8+$0x4030]  }
0x418: {  	v2 =	vld [tilespmem:s8+$0x0]  }
0x419: {  	v3 =	vld [tilespmem:s8+$0x1000]  }
0x41a: {  	v4 =	vld [tilespmem:s8+$0x2000]  }
0x41b: {  	v5 =	vld [tilespmem:s8+$0x3000]  }
0x41c: {  	v6 =	vld [tilespmem:s8+$0x4000]  }
0x41d: {  	v7 =	vld [tilespmem:s8+$0x10]  }
0x41e: {  	v8 =	vld [tilespmem:s8+$0x1010];
	v1 =	vadd.f32 v1, v0  }
0x41f: {  	v9 =	vld [tilespmem:s8+$0x2010];
	v3 =	vadd.f32 v3, v2  }
0x420: {  	[tilespmem:s8+$0x8030] =	vst v1;
	v1 =	vadd.f32 v4, v2;
	v4 =	vld [tilespmem:s8+$0x3010]  }
0x421: {  	v10 =	vld [tilespmem:s8+$0x4010];
	[tilespmem:s8+$0x5000] =	vst v3;
	v3 =	vadd.f32 v5, v2  }
0x422: {  	v2 =	vadd.f32 v6, v2;
	v6 =	vld [tilespmem:s8+$0x1020];
	[tilespmem:s8+$0x6000] =	vst v1  }
0x423: {  	v1 =	vld [tilespmem:s8+$0x20];
	[tilespmem:s8+$0x7000] =	vst v3;
	v3 =	vadd.f32 v8, v7  }
0x424: {  	v5 =	vld [tilespmem:s8+$0x2020];
	[tilespmem:s8+$0x8000] =	vst v2;
	v8 =	vadd.f32 v9, v7  }
0x425: {  	v2 =	vld [tilespmem:s8+$0x3020];
	[tilespmem:s8+$0x5010] =	vst v3;
	v4 =	vadd.f32 v4, v7  }
0x426: {  	s3 =	simm.s32 $0x40;
	[tilespmem:s8+$0x6010] =	vst v8;
	v3 =	vld [tilespmem:s8+$0x4020];
	v7 =	vadd.f32 v10, v7  }
0x427: {  	s1 =	simm.s32 $0x0;
	s0 =	smov.u32 s8;
	s2 =	simm.s32 $0x100;
	[tilespmem:s8+$0x7010] =	vst v4;
	v4 =	vld [tilespmem:s8+$0x1030]  }
.LBB2_29:
0x428: {  	s4 =	sand.u32 $0x40, s3;
	s5 =	sand.u32 $0xE00, s2;
	[tilespmem:s0+$0x8010] =	vst v7;
	v6 =	vadd.f32 v6, v1;
	v7 =	vld [tilespmem:s0+$0x2030]  }
0x429: {  	s1 =	sadd.s32 $0x4, s1;
	s4 =	sor.u32 s4, s5;
	v5 =	vadd.f32 v5, v1;
	v8 =	vld [tilespmem:s0+$0x3030]  }
0x42a: {  	p0 =	slt.u32 s1, $0x3C;
	v9 =	vld [tilespmem:s4+$0x30];
	[tilespmem:s0+$0x5020] =	vst v6;
	v2 =	vadd.f32 v2, v1  }
0x42b: {  	v6 =	vld [tilespmem:s4+$0x4030];
	[tilespmem:s0+$0x6020] =	vst v5;
	v1 =	vadd.f32 v3, v1  }
0x42c: {  	v3 =	vld [tilespmem:s4+$0x0];
	[tilespmem:s0+$0x7020] =	vst v2;
	v2 =	vadd.f32 v4, v0  }
0x42d: {  	v4 =	vld [tilespmem:s4+$0x1000];
	[tilespmem:s0+$0x8020] =	vst v1;
	v1 =	vadd.f32 v7, v0  }
0x42e: {  	v5 =	vld [tilespmem:s4+$0x2000];
	[tilespmem:s0+$0x5030] =	vst v2;
	v2 =	vadd.f32 v8, v0  }
0x42f: {  	v7 =	vld [tilespmem:s4+$0x3000];
	[tilespmem:s0+$0x6030] =	vst v1;
	v0 =	vmov v9  }
0x430: {  	v1 =	vld [tilespmem:s4+$0x4000];
	v6 =	vadd.f32 v6, v0;
	[tilespmem:s0+$0x7030] =	vst v2;
	s0 =	smov.u32 s4  }
0x431: {  	v8 =	vld [tilespmem:s0+$0x10]  }
0x432: {  	v2 =	vadd.f32 v4, v3;
	v4 =	vld [tilespmem:s0+$0x1010];
	[tilespmem:s0+$0x8030] =	vst v6  }
0x433: {  	v5 =	vadd.f32 v5, v3;
	v9 =	vld [tilespmem:s0+$0x2010]  }
0x434: {  	[tilespmem:s0+$0x5000] =	vst v2;
	v2 =	vadd.f32 v7, v3;
	v7 =	vld [tilespmem:s0+$0x3010]  }
0x435: {  	[tilespmem:s0+$0x6000] =	vst v5;
	v3 =	vadd.f32 v1, v3;
	v10 =	vld [tilespmem:s0+$0x4010]  }
0x436: {  	[tilespmem:s0+$0x7000] =	vst v2;
	v1 =	vld [tilespmem:s0+$0x20]  }
.Ltmp14:
0x437: {  	[tilespmem:s0+$0x8000] =	vst v3;
	v2 =	vadd.f32 v4, v8;
	v6 =	vld [tilespmem:s0+$0x1020];
	(pc) =	sbr.rel @p0 .LBB2_29-.Ltmp14, $4  }
0x438: {  	v3 =	vadd.f32 v9, v8;
	v5 =	vld [tilespmem:s0+$0x2020]  }
0x439: {  	[tilespmem:s0+$0x5010] =	vst v2;
	v4 =	vadd.f32 v7, v8;
	v2 =	vld [tilespmem:s0+$0x3020]  }
0x43a: {  	[tilespmem:s0+$0x6010] =	vst v3;
	v7 =	vadd.f32 v10, v8;
	v3 =	vld [tilespmem:s0+$0x4020]  }
0x43b: {  	s2 =	sadd.s32 $0x100, s2;
	s3 =	sadd.s32 $0x40, s3;
	[tilespmem:s0+$0x7010] =	vst v4;
	v4 =	vld [tilespmem:s0+$0x1030]  }
0x43c: {  	v6 =	vadd.f32 v6, v1;
	v8 =	vld [tilespmem:s0+$0x2030]  }
0x43d: {  	[tilespmem:s0+$0x8010] =	vst v7;
	v7 =	vld [tilespmem:s0+$0x3030];
	v5 =	vadd.f32 v5, v1  }
0x43e: {  	[tilespmem:s0+$0x5020] =	vst v6;
	v2 =	vadd.f32 v2, v1  }
0x43f: {  	[tilespmem:s0+$0x6020] =	vst v5;
	v1 =	vadd.f32 v3, v1  }
0x440: {  	[tilespmem:s0+$0x7020] =	vst v2;
	v2 =	vadd.f32 v4, v0  }
0x441: {  	[tilespmem:s0+$0x8020] =	vst v1;
	v1 =	vadd.f32 v8, v0  }
0x442: {  	v0 =	vadd.f32 v7, v0;
	[tilespmem:s0+$0x5030] =	vst v2  }
0x443: {  	[tilespmem:s0+$0x6030] =	vst v1  }
0x444: {  	[tilespmem:s0+$0x7030] =	vst v0  }
0x445: {  	v0 =	vld [tilespmem:s8+$0xB0]  }
0x446: {  	v1 =	vld [tilespmem:s8+$0x40B0]  }
0x447: {  	v2 =	vld [tilespmem:s8+$0x80]  }
0x448: {  	v3 =	vld [tilespmem:s8+$0x1080]  }
0x449: {  	v4 =	vld [tilespmem:s8+$0x2080]  }
0x44a: {  	v5 =	vld [tilespmem:s8+$0x3080]  }
0x44b: {  	v6 =	vld [tilespmem:s8+$0x4080]  }
0x44c: {  	v7 =	vld [tilespmem:s8+$0x90]  }
0x44d: {  	v8 =	vld [tilespmem:s8+$0x1090];
	v1 =	vadd.f32 v1, v0  }
0x44e: {  	v9 =	vld [tilespmem:s8+$0x2090];
	v3 =	vadd.f32 v3, v2  }
0x44f: {  	[tilespmem:s8+$0x80B0] =	vst v1;
	v1 =	vadd.f32 v4, v2;
	v4 =	vld [tilespmem:s8+$0x3090]  }
0x450: {  	v10 =	vld [tilespmem:s8+$0x4090];
	[tilespmem:s8+$0x5080] =	vst v3;
	v3 =	vadd.f32 v5, v2  }
0x451: {  	v2 =	vadd.f32 v6, v2;
	v6 =	vld [tilespmem:s8+$0x10A0];
	[tilespmem:s8+$0x6080] =	vst v1  }
0x452: {  	v1 =	vld [tilespmem:s8+$0xA0];
	[tilespmem:s8+$0x7080] =	vst v3;
	v3 =	vadd.f32 v8, v7  }
0x453: {  	v5 =	vld [tilespmem:s8+$0x20A0];
	[tilespmem:s8+$0x8080] =	vst v2;
	v8 =	vadd.f32 v9, v7  }
0x454: {  	v2 =	vld [tilespmem:s8+$0x30A0];
	[tilespmem:s8+$0x5090] =	vst v3;
	v4 =	vadd.f32 v4, v7  }
0x455: {  	[tilespmem:s8+$0x6090] =	vst v8;
	v3 =	vld [tilespmem:s8+$0x40A0];
	v7 =	vadd.f32 v10, v7  }
0x456: {  	s1 =	simm.s32 $0x100;
	s2 =	simm.s32 $0x40;
	s0 =	simm.s32 $0x0;
	[tilespmem:s8+$0x7090] =	vst v4;
	v4 =	vld [tilespmem:s8+$0x10B0]  }
.LBB2_31:
0x457: {  	s3 =	sand.u32 $0x40, s2;
	s4 =	sand.u32 $0xE00, s1;
	[tilespmem:s8+$0x8090] =	vst v7;
	v6 =	vadd.f32 v6, v1;
	v7 =	vld [tilespmem:s8+$0x20B0]  }
0x458: {  	s0 =	sadd.s32 $0x4, s0;
	s3 =	sor.u32 s3, s4;
	v5 =	vadd.f32 v5, v1;
	v8 =	vld [tilespmem:s8+$0x30B0]  }
0x459: {  	p1 =	slt.u32 s0, $0x3C;
	v9 =	vld [tilespmem:s3+$0xB0];
	[tilespmem:s8+$0x50A0] =	vst v6;
	v2 =	vadd.f32 v2, v1  }
0x45a: {  	v6 =	vld [tilespmem:s3+$0x40B0];
	[tilespmem:s8+$0x60A0] =	vst v5;
	v1 =	vadd.f32 v3, v1  }
0x45b: {  	v3 =	vld [tilespmem:s3+$0x80];
	[tilespmem:s8+$0x70A0] =	vst v2;
	v2 =	vadd.f32 v4, v0  }
0x45c: {  	v4 =	vld [tilespmem:s3+$0x1080];
	[tilespmem:s8+$0x80A0] =	vst v1;
	v1 =	vadd.f32 v7, v0  }
0x45d: {  	v5 =	vld [tilespmem:s3+$0x2080];
	[tilespmem:s8+$0x50B0] =	vst v2;
	v2 =	vadd.f32 v8, v0  }
0x45e: {  	v7 =	vld [tilespmem:s3+$0x3080];
	[tilespmem:s8+$0x60B0] =	vst v1;
	v0 =	vmov v9  }
0x45f: {  	v1 =	vld [tilespmem:s3+$0x4080];
	v6 =	vadd.f32 v6, v0;
	[tilespmem:s8+$0x70B0] =	vst v2;
	s8 =	smov.u32 s3  }
0x460: {  	v8 =	vld [tilespmem:s8+$0x90]  }
0x461: {  	p0 =	por $0x0, $0x0;
	v2 =	vadd.f32 v4, v3;
	v4 =	vld [tilespmem:s8+$0x1090];
	[tilespmem:s8+$0x80B0] =	vst v6  }
0x462: {  	v5 =	vadd.f32 v5, v3;
	v9 =	vld [tilespmem:s8+$0x2090]  }
0x463: {  	[tilespmem:s8+$0x5080] =	vst v2;
	v2 =	vadd.f32 v7, v3;
	v7 =	vld [tilespmem:s8+$0x3090]  }
0x464: {  	[tilespmem:s8+$0x6080] =	vst v5;
	v3 =	vadd.f32 v1, v3;
	v10 =	vld [tilespmem:s8+$0x4090]  }
0x465: {  	[tilespmem:s8+$0x7080] =	vst v2;
	v1 =	vld [tilespmem:s8+$0xA0]  }
.Ltmp15:
0x466: {  	[tilespmem:s8+$0x8080] =	vst v3;
	v2 =	vadd.f32 v4, v8;
	v6 =	vld [tilespmem:s8+$0x10A0];
	(pc) =	sbr.rel @p1 .LBB2_31-.Ltmp15, $4  }
0x467: {  	v3 =	vadd.f32 v9, v8;
	v5 =	vld [tilespmem:s8+$0x20A0]  }
0x468: {  	[tilespmem:s8+$0x5090] =	vst v2;
	v4 =	vadd.f32 v7, v8;
	v2 =	vld [tilespmem:s8+$0x30A0]  }
0x469: {  	[tilespmem:s8+$0x6090] =	vst v3;
	v7 =	vadd.f32 v10, v8;
	v3 =	vld [tilespmem:s8+$0x40A0]  }
0x46a: {  	s1 =	sadd.s32 $0x100, s1;
	s2 =	sadd.s32 $0x40, s2;
	[tilespmem:s8+$0x7090] =	vst v4;
	v4 =	vld [tilespmem:s8+$0x10B0]  }
0x46b: {  	v6 =	vadd.f32 v6, v1;
	v8 =	vld [tilespmem:s8+$0x20B0]  }
0x46c: {  	[tilespmem:s8+$0x8090] =	vst v7;
	v7 =	vld [tilespmem:s8+$0x30B0];
	v5 =	vadd.f32 v5, v1  }
0x46d: {  	[tilespmem:s8+$0x50A0] =	vst v6;
	v2 =	vadd.f32 v2, v1  }
0x46e: {  	[tilespmem:s8+$0x60A0] =	vst v5;
	v1 =	vadd.f32 v3, v1  }
0x46f: {  	s0 =	simm.s32 $0x1;
	[tilespmem:s8+$0x70A0] =	vst v2;
	v2 =	vadd.f32 v4, v0  }
0x470: {  	s0 =	simm.s32 @!p0 $0x0;
	[tilespmem:s8+$0x80A0] =	vst v1;
	v1 =	vadd.f32 v8, v0  }
0x471: {  	s0 =	sshll.u32 s0, $0x6;
	v0 =	vadd.f32 v7, v0;
	[tilespmem:s8+$0x50B0] =	vst v2  }
0x472: {  	s9 =	sadd.s32 $0x0, s0;
	[tilespmem:s8+$0x60B0] =	vst v1  }
0x473: {  	s0 =	sor.u32 $0x130, s9;
	[tilespmem:s8+$0x70B0] =	vst v0  }
0x474: {  	v5 =	vld [tilespmem:s0+$0x0]  }
0x475: {  	s1 =	sor.u32 $0x100, s9;
	v0 =	vld [tilespmem:s0+$0x1000]  }
0x476: {  	v7 =	vld [tilespmem:s1+$0x0]  }
0x477: {  	s2 =	sor.u32 $0x110, s9;
	v1 =	vld [tilespmem:s1+$0x1000]  }
0x478: {  	v8 =	vld [tilespmem:s2+$0x0]  }
0x479: {  	v2 =	vld [tilespmem:s2+$0x1000];
	_ =	sdelay $0x1  }
0x47a: {  	s3 =	sor.u32 $0x120, s9  }
0x47b: {  	v4 =	vld [tilespmem:s3+$0x1000];
	v1 =	vadd.f32 v1, v7  }
0x47c: {  	v3 =	vadd.f32 v0, v5;
	v0 =	vld [tilespmem:s3+$0x0]  }
0x47d: {  	p0 =	por !p0, !p0;
	v2 =	vadd.f32 v2, v8;
	[tilespmem:s1+$0x5000] =	vst v1;
	s1 =	simm.s32 $0x1  }
0x47e: {  	s14 =	sor.u32 $0x1130, s9;
	[tilespmem:s0+$0x5000] =	vst v3;
	s1 =	simm.s32 @!p0 $0x0  }
0x47f: {  	s5 =	sor.u32 $0x1110, s9;
	[tilespmem:s2+$0x5000] =	vst v2;
	v3 =	vld [tilespmem:s14+$0x1000];
	s1 =	sshll.u32 s1, $0x6  }
0x480: {  	s4 =	sor.u32 $0x1100, s9;
	v6 =	vld [tilespmem:s5+$0x1000];
	s8 =	sadd.s32 $0x100, s1  }
0x481: {  	v1 =	vadd.f32 v4, v0;
	v4 =	vld [tilespmem:s4+$0x1000];
	s1 =	sor.u32 $0x130, s8  }
0x482: {  	s17 =	sor.u32 $0x100, s8;
	v11 =	vld [tilespmem:s1+$0x0]  }
0x483: {  	s18 =	sor.u32 $0x110, s8;
	v12 =	vld [tilespmem:s17+$0x1000]  }
0x484: {  	s15 =	sor.u32 $0x1120, s9;
	[tilespmem:s3+$0x5000] =	vst v1;
	v14 =	vld [tilespmem:s18+$0x1000]  }
0x485: {  	v2 =	vadd.f32 v3, v5;
	v9 =	vld [tilespmem:s15+$0x1000]  }
0x486: {  	v1 =	vadd.f32 v4, v7;
	v4 =	vld [tilespmem:s1+$0x1000]  }
0x487: {  	s16 =	sor.u32 $0x2130, s9;
	v3 =	vld [tilespmem:s17+$0x0];
	[tilespmem:s14+$0x5000] =	vst v2  }
0x488: {  	s7 =	sor.u32 $0x120, s8;
	v10 =	vld [tilespmem:s16+$0x1000]  }
0x489: {  	s6 =	sor.u32 $0x2100, s9;
	v15 =	vld [tilespmem:s7+$0x1000];
	[tilespmem:s4+$0x5000] =	vst v1  }
0x48a: {  	v6 =	vadd.f32 v6, v8;
	v13 =	vld [tilespmem:s6+$0x1000]  }
0x48b: {  	v2 =	vld [tilespmem:s18+$0x0];
	v4 =	vadd.f32 v4, v11  }
0x48c: {  	s11 =	sor.u32 $0x2110, s9;
	[tilespmem:s5+$0x5000] =	vst v6;
	v1 =	vld [tilespmem:s7+$0x0];
	v12 =	vadd.f32 v12, v3  }
0x48d: {  	s19 =	sor.u32 $0x1130, s8;
	v9 =	vadd.f32 v9, v0;
	[tilespmem:s1+$0x5000] =	vst v4;
	v4 =	vadd.f32 v10, v5;
	v10 =	vld [tilespmem:s11+$0x1000]  }
0x48e: {  	[tilespmem:s17+$0x5000] =	vst v12;
	v6 =	vld [tilespmem:s19+$0x1000]  }
0x48f: {  	s20 =	sor.u32 $0x1100, s8;
	[tilespmem:s15+$0x5000] =	vst v9;
	v12 =	vadd.f32 v13, v7  }
0x490: {  	s21 =	sor.u32 $0x3130, s9;
	v13 =	vadd.f32 v14, v2;
	[tilespmem:s16+$0x5000] =	vst v4;
	v4 =	vld [tilespmem:s20+$0x1000]  }
0x491: {  	s22 =	sor.u32 $0x2120, s9;
	v14 =	vadd.f32 v15, v1;
	v9 =	vld [tilespmem:s21+$0x1000];
	[tilespmem:s6+$0x5000] =	vst v12  }
0x492: {  	s23 =	sor.u32 $0x3100, s9;
	v12 =	vld [tilespmem:s22+$0x1000];
	[tilespmem:s18+$0x5000] =	vst v13;
	v10 =	vadd.f32 v10, v8  }
0x493: {  	p0 =	por !p0, !p0;
	s25 =	sor.u32 $0x1110, s8;
	[tilespmem:s7+$0x5000] =	vst v14;
	s7 =	simm.s32 $0x1;
	v13 =	vld [tilespmem:s23+$0x1000];
	v6 =	vadd.f32 v6, v11  }
0x494: {  	s26 =	sor.u32 $0x1120, s8;
	v15 =	vld [tilespmem:s25+$0x1000];
	s7 =	simm.s32 @!p0 $0x0;
	[tilespmem:s11+$0x5000] =	vst v10  }
0x495: {  	s28 =	sor.u32 $0x2130, s8;
	v14 =	vld [tilespmem:s26+$0x1000];
	s10 =	sshll.u32 s7, $0x6;
	[tilespmem:s19+$0x5000] =	vst v6  }
0x496: {  	s13 =	sor.u32 $0x3110, s9;
	v4 =	vadd.f32 v4, v3;
	s11 =	sadd.s32 $0x200, s10;
	v16 =	vld [tilespmem:s28+$0x1000];
	[smem:$0x7F8] =	sst s10  }
0x497: {  	s30 =	sor.u32 $0x130, s11;
	v10 =	vld [tilespmem:s13+$0x1000]  }
0x498: {  	[tilespmem:s20+$0x5000] =	vst v4;
	v4 =	vld [tilespmem:s30+$0x0]  }
0x499: {  	v5 =	vadd.f32 v9, v5;
	s12 =	sor.u32 $0x100, s11;
	v9 =	vld [tilespmem:s30+$0x1000]  }
0x49a: {  	v6 =	vld [tilespmem:s12+$0x0]  }
0x49b: {  	v12 =	vadd.f32 v12, v0;
	s31 =	sor.u32 $0x110, s11;
	v18 =	vld [tilespmem:s12+$0x1000]  }
0x49c: {  	v7 =	vadd.f32 v13, v7;
	[tilespmem:s21+$0x5000] =	vst v5;
	v5 =	vld [tilespmem:s31+$0x0]  }
0x49d: {  	s29 =	sor.u32 $0x2100, s8;
	[tilespmem:s22+$0x5000] =	vst v12;
	v63 =	vld [tilespmem:s31+$0x1000];
	v16 =	vadd.f32 v16, v11  }
0x49e: {  	s24 =	sor.u32 $0x120, s11;
	v13 =	vadd.f32 v15, v2;
	v17 =	vld [tilespmem:s29+$0x1000];
	[tilespmem:s23+$0x5000] =	vst v7  }
0x49f: {  	s19 =	sor.u32 $0x3130, s8;
	v7 =	vld [tilespmem:s24+$0x0];
	v9 =	vadd.f32 v9, v4;
	[tilespmem:s28+$0x5000] =	vst v16  }
0x4a0: {  	[tilespmem:s25+$0x5000] =	vst v13;
	v13 =	vadd.f32 v18, v6;
	v15 =	vld [tilespmem:s19+$0x1000]  }
0x4a1: {  	s17 =	sor.u32 $0x2110, s8;
	v12 =	vadd.f32 v14, v1;
	[tilespmem:s30+$0x5000] =	vst v9;
	v9 =	vld [tilespmem:s24+$0x1000]  }
0x4a2: {  	s23 =	sor.u32 $0x1130, s11;
	v8 =	vadd.f32 v10, v8;
	[tilespmem:s12+$0x5000] =	vst v13;
	v13 =	vld [tilespmem:s17+$0x1000]  }
0x4a3: {  	s2 =	simm.s32 $0x8;
	s14 =	sor.u32 $0x1100, s11;
	[tilespmem:s26+$0x5000] =	vst v12;
	v10 =	vadd.f32 v17, v3;
	v14 =	vld [tilespmem:s23+$0x1000]  }
0x4a4: {  	p1 =	por !p0, !p0;
	s3 =	simm.s32 $0x200;
	s22 =	sor.u32 $0x2120, s8;
	[tilespmem:s13+$0x5000] =	vst v8;
	v8 =	vadd.f32 v63, v5;
	v12 =	vld [tilespmem:s14+$0x1000]  }
0x4a5: {  	s5 =	sor.u32 $0x3120, s8;
	s18 =	sor.u32 $0x3120, s9;
	s6 =	sor.u32 $0x3100, s8;
	[tilespmem:s29+$0x5000] =	vst v10;
	v10 =	vld [tilespmem:s22+$0x1000];
	v11 =	vadd.f32 v15, v11  }
0x4a6: {  	s7 =	sor.u32 $0x1110, s11;
	s15 =	sor.u32 $0x2110, s11;
	s4 =	sor.u32 $0x1120, s11;
	[tilespmem:s31+$0x5000] =	vst v8;
	v8 =	vld [tilespmem:s6+$0x1000];
	v9 =	vadd.f32 v9, v7  }
0x4a7: {  	s1 =	sor.u32 $0x3100, s11;
	s16 =	sor.u32 $0x3110, s11;
	s0 =	sor.u32 $0x3120, s11;
	[tilespmem:s19+$0x5000] =	vst v11;
	v11 =	vld [tilespmem:s7+$0x1000]  }
0x4a8: {  	s20 =	sor.u32 $0x2100, s11;
	s21 =	sor.u32 $0x2120, s11;
	s12 =	sor.u32 $0x3110, s8;
	v13 =	vadd.f32 v13, v2;
	v14 =	vadd.f32 v14, v4;
	[tilespmem:s24+$0x5000] =	vst v9;
	v9 =	vld [tilespmem:s18+$0x1000]  }
.LBB2_33:
0x4a9: {  	s13 =	simm.s32 $0x1  }
0x4aa: {  	v12 =	vadd.f32 v12, v6;
	v15 =	vld [tilespmem:s4+$0x1000];
	[tilespmem:s23+$0x5000] =	vst v14;
	s25 =	sor.u32 $0x2130, s11;
	s13 =	simm.s32 @!p1 $0x0  }
0x4ab: {  	s2 =	sadd.s32 $0x4, s2;
	s3 =	sadd.s32 $0x100, s3;
	v10 =	vadd.f32 v10, v1;
	s13 =	sshll.u32 s13, $0x6;
	v14 =	vld [tilespmem:s25+$0x1000];
	[tilespmem:s17+$0x5000] =	vst v13  }
0x4ac: {  	p2 =	slt.u32 s2, $0x3C;
	v8 =	vadd.f32 v8, v3;
	v3 =	vmov v6;
	s17 =	smov.u32 s15;
	s26 =	sadd.s32 s13, s3;
	[tilespmem:s14+$0x5000] =	vst v12;
	v12 =	vld [tilespmem:s12+$0x1000]  }
0x4ad: {  	v6 =	vadd.f32 v11, v5;
	s24 =	sor.u32 $0x100, s26;
	s13 =	sor.u32 $0x110, s26;
	s23 =	sor.u32 $0x130, s26;
	v13 =	vld [tilespmem:s20+$0x1000];
	[tilespmem:s22+$0x5000] =	vst v10  }
0x4ae: {  	s14 =	sor.u32 $0x1100, s26;
	s22 =	sor.u32 $0x1110, s26;
	s19 =	sor.u32 $0x120, s26;
	v10 =	vld [tilespmem:s23+$0x0];
	[tilespmem:s6+$0x5000] =	vst v8;
	v8 =	vadd.f32 v9, v0;
	v0 =	vmov v1;
	v1 =	vmov v7  }
0x4af: {  	s28 =	sor.u32 $0x2100, s26;
	s15 =	sor.u32 $0x2110, s26;
	s6 =	sor.u32 $0x1120, s26;
	v7 =	vld [tilespmem:s23+$0x1000];
	[tilespmem:s7+$0x5000] =	vst v6;
	v9 =	vadd.f32 v15, v1  }
0x4b0: {  	s29 =	sor.u32 $0x3100, s26;
	s30 =	sor.u32 $0x3110, s26;
	s31 =	sor.u32 $0x2120, s26;
	v6 =	vld [tilespmem:s24+$0x0];
	v11 =	vadd.f32 v14, v4;
	[tilespmem:s18+$0x5000] =	vst v8  }
0x4b1: {  	s10 =	sor.u32 $0x3120, s26;
	s7 =	smov.u32 s22;
	v8 =	vld [tilespmem:s24+$0x1000];
	[tilespmem:s4+$0x5000] =	vst v9;
	v9 =	vadd.f32 v12, v2;
	v2 =	vmov v5;
	s4 =	smov.u32 s6  }
0x4b2: {  	s6 =	smov.u32 s1;
	v5 =	vld [tilespmem:s13+$0x0];
	v12 =	vadd.f32 v13, v3;
	[tilespmem:s25+$0x5000] =	vst v11;
	s25 =	sor.u32 $0x3130, s11;
	s11 =	smov.u32 s26  }
0x4b3: {  	s1 =	smov.u32 s29;
	v11 =	vld [tilespmem:s25+$0x1000];
	[tilespmem:s12+$0x5000] =	vst v9;
	s12 =	smov.u32 s16;
	s16 =	smov.u32 s30  }
0x4b4: {  	s22 =	smov.u32 s21;
	s21 =	smov.u32 s31;
	v9 =	vld [tilespmem:s13+$0x1000];
	v13 =	vadd.f32 v7, v10;
	[tilespmem:s20+$0x5000] =	vst v12;
	s20 =	smov.u32 s28  }
0x4b5: {  	s18 =	smov.u32 s5;
	s5 =	smov.u32 s0;
	s0 =	smov.u32 s10;
	v7 =	vld [tilespmem:s19+$0x0]  }
0x4b6: {  	v8 =	vadd.f32 v8, v6;
	v14 =	vld [tilespmem:s19+$0x1000];
	[tilespmem:s23+$0x5000] =	vst v13;
	s23 =	sor.u32 $0x1130, s11  }
0x4b7: {  	v13 =	vld [tilespmem:s23+$0x1000]  }
0x4b8: {  	[tilespmem:s24+$0x5000] =	vst v8;
	v15 =	vld [tilespmem:s17+$0x1000];
	v8 =	vadd.f32 v11, v4;
	v4 =	vmov v10  }
.Ltmp16:
0x4b9: {  	v12 =	vld [tilespmem:s14+$0x1000];
	v9 =	vadd.f32 v9, v5;
	(pc) =	sbr.rel @p2 .LBB2_33-.Ltmp16, $4  }
0x4ba: {  	v10 =	vld [tilespmem:s22+$0x1000];
	[tilespmem:s25+$0x5000] =	vst v8  }
0x4bb: {  	[tilespmem:s13+$0x5000] =	vst v9;
	v9 =	vadd.f32 v14, v7;
	v8 =	vld [tilespmem:s6+$0x1000]  }
0x4bc: {  	v11 =	vld [tilespmem:s7+$0x1000];
	v14 =	vadd.f32 v13, v4  }
0x4bd: {  	p1 =	por !p1, !p1;
	[tilespmem:s19+$0x5000] =	vst v9;
	v13 =	vadd.f32 v15, v2;
	v9 =	vld [tilespmem:s18+$0x1000]  }
0x4be: {  	v15 =	vld [tilespmem:s4+$0x1000];
	_ =	sdelay $0x1  }
0x4bf: {  	v12 =	vadd.f32 v12, v6  }
0x4c0: {  	[tilespmem:s23+$0x5000] =	vst v14;
	s2 =	sor.u32 $0x2130, s11  }
0x4c1: {  	[tilespmem:s14+$0x5000] =	vst v12;
	v12 =	vld [tilespmem:s2+$0x1000];
	v11 =	vadd.f32 v11, v5  }
0x4c2: {  	v14 =	vld [tilespmem:s20+$0x1000];
	v15 =	vadd.f32 v15, v7  }
0x4c3: {  	[tilespmem:s7+$0x5000] =	vst v11  }
0x4c4: {  	v11 =	vld [tilespmem:s15+$0x1000];
	[tilespmem:s4+$0x5000] =	vst v15  }
0x4c5: {  	v15 =	vld [tilespmem:s21+$0x1000]  }
0x4c6: {  	v12 =	vadd.f32 v12, v4  }
0x4c7: {  	[tilespmem:s17+$0x5000] =	vst v13;
	v13 =	vadd.f32 v14, v6  }
0x4c8: {  	s3 =	sor.u32 $0x3130, s11;
	v10 =	vadd.f32 v10, v1;
	v14 =	vld [tilespmem:s12+$0x1000];
	[tilespmem:s2+$0x5000] =	vst v12  }
0x4c9: {  	v12 =	vld [tilespmem:s3+$0x1000];
	[tilespmem:s20+$0x5000] =	vst v13;
	v11 =	vadd.f32 v11, v5  }
0x4ca: {  	[tilespmem:s22+$0x5000] =	vst v10;
	v10 =	vld [tilespmem:s1+$0x1000];
	v13 =	vadd.f32 v15, v7  }
0x4cb: {  	v3 =	vadd.f32 v8, v3;
	v8 =	vld [tilespmem:s5+$0x1000];
	[tilespmem:s15+$0x5000] =	vst v11  }
0x4cc: {  	v0 =	vadd.f32 v9, v0;
	v9 =	vld [tilespmem:s16+$0x1000];
	[tilespmem:s21+$0x5000] =	vst v13  }
0x4cd: {  	[tilespmem:s6+$0x5000] =	vst v3;
	v2 =	vadd.f32 v14, v2;
	v3 =	vld [tilespmem:s0+$0x1000]  }
0x4ce: {  	[tilespmem:s18+$0x5000] =	vst v0;
	v0 =	vadd.f32 v12, v4  }
0x4cf: {  	[tilespmem:s12+$0x5000] =	vst v2;
	v2 =	vadd.f32 v10, v6  }
0x4d0: {  	[tilespmem:s3+$0x5000] =	vst v0;
	v0 =	vadd.f32 v8, v1  }
0x4d1: {  	[tilespmem:s1+$0x5000] =	vst v2;
	v1 =	vadd.f32 v9, v5  }
0x4d2: {  	[tilespmem:s5+$0x5000] =	vst v0;
	v0 =	vadd.f32 v3, v7  }
0x4d3: {  	[tilespmem:s16+$0x5000] =	vst v1  }
0x4d4: {  	s4 =	sor.u32 $0x1B0, s9;
	[tilespmem:s0+$0x5000] =	vst v0  }
0x4d5: {  	v5 =	vld [tilespmem:s4+$0x0]  }
0x4d6: {  	s5 =	sor.u32 $0x180, s9;
	v0 =	vld [tilespmem:s4+$0x1000]  }
0x4d7: {  	v7 =	vld [tilespmem:s5+$0x0]  }
0x4d8: {  	s6 =	sor.u32 $0x190, s9;
	v1 =	vld [tilespmem:s5+$0x1000]  }
0x4d9: {  	v8 =	vld [tilespmem:s6+$0x0]  }
0x4da: {  	s3 =	sor.u32 $0x1A0, s9;
	v2 =	vld [tilespmem:s6+$0x1000]  }
0x4db: {  	v4 =	vld [tilespmem:s3+$0x1000]  }
0x4dc: {  	v3 =	vadd.f32 v0, v5;
	v0 =	vld [tilespmem:s3+$0x0];
	_ =	sdelay $0x1  }
0x4dd: {  	s14 =	sor.u32 $0x1B0, s8;
	v1 =	vadd.f32 v1, v7  }
0x4de: {  	s7 =	sor.u32 $0x11B0, s9;
	v11 =	vld [tilespmem:s14+$0x0];
	[tilespmem:s4+$0x5000] =	vst v3  }
0x4df: {  	s10 =	sor.u32 $0x1180, s9;
	[tilespmem:s5+$0x5000] =	vst v1;
	v3 =	vld [tilespmem:s7+$0x1000]  }
0x4e0: {  	s15 =	sor.u32 $0x180, s8;
	v2 =	vadd.f32 v2, v8;
	v1 =	vadd.f32 v4, v0;
	v4 =	vld [tilespmem:s10+$0x1000]  }
0x4e1: {  	s17 =	sor.u32 $0x190, s8;
	v12 =	vld [tilespmem:s15+$0x1000]  }
0x4e2: {  	s11 =	sor.u32 $0x1190, s9;
	v14 =	vld [tilespmem:s17+$0x1000];
	[tilespmem:s6+$0x5000] =	vst v2  }
0x4e3: {  	s12 =	sor.u32 $0x11A0, s9;
	v6 =	vld [tilespmem:s11+$0x1000];
	[tilespmem:s3+$0x5000] =	vst v1  }
0x4e4: {  	v2 =	vadd.f32 v3, v5;
	v9 =	vld [tilespmem:s12+$0x1000]  }
0x4e5: {  	v1 =	vadd.f32 v4, v7;
	v4 =	vld [tilespmem:s14+$0x1000]  }
0x4e6: {  	s13 =	sor.u32 $0x21B0, s9;
	v3 =	vld [tilespmem:s15+$0x0];
	[tilespmem:s7+$0x5000] =	vst v2  }
0x4e7: {  	s18 =	sor.u32 $0x1A0, s8;
	v10 =	vld [tilespmem:s13+$0x1000]  }
0x4e8: {  	s16 =	sor.u32 $0x2180, s9;
	v15 =	vld [tilespmem:s18+$0x1000];
	[tilespmem:s10+$0x5000] =	vst v1  }
0x4e9: {  	v6 =	vadd.f32 v6, v8;
	v13 =	vld [tilespmem:s16+$0x1000]  }
0x4ea: {  	v2 =	vld [tilespmem:s17+$0x0];
	v4 =	vadd.f32 v4, v11  }
0x4eb: {  	[tilespmem:s11+$0x5000] =	vst v6;
	v1 =	vld [tilespmem:s18+$0x0];
	s10 =	sor.u32 $0x2190, s9;
	v12 =	vadd.f32 v12, v3  }
0x4ec: {  	s19 =	sor.u32 $0x11B0, s8;
	v9 =	vadd.f32 v9, v0;
	[tilespmem:s14+$0x5000] =	vst v4;
	v4 =	vadd.f32 v10, v5;
	v10 =	vld [tilespmem:s10+$0x1000]  }
0x4ed: {  	[tilespmem:s15+$0x5000] =	vst v12;
	v6 =	vld [tilespmem:s19+$0x1000]  }
0x4ee: {  	[tilespmem:s12+$0x5000] =	vst v9;
	v12 =	vadd.f32 v13, v7  }
0x4ef: {  	v13 =	vadd.f32 v14, v2;
	[tilespmem:s13+$0x5000] =	vst v4  }
0x4f0: {  	s20 =	sor.u32 $0x1180, s8;
	v14 =	vadd.f32 v15, v1;
	[tilespmem:s16+$0x5000] =	vst v12  }
0x4f1: {  	v4 =	vld [tilespmem:s20+$0x1000];
	[tilespmem:s17+$0x5000] =	vst v13;
	v10 =	vadd.f32 v10, v8  }
0x4f2: {  	s21 =	sor.u32 $0x31B0, s9;
	[tilespmem:s18+$0x5000] =	vst v14;
	v6 =	vadd.f32 v6, v11  }
0x4f3: {  	s22 =	sor.u32 $0x21A0, s9;
	v9 =	vld [tilespmem:s21+$0x1000];
	[tilespmem:s10+$0x5000] =	vst v10  }
0x4f4: {  	s23 =	sor.u32 $0x3180, s9;
	v12 =	vld [tilespmem:s22+$0x1000];
	[tilespmem:s19+$0x5000] =	vst v6  }
0x4f5: {  	s24 =	sor.u32 $0x1190, s8;
	v13 =	vld [tilespmem:s23+$0x1000];
	s7 =	sld [smem:$0x7F8]  }
0x4f6: {  	s13 =	sor.u32 $0x3190, s9;
	v15 =	vld [tilespmem:s24+$0x1000];
	v4 =	vadd.f32 v4, v3  }
0x4f7: {  	s26 =	sor.u32 $0x21B0, s8;
	v10 =	vld [tilespmem:s13+$0x1000]  }
0x4f8: {  	s28 =	sor.u32 $0x2180, s8;
	v16 =	vld [tilespmem:s26+$0x1000];
	[tilespmem:s20+$0x5000] =	vst v4;
	s10 =	sadd.s32 $0x200, s7  }
0x4f9: {  	v17 =	vld [tilespmem:s28+$0x1000];
	s29 =	sor.u32 $0x1B0, s10  }
0x4fa: {  	v4 =	vld [tilespmem:s29+$0x0]  }
0x4fb: {  	v5 =	vadd.f32 v9, v5;
	s7 =	sor.u32 $0x180, s10;
	v9 =	vld [tilespmem:s29+$0x1000]  }
0x4fc: {  	v12 =	vadd.f32 v12, v0;
	v6 =	vld [tilespmem:s7+$0x0]  }
0x4fd: {  	v7 =	vadd.f32 v13, v7;
	[tilespmem:s21+$0x5000] =	vst v5;
	s30 =	sor.u32 $0x190, s10;
	v18 =	vld [tilespmem:s7+$0x1000]  }
0x4fe: {  	v13 =	vadd.f32 v15, v2;
	[tilespmem:s22+$0x5000] =	vst v12;
	v5 =	vld [tilespmem:s30+$0x0]  }
0x4ff: {  	s25 =	sor.u32 $0x11A0, s8;
	[tilespmem:s23+$0x5000] =	vst v7;
	v16 =	vadd.f32 v16, v11;
	v63 =	vld [tilespmem:s30+$0x1000]  }
0x500: {  	v14 =	vld [tilespmem:s25+$0x1000];
	[tilespmem:s24+$0x5000] =	vst v13;
	s19 =	sor.u32 $0x1A0, s10;
	v8 =	vadd.f32 v10, v8  }
0x501: {  	s31 =	sor.u32 $0x31B0, s8;
	v7 =	vld [tilespmem:s19+$0x0];
	[tilespmem:s26+$0x5000] =	vst v16;
	v9 =	vadd.f32 v9, v4  }
0x502: {  	[tilespmem:s13+$0x5000] =	vst v8;
	v15 =	vld [tilespmem:s31+$0x1000];
	v13 =	vadd.f32 v18, v6  }
0x503: {  	s11 =	sor.u32 $0x2190, s8;
	v10 =	vadd.f32 v17, v3;
	[tilespmem:s29+$0x5000] =	vst v9;
	v9 =	vld [tilespmem:s19+$0x1000]  }
0x504: {  	s20 =	sor.u32 $0x11B0, s10;
	v8 =	vadd.f32 v63, v5;
	[tilespmem:s7+$0x5000] =	vst v13;
	v13 =	vld [tilespmem:s11+$0x1000]  }
0x505: {  	p0 =	por !p0, !p0;
	s6 =	sor.u32 $0x3180, s8;
	v12 =	vadd.f32 v14, v1;
	[tilespmem:s28+$0x5000] =	vst v10;
	v14 =	vld [tilespmem:s20+$0x1000]  }
0x506: {  	s2 =	simm.s32 $0x200;
	s5 =	sor.u32 $0x3190, s8;
	s14 =	sor.u32 $0x1180, s10;
	[tilespmem:s30+$0x5000] =	vst v8;
	v8 =	vld [tilespmem:s6+$0x1000]  }
0x507: {  	s12 =	sor.u32 $0x31A0, s9;
	s18 =	simm.s32 $0x8;
	[tilespmem:s25+$0x5000] =	vst v12;
	s7 =	sor.u32 $0x21A0, s8;
	v12 =	vld [tilespmem:s14+$0x1000];
	v11 =	vadd.f32 v15, v11  }
0x508: {  	s4 =	sor.u32 $0x1190, s10;
	s16 =	sor.u32 $0x2180, s10;
	s15 =	sor.u32 $0x2190, s10;
	v10 =	vld [tilespmem:s7+$0x1000];
	v9 =	vadd.f32 v9, v7  }
0x509: {  	s3 =	sor.u32 $0x11A0, s10;
	s1 =	sor.u32 $0x3180, s10;
	s9 =	sor.u32 $0x3190, s10;
	[tilespmem:s31+$0x5000] =	vst v11;
	v11 =	vld [tilespmem:s4+$0x1000]  }
0x50a: {  	s17 =	sor.u32 $0x21A0, s10;
	s0 =	sor.u32 $0x31A0, s10;
	s8 =	sor.u32 $0x31A0, s8;
	v13 =	vadd.f32 v13, v2;
	v14 =	vadd.f32 v14, v4;
	[tilespmem:s19+$0x5000] =	vst v9;
	v9 =	vld [tilespmem:s12+$0x1000]  }
.LBB2_35:
0x50b: {  	s13 =	simm.s32 $0x1  }
0x50c: {  	v12 =	vadd.f32 v12, v6;
	v15 =	vld [tilespmem:s3+$0x1000];
	[tilespmem:s20+$0x5000] =	vst v14;
	s22 =	sor.u32 $0x21B0, s10;
	s13 =	simm.s32 @!p0 $0x0  }
0x50d: {  	s18 =	sadd.s32 $0x4, s18;
	s2 =	sadd.s32 $0x100, s2;
	v10 =	vadd.f32 v10, v1;
	s13 =	sshll.u32 s13, $0x6;
	v14 =	vld [tilespmem:s22+$0x1000];
	[tilespmem:s11+$0x5000] =	vst v13  }
0x50e: {  	p1 =	slt.u32 s18, $0x3C;
	v8 =	vadd.f32 v8, v3;
	v3 =	vmov v6;
	s11 =	smov.u32 s15;
	s23 =	sadd.s32 s13, s2;
	[tilespmem:s14+$0x5000] =	vst v12;
	v12 =	vld [tilespmem:s5+$0x1000]  }
0x50f: {  	v6 =	vadd.f32 v11, v5;
	s21 =	sor.u32 $0x180, s23;
	s13 =	sor.u32 $0x190, s23;
	s20 =	sor.u32 $0x1B0, s23;
	v13 =	vld [tilespmem:s16+$0x1000];
	[tilespmem:s7+$0x5000] =	vst v10  }
0x510: {  	s14 =	sor.u32 $0x1180, s23;
	s7 =	sor.u32 $0x1190, s23;
	s19 =	sor.u32 $0x1A0, s23;
	v10 =	vld [tilespmem:s20+$0x0];
	[tilespmem:s6+$0x5000] =	vst v8;
	v8 =	vadd.f32 v9, v0;
	v0 =	vmov v1;
	v1 =	vmov v7  }
0x511: {  	s24 =	sor.u32 $0x2180, s23;
	s15 =	sor.u32 $0x2190, s23;
	s6 =	sor.u32 $0x11A0, s23;
	v7 =	vld [tilespmem:s20+$0x1000];
	[tilespmem:s4+$0x5000] =	vst v6;
	v9 =	vadd.f32 v15, v1  }
0x512: {  	s25 =	sor.u32 $0x3180, s23;
	s26 =	sor.u32 $0x3190, s23;
	s28 =	sor.u32 $0x21A0, s23;
	v6 =	vld [tilespmem:s21+$0x0];
	v11 =	vadd.f32 v14, v4;
	[tilespmem:s12+$0x5000] =	vst v8  }
0x513: {  	s29 =	sor.u32 $0x31A0, s23;
	s4 =	smov.u32 s7;
	v8 =	vld [tilespmem:s21+$0x1000];
	[tilespmem:s3+$0x5000] =	vst v9;
	v9 =	vadd.f32 v12, v2;
	v2 =	vmov v5;
	s3 =	smov.u32 s6  }
0x514: {  	s6 =	smov.u32 s1;
	v5 =	vld [tilespmem:s13+$0x0];
	v12 =	vadd.f32 v13, v3;
	[tilespmem:s22+$0x5000] =	vst v11;
	s22 =	sor.u32 $0x31B0, s10;
	s10 =	smov.u32 s23  }
0x515: {  	s1 =	smov.u32 s25;
	v11 =	vld [tilespmem:s22+$0x1000];
	[tilespmem:s5+$0x5000] =	vst v9;
	s5 =	smov.u32 s9;
	s9 =	smov.u32 s26  }
0x516: {  	s7 =	smov.u32 s17;
	s17 =	smov.u32 s28;
	v9 =	vld [tilespmem:s13+$0x1000];
	v13 =	vadd.f32 v7, v10;
	[tilespmem:s16+$0x5000] =	vst v12;
	s16 =	smov.u32 s24  }
0x517: {  	s12 =	smov.u32 s8;
	s8 =	smov.u32 s0;
	s0 =	smov.u32 s29;
	v7 =	vld [tilespmem:s19+$0x0]  }
0x518: {  	v8 =	vadd.f32 v8, v6;
	v14 =	vld [tilespmem:s19+$0x1000];
	[tilespmem:s20+$0x5000] =	vst v13;
	s20 =	sor.u32 $0x11B0, s10  }
0x519: {  	v13 =	vld [tilespmem:s20+$0x1000]  }
0x51a: {  	[tilespmem:s21+$0x5000] =	vst v8;
	v15 =	vld [tilespmem:s11+$0x1000];
	v8 =	vadd.f32 v11, v4;
	v4 =	vmov v10  }
.Ltmp17:
0x51b: {  	v12 =	vld [tilespmem:s14+$0x1000];
	v9 =	vadd.f32 v9, v5;
	(pc) =	sbr.rel @p1 .LBB2_35-.Ltmp17, $4  }
0x51c: {  	v10 =	vld [tilespmem:s7+$0x1000];
	[tilespmem:s22+$0x5000] =	vst v8  }
0x51d: {  	[tilespmem:s13+$0x5000] =	vst v9;
	v9 =	vadd.f32 v14, v7;
	v8 =	vld [tilespmem:s6+$0x1000]  }
0x51e: {  	v11 =	vld [tilespmem:s4+$0x1000];
	v14 =	vadd.f32 v13, v4  }
0x51f: {  	p0 =	por !p0, !p0;
	[tilespmem:s19+$0x5000] =	vst v9;
	v13 =	vadd.f32 v15, v2;
	v9 =	vld [tilespmem:s12+$0x1000]  }
0x520: {  	v15 =	vld [tilespmem:s3+$0x1000];
	_ =	sdelay $0x2  }
0x521: {  	v12 =	vadd.f32 v12, v6  }
0x522: {  	[tilespmem:s20+$0x5000] =	vst v14;
	s2 =	sor.u32 $0x21B0, s10;
	v11 =	vadd.f32 v11, v5  }
0x523: {  	v49 =	vld [tilespmem:s2+$0x1000];
	[tilespmem:s14+$0x5000] =	vst v12;
	v15 =	vadd.f32 v15, v7  }
0x524: {  	v50 =	vld [tilespmem:s16+$0x1000];
	[tilespmem:s4+$0x5000] =	vst v11  }
0x525: {  	v11 =	vld [tilespmem:s15+$0x1000];
	[tilespmem:s3+$0x5000] =	vst v15  }
0x526: {  	v15 =	vld [tilespmem:s17+$0x1000]  }
0x527: {  	v10 =	vadd.f32 v10, v1  }
0x528: {  	[tilespmem:s11+$0x5000] =	vst v13;
	v12 =	vadd.f32 v49, v4  }
0x529: {  	v52 =	vld [tilespmem:s5+$0x1000];
	[tilespmem:s7+$0x5000] =	vst v10;
	v51 =	vadd.f32 v50, v6  }
0x52a: {  	s18 =	sor.u32 $0x31B0, s10;
	v56 =	vld [tilespmem:s8+$0x1000];
	[tilespmem:s2+$0x5000] =	vst v12;
	v11 =	vadd.f32 v11, v5  }
0x52b: {  	v53 =	vld [tilespmem:s18+$0x1000];
	[tilespmem:s16+$0x5000] =	vst v51;
	v55 =	vadd.f32 v15, v7  }
0x52c: {  	v3 =	vadd.f32 v8, v3;
	v54 =	vld [tilespmem:s1+$0x1000];
	[tilespmem:s15+$0x5000] =	vst v11  }
0x52d: {  	v0 =	vadd.f32 v9, v0;
	v57 =	vld [tilespmem:s9+$0x1000];
	[tilespmem:s17+$0x5000] =	vst v55  }
0x52e: {  	[tilespmem:s6+$0x5000] =	vst v3;
	v2 =	vadd.f32 v52, v2;
	v58 =	vld [tilespmem:s0+$0x1000]  }
0x52f: {  	[tilespmem:s12+$0x5000] =	vst v0;
	v61 =	vadd.f32 v56, v1  }
0x530: {  	[tilespmem:s5+$0x5000] =	vst v2;
	v59 =	vadd.f32 v53, v4  }
0x531: {  	[tilespmem:s8+$0x5000] =	vst v61;
	v60 =	vadd.f32 v54, v6  }
0x532: {  	[tilespmem:s18+$0x5000] =	vst v59;
	v62 =	vadd.f32 v57, v5  }
0x533: {  	[tilespmem:s1+$0x5000] =	vst v60;
	v63 =	vadd.f32 v58, v7  }
0x534: {  	[tilespmem:s9+$0x5000] =	vst v62  }
0x535: {  	s19 =	simm.s32 $0x5000;
	[tilespmem:s0+$0x5000] =	vst v63  }
0x536: {  	s3 =	simm.s32 $0x400;
	s2 =	simm.s32 $0x200;
	s1 =	rddreg [dreg:$0xe]  }
0x537: {  	[hbm4b:s1+s2] =	stream.strided.scatter [tilespmem:s19], [sflag:$0x4], $0x1000, s3, s2, $0x38;
	[tilespmem:$0x1B000] =	vst v63  }
0x538: {  	s21 =	simm.s32 $0x6000;
	s20 =	sadd.s32 $0x100000, s1  }
0x539: {  	[hbm4b:s20+s2] =	stream.strided.scatter [tilespmem:s21], [sflag:$0x4], $0x1000, s3, s2, $0x38;
	[tilespmem:$0x1B000] =	vst v63  }
0x53a: {  	s23 =	simm.s32 $0x7000;
	s22 =	sadd.s32 $0x200000, s1  }
0x53b: {  	[hbm4b:s22+s2] =	stream.strided.scatter [tilespmem:s23], [sflag:$0x4], $0x1000, s3, s2, $0x38;
	[tilespmem:$0x1B000] =	vst v63  }
0x53c: {  	s25 =	simm.s32 $0x8000;
	s26 =	simm.s32 $0x5;
	s24 =	sadd.s32 $0x300000, s1  }
0x53d: {  	[hbm4b:s24+s2] =	stream.strided.scatter [tilespmem:s25], [sflag:$0x4], $0x1000, s3, s2, $0x38;
	[tilespmem:$0x1B000] =	vst v63  }
0x53e: {  	_ =	swait.ge [sflag:s26], $0x4000  }
0x53f: {  	[sflag:s26] =	ssyncset.done $0x0  }
0x540: {  	s28 =	simm.s32 $0x6;
	[sflag:s26] =	ssyncadd.s32 $0xFFFFC000  }
0x541: {  	_ =	swait.ge [sflag:s28], $0x4000  }
0x542: {  	[sflag:s28] =	ssyncset.done $0x0  }
0x543: {  	s29 =	simm.s32 $0x4;
	[sflag:s28] =	ssyncadd.s32 $0xFFFFC000  }
0x544: {  	_ =	swait.ge [sflag:s29], $0x4000  }
0x545: {  	s30 =	rddreg [dreg:$0x19]  }
0x546: {  	s31 =	rddreg [dreg:$0xf];
	s4 =	sadd.s32 $0x1, s30  }
0x547: {  	p0 =	sne.s32 s4, s31  }
.Ltmp18:
0x548: {  	_ = 	snop;
	(pc) =	sbr.rel @p0 .LBB2_1-.Ltmp18, $3  }
0x549: {  	_ =	sdelay $0x1  }
0x54a: {  	[sflag:s29] =	ssyncset.done $0x0  }
0x54b: {  	[sflag:s29] =	ssyncadd.s32 $0xFFFFC000  }
0x54c: {  	_ =	sfence.sel $0x180000  }
0x54d: {  	[bflag:$0x0] =	sbarrier.arrive $0xFFFF  }
0x54e: {  	_ =	strace $0x90000047  }
0x54f: {  	s0 =	stileid.u32;
	[bflag:$0x2] =	sbarrier.arrive $0xFFFF  }
0x550: {  	p0 =	sne.s32 s0, $0x0;
	s0 =	rddreg [dreg:$0x3]  }
0x551: {  	s0 =	sadd.s32 @!p0 $0x100000, s0  }
0x552: {  	[sflag:s0] =	ssyncadd.tile.s32 @!p0 $0x1;
	_ =	shalt  }
.Lfunc_end2:
_tile_overlayer_lowered:
.L_overlay_start_2:
0x553: {  	(tag) =	ssettag $0x2  }
0x554: {  	s0 =	rddreg [dreg:$0x0];
	s2 =	stileid.u32  }
0x555: {  	s1 =	rddreg [dreg:$0x1];
	p0 =	sne.s32 s2, $0x0  }
0x556: {  	s3 =	rddreg [dreg:$0x2];
	[bflag:$0x3] =	sbarrier.arrive $0xFFFF;
	s2 =	simm.s32 @!p0 $0x1C07  }
0x557: {  	[timem:s3], [sflag:s2] =	dma.local @!p0 [hbm:s0], s1  }
0x558: {  	s0 =	simm.s32 @!p0 $0x7  }
0x559: {  	_ =	swait.ge @!p0 [sflag:s0], s1  }
0x55a: {  	s1 =	ssub.s32 @!p0 $0x0, s1;
	[sflag:s0] =	ssyncset.done @!p0 $0x0  }
0x55b: {  	[sflag:s0] =	ssyncadd.s32 @!p0 s1  }
0x55c: {  	[bflag:$0x3] =	sbarrier.arrive $0xFFFF  }
0x55d: {  	_ =	shalt  }

</sc_bundles>
